<compile_context>
chip_gen: v7x
topology: tpu7x:2x2x1
jax: 0.10.2.dev20260603
libtpu: 0.0.44.dev20260713+nightly
codegen_flags: <defaults>
</compile_context>

<pallas_src>
import functools

import jax
import jax.numpy as jnp
from jax import lax
from jax.experimental import pallas as pl
from jax.experimental.pallas import tpu as pltpu
from jax.experimental.pallas import tpu_sc as plsc

HID = 64
VOCAB = 64
SLOTS = 8
SEQ = 32
LANES = 16
NW = 32


def _prep_body(embT_ref, sW1T_ref, sb1_ref, sW2T_ref, sb2_ref, rW1T_ref,
               ts_ref, wcatT_ref):
    embT = embT_ref[:, 0:VOCAB]
    hT = jnp.maximum(jnp.dot(sW1T_ref[...], embT) + sb1_ref[...], 0.0)
    ts_ref[...] = jnp.dot(sW2T_ref[...], hT) + sb2_ref[...]
    wcatT_ref[:, 0:VOCAB] = jnp.dot(rW1T_ref[:, 0:HID], embT)
    wcatT_ref[:, VOCAB:2 * VOCAB] = (
        jnp.dot(rW1T_ref[:, HID:2 * HID], embT) * (1.0 / SLOTS))


def _prep(embed, sW1, sb1, sW2, sb2, rW1):
    return pl.pallas_call(
        _prep_body,
        out_shape=(
            jax.ShapeDtypeStruct((1, VOCAB), jnp.float32),
            jax.ShapeDtypeStruct((HID, 2 * VOCAB), jnp.float32),
        ),
    )(embed.T, sW1.T, sb1.reshape(-1, 1), sW2.T, sb2.reshape(-1, 1), rW1.T)


def _sim_body(seq4_hbm, ts_hbm, cnt4_hbm, ts_v, seq_v, cnt_v, sem0, sem1):
    wid = lax.axis_index("s") * 2 + lax.axis_index("c")
    n_cb = seq4_hbm.shape[1]
    cb_w = n_cb // NW
    per_w = cb_w * 128
    groups = per_w // LANES

    ts_cp = pltpu.async_copy(ts_hbm, ts_v, sem0)
    seq_cp = pltpu.async_copy(
        seq4_hbm.at[:, pl.ds(wid * cb_w, cb_w), :, :], seq_v, sem1)
    ts_cp.wait()
    seq_cp.wait()

    zeros_f = jnp.zeros((LANES,), jnp.float32)
    ones_f = jnp.full((LANES,), 1.0, jnp.float32)
    lane = lax.iota(jnp.int32, LANES)

    def fill(g):
        jg = jnp.full((LANES,), 0, jnp.int32) + g // 8
        kg = lane + (g % 8) * 16

        for rb in range(VOCAB // 8):
            for rr in range(8):
                cnt_v[rb, g // 8, rr, pl.ds((g % 8) * LANES, LANES)] = zeros_f

        tok = []
        sc = []
        for t in range(SLOTS):
            tt = plsc.load_gather(
                seq_v, [jnp.full((LANES,), t // 8, jnp.int32), jg,
                        jnp.full((LANES,), t % 8, jnp.int32), kg])
            tok.append(tt)
            sc.append(plsc.load_gather(ts_v, [tt]))
        return jg, kg, tok + sc

    def evict(t, jg, kg, st):
        tok = list(st[:SLOTS])
        sc = list(st[SLOTS:])
        ntok = plsc.load_gather(
            seq_v, [jnp.zeros((LANES,), jnp.int32) + t // 8, jg,
                    jnp.zeros((LANES,), jnp.int32) + t % 8, kg])
        nsc = plsc.load_gather(ts_v, [ntok])
        pref = [sc[0]]
        for i in range(1, SLOTS - 1):
            pref.append(jnp.minimum(pref[-1], sc[i]))
        m = jnp.minimum(pref[-1], sc[SLOTS - 1])
        ntoks = []
        nscs = []
        for i in range(SLOTS - 1):
            keep = pref[i] > m
            ntoks.append(jnp.where(keep, tok[i], tok[i + 1]))
            nscs.append(jnp.where(keep, sc[i], sc[i + 1]))
        return tuple(ntoks + [ntok] + nscs + [nsc])

    def group_pair(gg, carry):
        jg0, kg0, st0 = fill(gg * 2)
        jg1, kg1, st1 = fill(gg * 2 + 1)

        def step(t, c):
            return (evict(t, jg0, kg0, c[0]), evict(t, jg1, kg1, c[1]))

        fin0, fin1 = lax.fori_loop(SLOTS, SEQ - 1, step, (tuple(st0), tuple(st1)))
        for fin, jg, kg in ((fin0, jg0, kg0), (fin1, jg1, kg1)):
            for i in range(SLOTS):
                plsc.addupdate_scatter(
                    cnt_v, [fin[i] >> 3, jg, fin[i] & 7, kg], ones_f)
        return carry

    lax.fori_loop(0, groups // 2, group_pair, 0)
    pltpu.sync_copy(cnt_v, cnt4_hbm.at[:, pl.ds(wid * cb_w, cb_w), :, :])


def _sim(seq4, ts):
    n_cb = seq4.shape[1]
    mesh = plsc.VectorSubcoreMesh(core_axis_name="c", subcore_axis_name="s")
    cb_w = n_cb // NW
    f = functools.partial(
        pl.kernel,
        out_type=jax.ShapeDtypeStruct((VOCAB // 8, n_cb, 8, 128), jnp.float32),
        mesh=mesh,
        scratch_types=[
            pltpu.VMEM((VOCAB,), jnp.float32),
            pltpu.VMEM((SEQ // 8, cb_w, 8, 128), jnp.int32),
            pltpu.VMEM((VOCAB // 8, cb_w, 8, 128), jnp.float32),
            pltpu.SemaphoreType.DMA,
            pltpu.SemaphoreType.DMA,
        ],
        compiler_params=pltpu.CompilerParams(
            needs_layout_passes=False, use_tc_tiling_on_sc=False),
    )(_sim_body)
    return f(seq4, ts)


def _head_body(cntT_ref, q_ref, wcatT_ref, rb1_ref, rW2T_ref, rb2_ref, out_ref):
    blk = cntT_ref.shape[1]
    iota = lax.broadcasted_iota(jnp.int32, (VOCAB, blk), 0)
    qohT = (q_ref[...] == iota).astype(jnp.float32)
    hT = (jnp.dot(wcatT_ref[:, 0:VOCAB], qohT)
          + jnp.dot(wcatT_ref[:, VOCAB:2 * VOCAB], cntT_ref[...])
          + rb1_ref[...])
    hT = jnp.maximum(hT, 0.0)
    out_ref[...] = jnp.dot(rW2T_ref[...], hT) + rb2_ref[...]


def _head(cntT, query_tok, wcatT, rb1, rW2, rb2):
    B = cntT.shape[1]
    blk = 4096
    outT = pl.pallas_call(
        _head_body,
        grid=(B // blk,),
        in_specs=[
            pl.BlockSpec((VOCAB, blk), lambda i: (0, i)),
            pl.BlockSpec((1, blk), lambda i: (0, i)),
            pl.BlockSpec((HID, 2 * VOCAB), lambda i: (0, 0)),
            pl.BlockSpec((HID, 1), lambda i: (0, 0)),
            pl.BlockSpec((HID, VOCAB), lambda i: (0, 0)),
            pl.BlockSpec((VOCAB, 1), lambda i: (0, 0)),
        ],
        out_specs=pl.BlockSpec((VOCAB, blk), lambda i: (0, i)),
        out_shape=jax.ShapeDtypeStruct((VOCAB, B), jnp.float32),
        compiler_params=pltpu.CompilerParams(
            dimension_semantics=("parallel",)),
    )(cntT, query_tok.reshape(1, B), wcatT, rb1.reshape(-1, 1),
      rW2.T, rb2.reshape(-1, 1))
    return outT.T


def kernel(seqs, query_tok, embed, sW1, sb1, sW2, sb2, rW1, rb1, rW2, rb2):
    B = seqs.shape[0]
    seqs = seqs.astype(jnp.int32)
    query_tok = query_tok.astype(jnp.int32)
    tsT, wcatT = _prep(embed, sW1, sb1, sW2, sb2, rW1)
    seq4 = seqs.T.reshape(SEQ // 8, 8, B // 128, 128).transpose(0, 2, 1, 3)
    cnt4 = _sim(seq4, tsT.reshape(VOCAB))
    cntT = cnt4.transpose(0, 2, 1, 3).reshape(VOCAB, B)
    return _head(cntT, query_tok, wcatT, rb1, rW2, rb2)

# --- scband reference (transcript-rebuilt; emitter-appended) ---
"""Pipeline reference for scband-learned-eviction-model-77068893160340 (READ-ONLY COPY).

The authoritative reference and input builder live on the scoring server;
editing this copy changes nothing except your own understanding.
"""

import jax, jax.numpy as jnp
import numpy as np

HIDDEN_DIM = 64
VOCAB_SIZE = 64
MEMORY_SLOTS = 8
SEQ_LEN = 32
B = 16384


def setup_inputs(seed: int = 0) -> dict:
    key = jax.random.key(seed)
    ks = jax.random.split(key, 9)
    seqs = jax.random.randint(ks[0], (B, SEQ_LEN), 0, VOCAB_SIZE, dtype=jnp.int64 if jax.config.jax_enable_x64 else jnp.int32)
    query_tok = jax.random.randint(ks[1], (B,), 0, VOCAB_SIZE, dtype=jnp.int64 if jax.config.jax_enable_x64 else jnp.int32)
    embed = jax.random.normal(ks[2], (VOCAB_SIZE + 2, HIDDEN_DIM), dtype=jnp.float32) * 0.02
    sW1 = jax.random.normal(ks[3], (HIDDEN_DIM, 32), dtype=jnp.float32) * 0.1
    sb1 = jnp.zeros((32,), dtype=jnp.float32)
    sW2 = jax.random.normal(ks[4], (32, 1), dtype=jnp.float32) * 0.1
    sb2 = jnp.zeros((1,), dtype=jnp.float32)
    rW1 = jax.random.normal(ks[5], (HIDDEN_DIM * 2, HIDDEN_DIM), dtype=jnp.float32) * 0.05
    rb1 = jnp.zeros((HIDDEN_DIM,), dtype=jnp.float32)
    rW2 = jax.random.normal(ks[6], (HIDDEN_DIM, VOCAB_SIZE), dtype=jnp.float32) * 0.05
    rb2 = jnp.zeros((VOCAB_SIZE,), dtype=jnp.float32)
    return {"seqs": seqs, "query_tok": query_tok, "embed": embed,
            "sW1": sW1, "sb1": sb1, "sW2": sW2, "sb2": sb2,
            "rW1": rW1, "rb1": rb1, "rW2": rW2, "rb2": rb2}


def reference(seqs, query_tok, embed, sW1, sb1, sW2, sb2, rW1, rb1, rW2, rb2):
    def scorer(mem):
        h = jax.nn.relu(mem @ sW1 + sb1)
        return (h @ sW2 + sb2).squeeze(-1)

    def step(carry, tok):
        mem, count = carry
        emb = embed[tok]
        # full-memory branch: score, pop argmin, append new emb at end
        scores = scorer(mem)
        evict_idx = jnp.argmin(scores)
        ar = jnp.arange(MEMORY_SLOTS)
        gidx = jnp.where(ar < evict_idx, ar, jnp.minimum(ar + 1, MEMORY_SLOTS - 1))
        full_mem = mem[gidx].at[MEMORY_SLOTS - 1].set(emb)
        # not-full branch: write emb at slot `count`
        nf_mem = jax.lax.dynamic_update_slice(mem, emb[None, :], (count, jnp.int32(0)))
        is_full = count >= MEMORY_SLOTS
        new_mem = jnp.where(is_full, full_mem, nf_mem)
        new_count = jnp.where(is_full, count, count + 1)
        return (new_mem, new_count), None

    def per_sample(seq, qtok):
        mem0 = jnp.zeros((MEMORY_SLOTS, HIDDEN_DIM), dtype=embed.dtype)
        (mem, count), _ = jax.lax.scan(step, (mem0, jnp.int32(0)), seq[: SEQ_LEN - 1])
        # SEQ_LEN-1 = 31 >= MEMORY_SLOTS, so memory is always full -> mean over all 8 slots
        mem_summary = mem.mean(axis=0)
        q_emb = embed[qtok]
        h = jax.nn.relu(jnp.concatenate([q_emb, mem_summary], axis=-1) @ rW1 + rb1)
        return h @ rW2 + rb2

    return jax.vmap(per_sample)(seqs, query_tok)

if __name__ == "__main__":
    import jax
    _d = setup_inputs()
    print(jax.jit(kernel)(*tuple(_d.values())))

</pallas_src>

<mosaic_0001>
#map = affine_map<(d0, d1) -> (0, 0, 0, 0)>
#map1 = affine_map<(d0, d1) -> (0)>
module attributes {stable_mosaic.version = 14 : i64} {
  func.func @_sim_body(%arg0: i32, %arg1: i32, %arg2: memref<4x128x8x128xi32, #tpu.memory_space<hbm>>, %arg3: memref<64xf32, #tpu.memory_space<hbm>>, %arg4: memref<8x128x8x128xf32, #tpu.memory_space<hbm>>, %arg5: memref<64xf32, #tpu.memory_space<vmem>>, %arg6: memref<4x4x8x128xi32, #tpu.memory_space<vmem>>, %arg7: memref<8x4x8x128xf32, #tpu.memory_space<vmem>>, %arg8: memref<!tpu.dma_semaphore, #tpu.memory_space<semaphore_mem>>, %arg9: memref<!tpu.dma_semaphore, #tpu.memory_space<semaphore_mem>>) attributes {dimension_semantics = [#tpu.dimension_semantics<core_parallel>, #tpu.dimension_semantics<subcore_parallel>], iteration_bounds = array<i64: 2, 16>, scalar_prefetch = 0 : i64, scratch_operands = 5 : i64, tpu.core_type = #tpu.core_type<sc_vector_subcore>, window_params = [{transform_indices = #map}, {transform_indices = #map1}, {transform_indices = #map}]} {
    %mul3A = arith.constant 2 : i32
    %mul3A_0 = arith.muli %arg1, %mul3A : i32
    %add3A = arith.addi %mul3A_0, %arg0 : i32
    tpu.enqueue_dma source(%arg3 : memref<64xf32, #tpu.memory_space<hbm>>) target(%arg5 : memref<64xf32, #tpu.memory_space<vmem>>) target_semaphore(%arg8 : memref<!tpu.dma_semaphore, #tpu.memory_space<semaphore_mem>>)
    %mul3A_1 = arith.constant 4 : i32
    %mul3A_2 = arith.muli %add3A, %mul3A_1 : i32
    %dma_start3A = arith.constant 0 : i32
    %dma_start3A_3 = arith.constant 0 : i32
    %dma_start3A_4 = arith.constant 0 : i32
    %dma_start3A_5 = tpu.memref_slice %arg2[%dma_start3A, %mul3A_2, %dma_start3A_3, %dma_start3A_4] : memref<4x128x8x128xi32, #tpu.memory_space<hbm>> -> memref<4x4x8x128xi32, #tpu.memory_space<hbm>>
    %dma_start3A_6 = arith.constant 0 : i32
    %dma_start3A_7 = arith.constant 0 : i32
    %dma_start3A_8 = arith.constant 0 : i32
    %dma_start3A_9 = tpu.memref_slice %arg2[%dma_start3A_6, %mul3A_2, %dma_start3A_7, %dma_start3A_8] : memref<4x128x8x128xi32, #tpu.memory_space<hbm>> -> memref<4x4x8x128xi32, #tpu.memory_space<hbm>>
    tpu.enqueue_dma source(%dma_start3A_9 : memref<4x4x8x128xi32, #tpu.memory_space<hbm>>) target(%arg6 : memref<4x4x8x128xi32, #tpu.memory_space<vmem>>) target_semaphore(%arg9 : memref<!tpu.dma_semaphore, #tpu.memory_space<semaphore_mem>>)
    tpu.wait_dma2 semaphore(%arg8 : memref<!tpu.dma_semaphore, #tpu.memory_space<semaphore_mem>>) src(%arg3 : memref<64xf32, #tpu.memory_space<hbm>>) dst(%arg5 : memref<64xf32, #tpu.memory_space<vmem>>)
    %dma_wait3A = arith.constant 0 : i32
    %dma_wait3A_10 = arith.constant 0 : i32
    %dma_wait3A_11 = arith.constant 0 : i32
    %dma_wait3A_12 = tpu.memref_slice %arg2[%dma_wait3A, %mul3A_2, %dma_wait3A_10, %dma_wait3A_11] : memref<4x128x8x128xi32, #tpu.memory_space<hbm>> -> memref<4x4x8x128xi32, #tpu.memory_space<hbm>>
    %dma_wait3A_13 = arith.constant 0 : i32
    %dma_wait3A_14 = arith.constant 0 : i32
    %dma_wait3A_15 = arith.constant 0 : i32
    %dma_wait3A_16 = tpu.memref_slice %arg2[%dma_wait3A_13, %mul3A_2, %dma_wait3A_14, %dma_wait3A_15] : memref<4x128x8x128xi32, #tpu.memory_space<hbm>> -> memref<4x4x8x128xi32, #tpu.memory_space<hbm>>
    tpu.wait_dma2 semaphore(%arg9 : memref<!tpu.dma_semaphore, #tpu.memory_space<semaphore_mem>>) src(%dma_wait3A_16 : memref<4x4x8x128xi32, #tpu.memory_space<hbm>>) dst(%arg6 : memref<4x4x8x128xi32, #tpu.memory_space<vmem>>)
    %broadcast_in_dim3A = arith.constant 0.000000e+00 : f32
    %broadcast_in_dim3A_17 = vector.broadcast %broadcast_in_dim3A : f32 to vector<16xf32>
    %broadcast_in_dim3A_18 = arith.constant 1.000000e+00 : f32
    %broadcast_in_dim3A_19 = vector.broadcast %broadcast_in_dim3A_18 : f32 to vector<16xf32>
    %iota3A = tpu.iota {dimensions = array<i32: 0>} : vector<16xi32>
    %scan3A = arith.constant 0 : i32
    %scan3A_20 = arith.constant 0 : i32
    %scan3A_21 = arith.constant 16 : i32
    %scan3A_22 = arith.addi %scan3A_20, %scan3A_21 : i32
    %scan3A_23 = arith.constant 1 : i32
    scf.for %scan3A_27 = %scan3A_20 to %scan3A_22 step %scan3A_23  : i32 {
      %mul3A_28 = arith.constant 2 : i32
      %mul3A_29 = arith.muli %scan3A_27, %mul3A_28 : i32
      %broadcast_in_dim3A_30 = arith.constant 0 : i32
      %broadcast_in_dim3A_31 = vector.broadcast %broadcast_in_dim3A_30 : i32 to vector<16xi32>
      %jit3A = arith.constant 8 : i32
      %div3A = arith.divsi %mul3A_29, %jit3A : i32
      %sign3A = arith.constant 0 : i32
      %sign3A_32 = arith.cmpi sgt, %mul3A_29, %sign3A : i32
      %sign3A_33 = arith.extui %sign3A_32 : i1 to i32
      %sign3A_34 = arith.constant 0 : i32
      %sign3A_35 = arith.cmpi slt, %mul3A_29, %sign3A_34 : i32
      %sign3A_36 = arith.extui %sign3A_35 : i1 to i32
      %sign3A_37 = arith.subi %sign3A_33, %sign3A_36 : i32
      %sign3A_38 = arith.constant 0 : i32
      %sign3A_39 = arith.cmpi sgt, %jit3A, %sign3A_38 : i32
      %sign3A_40 = arith.extui %sign3A_39 : i1 to i32
      %sign3A_41 = arith.constant 0 : i32
      %sign3A_42 = arith.cmpi slt, %jit3A, %sign3A_41 : i32
      %sign3A_43 = arith.extui %sign3A_42 : i1 to i32
      %sign3A_44 = arith.subi %sign3A_40, %sign3A_43 : i32
      %ne3A = arith.cmpi ne, %sign3A_37, %sign3A_44 : i32
      %rem3A = arith.remsi %mul3A_29, %jit3A : i32
      %ne3A_45 = arith.constant 0 : i32
      %ne3A_46 = arith.cmpi ne, %rem3A, %ne3A_45 : i32
      %and3A = arith.andi %ne3A, %ne3A_46 : i1
      %sub3A = arith.constant 1 : i32
      %sub3A_47 = arith.subi %div3A, %sub3A : i32
      %select_n3A = arith.select %and3A, %sub3A_47, %div3A : i32
      %add3A_48 = vector.broadcast %select_n3A : i32 to vector<16xi32>
      %add3A_49 = arith.addi %broadcast_in_dim3A_31, %add3A_48 : vector<16xi32>
      %jit3A_50 = arith.constant 8 : i32
      %eq3A = arith.constant 0 : i32
      %eq3A_51 = arith.cmpi eq, %jit3A_50, %eq3A : i32
      %jit3A_52 = arith.constant 1 : i32
      %select_n3A_53 = arith.select %eq3A_51, %jit3A_52, %jit3A_50 : i32
      %rem3A_54 = arith.remsi %mul3A_29, %select_n3A_53 : i32
      %ne3A_55 = arith.constant 0 : i32
      %ne3A_56 = arith.cmpi ne, %rem3A_54, %ne3A_55 : i32
      %lt3A = arith.constant 0 : i32
      %lt3A_57 = arith.cmpi slt, %rem3A_54, %lt3A : i32
      %lt3A_58 = arith.constant 0 : i32
      %lt3A_59 = arith.cmpi slt, %select_n3A_53, %lt3A_58 : i32
      %ne3A_60 = arith.xori %lt3A_57, %lt3A_59 : i1
      %and3A_61 = arith.andi %ne3A_60, %ne3A_56 : i1
      %add3A_62 = arith.addi %rem3A_54, %select_n3A_53 : i32
      %select_n3A_63 = arith.select %and3A_61, %add3A_62, %rem3A_54 : i32
      %mul3A_64 = arith.constant 16 : i32
      %mul3A_65 = arith.muli %select_n3A_63, %mul3A_64 : i32
      %add3A_66 = vector.broadcast %mul3A_65 : i32 to vector<16xi32>
      %add3A_67 = arith.addi %iota3A, %add3A_66 : vector<16xi32>
      %jit3A_68 = arith.constant 8 : i32
      %div3A_69 = arith.divsi %mul3A_29, %jit3A_68 : i32
      %sign3A_70 = arith.constant 0 : i32
      %sign3A_71 = arith.cmpi sgt, %mul3A_29, %sign3A_70 : i32
      %sign3A_72 = arith.extui %sign3A_71 : i1 to i32
      %sign3A_73 = arith.constant 0 : i32
      %sign3A_74 = arith.cmpi slt, %mul3A_29, %sign3A_73 : i32
      %sign3A_75 = arith.extui %sign3A_74 : i1 to i32
      %sign3A_76 = arith.subi %sign3A_72, %sign3A_75 : i32
      %sign3A_77 = arith.constant 0 : i32
      %sign3A_78 = arith.cmpi sgt, %jit3A_68, %sign3A_77 : i32
      %sign3A_79 = arith.extui %sign3A_78 : i1 to i32
      %sign3A_80 = arith.constant 0 : i32
      %sign3A_81 = arith.cmpi slt, %jit3A_68, %sign3A_80 : i32
      %sign3A_82 = arith.extui %sign3A_81 : i1 to i32
      %sign3A_83 = arith.subi %sign3A_79, %sign3A_82 : i32
      %ne3A_84 = arith.cmpi ne, %sign3A_76, %sign3A_83 : i32
      %rem3A_85 = arith.remsi %mul3A_29, %jit3A_68 : i32
      %ne3A_86 = arith.constant 0 : i32
      %ne3A_87 = arith.cmpi ne, %rem3A_85, %ne3A_86 : i32
      %and3A_88 = arith.andi %ne3A_84, %ne3A_87 : i1
      %sub3A_89 = arith.constant 1 : i32
      %sub3A_90 = arith.subi %div3A_69, %sub3A_89 : i32
      %select_n3A_91 = arith.select %and3A_88, %sub3A_90, %div3A_69 : i32
      %jit3A_92 = arith.constant 8 : i32
      %eq3A_93 = arith.constant 0 : i32
      %eq3A_94 = arith.cmpi eq, %jit3A_92, %eq3A_93 : i32
      %jit3A_95 = arith.constant 1 : i32
      %select_n3A_96 = arith.select %eq3A_94, %jit3A_95, %jit3A_92 : i32
      %rem3A_97 = arith.remsi %mul3A_29, %select_n3A_96 : i32
      %ne3A_98 = arith.constant 0 : i32
      %ne3A_99 = arith.cmpi ne, %rem3A_97, %ne3A_98 : i32
      %lt3A_100 = arith.constant 0 : i32
      %lt3A_101 = arith.cmpi slt, %rem3A_97, %lt3A_100 : i32
      %lt3A_102 = arith.constant 0 : i32
      %lt3A_103 = arith.cmpi slt, %select_n3A_96, %lt3A_102 : i32
      %ne3A_104 = arith.xori %lt3A_101, %lt3A_103 : i1
      %and3A_105 = arith.andi %ne3A_104, %ne3A_99 : i1
      %add3A_106 = arith.addi %rem3A_97, %select_n3A_96 : i32
      %select_n3A_107 = arith.select %and3A_105, %add3A_106, %rem3A_97 : i32
      %mul3A_108 = arith.constant 16 : i32
      %mul3A_109 = arith.muli %select_n3A_107, %mul3A_108 : i32
      %swap3A = arith.constant 0 : i32
      %swap3A_110 = arith.constant 0 : i32
      %swap3A_111 = arith.index_cast %swap3A : i32 to index
      %swap3A_112 = arith.index_cast %select_n3A_91 : i32 to index
      %swap3A_113 = arith.index_cast %swap3A_110 : i32 to index
      %swap3A_114 = arith.index_cast %mul3A_109 : i32 to index
      %swap3A_115 = tpu.vector_load %arg7[%swap3A_111, %swap3A_112, %swap3A_113, %swap3A_114] {strides = array<i32>} : memref<8x4x8x128xf32, #tpu.memory_space<vmem>>, vector<16xf32>,
      tpu.vector_store %arg7[%swap3A_111, %swap3A_112, %swap3A_113, %swap3A_114], %broadcast_in_dim3A_17 {strides = array<i32>} : memref<8x4x8x128xf32, #tpu.memory_space<vmem>>, vector<16xf32>,
      %jit3A_116 = arith.constant 8 : i32
      %div3A_117 = arith.divsi %mul3A_29, %jit3A_116 : i32
      %sign3A_118 = arith.constant 0 : i32
      %sign3A_119 = arith.cmpi sgt, %mul3A_29, %sign3A_118 : i32
      %sign3A_120 = arith.extui %sign3A_119 : i1 to i32
      %sign3A_121 = arith.constant 0 : i32
      %sign3A_122 = arith.cmpi slt, %mul3A_29, %sign3A_121 : i32
      %sign3A_123 = arith.extui %sign3A_122 : i1 to i32
      %sign3A_124 = arith.subi %sign3A_120, %sign3A_123 : i32
      %sign3A_125 = arith.constant 0 : i32
      %sign3A_126 = arith.cmpi sgt, %jit3A_116, %sign3A_125 : i32
      %sign3A_127 = arith.extui %sign3A_126 : i1 to i32
      %sign3A_128 = arith.constant 0 : i32
      %sign3A_129 = arith.cmpi slt, %jit3A_116, %sign3A_128 : i32
      %sign3A_130 = arith.extui %sign3A_129 : i1 to i32
      %sign3A_131 = arith.subi %sign3A_127, %sign3A_130 : i32
      %ne3A_132 = arith.cmpi ne, %sign3A_124, %sign3A_131 : i32
      %rem3A_133 = arith.remsi %mul3A_29, %jit3A_116 : i32
      %ne3A_134 = arith.constant 0 : i32
      %ne3A_135 = arith.cmpi ne, %rem3A_133, %ne3A_134 : i32
      %and3A_136 = arith.andi %ne3A_132, %ne3A_135 : i1
      %sub3A_137 = arith.constant 1 : i32
      %sub3A_138 = arith.subi %div3A_117, %sub3A_137 : i32
      %select_n3A_139 = arith.select %and3A_136, %sub3A_138, %div3A_117 : i32
      %jit3A_140 = arith.constant 8 : i32
      %eq3A_141 = arith.constant 0 : i32
      %eq3A_142 = arith.cmpi eq, %jit3A_140, %eq3A_141 : i32
      %jit3A_143 = arith.constant 1 : i32
      %select_n3A_144 = arith.select %eq3A_142, %jit3A_143, %jit3A_140 : i32
      %rem3A_145 = arith.remsi %mul3A_29, %select_n3A_144 : i32
      %ne3A_146 = arith.constant 0 : i32
      %ne3A_147 = arith.cmpi ne, %rem3A_145, %ne3A_146 : i32
      %lt3A_148 = arith.constant 0 : i32
      %lt3A_149 = arith.cmpi slt, %rem3A_145, %lt3A_148 : i32
      %lt3A_150 = arith.constant 0 : i32
      %lt3A_151 = arith.cmpi slt, %select_n3A_144, %lt3A_150 : i32
      %ne3A_152 = arith.xori %lt3A_149, %lt3A_151 : i1
      %and3A_153 = arith.andi %ne3A_152, %ne3A_147 : i1
      %add3A_154 = arith.addi %rem3A_145, %select_n3A_144 : i32
      %select_n3A_155 = arith.select %and3A_153, %add3A_154, %rem3A_145 : i32
      %mul3A_156 = arith.constant 16 : i32
      %mul3A_157 = arith.muli %select_n3A_155, %mul3A_156 : i32
      %swap3A_158 = arith.constant 0 : i32
      %swap3A_159 = arith.constant 1 : i32
      %swap3A_160 = arith.index_cast %swap3A_158 : i32 to index
      %swap3A_161 = arith.index_cast %select_n3A_139 : i32 to index
      %swap3A_162 = arith.index_cast %swap3A_159 : i32 to index
      %swap3A_163 = arith.index_cast %mul3A_157 : i32 to index
      %swap3A_164 = tpu.vector_load %arg7[%swap3A_160, %swap3A_161, %swap3A_162, %swap3A_163] {strides = array<i32>} : memref<8x4x8x128xf32, #tpu.memory_space<vmem>>, vector<16xf32>,
      tpu.vector_store %arg7[%swap3A_160, %swap3A_161, %swap3A_162, %swap3A_163], %broadcast_in_dim3A_17 {strides = array<i32>} : memref<8x4x8x128xf32, #tpu.memory_space<vmem>>, vector<16xf32>,
      %jit3A_165 = arith.constant 8 : i32
      %div3A_166 = arith.divsi %mul3A_29, %jit3A_165 : i32
      %sign3A_167 = arith.constant 0 : i32
      %sign3A_168 = arith.cmpi sgt, %mul3A_29, %sign3A_167 : i32
      %sign3A_169 = arith.extui %sign3A_168 : i1 to i32
      %sign3A_170 = arith.constant 0 : i32
      %sign3A_171 = arith.cmpi slt, %mul3A_29, %sign3A_170 : i32
      %sign3A_172 = arith.extui %sign3A_171 : i1 to i32
      %sign3A_173 = arith.subi %sign3A_169, %sign3A_172 : i32
      %sign3A_174 = arith.constant 0 : i32
      %sign3A_175 = arith.cmpi sgt, %jit3A_165, %sign3A_174 : i32
      %sign3A_176 = arith.extui %sign3A_175 : i1 to i32
      %sign3A_177 = arith.constant 0 : i32
      %sign3A_178 = arith.cmpi slt, %jit3A_165, %sign3A_177 : i32
      %sign3A_179 = arith.extui %sign3A_178 : i1 to i32
      %sign3A_180 = arith.subi %sign3A_176, %sign3A_179 : i32
      %ne3A_181 = arith.cmpi ne, %sign3A_173, %sign3A_180 : i32
      %rem3A_182 = arith.remsi %mul3A_29, %jit3A_165 : i32
      %ne3A_183 = arith.constant 0 : i32
      %ne3A_184 = arith.cmpi ne, %rem3A_182, %ne3A_183 : i32
      %and3A_185 = arith.andi %ne3A_181, %ne3A_184 : i1
      %sub3A_186 = arith.constant 1 : i32
      %sub3A_187 = arith.subi %div3A_166, %sub3A_186 : i32
      %select_n3A_188 = arith.select %and3A_185, %sub3A_187, %div3A_166 : i32
      %jit3A_189 = arith.constant 8 : i32
      %eq3A_190 = arith.constant 0 : i32
      %eq3A_191 = arith.cmpi eq, %jit3A_189, %eq3A_190 : i32
      %jit3A_192 = arith.constant 1 : i32
      %select_n3A_193 = arith.select %eq3A_191, %jit3A_192, %jit3A_189 : i32
      %rem3A_194 = arith.remsi %mul3A_29, %select_n3A_193 : i32
      %ne3A_195 = arith.constant 0 : i32
      %ne3A_196 = arith.cmpi ne, %rem3A_194, %ne3A_195 : i32
      %lt3A_197 = arith.constant 0 : i32
      %lt3A_198 = arith.cmpi slt, %rem3A_194, %lt3A_197 : i32
      %lt3A_199 = arith.constant 0 : i32
      %lt3A_200 = arith.cmpi slt, %select_n3A_193, %lt3A_199 : i32
      %ne3A_201 = arith.xori %lt3A_198, %lt3A_200 : i1
      %and3A_202 = arith.andi %ne3A_201, %ne3A_196 : i1
      %add3A_203 = arith.addi %rem3A_194, %select_n3A_193 : i32
      %select_n3A_204 = arith.select %and3A_202, %add3A_203, %rem3A_194 : i32
      %mul3A_205 = arith.constant 16 : i32
      %mul3A_206 = arith.muli %select_n3A_204, %mul3A_205 : i32
      %swap3A_207 = arith.constant 0 : i32
      %swap3A_208 = arith.constant 2 : i32
      %swap3A_209 = arith.index_cast %swap3A_207 : i32 to index
      %swap3A_210 = arith.index_cast %select_n3A_188 : i32 to index
      %swap3A_211 = arith.index_cast %swap3A_208 : i32 to index
      %swap3A_212 = arith.index_cast %mul3A_206 : i32 to index
      %swap3A_213 = tpu.vector_load %arg7[%swap3A_209, %swap3A_210, %swap3A_211, %swap3A_212] {strides = array<i32>} : memref<8x4x8x128xf32, #tpu.memory_space<vmem>>, vector<16xf32>,
      tpu.vector_store %arg7[%swap3A_209, %swap3A_210, %swap3A_211, %swap3A_212], %broadcast_in_dim3A_17 {strides = array<i32>} : memref<8x4x8x128xf32, #tpu.memory_space<vmem>>, vector<16xf32>,
      %jit3A_214 = arith.constant 8 : i32
      %div3A_215 = arith.divsi %mul3A_29, %jit3A_214 : i32
      %sign3A_216 = arith.constant 0 : i32
      %sign3A_217 = arith.cmpi sgt, %mul3A_29, %sign3A_216 : i32
      %sign3A_218 = arith.extui %sign3A_217 : i1 to i32
      %sign3A_219 = arith.constant 0 : i32
      %sign3A_220 = arith.cmpi slt, %mul3A_29, %sign3A_219 : i32
      %sign3A_221 = arith.extui %sign3A_220 : i1 to i32
      %sign3A_222 = arith.subi %sign3A_218, %sign3A_221 : i32
      %sign3A_223 = arith.constant 0 : i32
      %sign3A_224 = arith.cmpi sgt, %jit3A_214, %sign3A_223 : i32
      %sign3A_225 = arith.extui %sign3A_224 : i1 to i32
      %sign3A_226 = arith.constant 0 : i32
      %sign3A_227 = arith.cmpi slt, %jit3A_214, %sign3A_226 : i32
      %sign3A_228 = arith.extui %sign3A_227 : i1 to i32
      %sign3A_229 = arith.subi %sign3A_225, %sign3A_228 : i32
      %ne3A_230 = arith.cmpi ne, %sign3A_222, %sign3A_229 : i32
      %rem3A_231 = arith.remsi %mul3A_29, %jit3A_214 : i32
      %ne3A_232 = arith.constant 0 : i32
      %ne3A_233 = arith.cmpi ne, %rem3A_231, %ne3A_232 : i32
      %and3A_234 = arith.andi %ne3A_230, %ne3A_233 : i1
      %sub3A_235 = arith.constant 1 : i32
      %sub3A_236 = arith.subi %div3A_215, %sub3A_235 : i32
      %select_n3A_237 = arith.select %and3A_234, %sub3A_236, %div3A_215 : i32
      %jit3A_238 = arith.constant 8 : i32
      %eq3A_239 = arith.constant 0 : i32
      %eq3A_240 = arith.cmpi eq, %jit3A_238, %eq3A_239 : i32
      %jit3A_241 = arith.constant 1 : i32
      %select_n3A_242 = arith.select %eq3A_240, %jit3A_241, %jit3A_238 : i32
      %rem3A_243 = arith.remsi %mul3A_29, %select_n3A_242 : i32
      %ne3A_244 = arith.constant 0 : i32
      %ne3A_245 = arith.cmpi ne, %rem3A_243, %ne3A_244 : i32
      %lt3A_246 = arith.constant 0 : i32
      %lt3A_247 = arith.cmpi slt, %rem3A_243, %lt3A_246 : i32
      %lt3A_248 = arith.constant 0 : i32
      %lt3A_249 = arith.cmpi slt, %select_n3A_242, %lt3A_248 : i32
      %ne3A_250 = arith.xori %lt3A_247, %lt3A_249 : i1
      %and3A_251 = arith.andi %ne3A_250, %ne3A_245 : i1
      %add3A_252 = arith.addi %rem3A_243, %select_n3A_242 : i32
      %select_n3A_253 = arith.select %and3A_251, %add3A_252, %rem3A_243 : i32
      %mul3A_254 = arith.constant 16 : i32
      %mul3A_255 = arith.muli %select_n3A_253, %mul3A_254 : i32
      %swap3A_256 = arith.constant 0 : i32
      %swap3A_257 = arith.constant 3 : i32
      %swap3A_258 = arith.index_cast %swap3A_256 : i32 to index
      %swap3A_259 = arith.index_cast %select_n3A_237 : i32 to index
      %swap3A_260 = arith.index_cast %swap3A_257 : i32 to index
      %swap3A_261 = arith.index_cast %mul3A_255 : i32 to index
      %swap3A_262 = tpu.vector_load %arg7[%swap3A_258, %swap3A_259, %swap3A_260, %swap3A_261] {strides = array<i32>} : memref<8x4x8x128xf32, #tpu.memory_space<vmem>>, vector<16xf32>,
      tpu.vector_store %arg7[%swap3A_258, %swap3A_259, %swap3A_260, %swap3A_261], %broadcast_in_dim3A_17 {strides = array<i32>} : memref<8x4x8x128xf32, #tpu.memory_space<vmem>>, vector<16xf32>,
      %jit3A_263 = arith.constant 8 : i32
      %div3A_264 = arith.divsi %mul3A_29, %jit3A_263 : i32
      %sign3A_265 = arith.constant 0 : i32
      %sign3A_266 = arith.cmpi sgt, %mul3A_29, %sign3A_265 : i32
      %sign3A_267 = arith.extui %sign3A_266 : i1 to i32
      %sign3A_268 = arith.constant 0 : i32
      %sign3A_269 = arith.cmpi slt, %mul3A_29, %sign3A_268 : i32
      %sign3A_270 = arith.extui %sign3A_269 : i1 to i32
      %sign3A_271 = arith.subi %sign3A_267, %sign3A_270 : i32
      %sign3A_272 = arith.constant 0 : i32
      %sign3A_273 = arith.cmpi sgt, %jit3A_263, %sign3A_272 : i32
      %sign3A_274 = arith.extui %sign3A_273 : i1 to i32
      %sign3A_275 = arith.constant 0 : i32
      %sign3A_276 = arith.cmpi slt, %jit3A_263, %sign3A_275 : i32
      %sign3A_277 = arith.extui %sign3A_276 : i1 to i32
      %sign3A_278 = arith.subi %sign3A_274, %sign3A_277 : i32
      %ne3A_279 = arith.cmpi ne, %sign3A_271, %sign3A_278 : i32
      %rem3A_280 = arith.remsi %mul3A_29, %jit3A_263 : i32
      %ne3A_281 = arith.constant 0 : i32
      %ne3A_282 = arith.cmpi ne, %rem3A_280, %ne3A_281 : i32
      %and3A_283 = arith.andi %ne3A_279, %ne3A_282 : i1
      %sub3A_284 = arith.constant 1 : i32
      %sub3A_285 = arith.subi %div3A_264, %sub3A_284 : i32
      %select_n3A_286 = arith.select %and3A_283, %sub3A_285, %div3A_264 : i32
      %jit3A_287 = arith.constant 8 : i32
      %eq3A_288 = arith.constant 0 : i32
      %eq3A_289 = arith.cmpi eq, %jit3A_287, %eq3A_288 : i32
      %jit3A_290 = arith.constant 1 : i32
      %select_n3A_291 = arith.select %eq3A_289, %jit3A_290, %jit3A_287 : i32
      %rem3A_292 = arith.remsi %mul3A_29, %select_n3A_291 : i32
      %ne3A_293 = arith.constant 0 : i32
      %ne3A_294 = arith.cmpi ne, %rem3A_292, %ne3A_293 : i32
      %lt3A_295 = arith.constant 0 : i32
      %lt3A_296 = arith.cmpi slt, %rem3A_292, %lt3A_295 : i32
      %lt3A_297 = arith.constant 0 : i32
      %lt3A_298 = arith.cmpi slt, %select_n3A_291, %lt3A_297 : i32
      %ne3A_299 = arith.xori %lt3A_296, %lt3A_298 : i1
      %and3A_300 = arith.andi %ne3A_299, %ne3A_294 : i1
      %add3A_301 = arith.addi %rem3A_292, %select_n3A_291 : i32
      %select_n3A_302 = arith.select %and3A_300, %add3A_301, %rem3A_292 : i32
      %mul3A_303 = arith.constant 16 : i32
      %mul3A_304 = arith.muli %select_n3A_302, %mul3A_303 : i32
      %swap3A_305 = arith.constant 0 : i32
      %swap3A_306 = arith.constant 4 : i32
      %swap3A_307 = arith.index_cast %swap3A_305 : i32 to index
      %swap3A_308 = arith.index_cast %select_n3A_286 : i32 to index
      %swap3A_309 = arith.index_cast %swap3A_306 : i32 to index
      %swap3A_310 = arith.index_cast %mul3A_304 : i32 to index
      %swap3A_311 = tpu.vector_load %arg7[%swap3A_307, %swap3A_308, %swap3A_309, %swap3A_310] {strides = array<i32>} : memref<8x4x8x128xf32, #tpu.memory_space<vmem>>, vector<16xf32>,
      tpu.vector_store %arg7[%swap3A_307, %swap3A_308, %swap3A_309, %swap3A_310], %broadcast_in_dim3A_17 {strides = array<i32>} : memref<8x4x8x128xf32, #tpu.memory_space<vmem>>, vector<16xf32>,
      %jit3A_312 = arith.constant 8 : i32
      %div3A_313 = arith.divsi %mul3A_29, %jit3A_312 : i32
      %sign3A_314 = arith.constant 0 : i32
      %sign3A_315 = arith.cmpi sgt, %mul3A_29, %sign3A_314 : i32
      %sign3A_316 = arith.extui %sign3A_315 : i1 to i32
      %sign3A_317 = arith.constant 0 : i32
      %sign3A_318 = arith.cmpi slt, %mul3A_29, %sign3A_317 : i32
      %sign3A_319 = arith.extui %sign3A_318 : i1 to i32
      %sign3A_320 = arith.subi %sign3A_316, %sign3A_319 : i32
      %sign3A_321 = arith.constant 0 : i32
      %sign3A_322 = arith.cmpi sgt, %jit3A_312, %sign3A_321 : i32
      %sign3A_323 = arith.extui %sign3A_322 : i1 to i32
      %sign3A_324 = arith.constant 0 : i32
      %sign3A_325 = arith.cmpi slt, %jit3A_312, %sign3A_324 : i32
      %sign3A_326 = arith.extui %sign3A_325 : i1 to i32
      %sign3A_327 = arith.subi %sign3A_323, %sign3A_326 : i32
      %ne3A_328 = arith.cmpi ne, %sign3A_320, %sign3A_327 : i32
      %rem3A_329 = arith.remsi %mul3A_29, %jit3A_312 : i32
      %ne3A_330 = arith.constant 0 : i32
      %ne3A_331 = arith.cmpi ne, %rem3A_329, %ne3A_330 : i32
      %and3A_332 = arith.andi %ne3A_328, %ne3A_331 : i1
      %sub3A_333 = arith.constant 1 : i32
      %sub3A_334 = arith.subi %div3A_313, %sub3A_333 : i32
      %select_n3A_335 = arith.select %and3A_332, %sub3A_334, %div3A_313 : i32
      %jit3A_336 = arith.constant 8 : i32
      %eq3A_337 = arith.constant 0 : i32
      %eq3A_338 = arith.cmpi eq, %jit3A_336, %eq3A_337 : i32
      %jit3A_339 = arith.constant 1 : i32
      %select_n3A_340 = arith.select %eq3A_338, %jit3A_339, %jit3A_336 : i32
      %rem3A_341 = arith.remsi %mul3A_29, %select_n3A_340 : i32
      %ne3A_342 = arith.constant 0 : i32
      %ne3A_343 = arith.cmpi ne, %rem3A_341, %ne3A_342 : i32
      %lt3A_344 = arith.constant 0 : i32
      %lt3A_345 = arith.cmpi slt, %rem3A_341, %lt3A_344 : i32
      %lt3A_346 = arith.constant 0 : i32
      %lt3A_347 = arith.cmpi slt, %select_n3A_340, %lt3A_346 : i32
      %ne3A_348 = arith.xori %lt3A_345, %lt3A_347 : i1
      %and3A_349 = arith.andi %ne3A_348, %ne3A_343 : i1
      %add3A_350 = arith.addi %rem3A_341, %select_n3A_340 : i32
      %select_n3A_351 = arith.select %and3A_349, %add3A_350, %rem3A_341 : i32
      %mul3A_352 = arith.constant 16 : i32
      %mul3A_353 = arith.muli %select_n3A_351, %mul3A_352 : i32
      %swap3A_354 = arith.constant 0 : i32
      %swap3A_355 = arith.constant 5 : i32
      %swap3A_356 = arith.index_cast %swap3A_354 : i32 to index
      %swap3A_357 = arith.index_cast %select_n3A_335 : i32 to index
      %swap3A_358 = arith.index_cast %swap3A_355 : i32 to index
      %swap3A_359 = arith.index_cast %mul3A_353 : i32 to index
      %swap3A_360 = tpu.vector_load %arg7[%swap3A_356, %swap3A_357, %swap3A_358, %swap3A_359] {strides = array<i32>} : memref<8x4x8x128xf32, #tpu.memory_space<vmem>>, vector<16xf32>,
      tpu.vector_store %arg7[%swap3A_356, %swap3A_357, %swap3A_358, %swap3A_359], %broadcast_in_dim3A_17 {strides = array<i32>} : memref<8x4x8x128xf32, #tpu.memory_space<vmem>>, vector<16xf32>,
      %jit3A_361 = arith.constant 8 : i32
      %div3A_362 = arith.divsi %mul3A_29, %jit3A_361 : i32
      %sign3A_363 = arith.constant 0 : i32
      %sign3A_364 = arith.cmpi sgt, %mul3A_29, %sign3A_363 : i32
      %sign3A_365 = arith.extui %sign3A_364 : i1 to i32
      %sign3A_366 = arith.constant 0 : i32
      %sign3A_367 = arith.cmpi slt, %mul3A_29, %sign3A_366 : i32
      %sign3A_368 = arith.extui %sign3A_367 : i1 to i32
      %sign3A_369 = arith.subi %sign3A_365, %sign3A_368 : i32
      %sign3A_370 = arith.constant 0 : i32
      %sign3A_371 = arith.cmpi sgt, %jit3A_361, %sign3A_370 : i32
      %sign3A_372 = arith.extui %sign3A_371 : i1 to i32
      %sign3A_373 = arith.constant 0 : i32
      %sign3A_374 = arith.cmpi slt, %jit3A_361, %sign3A_373 : i32
      %sign3A_375 = arith.extui %sign3A_374 : i1 to i32
      %sign3A_376 = arith.subi %sign3A_372, %sign3A_375 : i32
      %ne3A_377 = arith.cmpi ne, %sign3A_369, %sign3A_376 : i32
      %rem3A_378 = arith.remsi %mul3A_29, %jit3A_361 : i32
      %ne3A_379 = arith.constant 0 : i32
      %ne3A_380 = arith.cmpi ne, %rem3A_378, %ne3A_379 : i32
      %and3A_381 = arith.andi %ne3A_377, %ne3A_380 : i1
      %sub3A_382 = arith.constant 1 : i32
      %sub3A_383 = arith.subi %div3A_362, %sub3A_382 : i32
      %select_n3A_384 = arith.select %and3A_381, %sub3A_383, %div3A_362 : i32
      %jit3A_385 = arith.constant 8 : i32
      %eq3A_386 = arith.constant 0 : i32
      %eq3A_387 = arith.cmpi eq, %jit3A_385, %eq3A_386 : i32
      %jit3A_388 = arith.constant 1 : i32
      %select_n3A_389 = arith.select %eq3A_387, %jit3A_388, %jit3A_385 : i32
      %rem3A_390 = arith.remsi %mul3A_29, %select_n3A_389 : i32
      %ne3A_391 = arith.constant 0 : i32
      %ne3A_392 = arith.cmpi ne, %rem3A_390, %ne3A_391 : i32
      %lt3A_393 = arith.constant 0 : i32
      %lt3A_394 = arith.cmpi slt, %rem3A_390, %lt3A_393 : i32
      %lt3A_395 = arith.constant 0 : i32
      %lt3A_396 = arith.cmpi slt, %select_n3A_389, %lt3A_395 : i32
      %ne3A_397 = arith.xori %lt3A_394, %lt3A_396 : i1
      %and3A_398 = arith.andi %ne3A_397, %ne3A_392 : i1
      %add3A_399 = arith.addi %rem3A_390, %select_n3A_389 : i32
      %select_n3A_400 = arith.select %and3A_398, %add3A_399, %rem3A_390 : i32
      %mul3A_401 = arith.constant 16 : i32
      %mul3A_402 = arith.muli %select_n3A_400, %mul3A_401 : i32
      %swap3A_403 = arith.constant 0 : i32
      %swap3A_404 = arith.constant 6 : i32
      %swap3A_405 = arith.index_cast %swap3A_403 : i32 to index
      %swap3A_406 = arith.index_cast %select_n3A_384 : i32 to index
      %swap3A_407 = arith.index_cast %swap3A_404 : i32 to index
      %swap3A_408 = arith.index_cast %mul3A_402 : i32 to index
      %swap3A_409 = tpu.vector_load %arg7[%swap3A_405, %swap3A_406, %swap3A_407, %swap3A_408] {strides = array<i32>} : memref<8x4x8x128xf32, #tpu.memory_space<vmem>>, vector<16xf32>,
      tpu.vector_store %arg7[%swap3A_405, %swap3A_406, %swap3A_407, %swap3A_408], %broadcast_in_dim3A_17 {strides = array<i32>} : memref<8x4x8x128xf32, #tpu.memory_space<vmem>>, vector<16xf32>,
      %jit3A_410 = arith.constant 8 : i32
      %div3A_411 = arith.divsi %mul3A_29, %jit3A_410 : i32
      %sign3A_412 = arith.constant 0 : i32
      %sign3A_413 = arith.cmpi sgt, %mul3A_29, %sign3A_412 : i32
      %sign3A_414 = arith.extui %sign3A_413 : i1 to i32
      %sign3A_415 = arith.constant 0 : i32
      %sign3A_416 = arith.cmpi slt, %mul3A_29, %sign3A_415 : i32
      %sign3A_417 = arith.extui %sign3A_416 : i1 to i32
      %sign3A_418 = arith.subi %sign3A_414, %sign3A_417 : i32
      %sign3A_419 = arith.constant 0 : i32
      %sign3A_420 = arith.cmpi sgt, %jit3A_410, %sign3A_419 : i32
      %sign3A_421 = arith.extui %sign3A_420 : i1 to i32
      %sign3A_422 = arith.constant 0 : i32
      %sign3A_423 = arith.cmpi slt, %jit3A_410, %sign3A_422 : i32
      %sign3A_424 = arith.extui %sign3A_423 : i1 to i32
      %sign3A_425 = arith.subi %sign3A_421, %sign3A_424 : i32
      %ne3A_426 = arith.cmpi ne, %sign3A_418, %sign3A_425 : i32
      %rem3A_427 = arith.remsi %mul3A_29, %jit3A_410 : i32
      %ne3A_428 = arith.constant 0 : i32
      %ne3A_429 = arith.cmpi ne, %rem3A_427, %ne3A_428 : i32
      %and3A_430 = arith.andi %ne3A_426, %ne3A_429 : i1
      %sub3A_431 = arith.constant 1 : i32
      %sub3A_432 = arith.subi %div3A_411, %sub3A_431 : i32
      %select_n3A_433 = arith.select %and3A_430, %sub3A_432, %div3A_411 : i32
      %jit3A_434 = arith.constant 8 : i32
      %eq3A_435 = arith.constant 0 : i32
      %eq3A_436 = arith.cmpi eq, %jit3A_434, %eq3A_435 : i32
      %jit3A_437 = arith.constant 1 : i32
      %select_n3A_438 = arith.select %eq3A_436, %jit3A_437, %jit3A_434 : i32
      %rem3A_439 = arith.remsi %mul3A_29, %select_n3A_438 : i32
      %ne3A_440 = arith.constant 0 : i32
      %ne3A_441 = arith.cmpi ne, %rem3A_439, %ne3A_440 : i32
      %lt3A_442 = arith.constant 0 : i32
      %lt3A_443 = arith.cmpi slt, %rem3A_439, %lt3A_442 : i32
      %lt3A_444 = arith.constant 0 : i32
      %lt3A_445 = arith.cmpi slt, %select_n3A_438, %lt3A_444 : i32
      %ne3A_446 = arith.xori %lt3A_443, %lt3A_445 : i1
      %and3A_447 = arith.andi %ne3A_446, %ne3A_441 : i1
      %add3A_448 = arith.addi %rem3A_439, %select_n3A_438 : i32
      %select_n3A_449 = arith.select %and3A_447, %add3A_448, %rem3A_439 : i32
      %mul3A_450 = arith.constant 16 : i32
      %mul3A_451 = arith.muli %select_n3A_449, %mul3A_450 : i32
      %swap3A_452 = arith.constant 0 : i32
      %swap3A_453 = arith.constant 7 : i32
      %swap3A_454 = arith.index_cast %swap3A_452 : i32 to index
      %swap3A_455 = arith.index_cast %select_n3A_433 : i32 to index
      %swap3A_456 = arith.index_cast %swap3A_453 : i32 to index
      %swap3A_457 = arith.index_cast %mul3A_451 : i32 to index
      %swap3A_458 = tpu.vector_load %arg7[%swap3A_454, %swap3A_455, %swap3A_456, %swap3A_457] {strides = array<i32>} : memref<8x4x8x128xf32, #tpu.memory_space<vmem>>, vector<16xf32>,
      tpu.vector_store %arg7[%swap3A_454, %swap3A_455, %swap3A_456, %swap3A_457], %broadcast_in_dim3A_17 {strides = array<i32>} : memref<8x4x8x128xf32, #tpu.memory_space<vmem>>, vector<16xf32>,
      %jit3A_459 = arith.constant 8 : i32
      %div3A_460 = arith.divsi %mul3A_29, %jit3A_459 : i32
      %sign3A_461 = arith.constant 0 : i32
      %sign3A_462 = arith.cmpi sgt, %mul3A_29, %sign3A_461 : i32
      %sign3A_463 = arith.extui %sign3A_462 : i1 to i32
      %sign3A_464 = arith.constant 0 : i32
      %sign3A_465 = arith.cmpi slt, %mul3A_29, %sign3A_464 : i32
      %sign3A_466 = arith.extui %sign3A_465 : i1 to i32
      %sign3A_467 = arith.subi %sign3A_463, %sign3A_466 : i32
      %sign3A_468 = arith.constant 0 : i32
      %sign3A_469 = arith.cmpi sgt, %jit3A_459, %sign3A_468 : i32
      %sign3A_470 = arith.extui %sign3A_469 : i1 to i32
      %sign3A_471 = arith.constant 0 : i32
      %sign3A_472 = arith.cmpi slt, %jit3A_459, %sign3A_471 : i32
      %sign3A_473 = arith.extui %sign3A_472 : i1 to i32
      %sign3A_474 = arith.subi %sign3A_470, %sign3A_473 : i32
      %ne3A_475 = arith.cmpi ne, %sign3A_467, %sign3A_474 : i32
      %rem3A_476 = arith.remsi %mul3A_29, %jit3A_459 : i32
      %ne3A_477 = arith.constant 0 : i32
      %ne3A_478 = arith.cmpi ne, %rem3A_476, %ne3A_477 : i32
      %and3A_479 = arith.andi %ne3A_475, %ne3A_478 : i1
      %sub3A_480 = arith.constant 1 : i32
      %sub3A_481 = arith.subi %div3A_460, %sub3A_480 : i32
      %select_n3A_482 = arith.select %and3A_479, %sub3A_481, %div3A_460 : i32
      %jit3A_483 = arith.constant 8 : i32
      %eq3A_484 = arith.constant 0 : i32
      %eq3A_485 = arith.cmpi eq, %jit3A_483, %eq3A_484 : i32
      %jit3A_486 = arith.constant 1 : i32
      %select_n3A_487 = arith.select %eq3A_485, %jit3A_486, %jit3A_483 : i32
      %rem3A_488 = arith.remsi %mul3A_29, %select_n3A_487 : i32
      %ne3A_489 = arith.constant 0 : i32
      %ne3A_490 = arith.cmpi ne, %rem3A_488, %ne3A_489 : i32
      %lt3A_491 = arith.constant 0 : i32
      %lt3A_492 = arith.cmpi slt, %rem3A_488, %lt3A_491 : i32
      %lt3A_493 = arith.constant 0 : i32
      %lt3A_494 = arith.cmpi slt, %select_n3A_487, %lt3A_493 : i32
      %ne3A_495 = arith.xori %lt3A_492, %lt3A_494 : i1
      %and3A_496 = arith.andi %ne3A_495, %ne3A_490 : i1
      %add3A_497 = arith.addi %rem3A_488, %select_n3A_487 : i32
      %select_n3A_498 = arith.select %and3A_496, %add3A_497, %rem3A_488 : i32
      %mul3A_499 = arith.constant 16 : i32
      %mul3A_500 = arith.muli %select_n3A_498, %mul3A_499 : i32
      %swap3A_501 = arith.constant 1 : i32
      %swap3A_502 = arith.constant 0 : i32
      %swap3A_503 = arith.index_cast %swap3A_501 : i32 to index
      %swap3A_504 = arith.index_cast %select_n3A_482 : i32 to index
      %swap3A_505 = arith.index_cast %swap3A_502 : i32 to index
      %swap3A_506 = arith.index_cast %mul3A_500 : i32 to index
      %swap3A_507 = tpu.vector_load %arg7[%swap3A_503, %swap3A_504, %swap3A_505, %swap3A_506] {strides = array<i32>} : memref<8x4x8x128xf32, #tpu.memory_space<vmem>>, vector<16xf32>,
      tpu.vector_store %arg7[%swap3A_503, %swap3A_504, %swap3A_505, %swap3A_506], %broadcast_in_dim3A_17 {strides = array<i32>} : memref<8x4x8x128xf32, #tpu.memory_space<vmem>>, vector<16xf32>,
      %jit3A_508 = arith.constant 8 : i32
      %div3A_509 = arith.divsi %mul3A_29, %jit3A_508 : i32
      %sign3A_510 = arith.constant 0 : i32
      %sign3A_511 = arith.cmpi sgt, %mul3A_29, %sign3A_510 : i32
      %sign3A_512 = arith.extui %sign3A_511 : i1 to i32
      %sign3A_513 = arith.constant 0 : i32
      %sign3A_514 = arith.cmpi slt, %mul3A_29, %sign3A_513 : i32
      %sign3A_515 = arith.extui %sign3A_514 : i1 to i32
      %sign3A_516 = arith.subi %sign3A_512, %sign3A_515 : i32
      %sign3A_517 = arith.constant 0 : i32
      %sign3A_518 = arith.cmpi sgt, %jit3A_508, %sign3A_517 : i32
      %sign3A_519 = arith.extui %sign3A_518 : i1 to i32
      %sign3A_520 = arith.constant 0 : i32
      %sign3A_521 = arith.cmpi slt, %jit3A_508, %sign3A_520 : i32
      %sign3A_522 = arith.extui %sign3A_521 : i1 to i32
      %sign3A_523 = arith.subi %sign3A_519, %sign3A_522 : i32
      %ne3A_524 = arith.cmpi ne, %sign3A_516, %sign3A_523 : i32
      %rem3A_525 = arith.remsi %mul3A_29, %jit3A_508 : i32
      %ne3A_526 = arith.constant 0 : i32
      %ne3A_527 = arith.cmpi ne, %rem3A_525, %ne3A_526 : i32
      %and3A_528 = arith.andi %ne3A_524, %ne3A_527 : i1
      %sub3A_529 = arith.constant 1 : i32
      %sub3A_530 = arith.subi %div3A_509, %sub3A_529 : i32
      %select_n3A_531 = arith.select %and3A_528, %sub3A_530, %div3A_509 : i32
      %jit3A_532 = arith.constant 8 : i32
      %eq3A_533 = arith.constant 0 : i32
      %eq3A_534 = arith.cmpi eq, %jit3A_532, %eq3A_533 : i32
      %jit3A_535 = arith.constant 1 : i32
      %select_n3A_536 = arith.select %eq3A_534, %jit3A_535, %jit3A_532 : i32
      %rem3A_537 = arith.remsi %mul3A_29, %select_n3A_536 : i32
      %ne3A_538 = arith.constant 0 : i32
      %ne3A_539 = arith.cmpi ne, %rem3A_537, %ne3A_538 : i32
      %lt3A_540 = arith.constant 0 : i32
      %lt3A_541 = arith.cmpi slt, %rem3A_537, %lt3A_540 : i32
      %lt3A_542 = arith.constant 0 : i32
      %lt3A_543 = arith.cmpi slt, %select_n3A_536, %lt3A_542 : i32
      %ne3A_544 = arith.xori %lt3A_541, %lt3A_543 : i1
      %and3A_545 = arith.andi %ne3A_544, %ne3A_539 : i1
      %add3A_546 = arith.addi %rem3A_537, %select_n3A_536 : i32
      %select_n3A_547 = arith.select %and3A_545, %add3A_546, %rem3A_537 : i32
      %mul3A_548 = arith.constant 16 : i32
      %mul3A_549 = arith.muli %select_n3A_547, %mul3A_548 : i32
      %swap3A_550 = arith.constant 1 : i32
      %swap3A_551 = arith.constant 1 : i32
      %swap3A_552 = arith.index_cast %swap3A_550 : i32 to index
      %swap3A_553 = arith.index_cast %select_n3A_531 : i32 to index
      %swap3A_554 = arith.index_cast %swap3A_551 : i32 to index
      %swap3A_555 = arith.index_cast %mul3A_549 : i32 to index
      %swap3A_556 = tpu.vector_load %arg7[%swap3A_552, %swap3A_553, %swap3A_554, %swap3A_555] {strides = array<i32>} : memref<8x4x8x128xf32, #tpu.memory_space<vmem>>, vector<16xf32>,
      tpu.vector_store %arg7[%swap3A_552, %swap3A_553, %swap3A_554, %swap3A_555], %broadcast_in_dim3A_17 {strides = array<i32>} : memref<8x4x8x128xf32, #tpu.memory_space<vmem>>, vector<16xf32>,
      %jit3A_557 = arith.constant 8 : i32
      %div3A_558 = arith.divsi %mul3A_29, %jit3A_557 : i32
      %sign3A_559 = arith.constant 0 : i32
      %sign3A_560 = arith.cmpi sgt, %mul3A_29, %sign3A_559 : i32
      %sign3A_561 = arith.extui %sign3A_560 : i1 to i32
      %sign3A_562 = arith.constant 0 : i32
      %sign3A_563 = arith.cmpi slt, %mul3A_29, %sign3A_562 : i32
      %sign3A_564 = arith.extui %sign3A_563 : i1 to i32
      %sign3A_565 = arith.subi %sign3A_561, %sign3A_564 : i32
      %sign3A_566 = arith.constant 0 : i32
      %sign3A_567 = arith.cmpi sgt, %jit3A_557, %sign3A_566 : i32
      %sign3A_568 = arith.extui %sign3A_567 : i1 to i32
      %sign3A_569 = arith.constant 0 : i32
      %sign3A_570 = arith.cmpi slt, %jit3A_557, %sign3A_569 : i32
      %sign3A_571 = arith.extui %sign3A_570 : i1 to i32
      %sign3A_572 = arith.subi %sign3A_568, %sign3A_571 : i32
      %ne3A_573 = arith.cmpi ne, %sign3A_565, %sign3A_572 : i32
      %rem3A_574 = arith.remsi %mul3A_29, %jit3A_557 : i32
      %ne3A_575 = arith.constant 0 : i32
      %ne3A_576 = arith.cmpi ne, %rem3A_574, %ne3A_575 : i32
      %and3A_577 = arith.andi %ne3A_573, %ne3A_576 : i1
      %sub3A_578 = arith.constant 1 : i32
      %sub3A_579 = arith.subi %div3A_558, %sub3A_578 : i32
      %select_n3A_580 = arith.select %and3A_577, %sub3A_579, %div3A_558 : i32
      %jit3A_581 = arith.constant 8 : i32
      %eq3A_582 = arith.constant 0 : i32
      %eq3A_583 = arith.cmpi eq, %jit3A_581, %eq3A_582 : i32
      %jit3A_584 = arith.constant 1 : i32
      %select_n3A_585 = arith.select %eq3A_583, %jit3A_584, %jit3A_581 : i32
      %rem3A_586 = arith.remsi %mul3A_29, %select_n3A_585 : i32
      %ne3A_587 = arith.constant 0 : i32
      %ne3A_588 = arith.cmpi ne, %rem3A_586, %ne3A_587 : i32
      %lt3A_589 = arith.constant 0 : i32
      %lt3A_590 = arith.cmpi slt, %rem3A_586, %lt3A_589 : i32
      %lt3A_591 = arith.constant 0 : i32
      %lt3A_592 = arith.cmpi slt, %select_n3A_585, %lt3A_591 : i32
      %ne3A_593 = arith.xori %lt3A_590, %lt3A_592 : i1
      %and3A_594 = arith.andi %ne3A_593, %ne3A_588 : i1
      %add3A_595 = arith.addi %rem3A_586, %select_n3A_585 : i32
      %select_n3A_596 = arith.select %and3A_594, %add3A_595, %rem3A_586 : i32
      %mul3A_597 = arith.constant 16 : i32
      %mul3A_598 = arith.muli %select_n3A_596, %mul3A_597 : i32
      %swap3A_599 = arith.constant 1 : i32
      %swap3A_600 = arith.constant 2 : i32
      %swap3A_601 = arith.index_cast %swap3A_599 : i32 to index
      %swap3A_602 = arith.index_cast %select_n3A_580 : i32 to index
      %swap3A_603 = arith.index_cast %swap3A_600 : i32 to index
      %swap3A_604 = arith.index_cast %mul3A_598 : i32 to index
      %swap3A_605 = tpu.vector_load %arg7[%swap3A_601, %swap3A_602, %swap3A_603, %swap3A_604] {strides = array<i32>} : memref<8x4x8x128xf32, #tpu.memory_space<vmem>>, vector<16xf32>,
      tpu.vector_store %arg7[%swap3A_601, %swap3A_602, %swap3A_603, %swap3A_604], %broadcast_in_dim3A_17 {strides = array<i32>} : memref<8x4x8x128xf32, #tpu.memory_space<vmem>>, vector<16xf32>,
      %jit3A_606 = arith.constant 8 : i32
      %div3A_607 = arith.divsi %mul3A_29, %jit3A_606 : i32
      %sign3A_608 = arith.constant 0 : i32
      %sign3A_609 = arith.cmpi sgt, %mul3A_29, %sign3A_608 : i32
      %sign3A_610 = arith.extui %sign3A_609 : i1 to i32
      %sign3A_611 = arith.constant 0 : i32
      %sign3A_612 = arith.cmpi slt, %mul3A_29, %sign3A_611 : i32
      %sign3A_613 = arith.extui %sign3A_612 : i1 to i32
      %sign3A_614 = arith.subi %sign3A_610, %sign3A_613 : i32
      %sign3A_615 = arith.constant 0 : i32
      %sign3A_616 = arith.cmpi sgt, %jit3A_606, %sign3A_615 : i32
      %sign3A_617 = arith.extui %sign3A_616 : i1 to i32
      %sign3A_618 = arith.constant 0 : i32
      %sign3A_619 = arith.cmpi slt, %jit3A_606, %sign3A_618 : i32
      %sign3A_620 = arith.extui %sign3A_619 : i1 to i32
      %sign3A_621 = arith.subi %sign3A_617, %sign3A_620 : i32
      %ne3A_622 = arith.cmpi ne, %sign3A_614, %sign3A_621 : i32
      %rem3A_623 = arith.remsi %mul3A_29, %jit3A_606 : i32
      %ne3A_624 = arith.constant 0 : i32
      %ne3A_625 = arith.cmpi ne, %rem3A_623, %ne3A_624 : i32
      %and3A_626 = arith.andi %ne3A_622, %ne3A_625 : i1
      %sub3A_627 = arith.constant 1 : i32
      %sub3A_628 = arith.subi %div3A_607, %sub3A_627 : i32
      %select_n3A_629 = arith.select %and3A_626, %sub3A_628, %div3A_607 : i32
      %jit3A_630 = arith.constant 8 : i32
      %eq3A_631 = arith.constant 0 : i32
      %eq3A_632 = arith.cmpi eq, %jit3A_630, %eq3A_631 : i32
      %jit3A_633 = arith.constant 1 : i32
      %select_n3A_634 = arith.select %eq3A_632, %jit3A_633, %jit3A_630 : i32
      %rem3A_635 = arith.remsi %mul3A_29, %select_n3A_634 : i32
      %ne3A_636 = arith.constant 0 : i32
      %ne3A_637 = arith.cmpi ne, %rem3A_635, %ne3A_636 : i32
      %lt3A_638 = arith.constant 0 : i32
      %lt3A_639 = arith.cmpi slt, %rem3A_635, %lt3A_638 : i32
      %lt3A_640 = arith.constant 0 : i32
      %lt3A_641 = arith.cmpi slt, %select_n3A_634, %lt3A_640 : i32
      %ne3A_642 = arith.xori %lt3A_639, %lt3A_641 : i1
      %and3A_643 = arith.andi %ne3A_642, %ne3A_637 : i1
      %add3A_644 = arith.addi %rem3A_635, %select_n3A_634 : i32
      %select_n3A_645 = arith.select %and3A_643, %add3A_644, %rem3A_635 : i32
      %mul3A_646 = arith.constant 16 : i32
      %mul3A_647 = arith.muli %select_n3A_645, %mul3A_646 : i32
      %swap3A_648 = arith.constant 1 : i32
      %swap3A_649 = arith.constant 3 : i32
      %swap3A_650 = arith.index_cast %swap3A_648 : i32 to index
      %swap3A_651 = arith.index_cast %select_n3A_629 : i32 to index
      %swap3A_652 = arith.index_cast %swap3A_649 : i32 to index
      %swap3A_653 = arith.index_cast %mul3A_647 : i32 to index
      %swap3A_654 = tpu.vector_load %arg7[%swap3A_650, %swap3A_651, %swap3A_652, %swap3A_653] {strides = array<i32>} : memref<8x4x8x128xf32, #tpu.memory_space<vmem>>, vector<16xf32>,
      tpu.vector_store %arg7[%swap3A_650, %swap3A_651, %swap3A_652, %swap3A_653], %broadcast_in_dim3A_17 {strides = array<i32>} : memref<8x4x8x128xf32, #tpu.memory_space<vmem>>, vector<16xf32>,
      %jit3A_655 = arith.constant 8 : i32
      %div3A_656 = arith.divsi %mul3A_29, %jit3A_655 : i32
      %sign3A_657 = arith.constant 0 : i32
      %sign3A_658 = arith.cmpi sgt, %mul3A_29, %sign3A_657 : i32
      %sign3A_659 = arith.extui %sign3A_658 : i1 to i32
      %sign3A_660 = arith.constant 0 : i32
      %sign3A_661 = arith.cmpi slt, %mul3A_29, %sign3A_660 : i32
      %sign3A_662 = arith.extui %sign3A_661 : i1 to i32
      %sign3A_663 = arith.subi %sign3A_659, %sign3A_662 : i32
      %sign3A_664 = arith.constant 0 : i32
      %sign3A_665 = arith.cmpi sgt, %jit3A_655, %sign3A_664 : i32
      %sign3A_666 = arith.extui %sign3A_665 : i1 to i32
      %sign3A_667 = arith.constant 0 : i32
      %sign3A_668 = arith.cmpi slt, %jit3A_655, %sign3A_667 : i32
      %sign3A_669 = arith.extui %sign3A_668 : i1 to i32
      %sign3A_670 = arith.subi %sign3A_666, %sign3A_669 : i32
      %ne3A_671 = arith.cmpi ne, %sign3A_663, %sign3A_670 : i32
      %rem3A_672 = arith.remsi %mul3A_29, %jit3A_655 : i32
      %ne3A_673 = arith.constant 0 : i32
      %ne3A_674 = arith.cmpi ne, %rem3A_672, %ne3A_673 : i32
      %and3A_675 = arith.andi %ne3A_671, %ne3A_674 : i1
      %sub3A_676 = arith.constant 1 : i32
      %sub3A_677 = arith.subi %div3A_656, %sub3A_676 : i32
      %select_n3A_678 = arith.select %and3A_675, %sub3A_677, %div3A_656 : i32
      %jit3A_679 = arith.constant 8 : i32
      %eq3A_680 = arith.constant 0 : i32
      %eq3A_681 = arith.cmpi eq, %jit3A_679, %eq3A_680 : i32
      %jit3A_682 = arith.constant 1 : i32
      %select_n3A_683 = arith.select %eq3A_681, %jit3A_682, %jit3A_679 : i32
      %rem3A_684 = arith.remsi %mul3A_29, %select_n3A_683 : i32
      %ne3A_685 = arith.constant 0 : i32
      %ne3A_686 = arith.cmpi ne, %rem3A_684, %ne3A_685 : i32
      %lt3A_687 = arith.constant 0 : i32
      %lt3A_688 = arith.cmpi slt, %rem3A_684, %lt3A_687 : i32
      %lt3A_689 = arith.constant 0 : i32
      %lt3A_690 = arith.cmpi slt, %select_n3A_683, %lt3A_689 : i32
      %ne3A_691 = arith.xori %lt3A_688, %lt3A_690 : i1
      %and3A_692 = arith.andi %ne3A_691, %ne3A_686 : i1
      %add3A_693 = arith.addi %rem3A_684, %select_n3A_683 : i32
      %select_n3A_694 = arith.select %and3A_692, %add3A_693, %rem3A_684 : i32
      %mul3A_695 = arith.constant 16 : i32
      %mul3A_696 = arith.muli %select_n3A_694, %mul3A_695 : i32
      %swap3A_697 = arith.constant 1 : i32
      %swap3A_698 = arith.constant 4 : i32
      %swap3A_699 = arith.index_cast %swap3A_697 : i32 to index
      %swap3A_700 = arith.index_cast %select_n3A_678 : i32 to index
      %swap3A_701 = arith.index_cast %swap3A_698 : i32 to index
      %swap3A_702 = arith.index_cast %mul3A_696 : i32 to index
      %swap3A_703 = tpu.vector_load %arg7[%swap3A_699, %swap3A_700, %swap3A_701, %swap3A_702] {strides = array<i32>} : memref<8x4x8x128xf32, #tpu.memory_space<vmem>>, vector<16xf32>,
      tpu.vector_store %arg7[%swap3A_699, %swap3A_700, %swap3A_701, %swap3A_702], %broadcast_in_dim3A_17 {strides = array<i32>} : memref<8x4x8x128xf32, #tpu.memory_space<vmem>>, vector<16xf32>,
      %jit3A_704 = arith.constant 8 : i32
      %div3A_705 = arith.divsi %mul3A_29, %jit3A_704 : i32
      %sign3A_706 = arith.constant 0 : i32
      %sign3A_707 = arith.cmpi sgt, %mul3A_29, %sign3A_706 : i32
      %sign3A_708 = arith.extui %sign3A_707 : i1 to i32
      %sign3A_709 = arith.constant 0 : i32
      %sign3A_710 = arith.cmpi slt, %mul3A_29, %sign3A_709 : i32
      %sign3A_711 = arith.extui %sign3A_710 : i1 to i32
      %sign3A_712 = arith.subi %sign3A_708, %sign3A_711 : i32
      %sign3A_713 = arith.constant 0 : i32
      %sign3A_714 = arith.cmpi sgt, %jit3A_704, %sign3A_713 : i32
      %sign3A_715 = arith.extui %sign3A_714 : i1 to i32
      %sign3A_716 = arith.constant 0 : i32
      %sign3A_717 = arith.cmpi slt, %jit3A_704, %sign3A_716 : i32
      %sign3A_718 = arith.extui %sign3A_717 : i1 to i32
      %sign3A_719 = arith.subi %sign3A_715, %sign3A_718 : i32
      %ne3A_720 = arith.cmpi ne, %sign3A_712, %sign3A_719 : i32
      %rem3A_721 = arith.remsi %mul3A_29, %jit3A_704 : i32
      %ne3A_722 = arith.constant 0 : i32
      %ne3A_723 = arith.cmpi ne, %rem3A_721, %ne3A_722 : i32
      %and3A_724 = arith.andi %ne3A_720, %ne3A_723 : i1
      %sub3A_725 = arith.constant 1 : i32
      %sub3A_726 = arith.subi %div3A_705, %sub3A_725 : i32
      %select_n3A_727 = arith.select %and3A_724, %sub3A_726, %div3A_705 : i32
      %jit3A_728 = arith.constant 8 : i32
      %eq3A_729 = arith.constant 0 : i32
      %eq3A_730 = arith.cmpi eq, %jit3A_728, %eq3A_729 : i32
      %jit3A_731 = arith.constant 1 : i32
      %select_n3A_732 = arith.select %eq3A_730, %jit3A_731, %jit3A_728 : i32
      %rem3A_733 = arith.remsi %mul3A_29, %select_n3A_732 : i32
      %ne3A_734 = arith.constant 0 : i32
      %ne3A_735 = arith.cmpi ne, %rem3A_733, %ne3A_734 : i32
      %lt3A_736 = arith.constant 0 : i32
      %lt3A_737 = arith.cmpi slt, %rem3A_733, %lt3A_736 : i32
      %lt3A_738 = arith.constant 0 : i32
      %lt3A_739 = arith.cmpi slt, %select_n3A_732, %lt3A_738 : i32
      %ne3A_740 = arith.xori %lt3A_737, %lt3A_739 : i1
      %and3A_741 = arith.andi %ne3A_740, %ne3A_735 : i1
      %add3A_742 = arith.addi %rem3A_733, %select_n3A_732 : i32
      %select_n3A_743 = arith.select %and3A_741, %add3A_742, %rem3A_733 : i32
      %mul3A_744 = arith.constant 16 : i32
      %mul3A_745 = arith.muli %select_n3A_743, %mul3A_744 : i32
      %swap3A_746 = arith.constant 1 : i32
      %swap3A_747 = arith.constant 5 : i32
      %swap3A_748 = arith.index_cast %swap3A_746 : i32 to index
      %swap3A_749 = arith.index_cast %select_n3A_727 : i32 to index
      %swap3A_750 = arith.index_cast %swap3A_747 : i32 to index
      %swap3A_751 = arith.index_cast %mul3A_745 : i32 to index
      %swap3A_752 = tpu.vector_load %arg7[%swap3A_748, %swap3A_749, %swap3A_750, %swap3A_751] {strides = array<i32>} : memref<8x4x8x128xf32, #tpu.memory_space<vmem>>, vector<16xf32>,
      tpu.vector_store %arg7[%swap3A_748, %swap3A_749, %swap3A_750, %swap3A_751], %broadcast_in_dim3A_17 {strides = array<i32>} : memref<8x4x8x128xf32, #tpu.memory_space<vmem>>, vector<16xf32>,
      %jit3A_753 = arith.constant 8 : i32
      %div3A_754 = arith.divsi %mul3A_29, %jit3A_753 : i32
      %sign3A_755 = arith.constant 0 : i32
      %sign3A_756 = arith.cmpi sgt, %mul3A_29, %sign3A_755 : i32
      %sign3A_757 = arith.extui %sign3A_756 : i1 to i32
      %sign3A_758 = arith.constant 0 : i32
      %sign3A_759 = arith.cmpi slt, %mul3A_29, %sign3A_758 : i32
      %sign3A_760 = arith.extui %sign3A_759 : i1 to i32
      %sign3A_761 = arith.subi %sign3A_757, %sign3A_760 : i32
      %sign3A_762 = arith.constant 0 : i32
      %sign3A_763 = arith.cmpi sgt, %jit3A_753, %sign3A_762 : i32
      %sign3A_764 = arith.extui %sign3A_763 : i1 to i32
      %sign3A_765 = arith.constant 0 : i32
      %sign3A_766 = arith.cmpi slt, %jit3A_753, %sign3A_765 : i32
      %sign3A_767 = arith.extui %sign3A_766 : i1 to i32
      %sign3A_768 = arith.subi %sign3A_764, %sign3A_767 : i32
      %ne3A_769 = arith.cmpi ne, %sign3A_761, %sign3A_768 : i32
      %rem3A_770 = arith.remsi %mul3A_29, %jit3A_753 : i32
      %ne3A_771 = arith.constant 0 : i32
      %ne3A_772 = arith.cmpi ne, %rem3A_770, %ne3A_771 : i32
      %and3A_773 = arith.andi %ne3A_769, %ne3A_772 : i1
      %sub3A_774 = arith.constant 1 : i32
      %sub3A_775 = arith.subi %div3A_754, %sub3A_774 : i32
      %select_n3A_776 = arith.select %and3A_773, %sub3A_775, %div3A_754 : i32
      %jit3A_777 = arith.constant 8 : i32
      %eq3A_778 = arith.constant 0 : i32
      %eq3A_779 = arith.cmpi eq, %jit3A_777, %eq3A_778 : i32
      %jit3A_780 = arith.constant 1 : i32
      %select_n3A_781 = arith.select %eq3A_779, %jit3A_780, %jit3A_777 : i32
      %rem3A_782 = arith.remsi %mul3A_29, %select_n3A_781 : i32
      %ne3A_783 = arith.constant 0 : i32
      %ne3A_784 = arith.cmpi ne, %rem3A_782, %ne3A_783 : i32
      %lt3A_785 = arith.constant 0 : i32
      %lt3A_786 = arith.cmpi slt, %rem3A_782, %lt3A_785 : i32
      %lt3A_787 = arith.constant 0 : i32
      %lt3A_788 = arith.cmpi slt, %select_n3A_781, %lt3A_787 : i32
      %ne3A_789 = arith.xori %lt3A_786, %lt3A_788 : i1
      %and3A_790 = arith.andi %ne3A_789, %ne3A_784 : i1
      %add3A_791 = arith.addi %rem3A_782, %select_n3A_781 : i32
      %select_n3A_792 = arith.select %and3A_790, %add3A_791, %rem3A_782 : i32
      %mul3A_793 = arith.constant 16 : i32
      %mul3A_794 = arith.muli %select_n3A_792, %mul3A_793 : i32
      %swap3A_795 = arith.constant 1 : i32
      %swap3A_796 = arith.constant 6 : i32
      %swap3A_797 = arith.index_cast %swap3A_795 : i32 to index
      %swap3A_798 = arith.index_cast %select_n3A_776 : i32 to index
      %swap3A_799 = arith.index_cast %swap3A_796 : i32 to index
      %swap3A_800 = arith.index_cast %mul3A_794 : i32 to index
      %swap3A_801 = tpu.vector_load %arg7[%swap3A_797, %swap3A_798, %swap3A_799, %swap3A_800] {strides = array<i32>} : memref<8x4x8x128xf32, #tpu.memory_space<vmem>>, vector<16xf32>,
      tpu.vector_store %arg7[%swap3A_797, %swap3A_798, %swap3A_799, %swap3A_800], %broadcast_in_dim3A_17 {strides = array<i32>} : memref<8x4x8x128xf32, #tpu.memory_space<vmem>>, vector<16xf32>,
      %jit3A_802 = arith.constant 8 : i32
      %div3A_803 = arith.divsi %mul3A_29, %jit3A_802 : i32
      %sign3A_804 = arith.constant 0 : i32
      %sign3A_805 = arith.cmpi sgt, %mul3A_29, %sign3A_804 : i32
      %sign3A_806 = arith.extui %sign3A_805 : i1 to i32
      %sign3A_807 = arith.constant 0 : i32
      %sign3A_808 = arith.cmpi slt, %mul3A_29, %sign3A_807 : i32
      %sign3A_809 = arith.extui %sign3A_808 : i1 to i32
      %sign3A_810 = arith.subi %sign3A_806, %sign3A_809 : i32
      %sign3A_811 = arith.constant 0 : i32
      %sign3A_812 = arith.cmpi sgt, %jit3A_802, %sign3A_811 : i32
      %sign3A_813 = arith.extui %sign3A_812 : i1 to i32
      %sign3A_814 = arith.constant 0 : i32
      %sign3A_815 = arith.cmpi slt, %jit3A_802, %sign3A_814 : i32
      %sign3A_816 = arith.extui %sign3A_815 : i1 to i32
      %sign3A_817 = arith.subi %sign3A_813, %sign3A_816 : i32
      %ne3A_818 = arith.cmpi ne, %sign3A_810, %sign3A_817 : i32
      %rem3A_819 = arith.remsi %mul3A_29, %jit3A_802 : i32
      %ne3A_820 = arith.constant 0 : i32
      %ne3A_821 = arith.cmpi ne, %rem3A_819, %ne3A_820 : i32
      %and3A_822 = arith.andi %ne3A_818, %ne3A_821 : i1
      %sub3A_823 = arith.constant 1 : i32
      %sub3A_824 = arith.subi %div3A_803, %sub3A_823 : i32
      %select_n3A_825 = arith.select %and3A_822, %sub3A_824, %div3A_803 : i32
      %jit3A_826 = arith.constant 8 : i32
      %eq3A_827 = arith.constant 0 : i32
      %eq3A_828 = arith.cmpi eq, %jit3A_826, %eq3A_827 : i32
      %jit3A_829 = arith.constant 1 : i32
      %select_n3A_830 = arith.select %eq3A_828, %jit3A_829, %jit3A_826 : i32
      %rem3A_831 = arith.remsi %mul3A_29, %select_n3A_830 : i32
      %ne3A_832 = arith.constant 0 : i32
      %ne3A_833 = arith.cmpi ne, %rem3A_831, %ne3A_832 : i32
      %lt3A_834 = arith.constant 0 : i32
      %lt3A_835 = arith.cmpi slt, %rem3A_831, %lt3A_834 : i32
      %lt3A_836 = arith.constant 0 : i32
      %lt3A_837 = arith.cmpi slt, %select_n3A_830, %lt3A_836 : i32
      %ne3A_838 = arith.xori %lt3A_835, %lt3A_837 : i1
      %and3A_839 = arith.andi %ne3A_838, %ne3A_833 : i1
      %add3A_840 = arith.addi %rem3A_831, %select_n3A_830 : i32
      %select_n3A_841 = arith.select %and3A_839, %add3A_840, %rem3A_831 : i32
      %mul3A_842 = arith.constant 16 : i32
      %mul3A_843 = arith.muli %select_n3A_841, %mul3A_842 : i32
      %swap3A_844 = arith.constant 1 : i32
      %swap3A_845 = arith.constant 7 : i32
      %swap3A_846 = arith.index_cast %swap3A_844 : i32 to index
      %swap3A_847 = arith.index_cast %select_n3A_825 : i32 to index
      %swap3A_848 = arith.index_cast %swap3A_845 : i32 to index
      %swap3A_849 = arith.index_cast %mul3A_843 : i32 to index
      %swap3A_850 = tpu.vector_load %arg7[%swap3A_846, %swap3A_847, %swap3A_848, %swap3A_849] {strides = array<i32>} : memref<8x4x8x128xf32, #tpu.memory_space<vmem>>, vector<16xf32>,
      tpu.vector_store %arg7[%swap3A_846, %swap3A_847, %swap3A_848, %swap3A_849], %broadcast_in_dim3A_17 {strides = array<i32>} : memref<8x4x8x128xf32, #tpu.memory_space<vmem>>, vector<16xf32>,
      %jit3A_851 = arith.constant 8 : i32
      %div3A_852 = arith.divsi %mul3A_29, %jit3A_851 : i32
      %sign3A_853 = arith.constant 0 : i32
      %sign3A_854 = arith.cmpi sgt, %mul3A_29, %sign3A_853 : i32
      %sign3A_855 = arith.extui %sign3A_854 : i1 to i32
      %sign3A_856 = arith.constant 0 : i32
      %sign3A_857 = arith.cmpi slt, %mul3A_29, %sign3A_856 : i32
      %sign3A_858 = arith.extui %sign3A_857 : i1 to i32
      %sign3A_859 = arith.subi %sign3A_855, %sign3A_858 : i32
      %sign3A_860 = arith.constant 0 : i32
      %sign3A_861 = arith.cmpi sgt, %jit3A_851, %sign3A_860 : i32
      %sign3A_862 = arith.extui %sign3A_861 : i1 to i32
      %sign3A_863 = arith.constant 0 : i32
      %sign3A_864 = arith.cmpi slt, %jit3A_851, %sign3A_863 : i32
      %sign3A_865 = arith.extui %sign3A_864 : i1 to i32
      %sign3A_866 = arith.subi %sign3A_862, %sign3A_865 : i32
      %ne3A_867 = arith.cmpi ne, %sign3A_859, %sign3A_866 : i32
      %rem3A_868 = arith.remsi %mul3A_29, %jit3A_851 : i32
      %ne3A_869 = arith.constant 0 : i32
      %ne3A_870 = arith.cmpi ne, %rem3A_868, %ne3A_869 : i32
      %and3A_871 = arith.andi %ne3A_867, %ne3A_870 : i1
      %sub3A_872 = arith.constant 1 : i32
      %sub3A_873 = arith.subi %div3A_852, %sub3A_872 : i32
      %select_n3A_874 = arith.select %and3A_871, %sub3A_873, %div3A_852 : i32
      %jit3A_875 = arith.constant 8 : i32
      %eq3A_876 = arith.constant 0 : i32
      %eq3A_877 = arith.cmpi eq, %jit3A_875, %eq3A_876 : i32
      %jit3A_878 = arith.constant 1 : i32
      %select_n3A_879 = arith.select %eq3A_877, %jit3A_878, %jit3A_875 : i32
      %rem3A_880 = arith.remsi %mul3A_29, %select_n3A_879 : i32
      %ne3A_881 = arith.constant 0 : i32
      %ne3A_882 = arith.cmpi ne, %rem3A_880, %ne3A_881 : i32
      %lt3A_883 = arith.constant 0 : i32
      %lt3A_884 = arith.cmpi slt, %rem3A_880, %lt3A_883 : i32
      %lt3A_885 = arith.constant 0 : i32
      %lt3A_886 = arith.cmpi slt, %select_n3A_879, %lt3A_885 : i32
      %ne3A_887 = arith.xori %lt3A_884, %lt3A_886 : i1
      %and3A_888 = arith.andi %ne3A_887, %ne3A_882 : i1
      %add3A_889 = arith.addi %rem3A_880, %select_n3A_879 : i32
      %select_n3A_890 = arith.select %and3A_888, %add3A_889, %rem3A_880 : i32
      %mul3A_891 = arith.constant 16 : i32
      %mul3A_892 = arith.muli %select_n3A_890, %mul3A_891 : i32
      %swap3A_893 = arith.constant 2 : i32
      %swap3A_894 = arith.constant 0 : i32
      %swap3A_895 = arith.index_cast %swap3A_893 : i32 to index
      %swap3A_896 = arith.index_cast %select_n3A_874 : i32 to index
      %swap3A_897 = arith.index_cast %swap3A_894 : i32 to index
      %swap3A_898 = arith.index_cast %mul3A_892 : i32 to index
      %swap3A_899 = tpu.vector_load %arg7[%swap3A_895, %swap3A_896, %swap3A_897, %swap3A_898] {strides = array<i32>} : memref<8x4x8x128xf32, #tpu.memory_space<vmem>>, vector<16xf32>,
      tpu.vector_store %arg7[%swap3A_895, %swap3A_896, %swap3A_897, %swap3A_898], %broadcast_in_dim3A_17 {strides = array<i32>} : memref<8x4x8x128xf32, #tpu.memory_space<vmem>>, vector<16xf32>,
      %jit3A_900 = arith.constant 8 : i32
      %div3A_901 = arith.divsi %mul3A_29, %jit3A_900 : i32
      %sign3A_902 = arith.constant 0 : i32
      %sign3A_903 = arith.cmpi sgt, %mul3A_29, %sign3A_902 : i32
      %sign3A_904 = arith.extui %sign3A_903 : i1 to i32
      %sign3A_905 = arith.constant 0 : i32
      %sign3A_906 = arith.cmpi slt, %mul3A_29, %sign3A_905 : i32
      %sign3A_907 = arith.extui %sign3A_906 : i1 to i32
      %sign3A_908 = arith.subi %sign3A_904, %sign3A_907 : i32
      %sign3A_909 = arith.constant 0 : i32
      %sign3A_910 = arith.cmpi sgt, %jit3A_900, %sign3A_909 : i32
      %sign3A_911 = arith.extui %sign3A_910 : i1 to i32
      %sign3A_912 = arith.constant 0 : i32
      %sign3A_913 = arith.cmpi slt, %jit3A_900, %sign3A_912 : i32
      %sign3A_914 = arith.extui %sign3A_913 : i1 to i32
      %sign3A_915 = arith.subi %sign3A_911, %sign3A_914 : i32
      %ne3A_916 = arith.cmpi ne, %sign3A_908, %sign3A_915 : i32
      %rem3A_917 = arith.remsi %mul3A_29, %jit3A_900 : i32
      %ne3A_918 = arith.constant 0 : i32
      %ne3A_919 = arith.cmpi ne, %rem3A_917, %ne3A_918 : i32
      %and3A_920 = arith.andi %ne3A_916, %ne3A_919 : i1
      %sub3A_921 = arith.constant 1 : i32
      %sub3A_922 = arith.subi %div3A_901, %sub3A_921 : i32
      %select_n3A_923 = arith.select %and3A_920, %sub3A_922, %div3A_901 : i32
      %jit3A_924 = arith.constant 8 : i32
      %eq3A_925 = arith.constant 0 : i32
      %eq3A_926 = arith.cmpi eq, %jit3A_924, %eq3A_925 : i32
      %jit3A_927 = arith.constant 1 : i32
      %select_n3A_928 = arith.select %eq3A_926, %jit3A_927, %jit3A_924 : i32
      %rem3A_929 = arith.remsi %mul3A_29, %select_n3A_928 : i32
      %ne3A_930 = arith.constant 0 : i32
      %ne3A_931 = arith.cmpi ne, %rem3A_929, %ne3A_930 : i32
      %lt3A_932 = arith.constant 0 : i32
      %lt3A_933 = arith.cmpi slt, %rem3A_929, %lt3A_932 : i32
      %lt3A_934 = arith.constant 0 : i32
      %lt3A_935 = arith.cmpi slt, %select_n3A_928, %lt3A_934 : i32
      %ne3A_936 = arith.xori %lt3A_933, %lt3A_935 : i1
      %and3A_937 = arith.andi %ne3A_936, %ne3A_931 : i1
      %add3A_938 = arith.addi %rem3A_929, %select_n3A_928 : i32
      %select_n3A_939 = arith.select %and3A_937, %add3A_938, %rem3A_929 : i32
      %mul3A_940 = arith.constant 16 : i32
      %mul3A_941 = arith.muli %select_n3A_939, %mul3A_940 : i32
      %swap3A_942 = arith.constant 2 : i32
      %swap3A_943 = arith.constant 1 : i32
      %swap3A_944 = arith.index_cast %swap3A_942 : i32 to index
      %swap3A_945 = arith.index_cast %select_n3A_923 : i32 to index
      %swap3A_946 = arith.index_cast %swap3A_943 : i32 to index
      %swap3A_947 = arith.index_cast %mul3A_941 : i32 to index
      %swap3A_948 = tpu.vector_load %arg7[%swap3A_944, %swap3A_945, %swap3A_946, %swap3A_947] {strides = array<i32>} : memref<8x4x8x128xf32, #tpu.memory_space<vmem>>, vector<16xf32>,
      tpu.vector_store %arg7[%swap3A_944, %swap3A_945, %swap3A_946, %swap3A_947], %broadcast_in_dim3A_17 {strides = array<i32>} : memref<8x4x8x128xf32, #tpu.memory_space<vmem>>, vector<16xf32>,
      %jit3A_949 = arith.constant 8 : i32
      %div3A_950 = arith.divsi %mul3A_29, %jit3A_949 : i32
      %sign3A_951 = arith.constant 0 : i32
      %sign3A_952 = arith.cmpi sgt, %mul3A_29, %sign3A_951 : i32
      %sign3A_953 = arith.extui %sign3A_952 : i1 to i32
      %sign3A_954 = arith.constant 0 : i32
      %sign3A_955 = arith.cmpi slt, %mul3A_29, %sign3A_954 : i32
      %sign3A_956 = arith.extui %sign3A_955 : i1 to i32
      %sign3A_957 = arith.subi %sign3A_953, %sign3A_956 : i32
      %sign3A_958 = arith.constant 0 : i32
      %sign3A_959 = arith.cmpi sgt, %jit3A_949, %sign3A_958 : i32
      %sign3A_960 = arith.extui %sign3A_959 : i1 to i32
      %sign3A_961 = arith.constant 0 : i32
      %sign3A_962 = arith.cmpi slt, %jit3A_949, %sign3A_961 : i32
      %sign3A_963 = arith.extui %sign3A_962 : i1 to i32
      %sign3A_964 = arith.subi %sign3A_960, %sign3A_963 : i32
      %ne3A_965 = arith.cmpi ne, %sign3A_957, %sign3A_964 : i32
      %rem3A_966 = arith.remsi %mul3A_29, %jit3A_949 : i32
      %ne3A_967 = arith.constant 0 : i32
      %ne3A_968 = arith.cmpi ne, %rem3A_966, %ne3A_967 : i32
      %and3A_969 = arith.andi %ne3A_965, %ne3A_968 : i1
      %sub3A_970 = arith.constant 1 : i32
      %sub3A_971 = arith.subi %div3A_950, %sub3A_970 : i32
      %select_n3A_972 = arith.select %and3A_969, %sub3A_971, %div3A_950 : i32
      %jit3A_973 = arith.constant 8 : i32
      %eq3A_974 = arith.constant 0 : i32
      %eq3A_975 = arith.cmpi eq, %jit3A_973, %eq3A_974 : i32
      %jit3A_976 = arith.constant 1 : i32
      %select_n3A_977 = arith.select %eq3A_975, %jit3A_976, %jit3A_973 : i32
      %rem3A_978 = arith.remsi %mul3A_29, %select_n3A_977 : i32
      %ne3A_979 = arith.constant 0 : i32
      %ne3A_980 = arith.cmpi ne, %rem3A_978, %ne3A_979 : i32
      %lt3A_981 = arith.constant 0 : i32
      %lt3A_982 = arith.cmpi slt, %rem3A_978, %lt3A_981 : i32
      %lt3A_983 = arith.constant 0 : i32
      %lt3A_984 = arith.cmpi slt, %select_n3A_977, %lt3A_983 : i32
      %ne3A_985 = arith.xori %lt3A_982, %lt3A_984 : i1
      %and3A_986 = arith.andi %ne3A_985, %ne3A_980 : i1
      %add3A_987 = arith.addi %rem3A_978, %select_n3A_977 : i32
      %select_n3A_988 = arith.select %and3A_986, %add3A_987, %rem3A_978 : i32
      %mul3A_989 = arith.constant 16 : i32
      %mul3A_990 = arith.muli %select_n3A_988, %mul3A_989 : i32
      %swap3A_991 = arith.constant 2 : i32
      %swap3A_992 = arith.constant 2 : i32
      %swap3A_993 = arith.index_cast %swap3A_991 : i32 to index
      %swap3A_994 = arith.index_cast %select_n3A_972 : i32 to index
      %swap3A_995 = arith.index_cast %swap3A_992 : i32 to index
      %swap3A_996 = arith.index_cast %mul3A_990 : i32 to index
      %swap3A_997 = tpu.vector_load %arg7[%swap3A_993, %swap3A_994, %swap3A_995, %swap3A_996] {strides = array<i32>} : memref<8x4x8x128xf32, #tpu.memory_space<vmem>>, vector<16xf32>,
      tpu.vector_store %arg7[%swap3A_993, %swap3A_994, %swap3A_995, %swap3A_996], %broadcast_in_dim3A_17 {strides = array<i32>} : memref<8x4x8x128xf32, #tpu.memory_space<vmem>>, vector<16xf32>,
      %jit3A_998 = arith.constant 8 : i32
      %div3A_999 = arith.divsi %mul3A_29, %jit3A_998 : i32
      %sign3A_1000 = arith.constant 0 : i32
      %sign3A_1001 = arith.cmpi sgt, %mul3A_29, %sign3A_1000 : i32
      %sign3A_1002 = arith.extui %sign3A_1001 : i1 to i32
      %sign3A_1003 = arith.constant 0 : i32
      %sign3A_1004 = arith.cmpi slt, %mul3A_29, %sign3A_1003 : i32
      %sign3A_1005 = arith.extui %sign3A_1004 : i1 to i32
      %sign3A_1006 = arith.subi %sign3A_1002, %sign3A_1005 : i32
      %sign3A_1007 = arith.constant 0 : i32
      %sign3A_1008 = arith.cmpi sgt, %jit3A_998, %sign3A_1007 : i32
      %sign3A_1009 = arith.extui %sign3A_1008 : i1 to i32
      %sign3A_1010 = arith.constant 0 : i32
      %sign3A_1011 = arith.cmpi slt, %jit3A_998, %sign3A_1010 : i32
      %sign3A_1012 = arith.extui %sign3A_1011 : i1 to i32
      %sign3A_1013 = arith.subi %sign3A_1009, %sign3A_1012 : i32
      %ne3A_1014 = arith.cmpi ne, %sign3A_1006, %sign3A_1013 : i32
      %rem3A_1015 = arith.remsi %mul3A_29, %jit3A_998 : i32
      %ne3A_1016 = arith.constant 0 : i32
      %ne3A_1017 = arith.cmpi ne, %rem3A_1015, %ne3A_1016 : i32
      %and3A_1018 = arith.andi %ne3A_1014, %ne3A_1017 : i1
      %sub3A_1019 = arith.constant 1 : i32
      %sub3A_1020 = arith.subi %div3A_999, %sub3A_1019 : i32
      %select_n3A_1021 = arith.select %and3A_1018, %sub3A_1020, %div3A_999 : i32
      %jit3A_1022 = arith.constant 8 : i32
      %eq3A_1023 = arith.constant 0 : i32
      %eq3A_1024 = arith.cmpi eq, %jit3A_1022, %eq3A_1023 : i32
      %jit3A_1025 = arith.constant 1 : i32
      %select_n3A_1026 = arith.select %eq3A_1024, %jit3A_1025, %jit3A_1022 : i32
      %rem3A_1027 = arith.remsi %mul3A_29, %select_n3A_1026 : i32
      %ne3A_1028 = arith.constant 0 : i32
      %ne3A_1029 = arith.cmpi ne, %rem3A_1027, %ne3A_1028 : i32
      %lt3A_1030 = arith.constant 0 : i32
      %lt3A_1031 = arith.cmpi slt, %rem3A_1027, %lt3A_1030 : i32
      %lt3A_1032 = arith.constant 0 : i32
      %lt3A_1033 = arith.cmpi slt, %select_n3A_1026, %lt3A_1032 : i32
      %ne3A_1034 = arith.xori %lt3A_1031, %lt3A_1033 : i1
      %and3A_1035 = arith.andi %ne3A_1034, %ne3A_1029 : i1
      %add3A_1036 = arith.addi %rem3A_1027, %select_n3A_1026 : i32
      %select_n3A_1037 = arith.select %and3A_1035, %add3A_1036, %rem3A_1027 : i32
      %mul3A_1038 = arith.constant 16 : i32
      %mul3A_1039 = arith.muli %select_n3A_1037, %mul3A_1038 : i32
      %swap3A_1040 = arith.constant 2 : i32
      %swap3A_1041 = arith.constant 3 : i32
      %swap3A_1042 = arith.index_cast %swap3A_1040 : i32 to index
      %swap3A_1043 = arith.index_cast %select_n3A_1021 : i32 to index
      %swap3A_1044 = arith.index_cast %swap3A_1041 : i32 to index
      %swap3A_1045 = arith.index_cast %mul3A_1039 : i32 to index
      %swap3A_1046 = tpu.vector_load %arg7[%swap3A_1042, %swap3A_1043, %swap3A_1044, %swap3A_1045] {strides = array<i32>} : memref<8x4x8x128xf32, #tpu.memory_space<vmem>>, vector<16xf32>,
      tpu.vector_store %arg7[%swap3A_1042, %swap3A_1043, %swap3A_1044, %swap3A_1045], %broadcast_in_dim3A_17 {strides = array<i32>} : memref<8x4x8x128xf32, #tpu.memory_space<vmem>>, vector<16xf32>,
      %jit3A_1047 = arith.constant 8 : i32
      %div3A_1048 = arith.divsi %mul3A_29, %jit3A_1047 : i32
      %sign3A_1049 = arith.constant 0 : i32
      %sign3A_1050 = arith.cmpi sgt, %mul3A_29, %sign3A_1049 : i32
      %sign3A_1051 = arith.extui %sign3A_1050 : i1 to i32
      %sign3A_1052 = arith.constant 0 : i32
      %sign3A_1053 = arith.cmpi slt, %mul3A_29, %sign3A_1052 : i32
      %sign3A_1054 = arith.extui %sign3A_1053 : i1 to i32
      %sign3A_1055 = arith.subi %sign3A_1051, %sign3A_1054 : i32
      %sign3A_1056 = arith.constant 0 : i32
      %sign3A_1057 = arith.cmpi sgt, %jit3A_1047, %sign3A_1056 : i32
      %sign3A_1058 = arith.extui %sign3A_1057 : i1 to i32
      %sign3A_1059 = arith.constant 0 : i32
      %sign3A_1060 = arith.cmpi slt, %jit3A_1047, %sign3A_1059 : i32
      %sign3A_1061 = arith.extui %sign3A_1060 : i1 to i32
      %sign3A_1062 = arith.subi %sign3A_1058, %sign3A_1061 : i32
      %ne3A_1063 = arith.cmpi ne, %sign3A_1055, %sign3A_1062 : i32
      %rem3A_1064 = arith.remsi %mul3A_29, %jit3A_1047 : i32
      %ne3A_1065 = arith.constant 0 : i32
      %ne3A_1066 = arith.cmpi ne, %rem3A_1064, %ne3A_1065 : i32
      %and3A_1067 = arith.andi %ne3A_1063, %ne3A_1066 : i1
      %sub3A_1068 = arith.constant 1 : i32
      %sub3A_1069 = arith.subi %div3A_1048, %sub3A_1068 : i32
      %select_n3A_1070 = arith.select %and3A_1067, %sub3A_1069, %div3A_1048 : i32
      %jit3A_1071 = arith.constant 8 : i32
      %eq3A_1072 = arith.constant 0 : i32
      %eq3A_1073 = arith.cmpi eq, %jit3A_1071, %eq3A_1072 : i32
      %jit3A_1074 = arith.constant 1 : i32
      %select_n3A_1075 = arith.select %eq3A_1073, %jit3A_1074, %jit3A_1071 : i32
      %rem3A_1076 = arith.remsi %mul3A_29, %select_n3A_1075 : i32
      %ne3A_1077 = arith.constant 0 : i32
      %ne3A_1078 = arith.cmpi ne, %rem3A_1076, %ne3A_1077 : i32
      %lt3A_1079 = arith.constant 0 : i32
      %lt3A_1080 = arith.cmpi slt, %rem3A_1076, %lt3A_1079 : i32
      %lt3A_1081 = arith.constant 0 : i32
      %lt3A_1082 = arith.cmpi slt, %select_n3A_1075, %lt3A_1081 : i32
      %ne3A_1083 = arith.xori %lt3A_1080, %lt3A_1082 : i1
      %and3A_1084 = arith.andi %ne3A_1083, %ne3A_1078 : i1
      %add3A_1085 = arith.addi %rem3A_1076, %select_n3A_1075 : i32
      %select_n3A_1086 = arith.select %and3A_1084, %add3A_1085, %rem3A_1076 : i32
      %mul3A_1087 = arith.constant 16 : i32
      %mul3A_1088 = arith.muli %select_n3A_1086, %mul3A_1087 : i32
      %swap3A_1089 = arith.constant 2 : i32
      %swap3A_1090 = arith.constant 4 : i32
      %swap3A_1091 = arith.index_cast %swap3A_1089 : i32 to index
      %swap3A_1092 = arith.index_cast %select_n3A_1070 : i32 to index
      %swap3A_1093 = arith.index_cast %swap3A_1090 : i32 to index
      %swap3A_1094 = arith.index_cast %mul3A_1088 : i32 to index
      %swap3A_1095 = tpu.vector_load %arg7[%swap3A_1091, %swap3A_1092, %swap3A_1093, %swap3A_1094] {strides = array<i32>} : memref<8x4x8x128xf32, #tpu.memory_space<vmem>>, vector<16xf32>,
      tpu.vector_store %arg7[%swap3A_1091, %swap3A_1092, %swap3A_1093, %swap3A_1094], %broadcast_in_dim3A_17 {strides = array<i32>} : memref<8x4x8x128xf32, #tpu.memory_space<vmem>>, vector<16xf32>,
      %jit3A_1096 = arith.constant 8 : i32
      %div3A_1097 = arith.divsi %mul3A_29, %jit3A_1096 : i32
      %sign3A_1098 = arith.constant 0 : i32
      %sign3A_1099 = arith.cmpi sgt, %mul3A_29, %sign3A_1098 : i32
      %sign3A_1100 = arith.extui %sign3A_1099 : i1 to i32
      %sign3A_1101 = arith.constant 0 : i32
      %sign3A_1102 = arith.cmpi slt, %mul3A_29, %sign3A_1101 : i32
      %sign3A_1103 = arith.extui %sign3A_1102 : i1 to i32
      %sign3A_1104 = arith.subi %sign3A_1100, %sign3A_1103 : i32
      %sign3A_1105 = arith.constant 0 : i32
      %sign3A_1106 = arith.cmpi sgt, %jit3A_1096, %sign3A_1105 : i32
      %sign3A_1107 = arith.extui %sign3A_1106 : i1 to i32
      %sign3A_1108 = arith.constant 0 : i32
      %sign3A_1109 = arith.cmpi slt, %jit3A_1096, %sign3A_1108 : i32
      %sign3A_1110 = arith.extui %sign3A_1109 : i1 to i32
      %sign3A_1111 = arith.subi %sign3A_1107, %sign3A_1110 : i32
      %ne3A_1112 = arith.cmpi ne, %sign3A_1104, %sign3A_1111 : i32
      %rem3A_1113 = arith.remsi %mul3A_29, %jit3A_1096 : i32
      %ne3A_1114 = arith.constant 0 : i32
      %ne3A_1115 = arith.cmpi ne, %rem3A_1113, %ne3A_1114 : i32
      %and3A_1116 = arith.andi %ne3A_1112, %ne3A_1115 : i1
      %sub3A_1117 = arith.constant 1 : i32
      %sub3A_1118 = arith.subi %div3A_1097, %sub3A_1117 : i32
      %select_n3A_1119 = arith.select %and3A_1116, %sub3A_1118, %div3A_1097 : i32
      %jit3A_1120 = arith.constant 8 : i32
      %eq3A_1121 = arith.constant 0 : i32
      %eq3A_1122 = arith.cmpi eq, %jit3A_1120, %eq3A_1121 : i32
      %jit3A_1123 = arith.constant 1 : i32
      %select_n3A_1124 = arith.select %eq3A_1122, %jit3A_1123, %jit3A_1120 : i32
      %rem3A_1125 = arith.remsi %mul3A_29, %select_n3A_1124 : i32
      %ne3A_1126 = arith.constant 0 : i32
      %ne3A_1127 = arith.cmpi ne, %rem3A_1125, %ne3A_1126 : i32
      %lt3A_1128 = arith.constant 0 : i32
      %lt3A_1129 = arith.cmpi slt, %rem3A_1125, %lt3A_1128 : i32
      %lt3A_1130 = arith.constant 0 : i32
      %lt3A_1131 = arith.cmpi slt, %select_n3A_1124, %lt3A_1130 : i32
      %ne3A_1132 = arith.xori %lt3A_1129, %lt3A_1131 : i1
      %and3A_1133 = arith.andi %ne3A_1132, %ne3A_1127 : i1
      %add3A_1134 = arith.addi %rem3A_1125, %select_n3A_1124 : i32
      %select_n3A_1135 = arith.select %and3A_1133, %add3A_1134, %rem3A_1125 : i32
      %mul3A_1136 = arith.constant 16 : i32
      %mul3A_1137 = arith.muli %select_n3A_1135, %mul3A_1136 : i32
      %swap3A_1138 = arith.constant 2 : i32
      %swap3A_1139 = arith.constant 5 : i32
      %swap3A_1140 = arith.index_cast %swap3A_1138 : i32 to index
      %swap3A_1141 = arith.index_cast %select_n3A_1119 : i32 to index
      %swap3A_1142 = arith.index_cast %swap3A_1139 : i32 to index
      %swap3A_1143 = arith.index_cast %mul3A_1137 : i32 to index
      %swap3A_1144 = tpu.vector_load %arg7[%swap3A_1140, %swap3A_1141, %swap3A_1142, %swap3A_1143] {strides = array<i32>} : memref<8x4x8x128xf32, #tpu.memory_space<vmem>>, vector<16xf32>,
      tpu.vector_store %arg7[%swap3A_1140, %swap3A_1141, %swap3A_1142, %swap3A_1143], %broadcast_in_dim3A_17 {strides = array<i32>} : memref<8x4x8x128xf32, #tpu.memory_space<vmem>>, vector<16xf32>,
      %jit3A_1145 = arith.constant 8 : i32
      %div3A_1146 = arith.divsi %mul3A_29, %jit3A_1145 : i32
      %sign3A_1147 = arith.constant 0 : i32
      %sign3A_1148 = arith.cmpi sgt, %mul3A_29, %sign3A_1147 : i32
      %sign3A_1149 = arith.extui %sign3A_1148 : i1 to i32
      %sign3A_1150 = arith.constant 0 : i32
      %sign3A_1151 = arith.cmpi slt, %mul3A_29, %sign3A_1150 : i32
      %sign3A_1152 = arith.extui %sign3A_1151 : i1 to i32
      %sign3A_1153 = arith.subi %sign3A_1149, %sign3A_1152 : i32
      %sign3A_1154 = arith.constant 0 : i32
      %sign3A_1155 = arith.cmpi sgt, %jit3A_1145, %sign3A_1154 : i32
      %sign3A_1156 = arith.extui %sign3A_1155 : i1 to i32
      %sign3A_1157 = arith.constant 0 : i32
      %sign3A_1158 = arith.cmpi slt, %jit3A_1145, %sign3A_1157 : i32
      %sign3A_1159 = arith.extui %sign3A_1158 : i1 to i32
      %sign3A_1160 = arith.subi %sign3A_1156, %sign3A_1159 : i32
      %ne3A_1161 = arith.cmpi ne, %sign3A_1153, %sign3A_1160 : i32
      %rem3A_1162 = arith.remsi %mul3A_29, %jit3A_1145 : i32
      %ne3A_1163 = arith.constant 0 : i32
      %ne3A_1164 = arith.cmpi ne, %rem3A_1162, %ne3A_1163 : i32
      %and3A_1165 = arith.andi %ne3A_1161, %ne3A_1164 : i1
      %sub3A_1166 = arith.constant 1 : i32
      %sub3A_1167 = arith.subi %div3A_1146, %sub3A_1166 : i32
      %select_n3A_1168 = arith.select %and3A_1165, %sub3A_1167, %div3A_1146 : i32
      %jit3A_1169 = arith.constant 8 : i32
      %eq3A_1170 = arith.constant 0 : i32
      %eq3A_1171 = arith.cmpi eq, %jit3A_1169, %eq3A_1170 : i32
      %jit3A_1172 = arith.constant 1 : i32
      %select_n3A_1173 = arith.select %eq3A_1171, %jit3A_1172, %jit3A_1169 : i32
      %rem3A_1174 = arith.remsi %mul3A_29, %select_n3A_1173 : i32
      %ne3A_1175 = arith.constant 0 : i32
      %ne3A_1176 = arith.cmpi ne, %rem3A_1174, %ne3A_1175 : i32
      %lt3A_1177 = arith.constant 0 : i32
      %lt3A_1178 = arith.cmpi slt, %rem3A_1174, %lt3A_1177 : i32
      %lt3A_1179 = arith.constant 0 : i32
      %lt3A_1180 = arith.cmpi slt, %select_n3A_1173, %lt3A_1179 : i32
      %ne3A_1181 = arith.xori %lt3A_1178, %lt3A_1180 : i1
      %and3A_1182 = arith.andi %ne3A_1181, %ne3A_1176 : i1
      %add3A_1183 = arith.addi %rem3A_1174, %select_n3A_1173 : i32
      %select_n3A_1184 = arith.select %and3A_1182, %add3A_1183, %rem3A_1174 : i32
      %mul3A_1185 = arith.constant 16 : i32
      %mul3A_1186 = arith.muli %select_n3A_1184, %mul3A_1185 : i32
      %swap3A_1187 = arith.constant 2 : i32
      %swap3A_1188 = arith.constant 6 : i32
      %swap3A_1189 = arith.index_cast %swap3A_1187 : i32 to index
      %swap3A_1190 = arith.index_cast %select_n3A_1168 : i32 to index
      %swap3A_1191 = arith.index_cast %swap3A_1188 : i32 to index
      %swap3A_1192 = arith.index_cast %mul3A_1186 : i32 to index
      %swap3A_1193 = tpu.vector_load %arg7[%swap3A_1189, %swap3A_1190, %swap3A_1191, %swap3A_1192] {strides = array<i32>} : memref<8x4x8x128xf32, #tpu.memory_space<vmem>>, vector<16xf32>,
      tpu.vector_store %arg7[%swap3A_1189, %swap3A_1190, %swap3A_1191, %swap3A_1192], %broadcast_in_dim3A_17 {strides = array<i32>} : memref<8x4x8x128xf32, #tpu.memory_space<vmem>>, vector<16xf32>,
      %jit3A_1194 = arith.constant 8 : i32
      %div3A_1195 = arith.divsi %mul3A_29, %jit3A_1194 : i32
      %sign3A_1196 = arith.constant 0 : i32
      %sign3A_1197 = arith.cmpi sgt, %mul3A_29, %sign3A_1196 : i32
      %sign3A_1198 = arith.extui %sign3A_1197 : i1 to i32
      %sign3A_1199 = arith.constant 0 : i32
      %sign3A_1200 = arith.cmpi slt, %mul3A_29, %sign3A_1199 : i32
      %sign3A_1201 = arith.extui %sign3A_1200 : i1 to i32
      %sign3A_1202 = arith.subi %sign3A_1198, %sign3A_1201 : i32
      %sign3A_1203 = arith.constant 0 : i32
      %sign3A_1204 = arith.cmpi sgt, %jit3A_1194, %sign3A_1203 : i32
      %sign3A_1205 = arith.extui %sign3A_1204 : i1 to i32
      %sign3A_1206 = arith.constant 0 : i32
      %sign3A_1207 = arith.cmpi slt, %jit3A_1194, %sign3A_1206 : i32
      %sign3A_1208 = arith.extui %sign3A_1207 : i1 to i32
      %sign3A_1209 = arith.subi %sign3A_1205, %sign3A_1208 : i32
      %ne3A_1210 = arith.cmpi ne, %sign3A_1202, %sign3A_1209 : i32
      %rem3A_1211 = arith.remsi %mul3A_29, %jit3A_1194 : i32
      %ne3A_1212 = arith.constant 0 : i32
      %ne3A_1213 = arith.cmpi ne, %rem3A_1211, %ne3A_1212 : i32
      %and3A_1214 = arith.andi %ne3A_1210, %ne3A_1213 : i1
      %sub3A_1215 = arith.constant 1 : i32
      %sub3A_1216 = arith.subi %div3A_1195, %sub3A_1215 : i32
      %select_n3A_1217 = arith.select %and3A_1214, %sub3A_1216, %div3A_1195 : i32
      %jit3A_1218 = arith.constant 8 : i32
      %eq3A_1219 = arith.constant 0 : i32
      %eq3A_1220 = arith.cmpi eq, %jit3A_1218, %eq3A_1219 : i32
      %jit3A_1221 = arith.constant 1 : i32
      %select_n3A_1222 = arith.select %eq3A_1220, %jit3A_1221, %jit3A_1218 : i32
      %rem3A_1223 = arith.remsi %mul3A_29, %select_n3A_1222 : i32
      %ne3A_1224 = arith.constant 0 : i32
      %ne3A_1225 = arith.cmpi ne, %rem3A_1223, %ne3A_1224 : i32
      %lt3A_1226 = arith.constant 0 : i32
      %lt3A_1227 = arith.cmpi slt, %rem3A_1223, %lt3A_1226 : i32
      %lt3A_1228 = arith.constant 0 : i32
      %lt3A_1229 = arith.cmpi slt, %select_n3A_1222, %lt3A_1228 : i32
      %ne3A_1230 = arith.xori %lt3A_1227, %lt3A_1229 : i1
      %and3A_1231 = arith.andi %ne3A_1230, %ne3A_1225 : i1
      %add3A_1232 = arith.addi %rem3A_1223, %select_n3A_1222 : i32
      %select_n3A_1233 = arith.select %and3A_1231, %add3A_1232, %rem3A_1223 : i32
      %mul3A_1234 = arith.constant 16 : i32
      %mul3A_1235 = arith.muli %select_n3A_1233, %mul3A_1234 : i32
      %swap3A_1236 = arith.constant 2 : i32
      %swap3A_1237 = arith.constant 7 : i32
      %swap3A_1238 = arith.index_cast %swap3A_1236 : i32 to index
      %swap3A_1239 = arith.index_cast %select_n3A_1217 : i32 to index
      %swap3A_1240 = arith.index_cast %swap3A_1237 : i32 to index
      %swap3A_1241 = arith.index_cast %mul3A_1235 : i32 to index
      %swap3A_1242 = tpu.vector_load %arg7[%swap3A_1238, %swap3A_1239, %swap3A_1240, %swap3A_1241] {strides = array<i32>} : memref<8x4x8x128xf32, #tpu.memory_space<vmem>>, vector<16xf32>,
      tpu.vector_store %arg7[%swap3A_1238, %swap3A_1239, %swap3A_1240, %swap3A_1241], %broadcast_in_dim3A_17 {strides = array<i32>} : memref<8x4x8x128xf32, #tpu.memory_space<vmem>>, vector<16xf32>,
      %jit3A_1243 = arith.constant 8 : i32
      %div3A_1244 = arith.divsi %mul3A_29, %jit3A_1243 : i32
      %sign3A_1245 = arith.constant 0 : i32
      %sign3A_1246 = arith.cmpi sgt, %mul3A_29, %sign3A_1245 : i32
      %sign3A_1247 = arith.extui %sign3A_1246 : i1 to i32
      %sign3A_1248 = arith.constant 0 : i32
      %sign3A_1249 = arith.cmpi slt, %mul3A_29, %sign3A_1248 : i32
      %sign3A_1250 = arith.extui %sign3A_1249 : i1 to i32
      %sign3A_1251 = arith.subi %sign3A_1247, %sign3A_1250 : i32
      %sign3A_1252 = arith.constant 0 : i32
      %sign3A_1253 = arith.cmpi sgt, %jit3A_1243, %sign3A_1252 : i32
      %sign3A_1254 = arith.extui %sign3A_1253 : i1 to i32
      %sign3A_1255 = arith.constant 0 : i32
      %sign3A_1256 = arith.cmpi slt, %jit3A_1243, %sign3A_1255 : i32
      %sign3A_1257 = arith.extui %sign3A_1256 : i1 to i32
      %sign3A_1258 = arith.subi %sign3A_1254, %sign3A_1257 : i32
      %ne3A_1259 = arith.cmpi ne, %sign3A_1251, %sign3A_1258 : i32
      %rem3A_1260 = arith.remsi %mul3A_29, %jit3A_1243 : i32
      %ne3A_1261 = arith.constant 0 : i32
      %ne3A_1262 = arith.cmpi ne, %rem3A_1260, %ne3A_1261 : i32
      %and3A_1263 = arith.andi %ne3A_1259, %ne3A_1262 : i1
      %sub3A_1264 = arith.constant 1 : i32
      %sub3A_1265 = arith.subi %div3A_1244, %sub3A_1264 : i32
      %select_n3A_1266 = arith.select %and3A_1263, %sub3A_1265, %div3A_1244 : i32
      %jit3A_1267 = arith.constant 8 : i32
      %eq3A_1268 = arith.constant 0 : i32
      %eq3A_1269 = arith.cmpi eq, %jit3A_1267, %eq3A_1268 : i32
      %jit3A_1270 = arith.constant 1 : i32
      %select_n3A_1271 = arith.select %eq3A_1269, %jit3A_1270, %jit3A_1267 : i32
      %rem3A_1272 = arith.remsi %mul3A_29, %select_n3A_1271 : i32
      %ne3A_1273 = arith.constant 0 : i32
      %ne3A_1274 = arith.cmpi ne, %rem3A_1272, %ne3A_1273 : i32
      %lt3A_1275 = arith.constant 0 : i32
      %lt3A_1276 = arith.cmpi slt, %rem3A_1272, %lt3A_1275 : i32
      %lt3A_1277 = arith.constant 0 : i32
      %lt3A_1278 = arith.cmpi slt, %select_n3A_1271, %lt3A_1277 : i32
      %ne3A_1279 = arith.xori %lt3A_1276, %lt3A_1278 : i1
      %and3A_1280 = arith.andi %ne3A_1279, %ne3A_1274 : i1
      %add3A_1281 = arith.addi %rem3A_1272, %select_n3A_1271 : i32
      %select_n3A_1282 = arith.select %and3A_1280, %add3A_1281, %rem3A_1272 : i32
      %mul3A_1283 = arith.constant 16 : i32
      %mul3A_1284 = arith.muli %select_n3A_1282, %mul3A_1283 : i32
      %swap3A_1285 = arith.constant 3 : i32
      %swap3A_1286 = arith.constant 0 : i32
      %swap3A_1287 = arith.index_cast %swap3A_1285 : i32 to index
      %swap3A_1288 = arith.index_cast %select_n3A_1266 : i32 to index
      %swap3A_1289 = arith.index_cast %swap3A_1286 : i32 to index
      %swap3A_1290 = arith.index_cast %mul3A_1284 : i32 to index
      %swap3A_1291 = tpu.vector_load %arg7[%swap3A_1287, %swap3A_1288, %swap3A_1289, %swap3A_1290] {strides = array<i32>} : memref<8x4x8x128xf32, #tpu.memory_space<vmem>>, vector<16xf32>,
      tpu.vector_store %arg7[%swap3A_1287, %swap3A_1288, %swap3A_1289, %swap3A_1290], %broadcast_in_dim3A_17 {strides = array<i32>} : memref<8x4x8x128xf32, #tpu.memory_space<vmem>>, vector<16xf32>,
      %jit3A_1292 = arith.constant 8 : i32
      %div3A_1293 = arith.divsi %mul3A_29, %jit3A_1292 : i32
      %sign3A_1294 = arith.constant 0 : i32
      %sign3A_1295 = arith.cmpi sgt, %mul3A_29, %sign3A_1294 : i32
      %sign3A_1296 = arith.extui %sign3A_1295 : i1 to i32
      %sign3A_1297 = arith.constant 0 : i32
      %sign3A_1298 = arith.cmpi slt, %mul3A_29, %sign3A_1297 : i32
      %sign3A_1299 = arith.extui %sign3A_1298 : i1 to i32
      %sign3A_1300 = arith.subi %sign3A_1296, %sign3A_1299 : i32
      %sign3A_1301 = arith.constant 0 : i32
      %sign3A_1302 = arith.cmpi sgt, %jit3A_1292, %sign3A_1301 : i32
      %sign3A_1303 = arith.extui %sign3A_1302 : i1 to i32
      %sign3A_1304 = arith.constant 0 : i32
      %sign3A_1305 = arith.cmpi slt, %jit3A_1292, %sign3A_1304 : i32
      %sign3A_1306 = arith.extui %sign3A_1305 : i1 to i32
      %sign3A_1307 = arith.subi %sign3A_1303, %sign3A_1306 : i32
      %ne3A_1308 = arith.cmpi ne, %sign3A_1300, %sign3A_1307 : i32
      %rem3A_1309 = arith.remsi %mul3A_29, %jit3A_1292 : i32
      %ne3A_1310 = arith.constant 0 : i32
      %ne3A_1311 = arith.cmpi ne, %rem3A_1309, %ne3A_1310 : i32
      %and3A_1312 = arith.andi %ne3A_1308, %ne3A_1311 : i1
      %sub3A_1313 = arith.constant 1 : i32
      %sub3A_1314 = arith.subi %div3A_1293, %sub3A_1313 : i32
      %select_n3A_1315 = arith.select %and3A_1312, %sub3A_1314, %div3A_1293 : i32
      %jit3A_1316 = arith.constant 8 : i32
      %eq3A_1317 = arith.constant 0 : i32
      %eq3A_1318 = arith.cmpi eq, %jit3A_1316, %eq3A_1317 : i32
      %jit3A_1319 = arith.constant 1 : i32
      %select_n3A_1320 = arith.select %eq3A_1318, %jit3A_1319, %jit3A_1316 : i32
      %rem3A_1321 = arith.remsi %mul3A_29, %select_n3A_1320 : i32
      %ne3A_1322 = arith.constant 0 : i32
      %ne3A_1323 = arith.cmpi ne, %rem3A_1321, %ne3A_1322 : i32
      %lt3A_1324 = arith.constant 0 : i32
      %lt3A_1325 = arith.cmpi slt, %rem3A_1321, %lt3A_1324 : i32
      %lt3A_1326 = arith.constant 0 : i32
      %lt3A_1327 = arith.cmpi slt, %select_n3A_1320, %lt3A_1326 : i32
      %ne3A_1328 = arith.xori %lt3A_1325, %lt3A_1327 : i1
      %and3A_1329 = arith.andi %ne3A_1328, %ne3A_1323 : i1
      %add3A_1330 = arith.addi %rem3A_1321, %select_n3A_1320 : i32
      %select_n3A_1331 = arith.select %and3A_1329, %add3A_1330, %rem3A_1321 : i32
      %mul3A_1332 = arith.constant 16 : i32
      %mul3A_1333 = arith.muli %select_n3A_1331, %mul3A_1332 : i32
      %swap3A_1334 = arith.constant 3 : i32
      %swap3A_1335 = arith.constant 1 : i32
      %swap3A_1336 = arith.index_cast %swap3A_1334 : i32 to index
      %swap3A_1337 = arith.index_cast %select_n3A_1315 : i32 to index
      %swap3A_1338 = arith.index_cast %swap3A_1335 : i32 to index
      %swap3A_1339 = arith.index_cast %mul3A_1333 : i32 to index
      %swap3A_1340 = tpu.vector_load %arg7[%swap3A_1336, %swap3A_1337, %swap3A_1338, %swap3A_1339] {strides = array<i32>} : memref<8x4x8x128xf32, #tpu.memory_space<vmem>>, vector<16xf32>,
      tpu.vector_store %arg7[%swap3A_1336, %swap3A_1337, %swap3A_1338, %swap3A_1339], %broadcast_in_dim3A_17 {strides = array<i32>} : memref<8x4x8x128xf32, #tpu.memory_space<vmem>>, vector<16xf32>,
      %jit3A_1341 = arith.constant 8 : i32
      %div3A_1342 = arith.divsi %mul3A_29, %jit3A_1341 : i32
      %sign3A_1343 = arith.constant 0 : i32
      %sign3A_1344 = arith.cmpi sgt, %mul3A_29, %sign3A_1343 : i32
      %sign3A_1345 = arith.extui %sign3A_1344 : i1 to i32
      %sign3A_1346 = arith.constant 0 : i32
      %sign3A_1347 = arith.cmpi slt, %mul3A_29, %sign3A_1346 : i32
      %sign3A_1348 = arith.extui %sign3A_1347 : i1 to i32
      %sign3A_1349 = arith.subi %sign3A_1345, %sign3A_1348 : i32
      %sign3A_1350 = arith.constant 0 : i32
      %sign3A_1351 = arith.cmpi sgt, %jit3A_1341, %sign3A_1350 : i32
      %sign3A_1352 = arith.extui %sign3A_1351 : i1 to i32
      %sign3A_1353 = arith.constant 0 : i32
      %sign3A_1354 = arith.cmpi slt, %jit3A_1341, %sign3A_1353 : i32
      %sign3A_1355 = arith.extui %sign3A_1354 : i1 to i32
      %sign3A_1356 = arith.subi %sign3A_1352, %sign3A_1355 : i32
      %ne3A_1357 = arith.cmpi ne, %sign3A_1349, %sign3A_1356 : i32
      %rem3A_1358 = arith.remsi %mul3A_29, %jit3A_1341 : i32
      %ne3A_1359 = arith.constant 0 : i32
      %ne3A_1360 = arith.cmpi ne, %rem3A_1358, %ne3A_1359 : i32
      %and3A_1361 = arith.andi %ne3A_1357, %ne3A_1360 : i1
      %sub3A_1362 = arith.constant 1 : i32
      %sub3A_1363 = arith.subi %div3A_1342, %sub3A_1362 : i32
      %select_n3A_1364 = arith.select %and3A_1361, %sub3A_1363, %div3A_1342 : i32
      %jit3A_1365 = arith.constant 8 : i32
      %eq3A_1366 = arith.constant 0 : i32
      %eq3A_1367 = arith.cmpi eq, %jit3A_1365, %eq3A_1366 : i32
      %jit3A_1368 = arith.constant 1 : i32
      %select_n3A_1369 = arith.select %eq3A_1367, %jit3A_1368, %jit3A_1365 : i32
      %rem3A_1370 = arith.remsi %mul3A_29, %select_n3A_1369 : i32
      %ne3A_1371 = arith.constant 0 : i32
      %ne3A_1372 = arith.cmpi ne, %rem3A_1370, %ne3A_1371 : i32
      %lt3A_1373 = arith.constant 0 : i32
      %lt3A_1374 = arith.cmpi slt, %rem3A_1370, %lt3A_1373 : i32
      %lt3A_1375 = arith.constant 0 : i32
      %lt3A_1376 = arith.cmpi slt, %select_n3A_1369, %lt3A_1375 : i32
      %ne3A_1377 = arith.xori %lt3A_1374, %lt3A_1376 : i1
      %and3A_1378 = arith.andi %ne3A_1377, %ne3A_1372 : i1
      %add3A_1379 = arith.addi %rem3A_1370, %select_n3A_1369 : i32
      %select_n3A_1380 = arith.select %and3A_1378, %add3A_1379, %rem3A_1370 : i32
      %mul3A_1381 = arith.constant 16 : i32
      %mul3A_1382 = arith.muli %select_n3A_1380, %mul3A_1381 : i32
      %swap3A_1383 = arith.constant 3 : i32
      %swap3A_1384 = arith.constant 2 : i32
      %swap3A_1385 = arith.index_cast %swap3A_1383 : i32 to index
      %swap3A_1386 = arith.index_cast %select_n3A_1364 : i32 to index
      %swap3A_1387 = arith.index_cast %swap3A_1384 : i32 to index
      %swap3A_1388 = arith.index_cast %mul3A_1382 : i32 to index
      %swap3A_1389 = tpu.vector_load %arg7[%swap3A_1385, %swap3A_1386, %swap3A_1387, %swap3A_1388] {strides = array<i32>} : memref<8x4x8x128xf32, #tpu.memory_space<vmem>>, vector<16xf32>,
      tpu.vector_store %arg7[%swap3A_1385, %swap3A_1386, %swap3A_1387, %swap3A_1388], %broadcast_in_dim3A_17 {strides = array<i32>} : memref<8x4x8x128xf32, #tpu.memory_space<vmem>>, vector<16xf32>,
      %jit3A_1390 = arith.constant 8 : i32
      %div3A_1391 = arith.divsi %mul3A_29, %jit3A_1390 : i32
      %sign3A_1392 = arith.constant 0 : i32
      %sign3A_1393 = arith.cmpi sgt, %mul3A_29, %sign3A_1392 : i32
      %sign3A_1394 = arith.extui %sign3A_1393 : i1 to i32
      %sign3A_1395 = arith.constant 0 : i32
      %sign3A_1396 = arith.cmpi slt, %mul3A_29, %sign3A_1395 : i32
      %sign3A_1397 = arith.extui %sign3A_1396 : i1 to i32
      %sign3A_1398 = arith.subi %sign3A_1394, %sign3A_1397 : i32
      %sign3A_1399 = arith.constant 0 : i32
      %sign3A_1400 = arith.cmpi sgt, %jit3A_1390, %sign3A_1399 : i32
      %sign3A_1401 = arith.extui %sign3A_1400 : i1 to i32
      %sign3A_1402 = arith.constant 0 : i32
      %sign3A_1403 = arith.cmpi slt, %jit3A_1390, %sign3A_1402 : i32
      %sign3A_1404 = arith.extui %sign3A_1403 : i1 to i32
      %sign3A_1405 = arith.subi %sign3A_1401, %sign3A_1404 : i32
      %ne3A_1406 = arith.cmpi ne, %sign3A_1398, %sign3A_1405 : i32
      %rem3A_1407 = arith.remsi %mul3A_29, %jit3A_1390 : i32
      %ne3A_1408 = arith.constant 0 : i32
      %ne3A_1409 = arith.cmpi ne, %rem3A_1407, %ne3A_1408 : i32
      %and3A_1410 = arith.andi %ne3A_1406, %ne3A_1409 : i1
      %sub3A_1411 = arith.constant 1 : i32
      %sub3A_1412 = arith.subi %div3A_1391, %sub3A_1411 : i32
      %select_n3A_1413 = arith.select %and3A_1410, %sub3A_1412, %div3A_1391 : i32
      %jit3A_1414 = arith.constant 8 : i32
      %eq3A_1415 = arith.constant 0 : i32
      %eq3A_1416 = arith.cmpi eq, %jit3A_1414, %eq3A_1415 : i32
      %jit3A_1417 = arith.constant 1 : i32
      %select_n3A_1418 = arith.select %eq3A_1416, %jit3A_1417, %jit3A_1414 : i32
      %rem3A_1419 = arith.remsi %mul3A_29, %select_n3A_1418 : i32
      %ne3A_1420 = arith.constant 0 : i32
      %ne3A_1421 = arith.cmpi ne, %rem3A_1419, %ne3A_1420 : i32
      %lt3A_1422 = arith.constant 0 : i32
      %lt3A_1423 = arith.cmpi slt, %rem3A_1419, %lt3A_1422 : i32
      %lt3A_1424 = arith.constant 0 : i32
      %lt3A_1425 = arith.cmpi slt, %select_n3A_1418, %lt3A_1424 : i32
      %ne3A_1426 = arith.xori %lt3A_1423, %lt3A_1425 : i1
      %and3A_1427 = arith.andi %ne3A_1426, %ne3A_1421 : i1
      %add3A_1428 = arith.addi %rem3A_1419, %select_n3A_1418 : i32
      %select_n3A_1429 = arith.select %and3A_1427, %add3A_1428, %rem3A_1419 : i32
      %mul3A_1430 = arith.constant 16 : i32
      %mul3A_1431 = arith.muli %select_n3A_1429, %mul3A_1430 : i32
      %swap3A_1432 = arith.constant 3 : i32
      %swap3A_1433 = arith.constant 3 : i32
      %swap3A_1434 = arith.index_cast %swap3A_1432 : i32 to index
      %swap3A_1435 = arith.index_cast %select_n3A_1413 : i32 to index
      %swap3A_1436 = arith.index_cast %swap3A_1433 : i32 to index
      %swap3A_1437 = arith.index_cast %mul3A_1431 : i32 to index
      %swap3A_1438 = tpu.vector_load %arg7[%swap3A_1434, %swap3A_1435, %swap3A_1436, %swap3A_1437] {strides = array<i32>} : memref<8x4x8x128xf32, #tpu.memory_space<vmem>>, vector<16xf32>,
      tpu.vector_store %arg7[%swap3A_1434, %swap3A_1435, %swap3A_1436, %swap3A_1437], %broadcast_in_dim3A_17 {strides = array<i32>} : memref<8x4x8x128xf32, #tpu.memory_space<vmem>>, vector<16xf32>,
      %jit3A_1439 = arith.constant 8 : i32
      %div3A_1440 = arith.divsi %mul3A_29, %jit3A_1439 : i32
      %sign3A_1441 = arith.constant 0 : i32
      %sign3A_1442 = arith.cmpi sgt, %mul3A_29, %sign3A_1441 : i32
      %sign3A_1443 = arith.extui %sign3A_1442 : i1 to i32
      %sign3A_1444 = arith.constant 0 : i32
      %sign3A_1445 = arith.cmpi slt, %mul3A_29, %sign3A_1444 : i32
      %sign3A_1446 = arith.extui %sign3A_1445 : i1 to i32
      %sign3A_1447 = arith.subi %sign3A_1443, %sign3A_1446 : i32
      %sign3A_1448 = arith.constant 0 : i32
      %sign3A_1449 = arith.cmpi sgt, %jit3A_1439, %sign3A_1448 : i32
      %sign3A_1450 = arith.extui %sign3A_1449 : i1 to i32
      %sign3A_1451 = arith.constant 0 : i32
      %sign3A_1452 = arith.cmpi slt, %jit3A_1439, %sign3A_1451 : i32
      %sign3A_1453 = arith.extui %sign3A_1452 : i1 to i32
      %sign3A_1454 = arith.subi %sign3A_1450, %sign3A_1453 : i32
      %ne3A_1455 = arith.cmpi ne, %sign3A_1447, %sign3A_1454 : i32
      %rem3A_1456 = arith.remsi %mul3A_29, %jit3A_1439 : i32
      %ne3A_1457 = arith.constant 0 : i32
      %ne3A_1458 = arith.cmpi ne, %rem3A_1456, %ne3A_1457 : i32
      %and3A_1459 = arith.andi %ne3A_1455, %ne3A_1458 : i1
      %sub3A_1460 = arith.constant 1 : i32
      %sub3A_1461 = arith.subi %div3A_1440, %sub3A_1460 : i32
      %select_n3A_1462 = arith.select %and3A_1459, %sub3A_1461, %div3A_1440 : i32
      %jit3A_1463 = arith.constant 8 : i32
      %eq3A_1464 = arith.constant 0 : i32
      %eq3A_1465 = arith.cmpi eq, %jit3A_1463, %eq3A_1464 : i32
      %jit3A_1466 = arith.constant 1 : i32
      %select_n3A_1467 = arith.select %eq3A_1465, %jit3A_1466, %jit3A_1463 : i32
      %rem3A_1468 = arith.remsi %mul3A_29, %select_n3A_1467 : i32
      %ne3A_1469 = arith.constant 0 : i32
      %ne3A_1470 = arith.cmpi ne, %rem3A_1468, %ne3A_1469 : i32
      %lt3A_1471 = arith.constant 0 : i32
      %lt3A_1472 = arith.cmpi slt, %rem3A_1468, %lt3A_1471 : i32
      %lt3A_1473 = arith.constant 0 : i32
      %lt3A_1474 = arith.cmpi slt, %select_n3A_1467, %lt3A_1473 : i32
      %ne3A_1475 = arith.xori %lt3A_1472, %lt3A_1474 : i1
      %and3A_1476 = arith.andi %ne3A_1475, %ne3A_1470 : i1
      %add3A_1477 = arith.addi %rem3A_1468, %select_n3A_1467 : i32
      %select_n3A_1478 = arith.select %and3A_1476, %add3A_1477, %rem3A_1468 : i32
      %mul3A_1479 = arith.constant 16 : i32
      %mul3A_1480 = arith.muli %select_n3A_1478, %mul3A_1479 : i32
      %swap3A_1481 = arith.constant 3 : i32
      %swap3A_1482 = arith.constant 4 : i32
      %swap3A_1483 = arith.index_cast %swap3A_1481 : i32 to index
      %swap3A_1484 = arith.index_cast %select_n3A_1462 : i32 to index
      %swap3A_1485 = arith.index_cast %swap3A_1482 : i32 to index
      %swap3A_1486 = arith.index_cast %mul3A_1480 : i32 to index
      %swap3A_1487 = tpu.vector_load %arg7[%swap3A_1483, %swap3A_1484, %swap3A_1485, %swap3A_1486] {strides = array<i32>} : memref<8x4x8x128xf32, #tpu.memory_space<vmem>>, vector<16xf32>,
      tpu.vector_store %arg7[%swap3A_1483, %swap3A_1484, %swap3A_1485, %swap3A_1486], %broadcast_in_dim3A_17 {strides = array<i32>} : memref<8x4x8x128xf32, #tpu.memory_space<vmem>>, vector<16xf32>,
      %jit3A_1488 = arith.constant 8 : i32
      %div3A_1489 = arith.divsi %mul3A_29, %jit3A_1488 : i32
      %sign3A_1490 = arith.constant 0 : i32
      %sign3A_1491 = arith.cmpi sgt, %mul3A_29, %sign3A_1490 : i32
      %sign3A_1492 = arith.extui %sign3A_1491 : i1 to i32
      %sign3A_1493 = arith.constant 0 : i32
      %sign3A_1494 = arith.cmpi slt, %mul3A_29, %sign3A_1493 : i32
      %sign3A_1495 = arith.extui %sign3A_1494 : i1 to i32
      %sign3A_1496 = arith.subi %sign3A_1492, %sign3A_1495 : i32
      %sign3A_1497 = arith.constant 0 : i32
      %sign3A_1498 = arith.cmpi sgt, %jit3A_1488, %sign3A_1497 : i32
      %sign3A_1499 = arith.extui %sign3A_1498 : i1 to i32
      %sign3A_1500 = arith.constant 0 : i32
      %sign3A_1501 = arith.cmpi slt, %jit3A_1488, %sign3A_1500 : i32
      %sign3A_1502 = arith.extui %sign3A_1501 : i1 to i32
      %sign3A_1503 = arith.subi %sign3A_1499, %sign3A_1502 : i32
      %ne3A_1504 = arith.cmpi ne, %sign3A_1496, %sign3A_1503 : i32
      %rem3A_1505 = arith.remsi %mul3A_29, %jit3A_1488 : i32
      %ne3A_1506 = arith.constant 0 : i32
      %ne3A_1507 = arith.cmpi ne, %rem3A_1505, %ne3A_1506 : i32
      %and3A_1508 = arith.andi %ne3A_1504, %ne3A_1507 : i1
      %sub3A_1509 = arith.constant 1 : i32
      %sub3A_1510 = arith.subi %div3A_1489, %sub3A_1509 : i32
      %select_n3A_1511 = arith.select %and3A_1508, %sub3A_1510, %div3A_1489 : i32
      %jit3A_1512 = arith.constant 8 : i32
      %eq3A_1513 = arith.constant 0 : i32
      %eq3A_1514 = arith.cmpi eq, %jit3A_1512, %eq3A_1513 : i32
      %jit3A_1515 = arith.constant 1 : i32
      %select_n3A_1516 = arith.select %eq3A_1514, %jit3A_1515, %jit3A_1512 : i32
      %rem3A_1517 = arith.remsi %mul3A_29, %select_n3A_1516 : i32
      %ne3A_1518 = arith.constant 0 : i32
      %ne3A_1519 = arith.cmpi ne, %rem3A_1517, %ne3A_1518 : i32
      %lt3A_1520 = arith.constant 0 : i32
      %lt3A_1521 = arith.cmpi slt, %rem3A_1517, %lt3A_1520 : i32
      %lt3A_1522 = arith.constant 0 : i32
      %lt3A_1523 = arith.cmpi slt, %select_n3A_1516, %lt3A_1522 : i32
      %ne3A_1524 = arith.xori %lt3A_1521, %lt3A_1523 : i1
      %and3A_1525 = arith.andi %ne3A_1524, %ne3A_1519 : i1
      %add3A_1526 = arith.addi %rem3A_1517, %select_n3A_1516 : i32
      %select_n3A_1527 = arith.select %and3A_1525, %add3A_1526, %rem3A_1517 : i32
      %mul3A_1528 = arith.constant 16 : i32
      %mul3A_1529 = arith.muli %select_n3A_1527, %mul3A_1528 : i32
      %swap3A_1530 = arith.constant 3 : i32
      %swap3A_1531 = arith.constant 5 : i32
      %swap3A_1532 = arith.index_cast %swap3A_1530 : i32 to index
      %swap3A_1533 = arith.index_cast %select_n3A_1511 : i32 to index
      %swap3A_1534 = arith.index_cast %swap3A_1531 : i32 to index
      %swap3A_1535 = arith.index_cast %mul3A_1529 : i32 to index
      %swap3A_1536 = tpu.vector_load %arg7[%swap3A_1532, %swap3A_1533, %swap3A_1534, %swap3A_1535] {strides = array<i32>} : memref<8x4x8x128xf32, #tpu.memory_space<vmem>>, vector<16xf32>,
      tpu.vector_store %arg7[%swap3A_1532, %swap3A_1533, %swap3A_1534, %swap3A_1535], %broadcast_in_dim3A_17 {strides = array<i32>} : memref<8x4x8x128xf32, #tpu.memory_space<vmem>>, vector<16xf32>,
      %jit3A_1537 = arith.constant 8 : i32
      %div3A_1538 = arith.divsi %mul3A_29, %jit3A_1537 : i32
      %sign3A_1539 = arith.constant 0 : i32
      %sign3A_1540 = arith.cmpi sgt, %mul3A_29, %sign3A_1539 : i32
      %sign3A_1541 = arith.extui %sign3A_1540 : i1 to i32
      %sign3A_1542 = arith.constant 0 : i32
      %sign3A_1543 = arith.cmpi slt, %mul3A_29, %sign3A_1542 : i32
      %sign3A_1544 = arith.extui %sign3A_1543 : i1 to i32
      %sign3A_1545 = arith.subi %sign3A_1541, %sign3A_1544 : i32
      %sign3A_1546 = arith.constant 0 : i32
      %sign3A_1547 = arith.cmpi sgt, %jit3A_1537, %sign3A_1546 : i32
      %sign3A_1548 = arith.extui %sign3A_1547 : i1 to i32
      %sign3A_1549 = arith.constant 0 : i32
      %sign3A_1550 = arith.cmpi slt, %jit3A_1537, %sign3A_1549 : i32
      %sign3A_1551 = arith.extui %sign3A_1550 : i1 to i32
      %sign3A_1552 = arith.subi %sign3A_1548, %sign3A_1551 : i32
      %ne3A_1553 = arith.cmpi ne, %sign3A_1545, %sign3A_1552 : i32
      %rem3A_1554 = arith.remsi %mul3A_29, %jit3A_1537 : i32
      %ne3A_1555 = arith.constant 0 : i32
      %ne3A_1556 = arith.cmpi ne, %rem3A_1554, %ne3A_1555 : i32
      %and3A_1557 = arith.andi %ne3A_1553, %ne3A_1556 : i1
      %sub3A_1558 = arith.constant 1 : i32
      %sub3A_1559 = arith.subi %div3A_1538, %sub3A_1558 : i32
      %select_n3A_1560 = arith.select %and3A_1557, %sub3A_1559, %div3A_1538 : i32
      %jit3A_1561 = arith.constant 8 : i32
      %eq3A_1562 = arith.constant 0 : i32
      %eq3A_1563 = arith.cmpi eq, %jit3A_1561, %eq3A_1562 : i32
      %jit3A_1564 = arith.constant 1 : i32
      %select_n3A_1565 = arith.select %eq3A_1563, %jit3A_1564, %jit3A_1561 : i32
      %rem3A_1566 = arith.remsi %mul3A_29, %select_n3A_1565 : i32
      %ne3A_1567 = arith.constant 0 : i32
      %ne3A_1568 = arith.cmpi ne, %rem3A_1566, %ne3A_1567 : i32
      %lt3A_1569 = arith.constant 0 : i32
      %lt3A_1570 = arith.cmpi slt, %rem3A_1566, %lt3A_1569 : i32
      %lt3A_1571 = arith.constant 0 : i32
      %lt3A_1572 = arith.cmpi slt, %select_n3A_1565, %lt3A_1571 : i32
      %ne3A_1573 = arith.xori %lt3A_1570, %lt3A_1572 : i1
      %and3A_1574 = arith.andi %ne3A_1573, %ne3A_1568 : i1
      %add3A_1575 = arith.addi %rem3A_1566, %select_n3A_1565 : i32
      %select_n3A_1576 = arith.select %and3A_1574, %add3A_1575, %rem3A_1566 : i32
      %mul3A_1577 = arith.constant 16 : i32
      %mul3A_1578 = arith.muli %select_n3A_1576, %mul3A_1577 : i32
      %swap3A_1579 = arith.constant 3 : i32
      %swap3A_1580 = arith.constant 6 : i32
      %swap3A_1581 = arith.index_cast %swap3A_1579 : i32 to index
      %swap3A_1582 = arith.index_cast %select_n3A_1560 : i32 to index
      %swap3A_1583 = arith.index_cast %swap3A_1580 : i32 to index
      %swap3A_1584 = arith.index_cast %mul3A_1578 : i32 to index
      %swap3A_1585 = tpu.vector_load %arg7[%swap3A_1581, %swap3A_1582, %swap3A_1583, %swap3A_1584] {strides = array<i32>} : memref<8x4x8x128xf32, #tpu.memory_space<vmem>>, vector<16xf32>,
      tpu.vector_store %arg7[%swap3A_1581, %swap3A_1582, %swap3A_1583, %swap3A_1584], %broadcast_in_dim3A_17 {strides = array<i32>} : memref<8x4x8x128xf32, #tpu.memory_space<vmem>>, vector<16xf32>,
      %jit3A_1586 = arith.constant 8 : i32
      %div3A_1587 = arith.divsi %mul3A_29, %jit3A_1586 : i32
      %sign3A_1588 = arith.constant 0 : i32
      %sign3A_1589 = arith.cmpi sgt, %mul3A_29, %sign3A_1588 : i32
      %sign3A_1590 = arith.extui %sign3A_1589 : i1 to i32
      %sign3A_1591 = arith.constant 0 : i32
      %sign3A_1592 = arith.cmpi slt, %mul3A_29, %sign3A_1591 : i32
      %sign3A_1593 = arith.extui %sign3A_1592 : i1 to i32
      %sign3A_1594 = arith.subi %sign3A_1590, %sign3A_1593 : i32
      %sign3A_1595 = arith.constant 0 : i32
      %sign3A_1596 = arith.cmpi sgt, %jit3A_1586, %sign3A_1595 : i32
      %sign3A_1597 = arith.extui %sign3A_1596 : i1 to i32
      %sign3A_1598 = arith.constant 0 : i32
      %sign3A_1599 = arith.cmpi slt, %jit3A_1586, %sign3A_1598 : i32
      %sign3A_1600 = arith.extui %sign3A_1599 : i1 to i32
      %sign3A_1601 = arith.subi %sign3A_1597, %sign3A_1600 : i32
      %ne3A_1602 = arith.cmpi ne, %sign3A_1594, %sign3A_1601 : i32
      %rem3A_1603 = arith.remsi %mul3A_29, %jit3A_1586 : i32
      %ne3A_1604 = arith.constant 0 : i32
      %ne3A_1605 = arith.cmpi ne, %rem3A_1603, %ne3A_1604 : i32
      %and3A_1606 = arith.andi %ne3A_1602, %ne3A_1605 : i1
      %sub3A_1607 = arith.constant 1 : i32
      %sub3A_1608 = arith.subi %div3A_1587, %sub3A_1607 : i32
      %select_n3A_1609 = arith.select %and3A_1606, %sub3A_1608, %div3A_1587 : i32
      %jit3A_1610 = arith.constant 8 : i32
      %eq3A_1611 = arith.constant 0 : i32
      %eq3A_1612 = arith.cmpi eq, %jit3A_1610, %eq3A_1611 : i32
      %jit3A_1613 = arith.constant 1 : i32
      %select_n3A_1614 = arith.select %eq3A_1612, %jit3A_1613, %jit3A_1610 : i32
      %rem3A_1615 = arith.remsi %mul3A_29, %select_n3A_1614 : i32
      %ne3A_1616 = arith.constant 0 : i32
      %ne3A_1617 = arith.cmpi ne, %rem3A_1615, %ne3A_1616 : i32
      %lt3A_1618 = arith.constant 0 : i32
      %lt3A_1619 = arith.cmpi slt, %rem3A_1615, %lt3A_1618 : i32
      %lt3A_1620 = arith.constant 0 : i32
      %lt3A_1621 = arith.cmpi slt, %select_n3A_1614, %lt3A_1620 : i32
      %ne3A_1622 = arith.xori %lt3A_1619, %lt3A_1621 : i1
      %and3A_1623 = arith.andi %ne3A_1622, %ne3A_1617 : i1
      %add3A_1624 = arith.addi %rem3A_1615, %select_n3A_1614 : i32
      %select_n3A_1625 = arith.select %and3A_1623, %add3A_1624, %rem3A_1615 : i32
      %mul3A_1626 = arith.constant 16 : i32
      %mul3A_1627 = arith.muli %select_n3A_1625, %mul3A_1626 : i32
      %swap3A_1628 = arith.constant 3 : i32
      %swap3A_1629 = arith.constant 7 : i32
      %swap3A_1630 = arith.index_cast %swap3A_1628 : i32 to index
      %swap3A_1631 = arith.index_cast %select_n3A_1609 : i32 to index
      %swap3A_1632 = arith.index_cast %swap3A_1629 : i32 to index
      %swap3A_1633 = arith.index_cast %mul3A_1627 : i32 to index
      %swap3A_1634 = tpu.vector_load %arg7[%swap3A_1630, %swap3A_1631, %swap3A_1632, %swap3A_1633] {strides = array<i32>} : memref<8x4x8x128xf32, #tpu.memory_space<vmem>>, vector<16xf32>,
      tpu.vector_store %arg7[%swap3A_1630, %swap3A_1631, %swap3A_1632, %swap3A_1633], %broadcast_in_dim3A_17 {strides = array<i32>} : memref<8x4x8x128xf32, #tpu.memory_space<vmem>>, vector<16xf32>,
      %jit3A_1635 = arith.constant 8 : i32
      %div3A_1636 = arith.divsi %mul3A_29, %jit3A_1635 : i32
      %sign3A_1637 = arith.constant 0 : i32
      %sign3A_1638 = arith.cmpi sgt, %mul3A_29, %sign3A_1637 : i32
      %sign3A_1639 = arith.extui %sign3A_1638 : i1 to i32
      %sign3A_1640 = arith.constant 0 : i32
      %sign3A_1641 = arith.cmpi slt, %mul3A_29, %sign3A_1640 : i32
      %sign3A_1642 = arith.extui %sign3A_1641 : i1 to i32
      %sign3A_1643 = arith.subi %sign3A_1639, %sign3A_1642 : i32
      %sign3A_1644 = arith.constant 0 : i32
      %sign3A_1645 = arith.cmpi sgt, %jit3A_1635, %sign3A_1644 : i32
      %sign3A_1646 = arith.extui %sign3A_1645 : i1 to i32
      %sign3A_1647 = arith.constant 0 : i32
      %sign3A_1648 = arith.cmpi slt, %jit3A_1635, %sign3A_1647 : i32
      %sign3A_1649 = arith.extui %sign3A_1648 : i1 to i32
      %sign3A_1650 = arith.subi %sign3A_1646, %sign3A_1649 : i32
      %ne3A_1651 = arith.cmpi ne, %sign3A_1643, %sign3A_1650 : i32
      %rem3A_1652 = arith.remsi %mul3A_29, %jit3A_1635 : i32
      %ne3A_1653 = arith.constant 0 : i32
      %ne3A_1654 = arith.cmpi ne, %rem3A_1652, %ne3A_1653 : i32
      %and3A_1655 = arith.andi %ne3A_1651, %ne3A_1654 : i1
      %sub3A_1656 = arith.constant 1 : i32
      %sub3A_1657 = arith.subi %div3A_1636, %sub3A_1656 : i32
      %select_n3A_1658 = arith.select %and3A_1655, %sub3A_1657, %div3A_1636 : i32
      %jit3A_1659 = arith.constant 8 : i32
      %eq3A_1660 = arith.constant 0 : i32
      %eq3A_1661 = arith.cmpi eq, %jit3A_1659, %eq3A_1660 : i32
      %jit3A_1662 = arith.constant 1 : i32
      %select_n3A_1663 = arith.select %eq3A_1661, %jit3A_1662, %jit3A_1659 : i32
      %rem3A_1664 = arith.remsi %mul3A_29, %select_n3A_1663 : i32
      %ne3A_1665 = arith.constant 0 : i32
      %ne3A_1666 = arith.cmpi ne, %rem3A_1664, %ne3A_1665 : i32
      %lt3A_1667 = arith.constant 0 : i32
      %lt3A_1668 = arith.cmpi slt, %rem3A_1664, %lt3A_1667 : i32
      %lt3A_1669 = arith.constant 0 : i32
      %lt3A_1670 = arith.cmpi slt, %select_n3A_1663, %lt3A_1669 : i32
      %ne3A_1671 = arith.xori %lt3A_1668, %lt3A_1670 : i1
      %and3A_1672 = arith.andi %ne3A_1671, %ne3A_1666 : i1
      %add3A_1673 = arith.addi %rem3A_1664, %select_n3A_1663 : i32
      %select_n3A_1674 = arith.select %and3A_1672, %add3A_1673, %rem3A_1664 : i32
      %mul3A_1675 = arith.constant 16 : i32
      %mul3A_1676 = arith.muli %select_n3A_1674, %mul3A_1675 : i32
      %swap3A_1677 = arith.constant 4 : i32
      %swap3A_1678 = arith.constant 0 : i32
      %swap3A_1679 = arith.index_cast %swap3A_1677 : i32 to index
      %swap3A_1680 = arith.index_cast %select_n3A_1658 : i32 to index
      %swap3A_1681 = arith.index_cast %swap3A_1678 : i32 to index
      %swap3A_1682 = arith.index_cast %mul3A_1676 : i32 to index
      %swap3A_1683 = tpu.vector_load %arg7[%swap3A_1679, %swap3A_1680, %swap3A_1681, %swap3A_1682] {strides = array<i32>} : memref<8x4x8x128xf32, #tpu.memory_space<vmem>>, vector<16xf32>,
      tpu.vector_store %arg7[%swap3A_1679, %swap3A_1680, %swap3A_1681, %swap3A_1682], %broadcast_in_dim3A_17 {strides = array<i32>} : memref<8x4x8x128xf32, #tpu.memory_space<vmem>>, vector<16xf32>,
      %jit3A_1684 = arith.constant 8 : i32
      %div3A_1685 = arith.divsi %mul3A_29, %jit3A_1684 : i32
      %sign3A_1686 = arith.constant 0 : i32
      %sign3A_1687 = arith.cmpi sgt, %mul3A_29, %sign3A_1686 : i32
      %sign3A_1688 = arith.extui %sign3A_1687 : i1 to i32
      %sign3A_1689 = arith.constant 0 : i32
      %sign3A_1690 = arith.cmpi slt, %mul3A_29, %sign3A_1689 : i32
      %sign3A_1691 = arith.extui %sign3A_1690 : i1 to i32
      %sign3A_1692 = arith.subi %sign3A_1688, %sign3A_1691 : i32
      %sign3A_1693 = arith.constant 0 : i32
      %sign3A_1694 = arith.cmpi sgt, %jit3A_1684, %sign3A_1693 : i32
      %sign3A_1695 = arith.extui %sign3A_1694 : i1 to i32
      %sign3A_1696 = arith.constant 0 : i32
      %sign3A_1697 = arith.cmpi slt, %jit3A_1684, %sign3A_1696 : i32
      %sign3A_1698 = arith.extui %sign3A_1697 : i1 to i32
      %sign3A_1699 = arith.subi %sign3A_1695, %sign3A_1698 : i32
      %ne3A_1700 = arith.cmpi ne, %sign3A_1692, %sign3A_1699 : i32
      %rem3A_1701 = arith.remsi %mul3A_29, %jit3A_1684 : i32
      %ne3A_1702 = arith.constant 0 : i32
      %ne3A_1703 = arith.cmpi ne, %rem3A_1701, %ne3A_1702 : i32
      %and3A_1704 = arith.andi %ne3A_1700, %ne3A_1703 : i1
      %sub3A_1705 = arith.constant 1 : i32
      %sub3A_1706 = arith.subi %div3A_1685, %sub3A_1705 : i32
      %select_n3A_1707 = arith.select %and3A_1704, %sub3A_1706, %div3A_1685 : i32
      %jit3A_1708 = arith.constant 8 : i32
      %eq3A_1709 = arith.constant 0 : i32
      %eq3A_1710 = arith.cmpi eq, %jit3A_1708, %eq3A_1709 : i32
      %jit3A_1711 = arith.constant 1 : i32
      %select_n3A_1712 = arith.select %eq3A_1710, %jit3A_1711, %jit3A_1708 : i32
      %rem3A_1713 = arith.remsi %mul3A_29, %select_n3A_1712 : i32
      %ne3A_1714 = arith.constant 0 : i32
      %ne3A_1715 = arith.cmpi ne, %rem3A_1713, %ne3A_1714 : i32
      %lt3A_1716 = arith.constant 0 : i32
      %lt3A_1717 = arith.cmpi slt, %rem3A_1713, %lt3A_1716 : i32
      %lt3A_1718 = arith.constant 0 : i32
      %lt3A_1719 = arith.cmpi slt, %select_n3A_1712, %lt3A_1718 : i32
      %ne3A_1720 = arith.xori %lt3A_1717, %lt3A_1719 : i1
      %and3A_1721 = arith.andi %ne3A_1720, %ne3A_1715 : i1
      %add3A_1722 = arith.addi %rem3A_1713, %select_n3A_1712 : i32
      %select_n3A_1723 = arith.select %and3A_1721, %add3A_1722, %rem3A_1713 : i32
      %mul3A_1724 = arith.constant 16 : i32
      %mul3A_1725 = arith.muli %select_n3A_1723, %mul3A_1724 : i32
      %swap3A_1726 = arith.constant 4 : i32
      %swap3A_1727 = arith.constant 1 : i32
      %swap3A_1728 = arith.index_cast %swap3A_1726 : i32 to index
      %swap3A_1729 = arith.index_cast %select_n3A_1707 : i32 to index
      %swap3A_1730 = arith.index_cast %swap3A_1727 : i32 to index
      %swap3A_1731 = arith.index_cast %mul3A_1725 : i32 to index
      %swap3A_1732 = tpu.vector_load %arg7[%swap3A_1728, %swap3A_1729, %swap3A_1730, %swap3A_1731] {strides = array<i32>} : memref<8x4x8x128xf32, #tpu.memory_space<vmem>>, vector<16xf32>,
      tpu.vector_store %arg7[%swap3A_1728, %swap3A_1729, %swap3A_1730, %swap3A_1731], %broadcast_in_dim3A_17 {strides = array<i32>} : memref<8x4x8x128xf32, #tpu.memory_space<vmem>>, vector<16xf32>,
      %jit3A_1733 = arith.constant 8 : i32
      %div3A_1734 = arith.divsi %mul3A_29, %jit3A_1733 : i32
      %sign3A_1735 = arith.constant 0 : i32
      %sign3A_1736 = arith.cmpi sgt, %mul3A_29, %sign3A_1735 : i32
      %sign3A_1737 = arith.extui %sign3A_1736 : i1 to i32
      %sign3A_1738 = arith.constant 0 : i32
      %sign3A_1739 = arith.cmpi slt, %mul3A_29, %sign3A_1738 : i32
      %sign3A_1740 = arith.extui %sign3A_1739 : i1 to i32
      %sign3A_1741 = arith.subi %sign3A_1737, %sign3A_1740 : i32
      %sign3A_1742 = arith.constant 0 : i32
      %sign3A_1743 = arith.cmpi sgt, %jit3A_1733, %sign3A_1742 : i32
      %sign3A_1744 = arith.extui %sign3A_1743 : i1 to i32
      %sign3A_1745 = arith.constant 0 : i32
      %sign3A_1746 = arith.cmpi slt, %jit3A_1733, %sign3A_1745 : i32
      %sign3A_1747 = arith.extui %sign3A_1746 : i1 to i32
      %sign3A_1748 = arith.subi %sign3A_1744, %sign3A_1747 : i32
      %ne3A_1749 = arith.cmpi ne, %sign3A_1741, %sign3A_1748 : i32
      %rem3A_1750 = arith.remsi %mul3A_29, %jit3A_1733 : i32
      %ne3A_1751 = arith.constant 0 : i32
      %ne3A_1752 = arith.cmpi ne, %rem3A_1750, %ne3A_1751 : i32
      %and3A_1753 = arith.andi %ne3A_1749, %ne3A_1752 : i1
      %sub3A_1754 = arith.constant 1 : i32
      %sub3A_1755 = arith.subi %div3A_1734, %sub3A_1754 : i32
      %select_n3A_1756 = arith.select %and3A_1753, %sub3A_1755, %div3A_1734 : i32
      %jit3A_1757 = arith.constant 8 : i32
      %eq3A_1758 = arith.constant 0 : i32
      %eq3A_1759 = arith.cmpi eq, %jit3A_1757, %eq3A_1758 : i32
      %jit3A_1760 = arith.constant 1 : i32
      %select_n3A_1761 = arith.select %eq3A_1759, %jit3A_1760, %jit3A_1757 : i32
      %rem3A_1762 = arith.remsi %mul3A_29, %select_n3A_1761 : i32
      %ne3A_1763 = arith.constant 0 : i32
      %ne3A_1764 = arith.cmpi ne, %rem3A_1762, %ne3A_1763 : i32
      %lt3A_1765 = arith.constant 0 : i32
      %lt3A_1766 = arith.cmpi slt, %rem3A_1762, %lt3A_1765 : i32
      %lt3A_1767 = arith.constant 0 : i32
      %lt3A_1768 = arith.cmpi slt, %select_n3A_1761, %lt3A_1767 : i32
      %ne3A_1769 = arith.xori %lt3A_1766, %lt3A_1768 : i1
      %and3A_1770 = arith.andi %ne3A_1769, %ne3A_1764 : i1
      %add3A_1771 = arith.addi %rem3A_1762, %select_n3A_1761 : i32
      %select_n3A_1772 = arith.select %and3A_1770, %add3A_1771, %rem3A_1762 : i32
      %mul3A_1773 = arith.constant 16 : i32
      %mul3A_1774 = arith.muli %select_n3A_1772, %mul3A_1773 : i32
      %swap3A_1775 = arith.constant 4 : i32
      %swap3A_1776 = arith.constant 2 : i32
      %swap3A_1777 = arith.index_cast %swap3A_1775 : i32 to index
      %swap3A_1778 = arith.index_cast %select_n3A_1756 : i32 to index
      %swap3A_1779 = arith.index_cast %swap3A_1776 : i32 to index
      %swap3A_1780 = arith.index_cast %mul3A_1774 : i32 to index
      %swap3A_1781 = tpu.vector_load %arg7[%swap3A_1777, %swap3A_1778, %swap3A_1779, %swap3A_1780] {strides = array<i32>} : memref<8x4x8x128xf32, #tpu.memory_space<vmem>>, vector<16xf32>,
      tpu.vector_store %arg7[%swap3A_1777, %swap3A_1778, %swap3A_1779, %swap3A_1780], %broadcast_in_dim3A_17 {strides = array<i32>} : memref<8x4x8x128xf32, #tpu.memory_space<vmem>>, vector<16xf32>,
      %jit3A_1782 = arith.constant 8 : i32
      %div3A_1783 = arith.divsi %mul3A_29, %jit3A_1782 : i32
      %sign3A_1784 = arith.constant 0 : i32
      %sign3A_1785 = arith.cmpi sgt, %mul3A_29, %sign3A_1784 : i32
      %sign3A_1786 = arith.extui %sign3A_1785 : i1 to i32
      %sign3A_1787 = arith.constant 0 : i32
      %sign3A_1788 = arith.cmpi slt, %mul3A_29, %sign3A_1787 : i32
      %sign3A_1789 = arith.extui %sign3A_1788 : i1 to i32
      %sign3A_1790 = arith.subi %sign3A_1786, %sign3A_1789 : i32
      %sign3A_1791 = arith.constant 0 : i32
      %sign3A_1792 = arith.cmpi sgt, %jit3A_1782, %sign3A_1791 : i32
      %sign3A_1793 = arith.extui %sign3A_1792 : i1 to i32
      %sign3A_1794 = arith.constant 0 : i32
      %sign3A_1795 = arith.cmpi slt, %jit3A_1782, %sign3A_1794 : i32
      %sign3A_1796 = arith.extui %sign3A_1795 : i1 to i32
      %sign3A_1797 = arith.subi %sign3A_1793, %sign3A_1796 : i32
      %ne3A_1798 = arith.cmpi ne, %sign3A_1790, %sign3A_1797 : i32
      %rem3A_1799 = arith.remsi %mul3A_29, %jit3A_1782 : i32
      %ne3A_1800 = arith.constant 0 : i32
      %ne3A_1801 = arith.cmpi ne, %rem3A_1799, %ne3A_1800 : i32
      %and3A_1802 = arith.andi %ne3A_1798, %ne3A_1801 : i1
      %sub3A_1803 = arith.constant 1 : i32
      %sub3A_1804 = arith.subi %div3A_1783, %sub3A_1803 : i32
      %select_n3A_1805 = arith.select %and3A_1802, %sub3A_1804, %div3A_1783 : i32
      %jit3A_1806 = arith.constant 8 : i32
      %eq3A_1807 = arith.constant 0 : i32
      %eq3A_1808 = arith.cmpi eq, %jit3A_1806, %eq3A_1807 : i32
      %jit3A_1809 = arith.constant 1 : i32
      %select_n3A_1810 = arith.select %eq3A_1808, %jit3A_1809, %jit3A_1806 : i32
      %rem3A_1811 = arith.remsi %mul3A_29, %select_n3A_1810 : i32
      %ne3A_1812 = arith.constant 0 : i32
      %ne3A_1813 = arith.cmpi ne, %rem3A_1811, %ne3A_1812 : i32
      %lt3A_1814 = arith.constant 0 : i32
      %lt3A_1815 = arith.cmpi slt, %rem3A_1811, %lt3A_1814 : i32
      %lt3A_1816 = arith.constant 0 : i32
      %lt3A_1817 = arith.cmpi slt, %select_n3A_1810, %lt3A_1816 : i32
      %ne3A_1818 = arith.xori %lt3A_1815, %lt3A_1817 : i1
      %and3A_1819 = arith.andi %ne3A_1818, %ne3A_1813 : i1
      %add3A_1820 = arith.addi %rem3A_1811, %select_n3A_1810 : i32
      %select_n3A_1821 = arith.select %and3A_1819, %add3A_1820, %rem3A_1811 : i32
      %mul3A_1822 = arith.constant 16 : i32
      %mul3A_1823 = arith.muli %select_n3A_1821, %mul3A_1822 : i32
      %swap3A_1824 = arith.constant 4 : i32
      %swap3A_1825 = arith.constant 3 : i32
      %swap3A_1826 = arith.index_cast %swap3A_1824 : i32 to index
      %swap3A_1827 = arith.index_cast %select_n3A_1805 : i32 to index
      %swap3A_1828 = arith.index_cast %swap3A_1825 : i32 to index
      %swap3A_1829 = arith.index_cast %mul3A_1823 : i32 to index
      %swap3A_1830 = tpu.vector_load %arg7[%swap3A_1826, %swap3A_1827, %swap3A_1828, %swap3A_1829] {strides = array<i32>} : memref<8x4x8x128xf32, #tpu.memory_space<vmem>>, vector<16xf32>,
      tpu.vector_store %arg7[%swap3A_1826, %swap3A_1827, %swap3A_1828, %swap3A_1829], %broadcast_in_dim3A_17 {strides = array<i32>} : memref<8x4x8x128xf32, #tpu.memory_space<vmem>>, vector<16xf32>,
      %jit3A_1831 = arith.constant 8 : i32
      %div3A_1832 = arith.divsi %mul3A_29, %jit3A_1831 : i32
      %sign3A_1833 = arith.constant 0 : i32
      %sign3A_1834 = arith.cmpi sgt, %mul3A_29, %sign3A_1833 : i32
      %sign3A_1835 = arith.extui %sign3A_1834 : i1 to i32
      %sign3A_1836 = arith.constant 0 : i32
      %sign3A_1837 = arith.cmpi slt, %mul3A_29, %sign3A_1836 : i32
      %sign3A_1838 = arith.extui %sign3A_1837 : i1 to i32
      %sign3A_1839 = arith.subi %sign3A_1835, %sign3A_1838 : i32
      %sign3A_1840 = arith.constant 0 : i32
      %sign3A_1841 = arith.cmpi sgt, %jit3A_1831, %sign3A_1840 : i32
      %sign3A_1842 = arith.extui %sign3A_1841 : i1 to i32
      %sign3A_1843 = arith.constant 0 : i32
      %sign3A_1844 = arith.cmpi slt, %jit3A_1831, %sign3A_1843 : i32
      %sign3A_1845 = arith.extui %sign3A_1844 : i1 to i32
      %sign3A_1846 = arith.subi %sign3A_1842, %sign3A_1845 : i32
      %ne3A_1847 = arith.cmpi ne, %sign3A_1839, %sign3A_1846 : i32
      %rem3A_1848 = arith.remsi %mul3A_29, %jit3A_1831 : i32
      %ne3A_1849 = arith.constant 0 : i32
      %ne3A_1850 = arith.cmpi ne, %rem3A_1848, %ne3A_1849 : i32
      %and3A_1851 = arith.andi %ne3A_1847, %ne3A_1850 : i1
      %sub3A_1852 = arith.constant 1 : i32
      %sub3A_1853 = arith.subi %div3A_1832, %sub3A_1852 : i32
      %select_n3A_1854 = arith.select %and3A_1851, %sub3A_1853, %div3A_1832 : i32
      %jit3A_1855 = arith.constant 8 : i32
      %eq3A_1856 = arith.constant 0 : i32
      %eq3A_1857 = arith.cmpi eq, %jit3A_1855, %eq3A_1856 : i32
      %jit3A_1858 = arith.constant 1 : i32
      %select_n3A_1859 = arith.select %eq3A_1857, %jit3A_1858, %jit3A_1855 : i32
      %rem3A_1860 = arith.remsi %mul3A_29, %select_n3A_1859 : i32
      %ne3A_1861 = arith.constant 0 : i32
      %ne3A_1862 = arith.cmpi ne, %rem3A_1860, %ne3A_1861 : i32
      %lt3A_1863 = arith.constant 0 : i32
      %lt3A_1864 = arith.cmpi slt, %rem3A_1860, %lt3A_1863 : i32
      %lt3A_1865 = arith.constant 0 : i32
      %lt3A_1866 = arith.cmpi slt, %select_n3A_1859, %lt3A_1865 : i32
      %ne3A_1867 = arith.xori %lt3A_1864, %lt3A_1866 : i1
      %and3A_1868 = arith.andi %ne3A_1867, %ne3A_1862 : i1
      %add3A_1869 = arith.addi %rem3A_1860, %select_n3A_1859 : i32
      %select_n3A_1870 = arith.select %and3A_1868, %add3A_1869, %rem3A_1860 : i32
      %mul3A_1871 = arith.constant 16 : i32
      %mul3A_1872 = arith.muli %select_n3A_1870, %mul3A_1871 : i32
      %swap3A_1873 = arith.constant 4 : i32
      %swap3A_1874 = arith.constant 4 : i32
      %swap3A_1875 = arith.index_cast %swap3A_1873 : i32 to index
      %swap3A_1876 = arith.index_cast %select_n3A_1854 : i32 to index
      %swap3A_1877 = arith.index_cast %swap3A_1874 : i32 to index
      %swap3A_1878 = arith.index_cast %mul3A_1872 : i32 to index
      %swap3A_1879 = tpu.vector_load %arg7[%swap3A_1875, %swap3A_1876, %swap3A_1877, %swap3A_1878] {strides = array<i32>} : memref<8x4x8x128xf32, #tpu.memory_space<vmem>>, vector<16xf32>,
      tpu.vector_store %arg7[%swap3A_1875, %swap3A_1876, %swap3A_1877, %swap3A_1878], %broadcast_in_dim3A_17 {strides = array<i32>} : memref<8x4x8x128xf32, #tpu.memory_space<vmem>>, vector<16xf32>,
      %jit3A_1880 = arith.constant 8 : i32
      %div3A_1881 = arith.divsi %mul3A_29, %jit3A_1880 : i32
      %sign3A_1882 = arith.constant 0 : i32
      %sign3A_1883 = arith.cmpi sgt, %mul3A_29, %sign3A_1882 : i32
      %sign3A_1884 = arith.extui %sign3A_1883 : i1 to i32
      %sign3A_1885 = arith.constant 0 : i32
      %sign3A_1886 = arith.cmpi slt, %mul3A_29, %sign3A_1885 : i32
      %sign3A_1887 = arith.extui %sign3A_1886 : i1 to i32
      %sign3A_1888 = arith.subi %sign3A_1884, %sign3A_1887 : i32
      %sign3A_1889 = arith.constant 0 : i32
      %sign3A_1890 = arith.cmpi sgt, %jit3A_1880, %sign3A_1889 : i32
      %sign3A_1891 = arith.extui %sign3A_1890 : i1 to i32
      %sign3A_1892 = arith.constant 0 : i32
      %sign3A_1893 = arith.cmpi slt, %jit3A_1880, %sign3A_1892 : i32
      %sign3A_1894 = arith.extui %sign3A_1893 : i1 to i32
      %sign3A_1895 = arith.subi %sign3A_1891, %sign3A_1894 : i32
      %ne3A_1896 = arith.cmpi ne, %sign3A_1888, %sign3A_1895 : i32
      %rem3A_1897 = arith.remsi %mul3A_29, %jit3A_1880 : i32
      %ne3A_1898 = arith.constant 0 : i32
      %ne3A_1899 = arith.cmpi ne, %rem3A_1897, %ne3A_1898 : i32
      %and3A_1900 = arith.andi %ne3A_1896, %ne3A_1899 : i1
      %sub3A_1901 = arith.constant 1 : i32
      %sub3A_1902 = arith.subi %div3A_1881, %sub3A_1901 : i32
      %select_n3A_1903 = arith.select %and3A_1900, %sub3A_1902, %div3A_1881 : i32
      %jit3A_1904 = arith.constant 8 : i32
      %eq3A_1905 = arith.constant 0 : i32
      %eq3A_1906 = arith.cmpi eq, %jit3A_1904, %eq3A_1905 : i32
      %jit3A_1907 = arith.constant 1 : i32
      %select_n3A_1908 = arith.select %eq3A_1906, %jit3A_1907, %jit3A_1904 : i32
      %rem3A_1909 = arith.remsi %mul3A_29, %select_n3A_1908 : i32
      %ne3A_1910 = arith.constant 0 : i32
      %ne3A_1911 = arith.cmpi ne, %rem3A_1909, %ne3A_1910 : i32
      %lt3A_1912 = arith.constant 0 : i32
      %lt3A_1913 = arith.cmpi slt, %rem3A_1909, %lt3A_1912 : i32
      %lt3A_1914 = arith.constant 0 : i32
      %lt3A_1915 = arith.cmpi slt, %select_n3A_1908, %lt3A_1914 : i32
      %ne3A_1916 = arith.xori %lt3A_1913, %lt3A_1915 : i1
      %and3A_1917 = arith.andi %ne3A_1916, %ne3A_1911 : i1
      %add3A_1918 = arith.addi %rem3A_1909, %select_n3A_1908 : i32
      %select_n3A_1919 = arith.select %and3A_1917, %add3A_1918, %rem3A_1909 : i32
      %mul3A_1920 = arith.constant 16 : i32
      %mul3A_1921 = arith.muli %select_n3A_1919, %mul3A_1920 : i32
      %swap3A_1922 = arith.constant 4 : i32
      %swap3A_1923 = arith.constant 5 : i32
      %swap3A_1924 = arith.index_cast %swap3A_1922 : i32 to index
      %swap3A_1925 = arith.index_cast %select_n3A_1903 : i32 to index
      %swap3A_1926 = arith.index_cast %swap3A_1923 : i32 to index
      %swap3A_1927 = arith.index_cast %mul3A_1921 : i32 to index
      %swap3A_1928 = tpu.vector_load %arg7[%swap3A_1924, %swap3A_1925, %swap3A_1926, %swap3A_1927] {strides = array<i32>} : memref<8x4x8x128xf32, #tpu.memory_space<vmem>>, vector<16xf32>,
      tpu.vector_store %arg7[%swap3A_1924, %swap3A_1925, %swap3A_1926, %swap3A_1927], %broadcast_in_dim3A_17 {strides = array<i32>} : memref<8x4x8x128xf32, #tpu.memory_space<vmem>>, vector<16xf32>,
      %jit3A_1929 = arith.constant 8 : i32
      %div3A_1930 = arith.divsi %mul3A_29, %jit3A_1929 : i32
      %sign3A_1931 = arith.constant 0 : i32
      %sign3A_1932 = arith.cmpi sgt, %mul3A_29, %sign3A_1931 : i32
      %sign3A_1933 = arith.extui %sign3A_1932 : i1 to i32
      %sign3A_1934 = arith.constant 0 : i32
      %sign3A_1935 = arith.cmpi slt, %mul3A_29, %sign3A_1934 : i32
      %sign3A_1936 = arith.extui %sign3A_1935 : i1 to i32
      %sign3A_1937 = arith.subi %sign3A_1933, %sign3A_1936 : i32
      %sign3A_1938 = arith.constant 0 : i32
      %sign3A_1939 = arith.cmpi sgt, %jit3A_1929, %sign3A_1938 : i32
      %sign3A_1940 = arith.extui %sign3A_1939 : i1 to i32
      %sign3A_1941 = arith.constant 0 : i32
      %sign3A_1942 = arith.cmpi slt, %jit3A_1929, %sign3A_1941 : i32
      %sign3A_1943 = arith.extui %sign3A_1942 : i1 to i32
      %sign3A_1944 = arith.subi %sign3A_1940, %sign3A_1943 : i32
      %ne3A_1945 = arith.cmpi ne, %sign3A_1937, %sign3A_1944 : i32
      %rem3A_1946 = arith.remsi %mul3A_29, %jit3A_1929 : i32
      %ne3A_1947 = arith.constant 0 : i32
      %ne3A_1948 = arith.cmpi ne, %rem3A_1946, %ne3A_1947 : i32
      %and3A_1949 = arith.andi %ne3A_1945, %ne3A_1948 : i1
      %sub3A_1950 = arith.constant 1 : i32
      %sub3A_1951 = arith.subi %div3A_1930, %sub3A_1950 : i32
      %select_n3A_1952 = arith.select %and3A_1949, %sub3A_1951, %div3A_1930 : i32
      %jit3A_1953 = arith.constant 8 : i32
      %eq3A_1954 = arith.constant 0 : i32
      %eq3A_1955 = arith.cmpi eq, %jit3A_1953, %eq3A_1954 : i32
      %jit3A_1956 = arith.constant 1 : i32
      %select_n3A_1957 = arith.select %eq3A_1955, %jit3A_1956, %jit3A_1953 : i32
      %rem3A_1958 = arith.remsi %mul3A_29, %select_n3A_1957 : i32
      %ne3A_1959 = arith.constant 0 : i32
      %ne3A_1960 = arith.cmpi ne, %rem3A_1958, %ne3A_1959 : i32
      %lt3A_1961 = arith.constant 0 : i32
      %lt3A_1962 = arith.cmpi slt, %rem3A_1958, %lt3A_1961 : i32
      %lt3A_1963 = arith.constant 0 : i32
      %lt3A_1964 = arith.cmpi slt, %select_n3A_1957, %lt3A_1963 : i32
      %ne3A_1965 = arith.xori %lt3A_1962, %lt3A_1964 : i1
      %and3A_1966 = arith.andi %ne3A_1965, %ne3A_1960 : i1
      %add3A_1967 = arith.addi %rem3A_1958, %select_n3A_1957 : i32
      %select_n3A_1968 = arith.select %and3A_1966, %add3A_1967, %rem3A_1958 : i32
      %mul3A_1969 = arith.constant 16 : i32
      %mul3A_1970 = arith.muli %select_n3A_1968, %mul3A_1969 : i32
      %swap3A_1971 = arith.constant 4 : i32
      %swap3A_1972 = arith.constant 6 : i32
      %swap3A_1973 = arith.index_cast %swap3A_1971 : i32 to index
      %swap3A_1974 = arith.index_cast %select_n3A_1952 : i32 to index
      %swap3A_1975 = arith.index_cast %swap3A_1972 : i32 to index
      %swap3A_1976 = arith.index_cast %mul3A_1970 : i32 to index
      %swap3A_1977 = tpu.vector_load %arg7[%swap3A_1973, %swap3A_1974, %swap3A_1975, %swap3A_1976] {strides = array<i32>} : memref<8x4x8x128xf32, #tpu.memory_space<vmem>>, vector<16xf32>,
      tpu.vector_store %arg7[%swap3A_1973, %swap3A_1974, %swap3A_1975, %swap3A_1976], %broadcast_in_dim3A_17 {strides = array<i32>} : memref<8x4x8x128xf32, #tpu.memory_space<vmem>>, vector<16xf32>,
      %jit3A_1978 = arith.constant 8 : i32
      %div3A_1979 = arith.divsi %mul3A_29, %jit3A_1978 : i32
      %sign3A_1980 = arith.constant 0 : i32
      %sign3A_1981 = arith.cmpi sgt, %mul3A_29, %sign3A_1980 : i32
      %sign3A_1982 = arith.extui %sign3A_1981 : i1 to i32
      %sign3A_1983 = arith.constant 0 : i32
      %sign3A_1984 = arith.cmpi slt, %mul3A_29, %sign3A_1983 : i32
      %sign3A_1985 = arith.extui %sign3A_1984 : i1 to i32
      %sign3A_1986 = arith.subi %sign3A_1982, %sign3A_1985 : i32
      %sign3A_1987 = arith.constant 0 : i32
      %sign3A_1988 = arith.cmpi sgt, %jit3A_1978, %sign3A_1987 : i32
      %sign3A_1989 = arith.extui %sign3A_1988 : i1 to i32
      %sign3A_1990 = arith.constant 0 : i32
      %sign3A_1991 = arith.cmpi slt, %jit3A_1978, %sign3A_1990 : i32
      %sign3A_1992 = arith.extui %sign3A_1991 : i1 to i32
      %sign3A_1993 = arith.subi %sign3A_1989, %sign3A_1992 : i32
      %ne3A_1994 = arith.cmpi ne, %sign3A_1986, %sign3A_1993 : i32
      %rem3A_1995 = arith.remsi %mul3A_29, %jit3A_1978 : i32
      %ne3A_1996 = arith.constant 0 : i32
      %ne3A_1997 = arith.cmpi ne, %rem3A_1995, %ne3A_1996 : i32
      %and3A_1998 = arith.andi %ne3A_1994, %ne3A_1997 : i1
      %sub3A_1999 = arith.constant 1 : i32
      %sub3A_2000 = arith.subi %div3A_1979, %sub3A_1999 : i32
      %select_n3A_2001 = arith.select %and3A_1998, %sub3A_2000, %div3A_1979 : i32
      %jit3A_2002 = arith.constant 8 : i32
      %eq3A_2003 = arith.constant 0 : i32
      %eq3A_2004 = arith.cmpi eq, %jit3A_2002, %eq3A_2003 : i32
      %jit3A_2005 = arith.constant 1 : i32
      %select_n3A_2006 = arith.select %eq3A_2004, %jit3A_2005, %jit3A_2002 : i32
      %rem3A_2007 = arith.remsi %mul3A_29, %select_n3A_2006 : i32
      %ne3A_2008 = arith.constant 0 : i32
      %ne3A_2009 = arith.cmpi ne, %rem3A_2007, %ne3A_2008 : i32
      %lt3A_2010 = arith.constant 0 : i32
      %lt3A_2011 = arith.cmpi slt, %rem3A_2007, %lt3A_2010 : i32
      %lt3A_2012 = arith.constant 0 : i32
      %lt3A_2013 = arith.cmpi slt, %select_n3A_2006, %lt3A_2012 : i32
      %ne3A_2014 = arith.xori %lt3A_2011, %lt3A_2013 : i1
      %and3A_2015 = arith.andi %ne3A_2014, %ne3A_2009 : i1
      %add3A_2016 = arith.addi %rem3A_2007, %select_n3A_2006 : i32
      %select_n3A_2017 = arith.select %and3A_2015, %add3A_2016, %rem3A_2007 : i32
      %mul3A_2018 = arith.constant 16 : i32
      %mul3A_2019 = arith.muli %select_n3A_2017, %mul3A_2018 : i32
      %swap3A_2020 = arith.constant 4 : i32
      %swap3A_2021 = arith.constant 7 : i32
      %swap3A_2022 = arith.index_cast %swap3A_2020 : i32 to index
      %swap3A_2023 = arith.index_cast %select_n3A_2001 : i32 to index
      %swap3A_2024 = arith.index_cast %swap3A_2021 : i32 to index
      %swap3A_2025 = arith.index_cast %mul3A_2019 : i32 to index
      %swap3A_2026 = tpu.vector_load %arg7[%swap3A_2022, %swap3A_2023, %swap3A_2024, %swap3A_2025] {strides = array<i32>} : memref<8x4x8x128xf32, #tpu.memory_space<vmem>>, vector<16xf32>,
      tpu.vector_store %arg7[%swap3A_2022, %swap3A_2023, %swap3A_2024, %swap3A_2025], %broadcast_in_dim3A_17 {strides = array<i32>} : memref<8x4x8x128xf32, #tpu.memory_space<vmem>>, vector<16xf32>,
      %jit3A_2027 = arith.constant 8 : i32
      %div3A_2028 = arith.divsi %mul3A_29, %jit3A_2027 : i32
      %sign3A_2029 = arith.constant 0 : i32
      %sign3A_2030 = arith.cmpi sgt, %mul3A_29, %sign3A_2029 : i32
      %sign3A_2031 = arith.extui %sign3A_2030 : i1 to i32
      %sign3A_2032 = arith.constant 0 : i32
      %sign3A_2033 = arith.cmpi slt, %mul3A_29, %sign3A_2032 : i32
      %sign3A_2034 = arith.extui %sign3A_2033 : i1 to i32
      %sign3A_2035 = arith.subi %sign3A_2031, %sign3A_2034 : i32
      %sign3A_2036 = arith.constant 0 : i32
      %sign3A_2037 = arith.cmpi sgt, %jit3A_2027, %sign3A_2036 : i32
      %sign3A_2038 = arith.extui %sign3A_2037 : i1 to i32
      %sign3A_2039 = arith.constant 0 : i32
      %sign3A_2040 = arith.cmpi slt, %jit3A_2027, %sign3A_2039 : i32
      %sign3A_2041 = arith.extui %sign3A_2040 : i1 to i32
      %sign3A_2042 = arith.subi %sign3A_2038, %sign3A_2041 : i32
      %ne3A_2043 = arith.cmpi ne, %sign3A_2035, %sign3A_2042 : i32
      %rem3A_2044 = arith.remsi %mul3A_29, %jit3A_2027 : i32
      %ne3A_2045 = arith.constant 0 : i32
      %ne3A_2046 = arith.cmpi ne, %rem3A_2044, %ne3A_2045 : i32
      %and3A_2047 = arith.andi %ne3A_2043, %ne3A_2046 : i1
      %sub3A_2048 = arith.constant 1 : i32
      %sub3A_2049 = arith.subi %div3A_2028, %sub3A_2048 : i32
      %select_n3A_2050 = arith.select %and3A_2047, %sub3A_2049, %div3A_2028 : i32
      %jit3A_2051 = arith.constant 8 : i32
      %eq3A_2052 = arith.constant 0 : i32
      %eq3A_2053 = arith.cmpi eq, %jit3A_2051, %eq3A_2052 : i32
      %jit3A_2054 = arith.constant 1 : i32
      %select_n3A_2055 = arith.select %eq3A_2053, %jit3A_2054, %jit3A_2051 : i32
      %rem3A_2056 = arith.remsi %mul3A_29, %select_n3A_2055 : i32
      %ne3A_2057 = arith.constant 0 : i32
      %ne3A_2058 = arith.cmpi ne, %rem3A_2056, %ne3A_2057 : i32
      %lt3A_2059 = arith.constant 0 : i32
      %lt3A_2060 = arith.cmpi slt, %rem3A_2056, %lt3A_2059 : i32
      %lt3A_2061 = arith.constant 0 : i32
      %lt3A_2062 = arith.cmpi slt, %select_n3A_2055, %lt3A_2061 : i32
      %ne3A_2063 = arith.xori %lt3A_2060, %lt3A_2062 : i1
      %and3A_2064 = arith.andi %ne3A_2063, %ne3A_2058 : i1
      %add3A_2065 = arith.addi %rem3A_2056, %select_n3A_2055 : i32
      %select_n3A_2066 = arith.select %and3A_2064, %add3A_2065, %rem3A_2056 : i32
      %mul3A_2067 = arith.constant 16 : i32
      %mul3A_2068 = arith.muli %select_n3A_2066, %mul3A_2067 : i32
      %swap3A_2069 = arith.constant 5 : i32
      %swap3A_2070 = arith.constant 0 : i32
      %swap3A_2071 = arith.index_cast %swap3A_2069 : i32 to index
      %swap3A_2072 = arith.index_cast %select_n3A_2050 : i32 to index
      %swap3A_2073 = arith.index_cast %swap3A_2070 : i32 to index
      %swap3A_2074 = arith.index_cast %mul3A_2068 : i32 to index
      %swap3A_2075 = tpu.vector_load %arg7[%swap3A_2071, %swap3A_2072, %swap3A_2073, %swap3A_2074] {strides = array<i32>} : memref<8x4x8x128xf32, #tpu.memory_space<vmem>>, vector<16xf32>,
      tpu.vector_store %arg7[%swap3A_2071, %swap3A_2072, %swap3A_2073, %swap3A_2074], %broadcast_in_dim3A_17 {strides = array<i32>} : memref<8x4x8x128xf32, #tpu.memory_space<vmem>>, vector<16xf32>,
      %jit3A_2076 = arith.constant 8 : i32
      %div3A_2077 = arith.divsi %mul3A_29, %jit3A_2076 : i32
      %sign3A_2078 = arith.constant 0 : i32
      %sign3A_2079 = arith.cmpi sgt, %mul3A_29, %sign3A_2078 : i32
      %sign3A_2080 = arith.extui %sign3A_2079 : i1 to i32
      %sign3A_2081 = arith.constant 0 : i32
      %sign3A_2082 = arith.cmpi slt, %mul3A_29, %sign3A_2081 : i32
      %sign3A_2083 = arith.extui %sign3A_2082 : i1 to i32
      %sign3A_2084 = arith.subi %sign3A_2080, %sign3A_2083 : i32
      %sign3A_2085 = arith.constant 0 : i32
      %sign3A_2086 = arith.cmpi sgt, %jit3A_2076, %sign3A_2085 : i32
      %sign3A_2087 = arith.extui %sign3A_2086 : i1 to i32
      %sign3A_2088 = arith.constant 0 : i32
      %sign3A_2089 = arith.cmpi slt, %jit3A_2076, %sign3A_2088 : i32
      %sign3A_2090 = arith.extui %sign3A_2089 : i1 to i32
      %sign3A_2091 = arith.subi %sign3A_2087, %sign3A_2090 : i32
      %ne3A_2092 = arith.cmpi ne, %sign3A_2084, %sign3A_2091 : i32
      %rem3A_2093 = arith.remsi %mul3A_29, %jit3A_2076 : i32
      %ne3A_2094 = arith.constant 0 : i32
      %ne3A_2095 = arith.cmpi ne, %rem3A_2093, %ne3A_2094 : i32
      %and3A_2096 = arith.andi %ne3A_2092, %ne3A_2095 : i1
      %sub3A_2097 = arith.constant 1 : i32
      %sub3A_2098 = arith.subi %div3A_2077, %sub3A_2097 : i32
      %select_n3A_2099 = arith.select %and3A_2096, %sub3A_2098, %div3A_2077 : i32
      %jit3A_2100 = arith.constant 8 : i32
      %eq3A_2101 = arith.constant 0 : i32
      %eq3A_2102 = arith.cmpi eq, %jit3A_2100, %eq3A_2101 : i32
      %jit3A_2103 = arith.constant 1 : i32
      %select_n3A_2104 = arith.select %eq3A_2102, %jit3A_2103, %jit3A_2100 : i32
      %rem3A_2105 = arith.remsi %mul3A_29, %select_n3A_2104 : i32
      %ne3A_2106 = arith.constant 0 : i32
      %ne3A_2107 = arith.cmpi ne, %rem3A_2105, %ne3A_2106 : i32
      %lt3A_2108 = arith.constant 0 : i32
      %lt3A_2109 = arith.cmpi slt, %rem3A_2105, %lt3A_2108 : i32
      %lt3A_2110 = arith.constant 0 : i32
      %lt3A_2111 = arith.cmpi slt, %select_n3A_2104, %lt3A_2110 : i32
      %ne3A_2112 = arith.xori %lt3A_2109, %lt3A_2111 : i1
      %and3A_2113 = arith.andi %ne3A_2112, %ne3A_2107 : i1
      %add3A_2114 = arith.addi %rem3A_2105, %select_n3A_2104 : i32
      %select_n3A_2115 = arith.select %and3A_2113, %add3A_2114, %rem3A_2105 : i32
      %mul3A_2116 = arith.constant 16 : i32
      %mul3A_2117 = arith.muli %select_n3A_2115, %mul3A_2116 : i32
      %swap3A_2118 = arith.constant 5 : i32
      %swap3A_2119 = arith.constant 1 : i32
      %swap3A_2120 = arith.index_cast %swap3A_2118 : i32 to index
      %swap3A_2121 = arith.index_cast %select_n3A_2099 : i32 to index
      %swap3A_2122 = arith.index_cast %swap3A_2119 : i32 to index
      %swap3A_2123 = arith.index_cast %mul3A_2117 : i32 to index
      %swap3A_2124 = tpu.vector_load %arg7[%swap3A_2120, %swap3A_2121, %swap3A_2122, %swap3A_2123] {strides = array<i32>} : memref<8x4x8x128xf32, #tpu.memory_space<vmem>>, vector<16xf32>,
      tpu.vector_store %arg7[%swap3A_2120, %swap3A_2121, %swap3A_2122, %swap3A_2123], %broadcast_in_dim3A_17 {strides = array<i32>} : memref<8x4x8x128xf32, #tpu.memory_space<vmem>>, vector<16xf32>,
      %jit3A_2125 = arith.constant 8 : i32
      %div3A_2126 = arith.divsi %mul3A_29, %jit3A_2125 : i32
      %sign3A_2127 = arith.constant 0 : i32
      %sign3A_2128 = arith.cmpi sgt, %mul3A_29, %sign3A_2127 : i32
      %sign3A_2129 = arith.extui %sign3A_2128 : i1 to i32
      %sign3A_2130 = arith.constant 0 : i32
      %sign3A_2131 = arith.cmpi slt, %mul3A_29, %sign3A_2130 : i32
      %sign3A_2132 = arith.extui %sign3A_2131 : i1 to i32
      %sign3A_2133 = arith.subi %sign3A_2129, %sign3A_2132 : i32
      %sign3A_2134 = arith.constant 0 : i32
      %sign3A_2135 = arith.cmpi sgt, %jit3A_2125, %sign3A_2134 : i32
      %sign3A_2136 = arith.extui %sign3A_2135 : i1 to i32
      %sign3A_2137 = arith.constant 0 : i32
      %sign3A_2138 = arith.cmpi slt, %jit3A_2125, %sign3A_2137 : i32
      %sign3A_2139 = arith.extui %sign3A_2138 : i1 to i32
      %sign3A_2140 = arith.subi %sign3A_2136, %sign3A_2139 : i32
      %ne3A_2141 = arith.cmpi ne, %sign3A_2133, %sign3A_2140 : i32
      %rem3A_2142 = arith.remsi %mul3A_29, %jit3A_2125 : i32
      %ne3A_2143 = arith.constant 0 : i32
      %ne3A_2144 = arith.cmpi ne, %rem3A_2142, %ne3A_2143 : i32
      %and3A_2145 = arith.andi %ne3A_2141, %ne3A_2144 : i1
      %sub3A_2146 = arith.constant 1 : i32
      %sub3A_2147 = arith.subi %div3A_2126, %sub3A_2146 : i32
      %select_n3A_2148 = arith.select %and3A_2145, %sub3A_2147, %div3A_2126 : i32
      %jit3A_2149 = arith.constant 8 : i32
      %eq3A_2150 = arith.constant 0 : i32
      %eq3A_2151 = arith.cmpi eq, %jit3A_2149, %eq3A_2150 : i32
      %jit3A_2152 = arith.constant 1 : i32
      %select_n3A_2153 = arith.select %eq3A_2151, %jit3A_2152, %jit3A_2149 : i32
      %rem3A_2154 = arith.remsi %mul3A_29, %select_n3A_2153 : i32
      %ne3A_2155 = arith.constant 0 : i32
      %ne3A_2156 = arith.cmpi ne, %rem3A_2154, %ne3A_2155 : i32
      %lt3A_2157 = arith.constant 0 : i32
      %lt3A_2158 = arith.cmpi slt, %rem3A_2154, %lt3A_2157 : i32
      %lt3A_2159 = arith.constant 0 : i32
      %lt3A_2160 = arith.cmpi slt, %select_n3A_2153, %lt3A_2159 : i32
      %ne3A_2161 = arith.xori %lt3A_2158, %lt3A_2160 : i1
      %and3A_2162 = arith.andi %ne3A_2161, %ne3A_2156 : i1
      %add3A_2163 = arith.addi %rem3A_2154, %select_n3A_2153 : i32
      %select_n3A_2164 = arith.select %and3A_2162, %add3A_2163, %rem3A_2154 : i32
      %mul3A_2165 = arith.constant 16 : i32
      %mul3A_2166 = arith.muli %select_n3A_2164, %mul3A_2165 : i32
      %swap3A_2167 = arith.constant 5 : i32
      %swap3A_2168 = arith.constant 2 : i32
      %swap3A_2169 = arith.index_cast %swap3A_2167 : i32 to index
      %swap3A_2170 = arith.index_cast %select_n3A_2148 : i32 to index
      %swap3A_2171 = arith.index_cast %swap3A_2168 : i32 to index
      %swap3A_2172 = arith.index_cast %mul3A_2166 : i32 to index
      %swap3A_2173 = tpu.vector_load %arg7[%swap3A_2169, %swap3A_2170, %swap3A_2171, %swap3A_2172] {strides = array<i32>} : memref<8x4x8x128xf32, #tpu.memory_space<vmem>>, vector<16xf32>,
      tpu.vector_store %arg7[%swap3A_2169, %swap3A_2170, %swap3A_2171, %swap3A_2172], %broadcast_in_dim3A_17 {strides = array<i32>} : memref<8x4x8x128xf32, #tpu.memory_space<vmem>>, vector<16xf32>,
      %jit3A_2174 = arith.constant 8 : i32
      %div3A_2175 = arith.divsi %mul3A_29, %jit3A_2174 : i32
      %sign3A_2176 = arith.constant 0 : i32
      %sign3A_2177 = arith.cmpi sgt, %mul3A_29, %sign3A_2176 : i32
      %sign3A_2178 = arith.extui %sign3A_2177 : i1 to i32
      %sign3A_2179 = arith.constant 0 : i32
      %sign3A_2180 = arith.cmpi slt, %mul3A_29, %sign3A_2179 : i32
      %sign3A_2181 = arith.extui %sign3A_2180 : i1 to i32
      %sign3A_2182 = arith.subi %sign3A_2178, %sign3A_2181 : i32
      %sign3A_2183 = arith.constant 0 : i32
      %sign3A_2184 = arith.cmpi sgt, %jit3A_2174, %sign3A_2183 : i32
      %sign3A_2185 = arith.extui %sign3A_2184 : i1 to i32
      %sign3A_2186 = arith.constant 0 : i32
      %sign3A_2187 = arith.cmpi slt, %jit3A_2174, %sign3A_2186 : i32
      %sign3A_2188 = arith.extui %sign3A_2187 : i1 to i32
      %sign3A_2189 = arith.subi %sign3A_2185, %sign3A_2188 : i32
      %ne3A_2190 = arith.cmpi ne, %sign3A_2182, %sign3A_2189 : i32
      %rem3A_2191 = arith.remsi %mul3A_29, %jit3A_2174 : i32
      %ne3A_2192 = arith.constant 0 : i32
      %ne3A_2193 = arith.cmpi ne, %rem3A_2191, %ne3A_2192 : i32
      %and3A_2194 = arith.andi %ne3A_2190, %ne3A_2193 : i1
      %sub3A_2195 = arith.constant 1 : i32
      %sub3A_2196 = arith.subi %div3A_2175, %sub3A_2195 : i32
      %select_n3A_2197 = arith.select %and3A_2194, %sub3A_2196, %div3A_2175 : i32
      %jit3A_2198 = arith.constant 8 : i32
      %eq3A_2199 = arith.constant 0 : i32
      %eq3A_2200 = arith.cmpi eq, %jit3A_2198, %eq3A_2199 : i32
      %jit3A_2201 = arith.constant 1 : i32
      %select_n3A_2202 = arith.select %eq3A_2200, %jit3A_2201, %jit3A_2198 : i32
      %rem3A_2203 = arith.remsi %mul3A_29, %select_n3A_2202 : i32
      %ne3A_2204 = arith.constant 0 : i32
      %ne3A_2205 = arith.cmpi ne, %rem3A_2203, %ne3A_2204 : i32
      %lt3A_2206 = arith.constant 0 : i32
      %lt3A_2207 = arith.cmpi slt, %rem3A_2203, %lt3A_2206 : i32
      %lt3A_2208 = arith.constant 0 : i32
      %lt3A_2209 = arith.cmpi slt, %select_n3A_2202, %lt3A_2208 : i32
      %ne3A_2210 = arith.xori %lt3A_2207, %lt3A_2209 : i1
      %and3A_2211 = arith.andi %ne3A_2210, %ne3A_2205 : i1
      %add3A_2212 = arith.addi %rem3A_2203, %select_n3A_2202 : i32
      %select_n3A_2213 = arith.select %and3A_2211, %add3A_2212, %rem3A_2203 : i32
      %mul3A_2214 = arith.constant 16 : i32
      %mul3A_2215 = arith.muli %select_n3A_2213, %mul3A_2214 : i32
      %swap3A_2216 = arith.constant 5 : i32
      %swap3A_2217 = arith.constant 3 : i32
      %swap3A_2218 = arith.index_cast %swap3A_2216 : i32 to index
      %swap3A_2219 = arith.index_cast %select_n3A_2197 : i32 to index
      %swap3A_2220 = arith.index_cast %swap3A_2217 : i32 to index
      %swap3A_2221 = arith.index_cast %mul3A_2215 : i32 to index
      %swap3A_2222 = tpu.vector_load %arg7[%swap3A_2218, %swap3A_2219, %swap3A_2220, %swap3A_2221] {strides = array<i32>} : memref<8x4x8x128xf32, #tpu.memory_space<vmem>>, vector<16xf32>,
      tpu.vector_store %arg7[%swap3A_2218, %swap3A_2219, %swap3A_2220, %swap3A_2221], %broadcast_in_dim3A_17 {strides = array<i32>} : memref<8x4x8x128xf32, #tpu.memory_space<vmem>>, vector<16xf32>,
      %jit3A_2223 = arith.constant 8 : i32
      %div3A_2224 = arith.divsi %mul3A_29, %jit3A_2223 : i32
      %sign3A_2225 = arith.constant 0 : i32
      %sign3A_2226 = arith.cmpi sgt, %mul3A_29, %sign3A_2225 : i32
      %sign3A_2227 = arith.extui %sign3A_2226 : i1 to i32
      %sign3A_2228 = arith.constant 0 : i32
      %sign3A_2229 = arith.cmpi slt, %mul3A_29, %sign3A_2228 : i32
      %sign3A_2230 = arith.extui %sign3A_2229 : i1 to i32
      %sign3A_2231 = arith.subi %sign3A_2227, %sign3A_2230 : i32
      %sign3A_2232 = arith.constant 0 : i32
      %sign3A_2233 = arith.cmpi sgt, %jit3A_2223, %sign3A_2232 : i32
      %sign3A_2234 = arith.extui %sign3A_2233 : i1 to i32
      %sign3A_2235 = arith.constant 0 : i32
      %sign3A_2236 = arith.cmpi slt, %jit3A_2223, %sign3A_2235 : i32
      %sign3A_2237 = arith.extui %sign3A_2236 : i1 to i32
      %sign3A_2238 = arith.subi %sign3A_2234, %sign3A_2237 : i32
      %ne3A_2239 = arith.cmpi ne, %sign3A_2231, %sign3A_2238 : i32
      %rem3A_2240 = arith.remsi %mul3A_29, %jit3A_2223 : i32
      %ne3A_2241 = arith.constant 0 : i32
      %ne3A_2242 = arith.cmpi ne, %rem3A_2240, %ne3A_2241 : i32
      %and3A_2243 = arith.andi %ne3A_2239, %ne3A_2242 : i1
      %sub3A_2244 = arith.constant 1 : i32
      %sub3A_2245 = arith.subi %div3A_2224, %sub3A_2244 : i32
      %select_n3A_2246 = arith.select %and3A_2243, %sub3A_2245, %div3A_2224 : i32
      %jit3A_2247 = arith.constant 8 : i32
      %eq3A_2248 = arith.constant 0 : i32
      %eq3A_2249 = arith.cmpi eq, %jit3A_2247, %eq3A_2248 : i32
      %jit3A_2250 = arith.constant 1 : i32
      %select_n3A_2251 = arith.select %eq3A_2249, %jit3A_2250, %jit3A_2247 : i32
      %rem3A_2252 = arith.remsi %mul3A_29, %select_n3A_2251 : i32
      %ne3A_2253 = arith.constant 0 : i32
      %ne3A_2254 = arith.cmpi ne, %rem3A_2252, %ne3A_2253 : i32
      %lt3A_2255 = arith.constant 0 : i32
      %lt3A_2256 = arith.cmpi slt, %rem3A_2252, %lt3A_2255 : i32
      %lt3A_2257 = arith.constant 0 : i32
      %lt3A_2258 = arith.cmpi slt, %select_n3A_2251, %lt3A_2257 : i32
      %ne3A_2259 = arith.xori %lt3A_2256, %lt3A_2258 : i1
      %and3A_2260 = arith.andi %ne3A_2259, %ne3A_2254 : i1
      %add3A_2261 = arith.addi %rem3A_2252, %select_n3A_2251 : i32
      %select_n3A_2262 = arith.select %and3A_2260, %add3A_2261, %rem3A_2252 : i32
      %mul3A_2263 = arith.constant 16 : i32
      %mul3A_2264 = arith.muli %select_n3A_2262, %mul3A_2263 : i32
      %swap3A_2265 = arith.constant 5 : i32
      %swap3A_2266 = arith.constant 4 : i32
      %swap3A_2267 = arith.index_cast %swap3A_2265 : i32 to index
      %swap3A_2268 = arith.index_cast %select_n3A_2246 : i32 to index
      %swap3A_2269 = arith.index_cast %swap3A_2266 : i32 to index
      %swap3A_2270 = arith.index_cast %mul3A_2264 : i32 to index
      %swap3A_2271 = tpu.vector_load %arg7[%swap3A_2267, %swap3A_2268, %swap3A_2269, %swap3A_2270] {strides = array<i32>} : memref<8x4x8x128xf32, #tpu.memory_space<vmem>>, vector<16xf32>,
      tpu.vector_store %arg7[%swap3A_2267, %swap3A_2268, %swap3A_2269, %swap3A_2270], %broadcast_in_dim3A_17 {strides = array<i32>} : memref<8x4x8x128xf32, #tpu.memory_space<vmem>>, vector<16xf32>,
      %jit3A_2272 = arith.constant 8 : i32
      %div3A_2273 = arith.divsi %mul3A_29, %jit3A_2272 : i32
      %sign3A_2274 = arith.constant 0 : i32
      %sign3A_2275 = arith.cmpi sgt, %mul3A_29, %sign3A_2274 : i32
      %sign3A_2276 = arith.extui %sign3A_2275 : i1 to i32
      %sign3A_2277 = arith.constant 0 : i32
      %sign3A_2278 = arith.cmpi slt, %mul3A_29, %sign3A_2277 : i32
      %sign3A_2279 = arith.extui %sign3A_2278 : i1 to i32
      %sign3A_2280 = arith.subi %sign3A_2276, %sign3A_2279 : i32
      %sign3A_2281 = arith.constant 0 : i32
      %sign3A_2282 = arith.cmpi sgt, %jit3A_2272, %sign3A_2281 : i32
      %sign3A_2283 = arith.extui %sign3A_2282 : i1 to i32
      %sign3A_2284 = arith.constant 0 : i32
      %sign3A_2285 = arith.cmpi slt, %jit3A_2272, %sign3A_2284 : i32
      %sign3A_2286 = arith.extui %sign3A_2285 : i1 to i32
      %sign3A_2287 = arith.subi %sign3A_2283, %sign3A_2286 : i32
      %ne3A_2288 = arith.cmpi ne, %sign3A_2280, %sign3A_2287 : i32
      %rem3A_2289 = arith.remsi %mul3A_29, %jit3A_2272 : i32
      %ne3A_2290 = arith.constant 0 : i32
      %ne3A_2291 = arith.cmpi ne, %rem3A_2289, %ne3A_2290 : i32
      %and3A_2292 = arith.andi %ne3A_2288, %ne3A_2291 : i1
      %sub3A_2293 = arith.constant 1 : i32
      %sub3A_2294 = arith.subi %div3A_2273, %sub3A_2293 : i32
      %select_n3A_2295 = arith.select %and3A_2292, %sub3A_2294, %div3A_2273 : i32
      %jit3A_2296 = arith.constant 8 : i32
      %eq3A_2297 = arith.constant 0 : i32
      %eq3A_2298 = arith.cmpi eq, %jit3A_2296, %eq3A_2297 : i32
      %jit3A_2299 = arith.constant 1 : i32
      %select_n3A_2300 = arith.select %eq3A_2298, %jit3A_2299, %jit3A_2296 : i32
      %rem3A_2301 = arith.remsi %mul3A_29, %select_n3A_2300 : i32
      %ne3A_2302 = arith.constant 0 : i32
      %ne3A_2303 = arith.cmpi ne, %rem3A_2301, %ne3A_2302 : i32
      %lt3A_2304 = arith.constant 0 : i32
      %lt3A_2305 = arith.cmpi slt, %rem3A_2301, %lt3A_2304 : i32
      %lt3A_2306 = arith.constant 0 : i32
      %lt3A_2307 = arith.cmpi slt, %select_n3A_2300, %lt3A_2306 : i32
      %ne3A_2308 = arith.xori %lt3A_2305, %lt3A_2307 : i1
      %and3A_2309 = arith.andi %ne3A_2308, %ne3A_2303 : i1
      %add3A_2310 = arith.addi %rem3A_2301, %select_n3A_2300 : i32
      %select_n3A_2311 = arith.select %and3A_2309, %add3A_2310, %rem3A_2301 : i32
      %mul3A_2312 = arith.constant 16 : i32
      %mul3A_2313 = arith.muli %select_n3A_2311, %mul3A_2312 : i32
      %swap3A_2314 = arith.constant 5 : i32
      %swap3A_2315 = arith.constant 5 : i32
      %swap3A_2316 = arith.index_cast %swap3A_2314 : i32 to index
      %swap3A_2317 = arith.index_cast %select_n3A_2295 : i32 to index
      %swap3A_2318 = arith.index_cast %swap3A_2315 : i32 to index
      %swap3A_2319 = arith.index_cast %mul3A_2313 : i32 to index
      %swap3A_2320 = tpu.vector_load %arg7[%swap3A_2316, %swap3A_2317, %swap3A_2318, %swap3A_2319] {strides = array<i32>} : memref<8x4x8x128xf32, #tpu.memory_space<vmem>>, vector<16xf32>,
      tpu.vector_store %arg7[%swap3A_2316, %swap3A_2317, %swap3A_2318, %swap3A_2319], %broadcast_in_dim3A_17 {strides = array<i32>} : memref<8x4x8x128xf32, #tpu.memory_space<vmem>>, vector<16xf32>,
      %jit3A_2321 = arith.constant 8 : i32
      %div3A_2322 = arith.divsi %mul3A_29, %jit3A_2321 : i32
      %sign3A_2323 = arith.constant 0 : i32
      %sign3A_2324 = arith.cmpi sgt, %mul3A_29, %sign3A_2323 : i32
      %sign3A_2325 = arith.extui %sign3A_2324 : i1 to i32
      %sign3A_2326 = arith.constant 0 : i32
      %sign3A_2327 = arith.cmpi slt, %mul3A_29, %sign3A_2326 : i32
      %sign3A_2328 = arith.extui %sign3A_2327 : i1 to i32
      %sign3A_2329 = arith.subi %sign3A_2325, %sign3A_2328 : i32
      %sign3A_2330 = arith.constant 0 : i32
      %sign3A_2331 = arith.cmpi sgt, %jit3A_2321, %sign3A_2330 : i32
      %sign3A_2332 = arith.extui %sign3A_2331 : i1 to i32
      %sign3A_2333 = arith.constant 0 : i32
      %sign3A_2334 = arith.cmpi slt, %jit3A_2321, %sign3A_2333 : i32
      %sign3A_2335 = arith.extui %sign3A_2334 : i1 to i32
      %sign3A_2336 = arith.subi %sign3A_2332, %sign3A_2335 : i32
      %ne3A_2337 = arith.cmpi ne, %sign3A_2329, %sign3A_2336 : i32
      %rem3A_2338 = arith.remsi %mul3A_29, %jit3A_2321 : i32
      %ne3A_2339 = arith.constant 0 : i32
      %ne3A_2340 = arith.cmpi ne, %rem3A_2338, %ne3A_2339 : i32
      %and3A_2341 = arith.andi %ne3A_2337, %ne3A_2340 : i1
      %sub3A_2342 = arith.constant 1 : i32
      %sub3A_2343 = arith.subi %div3A_2322, %sub3A_2342 : i32
      %select_n3A_2344 = arith.select %and3A_2341, %sub3A_2343, %div3A_2322 : i32
      %jit3A_2345 = arith.constant 8 : i32
      %eq3A_2346 = arith.constant 0 : i32
      %eq3A_2347 = arith.cmpi eq, %jit3A_2345, %eq3A_2346 : i32
      %jit3A_2348 = arith.constant 1 : i32
      %select_n3A_2349 = arith.select %eq3A_2347, %jit3A_2348, %jit3A_2345 : i32
      %rem3A_2350 = arith.remsi %mul3A_29, %select_n3A_2349 : i32
      %ne3A_2351 = arith.constant 0 : i32
      %ne3A_2352 = arith.cmpi ne, %rem3A_2350, %ne3A_2351 : i32
      %lt3A_2353 = arith.constant 0 : i32
      %lt3A_2354 = arith.cmpi slt, %rem3A_2350, %lt3A_2353 : i32
      %lt3A_2355 = arith.constant 0 : i32
      %lt3A_2356 = arith.cmpi slt, %select_n3A_2349, %lt3A_2355 : i32
      %ne3A_2357 = arith.xori %lt3A_2354, %lt3A_2356 : i1
      %and3A_2358 = arith.andi %ne3A_2357, %ne3A_2352 : i1
      %add3A_2359 = arith.addi %rem3A_2350, %select_n3A_2349 : i32
      %select_n3A_2360 = arith.select %and3A_2358, %add3A_2359, %rem3A_2350 : i32
      %mul3A_2361 = arith.constant 16 : i32
      %mul3A_2362 = arith.muli %select_n3A_2360, %mul3A_2361 : i32
      %swap3A_2363 = arith.constant 5 : i32
      %swap3A_2364 = arith.constant 6 : i32
      %swap3A_2365 = arith.index_cast %swap3A_2363 : i32 to index
      %swap3A_2366 = arith.index_cast %select_n3A_2344 : i32 to index
      %swap3A_2367 = arith.index_cast %swap3A_2364 : i32 to index
      %swap3A_2368 = arith.index_cast %mul3A_2362 : i32 to index
      %swap3A_2369 = tpu.vector_load %arg7[%swap3A_2365, %swap3A_2366, %swap3A_2367, %swap3A_2368] {strides = array<i32>} : memref<8x4x8x128xf32, #tpu.memory_space<vmem>>, vector<16xf32>,
      tpu.vector_store %arg7[%swap3A_2365, %swap3A_2366, %swap3A_2367, %swap3A_2368], %broadcast_in_dim3A_17 {strides = array<i32>} : memref<8x4x8x128xf32, #tpu.memory_space<vmem>>, vector<16xf32>,
      %jit3A_2370 = arith.constant 8 : i32
      %div3A_2371 = arith.divsi %mul3A_29, %jit3A_2370 : i32
      %sign3A_2372 = arith.constant 0 : i32
      %sign3A_2373 = arith.cmpi sgt, %mul3A_29, %sign3A_2372 : i32
      %sign3A_2374 = arith.extui %sign3A_2373 : i1 to i32
      %sign3A_2375 = arith.constant 0 : i32
      %sign3A_2376 = arith.cmpi slt, %mul3A_29, %sign3A_2375 : i32
      %sign3A_2377 = arith.extui %sign3A_2376 : i1 to i32
      %sign3A_2378 = arith.subi %sign3A_2374, %sign3A_2377 : i32
      %sign3A_2379 = arith.constant 0 : i32
      %sign3A_2380 = arith.cmpi sgt, %jit3A_2370, %sign3A_2379 : i32
      %sign3A_2381 = arith.extui %sign3A_2380 : i1 to i32
      %sign3A_2382 = arith.constant 0 : i32
      %sign3A_2383 = arith.cmpi slt, %jit3A_2370, %sign3A_2382 : i32
      %sign3A_2384 = arith.extui %sign3A_2383 : i1 to i32
      %sign3A_2385 = arith.subi %sign3A_2381, %sign3A_2384 : i32
      %ne3A_2386 = arith.cmpi ne, %sign3A_2378, %sign3A_2385 : i32
      %rem3A_2387 = arith.remsi %mul3A_29, %jit3A_2370 : i32
      %ne3A_2388 = arith.constant 0 : i32
      %ne3A_2389 = arith.cmpi ne, %rem3A_2387, %ne3A_2388 : i32
      %and3A_2390 = arith.andi %ne3A_2386, %ne3A_2389 : i1
      %sub3A_2391 = arith.constant 1 : i32
      %sub3A_2392 = arith.subi %div3A_2371, %sub3A_2391 : i32
      %select_n3A_2393 = arith.select %and3A_2390, %sub3A_2392, %div3A_2371 : i32
      %jit3A_2394 = arith.constant 8 : i32
      %eq3A_2395 = arith.constant 0 : i32
      %eq3A_2396 = arith.cmpi eq, %jit3A_2394, %eq3A_2395 : i32
      %jit3A_2397 = arith.constant 1 : i32
      %select_n3A_2398 = arith.select %eq3A_2396, %jit3A_2397, %jit3A_2394 : i32
      %rem3A_2399 = arith.remsi %mul3A_29, %select_n3A_2398 : i32
      %ne3A_2400 = arith.constant 0 : i32
      %ne3A_2401 = arith.cmpi ne, %rem3A_2399, %ne3A_2400 : i32
      %lt3A_2402 = arith.constant 0 : i32
      %lt3A_2403 = arith.cmpi slt, %rem3A_2399, %lt3A_2402 : i32
      %lt3A_2404 = arith.constant 0 : i32
      %lt3A_2405 = arith.cmpi slt, %select_n3A_2398, %lt3A_2404 : i32
      %ne3A_2406 = arith.xori %lt3A_2403, %lt3A_2405 : i1
      %and3A_2407 = arith.andi %ne3A_2406, %ne3A_2401 : i1
      %add3A_2408 = arith.addi %rem3A_2399, %select_n3A_2398 : i32
      %select_n3A_2409 = arith.select %and3A_2407, %add3A_2408, %rem3A_2399 : i32
      %mul3A_2410 = arith.constant 16 : i32
      %mul3A_2411 = arith.muli %select_n3A_2409, %mul3A_2410 : i32
      %swap3A_2412 = arith.constant 5 : i32
      %swap3A_2413 = arith.constant 7 : i32
      %swap3A_2414 = arith.index_cast %swap3A_2412 : i32 to index
      %swap3A_2415 = arith.index_cast %select_n3A_2393 : i32 to index
      %swap3A_2416 = arith.index_cast %swap3A_2413 : i32 to index
      %swap3A_2417 = arith.index_cast %mul3A_2411 : i32 to index
      %swap3A_2418 = tpu.vector_load %arg7[%swap3A_2414, %swap3A_2415, %swap3A_2416, %swap3A_2417] {strides = array<i32>} : memref<8x4x8x128xf32, #tpu.memory_space<vmem>>, vector<16xf32>,
      tpu.vector_store %arg7[%swap3A_2414, %swap3A_2415, %swap3A_2416, %swap3A_2417], %broadcast_in_dim3A_17 {strides = array<i32>} : memref<8x4x8x128xf32, #tpu.memory_space<vmem>>, vector<16xf32>,
      %jit3A_2419 = arith.constant 8 : i32
      %div3A_2420 = arith.divsi %mul3A_29, %jit3A_2419 : i32
      %sign3A_2421 = arith.constant 0 : i32
      %sign3A_2422 = arith.cmpi sgt, %mul3A_29, %sign3A_2421 : i32
      %sign3A_2423 = arith.extui %sign3A_2422 : i1 to i32
      %sign3A_2424 = arith.constant 0 : i32
      %sign3A_2425 = arith.cmpi slt, %mul3A_29, %sign3A_2424 : i32
      %sign3A_2426 = arith.extui %sign3A_2425 : i1 to i32
      %sign3A_2427 = arith.subi %sign3A_2423, %sign3A_2426 : i32
      %sign3A_2428 = arith.constant 0 : i32
      %sign3A_2429 = arith.cmpi sgt, %jit3A_2419, %sign3A_2428 : i32
      %sign3A_2430 = arith.extui %sign3A_2429 : i1 to i32
      %sign3A_2431 = arith.constant 0 : i32
      %sign3A_2432 = arith.cmpi slt, %jit3A_2419, %sign3A_2431 : i32
      %sign3A_2433 = arith.extui %sign3A_2432 : i1 to i32
      %sign3A_2434 = arith.subi %sign3A_2430, %sign3A_2433 : i32
      %ne3A_2435 = arith.cmpi ne, %sign3A_2427, %sign3A_2434 : i32
      %rem3A_2436 = arith.remsi %mul3A_29, %jit3A_2419 : i32
      %ne3A_2437 = arith.constant 0 : i32
      %ne3A_2438 = arith.cmpi ne, %rem3A_2436, %ne3A_2437 : i32
      %and3A_2439 = arith.andi %ne3A_2435, %ne3A_2438 : i1
      %sub3A_2440 = arith.constant 1 : i32
      %sub3A_2441 = arith.subi %div3A_2420, %sub3A_2440 : i32
      %select_n3A_2442 = arith.select %and3A_2439, %sub3A_2441, %div3A_2420 : i32
      %jit3A_2443 = arith.constant 8 : i32
      %eq3A_2444 = arith.constant 0 : i32
      %eq3A_2445 = arith.cmpi eq, %jit3A_2443, %eq3A_2444 : i32
      %jit3A_2446 = arith.constant 1 : i32
      %select_n3A_2447 = arith.select %eq3A_2445, %jit3A_2446, %jit3A_2443 : i32
      %rem3A_2448 = arith.remsi %mul3A_29, %select_n3A_2447 : i32
      %ne3A_2449 = arith.constant 0 : i32
      %ne3A_2450 = arith.cmpi ne, %rem3A_2448, %ne3A_2449 : i32
      %lt3A_2451 = arith.constant 0 : i32
      %lt3A_2452 = arith.cmpi slt, %rem3A_2448, %lt3A_2451 : i32
      %lt3A_2453 = arith.constant 0 : i32
      %lt3A_2454 = arith.cmpi slt, %select_n3A_2447, %lt3A_2453 : i32
      %ne3A_2455 = arith.xori %lt3A_2452, %lt3A_2454 : i1
      %and3A_2456 = arith.andi %ne3A_2455, %ne3A_2450 : i1
      %add3A_2457 = arith.addi %rem3A_2448, %select_n3A_2447 : i32
      %select_n3A_2458 = arith.select %and3A_2456, %add3A_2457, %rem3A_2448 : i32
      %mul3A_2459 = arith.constant 16 : i32
      %mul3A_2460 = arith.muli %select_n3A_2458, %mul3A_2459 : i32
      %swap3A_2461 = arith.constant 6 : i32
      %swap3A_2462 = arith.constant 0 : i32
      %swap3A_2463 = arith.index_cast %swap3A_2461 : i32 to index
      %swap3A_2464 = arith.index_cast %select_n3A_2442 : i32 to index
      %swap3A_2465 = arith.index_cast %swap3A_2462 : i32 to index
      %swap3A_2466 = arith.index_cast %mul3A_2460 : i32 to index
      %swap3A_2467 = tpu.vector_load %arg7[%swap3A_2463, %swap3A_2464, %swap3A_2465, %swap3A_2466] {strides = array<i32>} : memref<8x4x8x128xf32, #tpu.memory_space<vmem>>, vector<16xf32>,
      tpu.vector_store %arg7[%swap3A_2463, %swap3A_2464, %swap3A_2465, %swap3A_2466], %broadcast_in_dim3A_17 {strides = array<i32>} : memref<8x4x8x128xf32, #tpu.memory_space<vmem>>, vector<16xf32>,
      %jit3A_2468 = arith.constant 8 : i32
      %div3A_2469 = arith.divsi %mul3A_29, %jit3A_2468 : i32
      %sign3A_2470 = arith.constant 0 : i32
      %sign3A_2471 = arith.cmpi sgt, %mul3A_29, %sign3A_2470 : i32
      %sign3A_2472 = arith.extui %sign3A_2471 : i1 to i32
      %sign3A_2473 = arith.constant 0 : i32
      %sign3A_2474 = arith.cmpi slt, %mul3A_29, %sign3A_2473 : i32
      %sign3A_2475 = arith.extui %sign3A_2474 : i1 to i32
      %sign3A_2476 = arith.subi %sign3A_2472, %sign3A_2475 : i32
      %sign3A_2477 = arith.constant 0 : i32
      %sign3A_2478 = arith.cmpi sgt, %jit3A_2468, %sign3A_2477 : i32
      %sign3A_2479 = arith.extui %sign3A_2478 : i1 to i32
      %sign3A_2480 = arith.constant 0 : i32
      %sign3A_2481 = arith.cmpi slt, %jit3A_2468, %sign3A_2480 : i32
      %sign3A_2482 = arith.extui %sign3A_2481 : i1 to i32
      %sign3A_2483 = arith.subi %sign3A_2479, %sign3A_2482 : i32
      %ne3A_2484 = arith.cmpi ne, %sign3A_2476, %sign3A_2483 : i32
      %rem3A_2485 = arith.remsi %mul3A_29, %jit3A_2468 : i32
      %ne3A_2486 = arith.constant 0 : i32
      %ne3A_2487 = arith.cmpi ne, %rem3A_2485, %ne3A_2486 : i32
      %and3A_2488 = arith.andi %ne3A_2484, %ne3A_2487 : i1
      %sub3A_2489 = arith.constant 1 : i32
      %sub3A_2490 = arith.subi %div3A_2469, %sub3A_2489 : i32
      %select_n3A_2491 = arith.select %and3A_2488, %sub3A_2490, %div3A_2469 : i32
      %jit3A_2492 = arith.constant 8 : i32
      %eq3A_2493 = arith.constant 0 : i32
      %eq3A_2494 = arith.cmpi eq, %jit3A_2492, %eq3A_2493 : i32
      %jit3A_2495 = arith.constant 1 : i32
      %select_n3A_2496 = arith.select %eq3A_2494, %jit3A_2495, %jit3A_2492 : i32
      %rem3A_2497 = arith.remsi %mul3A_29, %select_n3A_2496 : i32
      %ne3A_2498 = arith.constant 0 : i32
      %ne3A_2499 = arith.cmpi ne, %rem3A_2497, %ne3A_2498 : i32
      %lt3A_2500 = arith.constant 0 : i32
      %lt3A_2501 = arith.cmpi slt, %rem3A_2497, %lt3A_2500 : i32
      %lt3A_2502 = arith.constant 0 : i32
      %lt3A_2503 = arith.cmpi slt, %select_n3A_2496, %lt3A_2502 : i32
      %ne3A_2504 = arith.xori %lt3A_2501, %lt3A_2503 : i1
      %and3A_2505 = arith.andi %ne3A_2504, %ne3A_2499 : i1
      %add3A_2506 = arith.addi %rem3A_2497, %select_n3A_2496 : i32
      %select_n3A_2507 = arith.select %and3A_2505, %add3A_2506, %rem3A_2497 : i32
      %mul3A_2508 = arith.constant 16 : i32
      %mul3A_2509 = arith.muli %select_n3A_2507, %mul3A_2508 : i32
      %swap3A_2510 = arith.constant 6 : i32
      %swap3A_2511 = arith.constant 1 : i32
      %swap3A_2512 = arith.index_cast %swap3A_2510 : i32 to index
      %swap3A_2513 = arith.index_cast %select_n3A_2491 : i32 to index
      %swap3A_2514 = arith.index_cast %swap3A_2511 : i32 to index
      %swap3A_2515 = arith.index_cast %mul3A_2509 : i32 to index
      %swap3A_2516 = tpu.vector_load %arg7[%swap3A_2512, %swap3A_2513, %swap3A_2514, %swap3A_2515] {strides = array<i32>} : memref<8x4x8x128xf32, #tpu.memory_space<vmem>>, vector<16xf32>,
      tpu.vector_store %arg7[%swap3A_2512, %swap3A_2513, %swap3A_2514, %swap3A_2515], %broadcast_in_dim3A_17 {strides = array<i32>} : memref<8x4x8x128xf32, #tpu.memory_space<vmem>>, vector<16xf32>,
      %jit3A_2517 = arith.constant 8 : i32
      %div3A_2518 = arith.divsi %mul3A_29, %jit3A_2517 : i32
      %sign3A_2519 = arith.constant 0 : i32
      %sign3A_2520 = arith.cmpi sgt, %mul3A_29, %sign3A_2519 : i32
      %sign3A_2521 = arith.extui %sign3A_2520 : i1 to i32
      %sign3A_2522 = arith.constant 0 : i32
      %sign3A_2523 = arith.cmpi slt, %mul3A_29, %sign3A_2522 : i32
      %sign3A_2524 = arith.extui %sign3A_2523 : i1 to i32
      %sign3A_2525 = arith.subi %sign3A_2521, %sign3A_2524 : i32
      %sign3A_2526 = arith.constant 0 : i32
      %sign3A_2527 = arith.cmpi sgt, %jit3A_2517, %sign3A_2526 : i32
      %sign3A_2528 = arith.extui %sign3A_2527 : i1 to i32
      %sign3A_2529 = arith.constant 0 : i32
      %sign3A_2530 = arith.cmpi slt, %jit3A_2517, %sign3A_2529 : i32
      %sign3A_2531 = arith.extui %sign3A_2530 : i1 to i32
      %sign3A_2532 = arith.subi %sign3A_2528, %sign3A_2531 : i32
      %ne3A_2533 = arith.cmpi ne, %sign3A_2525, %sign3A_2532 : i32
      %rem3A_2534 = arith.remsi %mul3A_29, %jit3A_2517 : i32
      %ne3A_2535 = arith.constant 0 : i32
      %ne3A_2536 = arith.cmpi ne, %rem3A_2534, %ne3A_2535 : i32
      %and3A_2537 = arith.andi %ne3A_2533, %ne3A_2536 : i1
      %sub3A_2538 = arith.constant 1 : i32
      %sub3A_2539 = arith.subi %div3A_2518, %sub3A_2538 : i32
      %select_n3A_2540 = arith.select %and3A_2537, %sub3A_2539, %div3A_2518 : i32
      %jit3A_2541 = arith.constant 8 : i32
      %eq3A_2542 = arith.constant 0 : i32
      %eq3A_2543 = arith.cmpi eq, %jit3A_2541, %eq3A_2542 : i32
      %jit3A_2544 = arith.constant 1 : i32
      %select_n3A_2545 = arith.select %eq3A_2543, %jit3A_2544, %jit3A_2541 : i32
      %rem3A_2546 = arith.remsi %mul3A_29, %select_n3A_2545 : i32
      %ne3A_2547 = arith.constant 0 : i32
      %ne3A_2548 = arith.cmpi ne, %rem3A_2546, %ne3A_2547 : i32
      %lt3A_2549 = arith.constant 0 : i32
      %lt3A_2550 = arith.cmpi slt, %rem3A_2546, %lt3A_2549 : i32
      %lt3A_2551 = arith.constant 0 : i32
      %lt3A_2552 = arith.cmpi slt, %select_n3A_2545, %lt3A_2551 : i32
      %ne3A_2553 = arith.xori %lt3A_2550, %lt3A_2552 : i1
      %and3A_2554 = arith.andi %ne3A_2553, %ne3A_2548 : i1
      %add3A_2555 = arith.addi %rem3A_2546, %select_n3A_2545 : i32
      %select_n3A_2556 = arith.select %and3A_2554, %add3A_2555, %rem3A_2546 : i32
      %mul3A_2557 = arith.constant 16 : i32
      %mul3A_2558 = arith.muli %select_n3A_2556, %mul3A_2557 : i32
      %swap3A_2559 = arith.constant 6 : i32
      %swap3A_2560 = arith.constant 2 : i32
      %swap3A_2561 = arith.index_cast %swap3A_2559 : i32 to index
      %swap3A_2562 = arith.index_cast %select_n3A_2540 : i32 to index
      %swap3A_2563 = arith.index_cast %swap3A_2560 : i32 to index
      %swap3A_2564 = arith.index_cast %mul3A_2558 : i32 to index
      %swap3A_2565 = tpu.vector_load %arg7[%swap3A_2561, %swap3A_2562, %swap3A_2563, %swap3A_2564] {strides = array<i32>} : memref<8x4x8x128xf32, #tpu.memory_space<vmem>>, vector<16xf32>,
      tpu.vector_store %arg7[%swap3A_2561, %swap3A_2562, %swap3A_2563, %swap3A_2564], %broadcast_in_dim3A_17 {strides = array<i32>} : memref<8x4x8x128xf32, #tpu.memory_space<vmem>>, vector<16xf32>,
      %jit3A_2566 = arith.constant 8 : i32
      %div3A_2567 = arith.divsi %mul3A_29, %jit3A_2566 : i32
      %sign3A_2568 = arith.constant 0 : i32
      %sign3A_2569 = arith.cmpi sgt, %mul3A_29, %sign3A_2568 : i32
      %sign3A_2570 = arith.extui %sign3A_2569 : i1 to i32
      %sign3A_2571 = arith.constant 0 : i32
      %sign3A_2572 = arith.cmpi slt, %mul3A_29, %sign3A_2571 : i32
      %sign3A_2573 = arith.extui %sign3A_2572 : i1 to i32
      %sign3A_2574 = arith.subi %sign3A_2570, %sign3A_2573 : i32
      %sign3A_2575 = arith.constant 0 : i32
      %sign3A_2576 = arith.cmpi sgt, %jit3A_2566, %sign3A_2575 : i32
      %sign3A_2577 = arith.extui %sign3A_2576 : i1 to i32
      %sign3A_2578 = arith.constant 0 : i32
      %sign3A_2579 = arith.cmpi slt, %jit3A_2566, %sign3A_2578 : i32
      %sign3A_2580 = arith.extui %sign3A_2579 : i1 to i32
      %sign3A_2581 = arith.subi %sign3A_2577, %sign3A_2580 : i32
      %ne3A_2582 = arith.cmpi ne, %sign3A_2574, %sign3A_2581 : i32
      %rem3A_2583 = arith.remsi %mul3A_29, %jit3A_2566 : i32
      %ne3A_2584 = arith.constant 0 : i32
      %ne3A_2585 = arith.cmpi ne, %rem3A_2583, %ne3A_2584 : i32
      %and3A_2586 = arith.andi %ne3A_2582, %ne3A_2585 : i1
      %sub3A_2587 = arith.constant 1 : i32
      %sub3A_2588 = arith.subi %div3A_2567, %sub3A_2587 : i32
      %select_n3A_2589 = arith.select %and3A_2586, %sub3A_2588, %div3A_2567 : i32
      %jit3A_2590 = arith.constant 8 : i32
      %eq3A_2591 = arith.constant 0 : i32
      %eq3A_2592 = arith.cmpi eq, %jit3A_2590, %eq3A_2591 : i32
      %jit3A_2593 = arith.constant 1 : i32
      %select_n3A_2594 = arith.select %eq3A_2592, %jit3A_2593, %jit3A_2590 : i32
      %rem3A_2595 = arith.remsi %mul3A_29, %select_n3A_2594 : i32
      %ne3A_2596 = arith.constant 0 : i32
      %ne3A_2597 = arith.cmpi ne, %rem3A_2595, %ne3A_2596 : i32
      %lt3A_2598 = arith.constant 0 : i32
      %lt3A_2599 = arith.cmpi slt, %rem3A_2595, %lt3A_2598 : i32
      %lt3A_2600 = arith.constant 0 : i32
      %lt3A_2601 = arith.cmpi slt, %select_n3A_2594, %lt3A_2600 : i32
      %ne3A_2602 = arith.xori %lt3A_2599, %lt3A_2601 : i1
      %and3A_2603 = arith.andi %ne3A_2602, %ne3A_2597 : i1
      %add3A_2604 = arith.addi %rem3A_2595, %select_n3A_2594 : i32
      %select_n3A_2605 = arith.select %and3A_2603, %add3A_2604, %rem3A_2595 : i32
      %mul3A_2606 = arith.constant 16 : i32
      %mul3A_2607 = arith.muli %select_n3A_2605, %mul3A_2606 : i32
      %swap3A_2608 = arith.constant 6 : i32
      %swap3A_2609 = arith.constant 3 : i32
      %swap3A_2610 = arith.index_cast %swap3A_2608 : i32 to index
      %swap3A_2611 = arith.index_cast %select_n3A_2589 : i32 to index
      %swap3A_2612 = arith.index_cast %swap3A_2609 : i32 to index
      %swap3A_2613 = arith.index_cast %mul3A_2607 : i32 to index
      %swap3A_2614 = tpu.vector_load %arg7[%swap3A_2610, %swap3A_2611, %swap3A_2612, %swap3A_2613] {strides = array<i32>} : memref<8x4x8x128xf32, #tpu.memory_space<vmem>>, vector<16xf32>,
      tpu.vector_store %arg7[%swap3A_2610, %swap3A_2611, %swap3A_2612, %swap3A_2613], %broadcast_in_dim3A_17 {strides = array<i32>} : memref<8x4x8x128xf32, #tpu.memory_space<vmem>>, vector<16xf32>,
      %jit3A_2615 = arith.constant 8 : i32
      %div3A_2616 = arith.divsi %mul3A_29, %jit3A_2615 : i32
      %sign3A_2617 = arith.constant 0 : i32
      %sign3A_2618 = arith.cmpi sgt, %mul3A_29, %sign3A_2617 : i32
      %sign3A_2619 = arith.extui %sign3A_2618 : i1 to i32
      %sign3A_2620 = arith.constant 0 : i32
      %sign3A_2621 = arith.cmpi slt, %mul3A_29, %sign3A_2620 : i32
      %sign3A_2622 = arith.extui %sign3A_2621 : i1 to i32
      %sign3A_2623 = arith.subi %sign3A_2619, %sign3A_2622 : i32
      %sign3A_2624 = arith.constant 0 : i32
      %sign3A_2625 = arith.cmpi sgt, %jit3A_2615, %sign3A_2624 : i32
      %sign3A_2626 = arith.extui %sign3A_2625 : i1 to i32
      %sign3A_2627 = arith.constant 0 : i32
      %sign3A_2628 = arith.cmpi slt, %jit3A_2615, %sign3A_2627 : i32
      %sign3A_2629 = arith.extui %sign3A_2628 : i1 to i32
      %sign3A_2630 = arith.subi %sign3A_2626, %sign3A_2629 : i32
      %ne3A_2631 = arith.cmpi ne, %sign3A_2623, %sign3A_2630 : i32
      %rem3A_2632 = arith.remsi %mul3A_29, %jit3A_2615 : i32
      %ne3A_2633 = arith.constant 0 : i32
      %ne3A_2634 = arith.cmpi ne, %rem3A_2632, %ne3A_2633 : i32
      %and3A_2635 = arith.andi %ne3A_2631, %ne3A_2634 : i1
      %sub3A_2636 = arith.constant 1 : i32
      %sub3A_2637 = arith.subi %div3A_2616, %sub3A_2636 : i32
      %select_n3A_2638 = arith.select %and3A_2635, %sub3A_2637, %div3A_2616 : i32
      %jit3A_2639 = arith.constant 8 : i32
      %eq3A_2640 = arith.constant 0 : i32
      %eq3A_2641 = arith.cmpi eq, %jit3A_2639, %eq3A_2640 : i32
      %jit3A_2642 = arith.constant 1 : i32
      %select_n3A_2643 = arith.select %eq3A_2641, %jit3A_2642, %jit3A_2639 : i32
      %rem3A_2644 = arith.remsi %mul3A_29, %select_n3A_2643 : i32
      %ne3A_2645 = arith.constant 0 : i32
      %ne3A_2646 = arith.cmpi ne, %rem3A_2644, %ne3A_2645 : i32
      %lt3A_2647 = arith.constant 0 : i32
      %lt3A_2648 = arith.cmpi slt, %rem3A_2644, %lt3A_2647 : i32
      %lt3A_2649 = arith.constant 0 : i32
      %lt3A_2650 = arith.cmpi slt, %select_n3A_2643, %lt3A_2649 : i32
      %ne3A_2651 = arith.xori %lt3A_2648, %lt3A_2650 : i1
      %and3A_2652 = arith.andi %ne3A_2651, %ne3A_2646 : i1
      %add3A_2653 = arith.addi %rem3A_2644, %select_n3A_2643 : i32
      %select_n3A_2654 = arith.select %and3A_2652, %add3A_2653, %rem3A_2644 : i32
      %mul3A_2655 = arith.constant 16 : i32
      %mul3A_2656 = arith.muli %select_n3A_2654, %mul3A_2655 : i32
      %swap3A_2657 = arith.constant 6 : i32
      %swap3A_2658 = arith.constant 4 : i32
      %swap3A_2659 = arith.index_cast %swap3A_2657 : i32 to index
      %swap3A_2660 = arith.index_cast %select_n3A_2638 : i32 to index
      %swap3A_2661 = arith.index_cast %swap3A_2658 : i32 to index
      %swap3A_2662 = arith.index_cast %mul3A_2656 : i32 to index
      %swap3A_2663 = tpu.vector_load %arg7[%swap3A_2659, %swap3A_2660, %swap3A_2661, %swap3A_2662] {strides = array<i32>} : memref<8x4x8x128xf32, #tpu.memory_space<vmem>>, vector<16xf32>,
      tpu.vector_store %arg7[%swap3A_2659, %swap3A_2660, %swap3A_2661, %swap3A_2662], %broadcast_in_dim3A_17 {strides = array<i32>} : memref<8x4x8x128xf32, #tpu.memory_space<vmem>>, vector<16xf32>,
      %jit3A_2664 = arith.constant 8 : i32
      %div3A_2665 = arith.divsi %mul3A_29, %jit3A_2664 : i32
      %sign3A_2666 = arith.constant 0 : i32
      %sign3A_2667 = arith.cmpi sgt, %mul3A_29, %sign3A_2666 : i32
      %sign3A_2668 = arith.extui %sign3A_2667 : i1 to i32
      %sign3A_2669 = arith.constant 0 : i32
      %sign3A_2670 = arith.cmpi slt, %mul3A_29, %sign3A_2669 : i32
      %sign3A_2671 = arith.extui %sign3A_2670 : i1 to i32
      %sign3A_2672 = arith.subi %sign3A_2668, %sign3A_2671 : i32
      %sign3A_2673 = arith.constant 0 : i32
      %sign3A_2674 = arith.cmpi sgt, %jit3A_2664, %sign3A_2673 : i32
      %sign3A_2675 = arith.extui %sign3A_2674 : i1 to i32
      %sign3A_2676 = arith.constant 0 : i32
      %sign3A_2677 = arith.cmpi slt, %jit3A_2664, %sign3A_2676 : i32
      %sign3A_2678 = arith.extui %sign3A_2677 : i1 to i32
      %sign3A_2679 = arith.subi %sign3A_2675, %sign3A_2678 : i32
      %ne3A_2680 = arith.cmpi ne, %sign3A_2672, %sign3A_2679 : i32
      %rem3A_2681 = arith.remsi %mul3A_29, %jit3A_2664 : i32
      %ne3A_2682 = arith.constant 0 : i32
      %ne3A_2683 = arith.cmpi ne, %rem3A_2681, %ne3A_2682 : i32
      %and3A_2684 = arith.andi %ne3A_2680, %ne3A_2683 : i1
      %sub3A_2685 = arith.constant 1 : i32
      %sub3A_2686 = arith.subi %div3A_2665, %sub3A_2685 : i32
      %select_n3A_2687 = arith.select %and3A_2684, %sub3A_2686, %div3A_2665 : i32
      %jit3A_2688 = arith.constant 8 : i32
      %eq3A_2689 = arith.constant 0 : i32
      %eq3A_2690 = arith.cmpi eq, %jit3A_2688, %eq3A_2689 : i32
      %jit3A_2691 = arith.constant 1 : i32
      %select_n3A_2692 = arith.select %eq3A_2690, %jit3A_2691, %jit3A_2688 : i32
      %rem3A_2693 = arith.remsi %mul3A_29, %select_n3A_2692 : i32
      %ne3A_2694 = arith.constant 0 : i32
      %ne3A_2695 = arith.cmpi ne, %rem3A_2693, %ne3A_2694 : i32
      %lt3A_2696 = arith.constant 0 : i32
      %lt3A_2697 = arith.cmpi slt, %rem3A_2693, %lt3A_2696 : i32
      %lt3A_2698 = arith.constant 0 : i32
      %lt3A_2699 = arith.cmpi slt, %select_n3A_2692, %lt3A_2698 : i32
      %ne3A_2700 = arith.xori %lt3A_2697, %lt3A_2699 : i1
      %and3A_2701 = arith.andi %ne3A_2700, %ne3A_2695 : i1
      %add3A_2702 = arith.addi %rem3A_2693, %select_n3A_2692 : i32
      %select_n3A_2703 = arith.select %and3A_2701, %add3A_2702, %rem3A_2693 : i32
      %mul3A_2704 = arith.constant 16 : i32
      %mul3A_2705 = arith.muli %select_n3A_2703, %mul3A_2704 : i32
      %swap3A_2706 = arith.constant 6 : i32
      %swap3A_2707 = arith.constant 5 : i32
      %swap3A_2708 = arith.index_cast %swap3A_2706 : i32 to index
      %swap3A_2709 = arith.index_cast %select_n3A_2687 : i32 to index
      %swap3A_2710 = arith.index_cast %swap3A_2707 : i32 to index
      %swap3A_2711 = arith.index_cast %mul3A_2705 : i32 to index
      %swap3A_2712 = tpu.vector_load %arg7[%swap3A_2708, %swap3A_2709, %swap3A_2710, %swap3A_2711] {strides = array<i32>} : memref<8x4x8x128xf32, #tpu.memory_space<vmem>>, vector<16xf32>,
      tpu.vector_store %arg7[%swap3A_2708, %swap3A_2709, %swap3A_2710, %swap3A_2711], %broadcast_in_dim3A_17 {strides = array<i32>} : memref<8x4x8x128xf32, #tpu.memory_space<vmem>>, vector<16xf32>,
      %jit3A_2713 = arith.constant 8 : i32
      %div3A_2714 = arith.divsi %mul3A_29, %jit3A_2713 : i32
      %sign3A_2715 = arith.constant 0 : i32
      %sign3A_2716 = arith.cmpi sgt, %mul3A_29, %sign3A_2715 : i32
      %sign3A_2717 = arith.extui %sign3A_2716 : i1 to i32
      %sign3A_2718 = arith.constant 0 : i32
      %sign3A_2719 = arith.cmpi slt, %mul3A_29, %sign3A_2718 : i32
      %sign3A_2720 = arith.extui %sign3A_2719 : i1 to i32
      %sign3A_2721 = arith.subi %sign3A_2717, %sign3A_2720 : i32
      %sign3A_2722 = arith.constant 0 : i32
      %sign3A_2723 = arith.cmpi sgt, %jit3A_2713, %sign3A_2722 : i32
      %sign3A_2724 = arith.extui %sign3A_2723 : i1 to i32
      %sign3A_2725 = arith.constant 0 : i32
      %sign3A_2726 = arith.cmpi slt, %jit3A_2713, %sign3A_2725 : i32
      %sign3A_2727 = arith.extui %sign3A_2726 : i1 to i32
      %sign3A_2728 = arith.subi %sign3A_2724, %sign3A_2727 : i32
      %ne3A_2729 = arith.cmpi ne, %sign3A_2721, %sign3A_2728 : i32
      %rem3A_2730 = arith.remsi %mul3A_29, %jit3A_2713 : i32
      %ne3A_2731 = arith.constant 0 : i32
      %ne3A_2732 = arith.cmpi ne, %rem3A_2730, %ne3A_2731 : i32
      %and3A_2733 = arith.andi %ne3A_2729, %ne3A_2732 : i1
      %sub3A_2734 = arith.constant 1 : i32
      %sub3A_2735 = arith.subi %div3A_2714, %sub3A_2734 : i32
      %select_n3A_2736 = arith.select %and3A_2733, %sub3A_2735, %div3A_2714 : i32
      %jit3A_2737 = arith.constant 8 : i32
      %eq3A_2738 = arith.constant 0 : i32
      %eq3A_2739 = arith.cmpi eq, %jit3A_2737, %eq3A_2738 : i32
      %jit3A_2740 = arith.constant 1 : i32
      %select_n3A_2741 = arith.select %eq3A_2739, %jit3A_2740, %jit3A_2737 : i32
      %rem3A_2742 = arith.remsi %mul3A_29, %select_n3A_2741 : i32
      %ne3A_2743 = arith.constant 0 : i32
      %ne3A_2744 = arith.cmpi ne, %rem3A_2742, %ne3A_2743 : i32
      %lt3A_2745 = arith.constant 0 : i32
      %lt3A_2746 = arith.cmpi slt, %rem3A_2742, %lt3A_2745 : i32
      %lt3A_2747 = arith.constant 0 : i32
      %lt3A_2748 = arith.cmpi slt, %select_n3A_2741, %lt3A_2747 : i32
      %ne3A_2749 = arith.xori %lt3A_2746, %lt3A_2748 : i1
      %and3A_2750 = arith.andi %ne3A_2749, %ne3A_2744 : i1
      %add3A_2751 = arith.addi %rem3A_2742, %select_n3A_2741 : i32
      %select_n3A_2752 = arith.select %and3A_2750, %add3A_2751, %rem3A_2742 : i32
      %mul3A_2753 = arith.constant 16 : i32
      %mul3A_2754 = arith.muli %select_n3A_2752, %mul3A_2753 : i32
      %swap3A_2755 = arith.constant 6 : i32
      %swap3A_2756 = arith.constant 6 : i32
      %swap3A_2757 = arith.index_cast %swap3A_2755 : i32 to index
      %swap3A_2758 = arith.index_cast %select_n3A_2736 : i32 to index
      %swap3A_2759 = arith.index_cast %swap3A_2756 : i32 to index
      %swap3A_2760 = arith.index_cast %mul3A_2754 : i32 to index
      %swap3A_2761 = tpu.vector_load %arg7[%swap3A_2757, %swap3A_2758, %swap3A_2759, %swap3A_2760] {strides = array<i32>} : memref<8x4x8x128xf32, #tpu.memory_space<vmem>>, vector<16xf32>,
      tpu.vector_store %arg7[%swap3A_2757, %swap3A_2758, %swap3A_2759, %swap3A_2760], %broadcast_in_dim3A_17 {strides = array<i32>} : memref<8x4x8x128xf32, #tpu.memory_space<vmem>>, vector<16xf32>,
      %jit3A_2762 = arith.constant 8 : i32
      %div3A_2763 = arith.divsi %mul3A_29, %jit3A_2762 : i32
      %sign3A_2764 = arith.constant 0 : i32
      %sign3A_2765 = arith.cmpi sgt, %mul3A_29, %sign3A_2764 : i32
      %sign3A_2766 = arith.extui %sign3A_2765 : i1 to i32
      %sign3A_2767 = arith.constant 0 : i32
      %sign3A_2768 = arith.cmpi slt, %mul3A_29, %sign3A_2767 : i32
      %sign3A_2769 = arith.extui %sign3A_2768 : i1 to i32
      %sign3A_2770 = arith.subi %sign3A_2766, %sign3A_2769 : i32
      %sign3A_2771 = arith.constant 0 : i32
      %sign3A_2772 = arith.cmpi sgt, %jit3A_2762, %sign3A_2771 : i32
      %sign3A_2773 = arith.extui %sign3A_2772 : i1 to i32
      %sign3A_2774 = arith.constant 0 : i32
      %sign3A_2775 = arith.cmpi slt, %jit3A_2762, %sign3A_2774 : i32
      %sign3A_2776 = arith.extui %sign3A_2775 : i1 to i32
      %sign3A_2777 = arith.subi %sign3A_2773, %sign3A_2776 : i32
      %ne3A_2778 = arith.cmpi ne, %sign3A_2770, %sign3A_2777 : i32
      %rem3A_2779 = arith.remsi %mul3A_29, %jit3A_2762 : i32
      %ne3A_2780 = arith.constant 0 : i32
      %ne3A_2781 = arith.cmpi ne, %rem3A_2779, %ne3A_2780 : i32
      %and3A_2782 = arith.andi %ne3A_2778, %ne3A_2781 : i1
      %sub3A_2783 = arith.constant 1 : i32
      %sub3A_2784 = arith.subi %div3A_2763, %sub3A_2783 : i32
      %select_n3A_2785 = arith.select %and3A_2782, %sub3A_2784, %div3A_2763 : i32
      %jit3A_2786 = arith.constant 8 : i32
      %eq3A_2787 = arith.constant 0 : i32
      %eq3A_2788 = arith.cmpi eq, %jit3A_2786, %eq3A_2787 : i32
      %jit3A_2789 = arith.constant 1 : i32
      %select_n3A_2790 = arith.select %eq3A_2788, %jit3A_2789, %jit3A_2786 : i32
      %rem3A_2791 = arith.remsi %mul3A_29, %select_n3A_2790 : i32
      %ne3A_2792 = arith.constant 0 : i32
      %ne3A_2793 = arith.cmpi ne, %rem3A_2791, %ne3A_2792 : i32
      %lt3A_2794 = arith.constant 0 : i32
      %lt3A_2795 = arith.cmpi slt, %rem3A_2791, %lt3A_2794 : i32
      %lt3A_2796 = arith.constant 0 : i32
      %lt3A_2797 = arith.cmpi slt, %select_n3A_2790, %lt3A_2796 : i32
      %ne3A_2798 = arith.xori %lt3A_2795, %lt3A_2797 : i1
      %and3A_2799 = arith.andi %ne3A_2798, %ne3A_2793 : i1
      %add3A_2800 = arith.addi %rem3A_2791, %select_n3A_2790 : i32
      %select_n3A_2801 = arith.select %and3A_2799, %add3A_2800, %rem3A_2791 : i32
      %mul3A_2802 = arith.constant 16 : i32
      %mul3A_2803 = arith.muli %select_n3A_2801, %mul3A_2802 : i32
      %swap3A_2804 = arith.constant 6 : i32
      %swap3A_2805 = arith.constant 7 : i32
      %swap3A_2806 = arith.index_cast %swap3A_2804 : i32 to index
      %swap3A_2807 = arith.index_cast %select_n3A_2785 : i32 to index
      %swap3A_2808 = arith.index_cast %swap3A_2805 : i32 to index
      %swap3A_2809 = arith.index_cast %mul3A_2803 : i32 to index
      %swap3A_2810 = tpu.vector_load %arg7[%swap3A_2806, %swap3A_2807, %swap3A_2808, %swap3A_2809] {strides = array<i32>} : memref<8x4x8x128xf32, #tpu.memory_space<vmem>>, vector<16xf32>,
      tpu.vector_store %arg7[%swap3A_2806, %swap3A_2807, %swap3A_2808, %swap3A_2809], %broadcast_in_dim3A_17 {strides = array<i32>} : memref<8x4x8x128xf32, #tpu.memory_space<vmem>>, vector<16xf32>,
      %jit3A_2811 = arith.constant 8 : i32
      %div3A_2812 = arith.divsi %mul3A_29, %jit3A_2811 : i32
      %sign3A_2813 = arith.constant 0 : i32
      %sign3A_2814 = arith.cmpi sgt, %mul3A_29, %sign3A_2813 : i32
      %sign3A_2815 = arith.extui %sign3A_2814 : i1 to i32
      %sign3A_2816 = arith.constant 0 : i32
      %sign3A_2817 = arith.cmpi slt, %mul3A_29, %sign3A_2816 : i32
      %sign3A_2818 = arith.extui %sign3A_2817 : i1 to i32
      %sign3A_2819 = arith.subi %sign3A_2815, %sign3A_2818 : i32
      %sign3A_2820 = arith.constant 0 : i32
      %sign3A_2821 = arith.cmpi sgt, %jit3A_2811, %sign3A_2820 : i32
      %sign3A_2822 = arith.extui %sign3A_2821 : i1 to i32
      %sign3A_2823 = arith.constant 0 : i32
      %sign3A_2824 = arith.cmpi slt, %jit3A_2811, %sign3A_2823 : i32
      %sign3A_2825 = arith.extui %sign3A_2824 : i1 to i32
      %sign3A_2826 = arith.subi %sign3A_2822, %sign3A_2825 : i32
      %ne3A_2827 = arith.cmpi ne, %sign3A_2819, %sign3A_2826 : i32
      %rem3A_2828 = arith.remsi %mul3A_29, %jit3A_2811 : i32
      %ne3A_2829 = arith.constant 0 : i32
      %ne3A_2830 = arith.cmpi ne, %rem3A_2828, %ne3A_2829 : i32
      %and3A_2831 = arith.andi %ne3A_2827, %ne3A_2830 : i1
      %sub3A_2832 = arith.constant 1 : i32
      %sub3A_2833 = arith.subi %div3A_2812, %sub3A_2832 : i32
      %select_n3A_2834 = arith.select %and3A_2831, %sub3A_2833, %div3A_2812 : i32
      %jit3A_2835 = arith.constant 8 : i32
      %eq3A_2836 = arith.constant 0 : i32
      %eq3A_2837 = arith.cmpi eq, %jit3A_2835, %eq3A_2836 : i32
      %jit3A_2838 = arith.constant 1 : i32
      %select_n3A_2839 = arith.select %eq3A_2837, %jit3A_2838, %jit3A_2835 : i32
      %rem3A_2840 = arith.remsi %mul3A_29, %select_n3A_2839 : i32
      %ne3A_2841 = arith.constant 0 : i32
      %ne3A_2842 = arith.cmpi ne, %rem3A_2840, %ne3A_2841 : i32
      %lt3A_2843 = arith.constant 0 : i32
      %lt3A_2844 = arith.cmpi slt, %rem3A_2840, %lt3A_2843 : i32
      %lt3A_2845 = arith.constant 0 : i32
      %lt3A_2846 = arith.cmpi slt, %select_n3A_2839, %lt3A_2845 : i32
      %ne3A_2847 = arith.xori %lt3A_2844, %lt3A_2846 : i1
      %and3A_2848 = arith.andi %ne3A_2847, %ne3A_2842 : i1
      %add3A_2849 = arith.addi %rem3A_2840, %select_n3A_2839 : i32
      %select_n3A_2850 = arith.select %and3A_2848, %add3A_2849, %rem3A_2840 : i32
      %mul3A_2851 = arith.constant 16 : i32
      %mul3A_2852 = arith.muli %select_n3A_2850, %mul3A_2851 : i32
      %swap3A_2853 = arith.constant 7 : i32
      %swap3A_2854 = arith.constant 0 : i32
      %swap3A_2855 = arith.index_cast %swap3A_2853 : i32 to index
      %swap3A_2856 = arith.index_cast %select_n3A_2834 : i32 to index
      %swap3A_2857 = arith.index_cast %swap3A_2854 : i32 to index
      %swap3A_2858 = arith.index_cast %mul3A_2852 : i32 to index
      %swap3A_2859 = tpu.vector_load %arg7[%swap3A_2855, %swap3A_2856, %swap3A_2857, %swap3A_2858] {strides = array<i32>} : memref<8x4x8x128xf32, #tpu.memory_space<vmem>>, vector<16xf32>,
      tpu.vector_store %arg7[%swap3A_2855, %swap3A_2856, %swap3A_2857, %swap3A_2858], %broadcast_in_dim3A_17 {strides = array<i32>} : memref<8x4x8x128xf32, #tpu.memory_space<vmem>>, vector<16xf32>,
      %jit3A_2860 = arith.constant 8 : i32
      %div3A_2861 = arith.divsi %mul3A_29, %jit3A_2860 : i32
      %sign3A_2862 = arith.constant 0 : i32
      %sign3A_2863 = arith.cmpi sgt, %mul3A_29, %sign3A_2862 : i32
      %sign3A_2864 = arith.extui %sign3A_2863 : i1 to i32
      %sign3A_2865 = arith.constant 0 : i32
      %sign3A_2866 = arith.cmpi slt, %mul3A_29, %sign3A_2865 : i32
      %sign3A_2867 = arith.extui %sign3A_2866 : i1 to i32
      %sign3A_2868 = arith.subi %sign3A_2864, %sign3A_2867 : i32
      %sign3A_2869 = arith.constant 0 : i32
      %sign3A_2870 = arith.cmpi sgt, %jit3A_2860, %sign3A_2869 : i32
      %sign3A_2871 = arith.extui %sign3A_2870 : i1 to i32
      %sign3A_2872 = arith.constant 0 : i32
      %sign3A_2873 = arith.cmpi slt, %jit3A_2860, %sign3A_2872 : i32
      %sign3A_2874 = arith.extui %sign3A_2873 : i1 to i32
      %sign3A_2875 = arith.subi %sign3A_2871, %sign3A_2874 : i32
      %ne3A_2876 = arith.cmpi ne, %sign3A_2868, %sign3A_2875 : i32
      %rem3A_2877 = arith.remsi %mul3A_29, %jit3A_2860 : i32
      %ne3A_2878 = arith.constant 0 : i32
      %ne3A_2879 = arith.cmpi ne, %rem3A_2877, %ne3A_2878 : i32
      %and3A_2880 = arith.andi %ne3A_2876, %ne3A_2879 : i1
      %sub3A_2881 = arith.constant 1 : i32
      %sub3A_2882 = arith.subi %div3A_2861, %sub3A_2881 : i32
      %select_n3A_2883 = arith.select %and3A_2880, %sub3A_2882, %div3A_2861 : i32
      %jit3A_2884 = arith.constant 8 : i32
      %eq3A_2885 = arith.constant 0 : i32
      %eq3A_2886 = arith.cmpi eq, %jit3A_2884, %eq3A_2885 : i32
      %jit3A_2887 = arith.constant 1 : i32
      %select_n3A_2888 = arith.select %eq3A_2886, %jit3A_2887, %jit3A_2884 : i32
      %rem3A_2889 = arith.remsi %mul3A_29, %select_n3A_2888 : i32
      %ne3A_2890 = arith.constant 0 : i32
      %ne3A_2891 = arith.cmpi ne, %rem3A_2889, %ne3A_2890 : i32
      %lt3A_2892 = arith.constant 0 : i32
      %lt3A_2893 = arith.cmpi slt, %rem3A_2889, %lt3A_2892 : i32
      %lt3A_2894 = arith.constant 0 : i32
      %lt3A_2895 = arith.cmpi slt, %select_n3A_2888, %lt3A_2894 : i32
      %ne3A_2896 = arith.xori %lt3A_2893, %lt3A_2895 : i1
      %and3A_2897 = arith.andi %ne3A_2896, %ne3A_2891 : i1
      %add3A_2898 = arith.addi %rem3A_2889, %select_n3A_2888 : i32
      %select_n3A_2899 = arith.select %and3A_2897, %add3A_2898, %rem3A_2889 : i32
      %mul3A_2900 = arith.constant 16 : i32
      %mul3A_2901 = arith.muli %select_n3A_2899, %mul3A_2900 : i32
      %swap3A_2902 = arith.constant 7 : i32
      %swap3A_2903 = arith.constant 1 : i32
      %swap3A_2904 = arith.index_cast %swap3A_2902 : i32 to index
      %swap3A_2905 = arith.index_cast %select_n3A_2883 : i32 to index
      %swap3A_2906 = arith.index_cast %swap3A_2903 : i32 to index
      %swap3A_2907 = arith.index_cast %mul3A_2901 : i32 to index
      %swap3A_2908 = tpu.vector_load %arg7[%swap3A_2904, %swap3A_2905, %swap3A_2906, %swap3A_2907] {strides = array<i32>} : memref<8x4x8x128xf32, #tpu.memory_space<vmem>>, vector<16xf32>,
      tpu.vector_store %arg7[%swap3A_2904, %swap3A_2905, %swap3A_2906, %swap3A_2907], %broadcast_in_dim3A_17 {strides = array<i32>} : memref<8x4x8x128xf32, #tpu.memory_space<vmem>>, vector<16xf32>,
      %jit3A_2909 = arith.constant 8 : i32
      %div3A_2910 = arith.divsi %mul3A_29, %jit3A_2909 : i32
      %sign3A_2911 = arith.constant 0 : i32
      %sign3A_2912 = arith.cmpi sgt, %mul3A_29, %sign3A_2911 : i32
      %sign3A_2913 = arith.extui %sign3A_2912 : i1 to i32
      %sign3A_2914 = arith.constant 0 : i32
      %sign3A_2915 = arith.cmpi slt, %mul3A_29, %sign3A_2914 : i32
      %sign3A_2916 = arith.extui %sign3A_2915 : i1 to i32
      %sign3A_2917 = arith.subi %sign3A_2913, %sign3A_2916 : i32
      %sign3A_2918 = arith.constant 0 : i32
      %sign3A_2919 = arith.cmpi sgt, %jit3A_2909, %sign3A_2918 : i32
      %sign3A_2920 = arith.extui %sign3A_2919 : i1 to i32
      %sign3A_2921 = arith.constant 0 : i32
      %sign3A_2922 = arith.cmpi slt, %jit3A_2909, %sign3A_2921 : i32
      %sign3A_2923 = arith.extui %sign3A_2922 : i1 to i32
      %sign3A_2924 = arith.subi %sign3A_2920, %sign3A_2923 : i32
      %ne3A_2925 = arith.cmpi ne, %sign3A_2917, %sign3A_2924 : i32
      %rem3A_2926 = arith.remsi %mul3A_29, %jit3A_2909 : i32
      %ne3A_2927 = arith.constant 0 : i32
      %ne3A_2928 = arith.cmpi ne, %rem3A_2926, %ne3A_2927 : i32
      %and3A_2929 = arith.andi %ne3A_2925, %ne3A_2928 : i1
      %sub3A_2930 = arith.constant 1 : i32
      %sub3A_2931 = arith.subi %div3A_2910, %sub3A_2930 : i32
      %select_n3A_2932 = arith.select %and3A_2929, %sub3A_2931, %div3A_2910 : i32
      %jit3A_2933 = arith.constant 8 : i32
      %eq3A_2934 = arith.constant 0 : i32
      %eq3A_2935 = arith.cmpi eq, %jit3A_2933, %eq3A_2934 : i32
      %jit3A_2936 = arith.constant 1 : i32
      %select_n3A_2937 = arith.select %eq3A_2935, %jit3A_2936, %jit3A_2933 : i32
      %rem3A_2938 = arith.remsi %mul3A_29, %select_n3A_2937 : i32
      %ne3A_2939 = arith.constant 0 : i32
      %ne3A_2940 = arith.cmpi ne, %rem3A_2938, %ne3A_2939 : i32
      %lt3A_2941 = arith.constant 0 : i32
      %lt3A_2942 = arith.cmpi slt, %rem3A_2938, %lt3A_2941 : i32
      %lt3A_2943 = arith.constant 0 : i32
      %lt3A_2944 = arith.cmpi slt, %select_n3A_2937, %lt3A_2943 : i32
      %ne3A_2945 = arith.xori %lt3A_2942, %lt3A_2944 : i1
      %and3A_2946 = arith.andi %ne3A_2945, %ne3A_2940 : i1
      %add3A_2947 = arith.addi %rem3A_2938, %select_n3A_2937 : i32
      %select_n3A_2948 = arith.select %and3A_2946, %add3A_2947, %rem3A_2938 : i32
      %mul3A_2949 = arith.constant 16 : i32
      %mul3A_2950 = arith.muli %select_n3A_2948, %mul3A_2949 : i32
      %swap3A_2951 = arith.constant 7 : i32
      %swap3A_2952 = arith.constant 2 : i32
      %swap3A_2953 = arith.index_cast %swap3A_2951 : i32 to index
      %swap3A_2954 = arith.index_cast %select_n3A_2932 : i32 to index
      %swap3A_2955 = arith.index_cast %swap3A_2952 : i32 to index
      %swap3A_2956 = arith.index_cast %mul3A_2950 : i32 to index
      %swap3A_2957 = tpu.vector_load %arg7[%swap3A_2953, %swap3A_2954, %swap3A_2955, %swap3A_2956] {strides = array<i32>} : memref<8x4x8x128xf32, #tpu.memory_space<vmem>>, vector<16xf32>,
      tpu.vector_store %arg7[%swap3A_2953, %swap3A_2954, %swap3A_2955, %swap3A_2956], %broadcast_in_dim3A_17 {strides = array<i32>} : memref<8x4x8x128xf32, #tpu.memory_space<vmem>>, vector<16xf32>,
      %jit3A_2958 = arith.constant 8 : i32
      %div3A_2959 = arith.divsi %mul3A_29, %jit3A_2958 : i32
      %sign3A_2960 = arith.constant 0 : i32
      %sign3A_2961 = arith.cmpi sgt, %mul3A_29, %sign3A_2960 : i32
      %sign3A_2962 = arith.extui %sign3A_2961 : i1 to i32
      %sign3A_2963 = arith.constant 0 : i32
      %sign3A_2964 = arith.cmpi slt, %mul3A_29, %sign3A_2963 : i32
      %sign3A_2965 = arith.extui %sign3A_2964 : i1 to i32
      %sign3A_2966 = arith.subi %sign3A_2962, %sign3A_2965 : i32
      %sign3A_2967 = arith.constant 0 : i32
      %sign3A_2968 = arith.cmpi sgt, %jit3A_2958, %sign3A_2967 : i32
      %sign3A_2969 = arith.extui %sign3A_2968 : i1 to i32
      %sign3A_2970 = arith.constant 0 : i32
      %sign3A_2971 = arith.cmpi slt, %jit3A_2958, %sign3A_2970 : i32
      %sign3A_2972 = arith.extui %sign3A_2971 : i1 to i32
      %sign3A_2973 = arith.subi %sign3A_2969, %sign3A_2972 : i32
      %ne3A_2974 = arith.cmpi ne, %sign3A_2966, %sign3A_2973 : i32
      %rem3A_2975 = arith.remsi %mul3A_29, %jit3A_2958 : i32
      %ne3A_2976 = arith.constant 0 : i32
      %ne3A_2977 = arith.cmpi ne, %rem3A_2975, %ne3A_2976 : i32
      %and3A_2978 = arith.andi %ne3A_2974, %ne3A_2977 : i1
      %sub3A_2979 = arith.constant 1 : i32
      %sub3A_2980 = arith.subi %div3A_2959, %sub3A_2979 : i32
      %select_n3A_2981 = arith.select %and3A_2978, %sub3A_2980, %div3A_2959 : i32
      %jit3A_2982 = arith.constant 8 : i32
      %eq3A_2983 = arith.constant 0 : i32
      %eq3A_2984 = arith.cmpi eq, %jit3A_2982, %eq3A_2983 : i32
      %jit3A_2985 = arith.constant 1 : i32
      %select_n3A_2986 = arith.select %eq3A_2984, %jit3A_2985, %jit3A_2982 : i32
      %rem3A_2987 = arith.remsi %mul3A_29, %select_n3A_2986 : i32
      %ne3A_2988 = arith.constant 0 : i32
      %ne3A_2989 = arith.cmpi ne, %rem3A_2987, %ne3A_2988 : i32
      %lt3A_2990 = arith.constant 0 : i32
      %lt3A_2991 = arith.cmpi slt, %rem3A_2987, %lt3A_2990 : i32
      %lt3A_2992 = arith.constant 0 : i32
      %lt3A_2993 = arith.cmpi slt, %select_n3A_2986, %lt3A_2992 : i32
      %ne3A_2994 = arith.xori %lt3A_2991, %lt3A_2993 : i1
      %and3A_2995 = arith.andi %ne3A_2994, %ne3A_2989 : i1
      %add3A_2996 = arith.addi %rem3A_2987, %select_n3A_2986 : i32
      %select_n3A_2997 = arith.select %and3A_2995, %add3A_2996, %rem3A_2987 : i32
      %mul3A_2998 = arith.constant 16 : i32
      %mul3A_2999 = arith.muli %select_n3A_2997, %mul3A_2998 : i32
      %swap3A_3000 = arith.constant 7 : i32
      %swap3A_3001 = arith.constant 3 : i32
      %swap3A_3002 = arith.index_cast %swap3A_3000 : i32 to index
      %swap3A_3003 = arith.index_cast %select_n3A_2981 : i32 to index
      %swap3A_3004 = arith.index_cast %swap3A_3001 : i32 to index
      %swap3A_3005 = arith.index_cast %mul3A_2999 : i32 to index
      %swap3A_3006 = tpu.vector_load %arg7[%swap3A_3002, %swap3A_3003, %swap3A_3004, %swap3A_3005] {strides = array<i32>} : memref<8x4x8x128xf32, #tpu.memory_space<vmem>>, vector<16xf32>,
      tpu.vector_store %arg7[%swap3A_3002, %swap3A_3003, %swap3A_3004, %swap3A_3005], %broadcast_in_dim3A_17 {strides = array<i32>} : memref<8x4x8x128xf32, #tpu.memory_space<vmem>>, vector<16xf32>,
      %jit3A_3007 = arith.constant 8 : i32
      %div3A_3008 = arith.divsi %mul3A_29, %jit3A_3007 : i32
      %sign3A_3009 = arith.constant 0 : i32
      %sign3A_3010 = arith.cmpi sgt, %mul3A_29, %sign3A_3009 : i32
      %sign3A_3011 = arith.extui %sign3A_3010 : i1 to i32
      %sign3A_3012 = arith.constant 0 : i32
      %sign3A_3013 = arith.cmpi slt, %mul3A_29, %sign3A_3012 : i32
      %sign3A_3014 = arith.extui %sign3A_3013 : i1 to i32
      %sign3A_3015 = arith.subi %sign3A_3011, %sign3A_3014 : i32
      %sign3A_3016 = arith.constant 0 : i32
      %sign3A_3017 = arith.cmpi sgt, %jit3A_3007, %sign3A_3016 : i32
      %sign3A_3018 = arith.extui %sign3A_3017 : i1 to i32
      %sign3A_3019 = arith.constant 0 : i32
      %sign3A_3020 = arith.cmpi slt, %jit3A_3007, %sign3A_3019 : i32
      %sign3A_3021 = arith.extui %sign3A_3020 : i1 to i32
      %sign3A_3022 = arith.subi %sign3A_3018, %sign3A_3021 : i32
      %ne3A_3023 = arith.cmpi ne, %sign3A_3015, %sign3A_3022 : i32
      %rem3A_3024 = arith.remsi %mul3A_29, %jit3A_3007 : i32
      %ne3A_3025 = arith.constant 0 : i32
      %ne3A_3026 = arith.cmpi ne, %rem3A_3024, %ne3A_3025 : i32
      %and3A_3027 = arith.andi %ne3A_3023, %ne3A_3026 : i1
      %sub3A_3028 = arith.constant 1 : i32
      %sub3A_3029 = arith.subi %div3A_3008, %sub3A_3028 : i32
      %select_n3A_3030 = arith.select %and3A_3027, %sub3A_3029, %div3A_3008 : i32
      %jit3A_3031 = arith.constant 8 : i32
      %eq3A_3032 = arith.constant 0 : i32
      %eq3A_3033 = arith.cmpi eq, %jit3A_3031, %eq3A_3032 : i32
      %jit3A_3034 = arith.constant 1 : i32
      %select_n3A_3035 = arith.select %eq3A_3033, %jit3A_3034, %jit3A_3031 : i32
      %rem3A_3036 = arith.remsi %mul3A_29, %select_n3A_3035 : i32
      %ne3A_3037 = arith.constant 0 : i32
      %ne3A_3038 = arith.cmpi ne, %rem3A_3036, %ne3A_3037 : i32
      %lt3A_3039 = arith.constant 0 : i32
      %lt3A_3040 = arith.cmpi slt, %rem3A_3036, %lt3A_3039 : i32
      %lt3A_3041 = arith.constant 0 : i32
      %lt3A_3042 = arith.cmpi slt, %select_n3A_3035, %lt3A_3041 : i32
      %ne3A_3043 = arith.xori %lt3A_3040, %lt3A_3042 : i1
      %and3A_3044 = arith.andi %ne3A_3043, %ne3A_3038 : i1
      %add3A_3045 = arith.addi %rem3A_3036, %select_n3A_3035 : i32
      %select_n3A_3046 = arith.select %and3A_3044, %add3A_3045, %rem3A_3036 : i32
      %mul3A_3047 = arith.constant 16 : i32
      %mul3A_3048 = arith.muli %select_n3A_3046, %mul3A_3047 : i32
      %swap3A_3049 = arith.constant 7 : i32
      %swap3A_3050 = arith.constant 4 : i32
      %swap3A_3051 = arith.index_cast %swap3A_3049 : i32 to index
      %swap3A_3052 = arith.index_cast %select_n3A_3030 : i32 to index
      %swap3A_3053 = arith.index_cast %swap3A_3050 : i32 to index
      %swap3A_3054 = arith.index_cast %mul3A_3048 : i32 to index
      %swap3A_3055 = tpu.vector_load %arg7[%swap3A_3051, %swap3A_3052, %swap3A_3053, %swap3A_3054] {strides = array<i32>} : memref<8x4x8x128xf32, #tpu.memory_space<vmem>>, vector<16xf32>,
      tpu.vector_store %arg7[%swap3A_3051, %swap3A_3052, %swap3A_3053, %swap3A_3054], %broadcast_in_dim3A_17 {strides = array<i32>} : memref<8x4x8x128xf32, #tpu.memory_space<vmem>>, vector<16xf32>,
      %jit3A_3056 = arith.constant 8 : i32
      %div3A_3057 = arith.divsi %mul3A_29, %jit3A_3056 : i32
      %sign3A_3058 = arith.constant 0 : i32
      %sign3A_3059 = arith.cmpi sgt, %mul3A_29, %sign3A_3058 : i32
      %sign3A_3060 = arith.extui %sign3A_3059 : i1 to i32
      %sign3A_3061 = arith.constant 0 : i32
      %sign3A_3062 = arith.cmpi slt, %mul3A_29, %sign3A_3061 : i32
      %sign3A_3063 = arith.extui %sign3A_3062 : i1 to i32
      %sign3A_3064 = arith.subi %sign3A_3060, %sign3A_3063 : i32
      %sign3A_3065 = arith.constant 0 : i32
      %sign3A_3066 = arith.cmpi sgt, %jit3A_3056, %sign3A_3065 : i32
      %sign3A_3067 = arith.extui %sign3A_3066 : i1 to i32
      %sign3A_3068 = arith.constant 0 : i32
      %sign3A_3069 = arith.cmpi slt, %jit3A_3056, %sign3A_3068 : i32
      %sign3A_3070 = arith.extui %sign3A_3069 : i1 to i32
      %sign3A_3071 = arith.subi %sign3A_3067, %sign3A_3070 : i32
      %ne3A_3072 = arith.cmpi ne, %sign3A_3064, %sign3A_3071 : i32
      %rem3A_3073 = arith.remsi %mul3A_29, %jit3A_3056 : i32
      %ne3A_3074 = arith.constant 0 : i32
      %ne3A_3075 = arith.cmpi ne, %rem3A_3073, %ne3A_3074 : i32
      %and3A_3076 = arith.andi %ne3A_3072, %ne3A_3075 : i1
      %sub3A_3077 = arith.constant 1 : i32
      %sub3A_3078 = arith.subi %div3A_3057, %sub3A_3077 : i32
      %select_n3A_3079 = arith.select %and3A_3076, %sub3A_3078, %div3A_3057 : i32
      %jit3A_3080 = arith.constant 8 : i32
      %eq3A_3081 = arith.constant 0 : i32
      %eq3A_3082 = arith.cmpi eq, %jit3A_3080, %eq3A_3081 : i32
      %jit3A_3083 = arith.constant 1 : i32
      %select_n3A_3084 = arith.select %eq3A_3082, %jit3A_3083, %jit3A_3080 : i32
      %rem3A_3085 = arith.remsi %mul3A_29, %select_n3A_3084 : i32
      %ne3A_3086 = arith.constant 0 : i32
      %ne3A_3087 = arith.cmpi ne, %rem3A_3085, %ne3A_3086 : i32
      %lt3A_3088 = arith.constant 0 : i32
      %lt3A_3089 = arith.cmpi slt, %rem3A_3085, %lt3A_3088 : i32
      %lt3A_3090 = arith.constant 0 : i32
      %lt3A_3091 = arith.cmpi slt, %select_n3A_3084, %lt3A_3090 : i32
      %ne3A_3092 = arith.xori %lt3A_3089, %lt3A_3091 : i1
      %and3A_3093 = arith.andi %ne3A_3092, %ne3A_3087 : i1
      %add3A_3094 = arith.addi %rem3A_3085, %select_n3A_3084 : i32
      %select_n3A_3095 = arith.select %and3A_3093, %add3A_3094, %rem3A_3085 : i32
      %mul3A_3096 = arith.constant 16 : i32
      %mul3A_3097 = arith.muli %select_n3A_3095, %mul3A_3096 : i32
      %swap3A_3098 = arith.constant 7 : i32
      %swap3A_3099 = arith.constant 5 : i32
      %swap3A_3100 = arith.index_cast %swap3A_3098 : i32 to index
      %swap3A_3101 = arith.index_cast %select_n3A_3079 : i32 to index
      %swap3A_3102 = arith.index_cast %swap3A_3099 : i32 to index
      %swap3A_3103 = arith.index_cast %mul3A_3097 : i32 to index
      %swap3A_3104 = tpu.vector_load %arg7[%swap3A_3100, %swap3A_3101, %swap3A_3102, %swap3A_3103] {strides = array<i32>} : memref<8x4x8x128xf32, #tpu.memory_space<vmem>>, vector<16xf32>,
      tpu.vector_store %arg7[%swap3A_3100, %swap3A_3101, %swap3A_3102, %swap3A_3103], %broadcast_in_dim3A_17 {strides = array<i32>} : memref<8x4x8x128xf32, #tpu.memory_space<vmem>>, vector<16xf32>,
      %jit3A_3105 = arith.constant 8 : i32
      %div3A_3106 = arith.divsi %mul3A_29, %jit3A_3105 : i32
      %sign3A_3107 = arith.constant 0 : i32
      %sign3A_3108 = arith.cmpi sgt, %mul3A_29, %sign3A_3107 : i32
      %sign3A_3109 = arith.extui %sign3A_3108 : i1 to i32
      %sign3A_3110 = arith.constant 0 : i32
      %sign3A_3111 = arith.cmpi slt, %mul3A_29, %sign3A_3110 : i32
      %sign3A_3112 = arith.extui %sign3A_3111 : i1 to i32
      %sign3A_3113 = arith.subi %sign3A_3109, %sign3A_3112 : i32
      %sign3A_3114 = arith.constant 0 : i32
      %sign3A_3115 = arith.cmpi sgt, %jit3A_3105, %sign3A_3114 : i32
      %sign3A_3116 = arith.extui %sign3A_3115 : i1 to i32
      %sign3A_3117 = arith.constant 0 : i32
      %sign3A_3118 = arith.cmpi slt, %jit3A_3105, %sign3A_3117 : i32
      %sign3A_3119 = arith.extui %sign3A_3118 : i1 to i32
      %sign3A_3120 = arith.subi %sign3A_3116, %sign3A_3119 : i32
      %ne3A_3121 = arith.cmpi ne, %sign3A_3113, %sign3A_3120 : i32
      %rem3A_3122 = arith.remsi %mul3A_29, %jit3A_3105 : i32
      %ne3A_3123 = arith.constant 0 : i32
      %ne3A_3124 = arith.cmpi ne, %rem3A_3122, %ne3A_3123 : i32
      %and3A_3125 = arith.andi %ne3A_3121, %ne3A_3124 : i1
      %sub3A_3126 = arith.constant 1 : i32
      %sub3A_3127 = arith.subi %div3A_3106, %sub3A_3126 : i32
      %select_n3A_3128 = arith.select %and3A_3125, %sub3A_3127, %div3A_3106 : i32
      %jit3A_3129 = arith.constant 8 : i32
      %eq3A_3130 = arith.constant 0 : i32
      %eq3A_3131 = arith.cmpi eq, %jit3A_3129, %eq3A_3130 : i32
      %jit3A_3132 = arith.constant 1 : i32
      %select_n3A_3133 = arith.select %eq3A_3131, %jit3A_3132, %jit3A_3129 : i32
      %rem3A_3134 = arith.remsi %mul3A_29, %select_n3A_3133 : i32
      %ne3A_3135 = arith.constant 0 : i32
      %ne3A_3136 = arith.cmpi ne, %rem3A_3134, %ne3A_3135 : i32
      %lt3A_3137 = arith.constant 0 : i32
      %lt3A_3138 = arith.cmpi slt, %rem3A_3134, %lt3A_3137 : i32
      %lt3A_3139 = arith.constant 0 : i32
      %lt3A_3140 = arith.cmpi slt, %select_n3A_3133, %lt3A_3139 : i32
      %ne3A_3141 = arith.xori %lt3A_3138, %lt3A_3140 : i1
      %and3A_3142 = arith.andi %ne3A_3141, %ne3A_3136 : i1
      %add3A_3143 = arith.addi %rem3A_3134, %select_n3A_3133 : i32
      %select_n3A_3144 = arith.select %and3A_3142, %add3A_3143, %rem3A_3134 : i32
      %mul3A_3145 = arith.constant 16 : i32
      %mul3A_3146 = arith.muli %select_n3A_3144, %mul3A_3145 : i32
      %swap3A_3147 = arith.constant 7 : i32
      %swap3A_3148 = arith.constant 6 : i32
      %swap3A_3149 = arith.index_cast %swap3A_3147 : i32 to index
      %swap3A_3150 = arith.index_cast %select_n3A_3128 : i32 to index
      %swap3A_3151 = arith.index_cast %swap3A_3148 : i32 to index
      %swap3A_3152 = arith.index_cast %mul3A_3146 : i32 to index
      %swap3A_3153 = tpu.vector_load %arg7[%swap3A_3149, %swap3A_3150, %swap3A_3151, %swap3A_3152] {strides = array<i32>} : memref<8x4x8x128xf32, #tpu.memory_space<vmem>>, vector<16xf32>,
      tpu.vector_store %arg7[%swap3A_3149, %swap3A_3150, %swap3A_3151, %swap3A_3152], %broadcast_in_dim3A_17 {strides = array<i32>} : memref<8x4x8x128xf32, #tpu.memory_space<vmem>>, vector<16xf32>,
      %jit3A_3154 = arith.constant 8 : i32
      %div3A_3155 = arith.divsi %mul3A_29, %jit3A_3154 : i32
      %sign3A_3156 = arith.constant 0 : i32
      %sign3A_3157 = arith.cmpi sgt, %mul3A_29, %sign3A_3156 : i32
      %sign3A_3158 = arith.extui %sign3A_3157 : i1 to i32
      %sign3A_3159 = arith.constant 0 : i32
      %sign3A_3160 = arith.cmpi slt, %mul3A_29, %sign3A_3159 : i32
      %sign3A_3161 = arith.extui %sign3A_3160 : i1 to i32
      %sign3A_3162 = arith.subi %sign3A_3158, %sign3A_3161 : i32
      %sign3A_3163 = arith.constant 0 : i32
      %sign3A_3164 = arith.cmpi sgt, %jit3A_3154, %sign3A_3163 : i32
      %sign3A_3165 = arith.extui %sign3A_3164 : i1 to i32
      %sign3A_3166 = arith.constant 0 : i32
      %sign3A_3167 = arith.cmpi slt, %jit3A_3154, %sign3A_3166 : i32
      %sign3A_3168 = arith.extui %sign3A_3167 : i1 to i32
      %sign3A_3169 = arith.subi %sign3A_3165, %sign3A_3168 : i32
      %ne3A_3170 = arith.cmpi ne, %sign3A_3162, %sign3A_3169 : i32
      %rem3A_3171 = arith.remsi %mul3A_29, %jit3A_3154 : i32
      %ne3A_3172 = arith.constant 0 : i32
      %ne3A_3173 = arith.cmpi ne, %rem3A_3171, %ne3A_3172 : i32
      %and3A_3174 = arith.andi %ne3A_3170, %ne3A_3173 : i1
      %sub3A_3175 = arith.constant 1 : i32
      %sub3A_3176 = arith.subi %div3A_3155, %sub3A_3175 : i32
      %select_n3A_3177 = arith.select %and3A_3174, %sub3A_3176, %div3A_3155 : i32
      %jit3A_3178 = arith.constant 8 : i32
      %eq3A_3179 = arith.constant 0 : i32
      %eq3A_3180 = arith.cmpi eq, %jit3A_3178, %eq3A_3179 : i32
      %jit3A_3181 = arith.constant 1 : i32
      %select_n3A_3182 = arith.select %eq3A_3180, %jit3A_3181, %jit3A_3178 : i32
      %rem3A_3183 = arith.remsi %mul3A_29, %select_n3A_3182 : i32
      %ne3A_3184 = arith.constant 0 : i32
      %ne3A_3185 = arith.cmpi ne, %rem3A_3183, %ne3A_3184 : i32
      %lt3A_3186 = arith.constant 0 : i32
      %lt3A_3187 = arith.cmpi slt, %rem3A_3183, %lt3A_3186 : i32
      %lt3A_3188 = arith.constant 0 : i32
      %lt3A_3189 = arith.cmpi slt, %select_n3A_3182, %lt3A_3188 : i32
      %ne3A_3190 = arith.xori %lt3A_3187, %lt3A_3189 : i1
      %and3A_3191 = arith.andi %ne3A_3190, %ne3A_3185 : i1
      %add3A_3192 = arith.addi %rem3A_3183, %select_n3A_3182 : i32
      %select_n3A_3193 = arith.select %and3A_3191, %add3A_3192, %rem3A_3183 : i32
      %mul3A_3194 = arith.constant 16 : i32
      %mul3A_3195 = arith.muli %select_n3A_3193, %mul3A_3194 : i32
      %swap3A_3196 = arith.constant 7 : i32
      %swap3A_3197 = arith.constant 7 : i32
      %swap3A_3198 = arith.index_cast %swap3A_3196 : i32 to index
      %swap3A_3199 = arith.index_cast %select_n3A_3177 : i32 to index
      %swap3A_3200 = arith.index_cast %swap3A_3197 : i32 to index
      %swap3A_3201 = arith.index_cast %mul3A_3195 : i32 to index
      %swap3A_3202 = tpu.vector_load %arg7[%swap3A_3198, %swap3A_3199, %swap3A_3200, %swap3A_3201] {strides = array<i32>} : memref<8x4x8x128xf32, #tpu.memory_space<vmem>>, vector<16xf32>,
      tpu.vector_store %arg7[%swap3A_3198, %swap3A_3199, %swap3A_3200, %swap3A_3201], %broadcast_in_dim3A_17 {strides = array<i32>} : memref<8x4x8x128xf32, #tpu.memory_space<vmem>>, vector<16xf32>,
      %broadcast_in_dim3A_3203 = arith.constant 0 : i32
      %broadcast_in_dim3A_3204 = vector.broadcast %broadcast_in_dim3A_3203 : i32 to vector<16xi32>
      %broadcast_in_dim3A_3205 = arith.constant 0 : i32
      %broadcast_in_dim3A_3206 = vector.broadcast %broadcast_in_dim3A_3205 : i32 to vector<16xi32>
      %gather3A = tpu.vector_load_idx %arg6[%broadcast_in_dim3A_3204, %add3A_49, %broadcast_in_dim3A_3206, %add3A_67] : memref<4x4x8x128xi32, #tpu.memory_space<vmem>>[vector<16xi32>, vector<16xi32>, vector<16xi32>, vector<16xi32>], vector<16xi32>,
      %gather3A_3207 = tpu.vector_load_idx %arg5[%gather3A] : memref<64xf32, #tpu.memory_space<vmem>>[vector<16xi32>], vector<16xf32>,
      %broadcast_in_dim3A_3208 = arith.constant 0 : i32
      %broadcast_in_dim3A_3209 = vector.broadcast %broadcast_in_dim3A_3208 : i32 to vector<16xi32>
      %broadcast_in_dim3A_3210 = arith.constant 1 : i32
      %broadcast_in_dim3A_3211 = vector.broadcast %broadcast_in_dim3A_3210 : i32 to vector<16xi32>
      %gather3A_3212 = tpu.vector_load_idx %arg6[%broadcast_in_dim3A_3209, %add3A_49, %broadcast_in_dim3A_3211, %add3A_67] : memref<4x4x8x128xi32, #tpu.memory_space<vmem>>[vector<16xi32>, vector<16xi32>, vector<16xi32>, vector<16xi32>], vector<16xi32>,
      %gather3A_3213 = tpu.vector_load_idx %arg5[%gather3A_3212] : memref<64xf32, #tpu.memory_space<vmem>>[vector<16xi32>], vector<16xf32>,
      %broadcast_in_dim3A_3214 = arith.constant 0 : i32
      %broadcast_in_dim3A_3215 = vector.broadcast %broadcast_in_dim3A_3214 : i32 to vector<16xi32>
      %broadcast_in_dim3A_3216 = arith.constant 2 : i32
      %broadcast_in_dim3A_3217 = vector.broadcast %broadcast_in_dim3A_3216 : i32 to vector<16xi32>
      %gather3A_3218 = tpu.vector_load_idx %arg6[%broadcast_in_dim3A_3215, %add3A_49, %broadcast_in_dim3A_3217, %add3A_67] : memref<4x4x8x128xi32, #tpu.memory_space<vmem>>[vector<16xi32>, vector<16xi32>, vector<16xi32>, vector<16xi32>], vector<16xi32>,
      %gather3A_3219 = tpu.vector_load_idx %arg5[%gather3A_3218] : memref<64xf32, #tpu.memory_space<vmem>>[vector<16xi32>], vector<16xf32>,
      %broadcast_in_dim3A_3220 = arith.constant 0 : i32
      %broadcast_in_dim3A_3221 = vector.broadcast %broadcast_in_dim3A_3220 : i32 to vector<16xi32>
      %broadcast_in_dim3A_3222 = arith.constant 3 : i32
      %broadcast_in_dim3A_3223 = vector.broadcast %broadcast_in_dim3A_3222 : i32 to vector<16xi32>
      %gather3A_3224 = tpu.vector_load_idx %arg6[%broadcast_in_dim3A_3221, %add3A_49, %broadcast_in_dim3A_3223, %add3A_67] : memref<4x4x8x128xi32, #tpu.memory_space<vmem>>[vector<16xi32>, vector<16xi32>, vector<16xi32>, vector<16xi32>], vector<16xi32>,
      %gather3A_3225 = tpu.vector_load_idx %arg5[%gather3A_3224] : memref<64xf32, #tpu.memory_space<vmem>>[vector<16xi32>], vector<16xf32>,
      %broadcast_in_dim3A_3226 = arith.constant 0 : i32
      %broadcast_in_dim3A_3227 = vector.broadcast %broadcast_in_dim3A_3226 : i32 to vector<16xi32>
      %broadcast_in_dim3A_3228 = arith.constant 4 : i32
      %broadcast_in_dim3A_3229 = vector.broadcast %broadcast_in_dim3A_3228 : i32 to vector<16xi32>
      %gather3A_3230 = tpu.vector_load_idx %arg6[%broadcast_in_dim3A_3227, %add3A_49, %broadcast_in_dim3A_3229, %add3A_67] : memref<4x4x8x128xi32, #tpu.memory_space<vmem>>[vector<16xi32>, vector<16xi32>, vector<16xi32>, vector<16xi32>], vector<16xi32>,
      %gather3A_3231 = tpu.vector_load_idx %arg5[%gather3A_3230] : memref<64xf32, #tpu.memory_space<vmem>>[vector<16xi32>], vector<16xf32>,
      %broadcast_in_dim3A_3232 = arith.constant 0 : i32
      %broadcast_in_dim3A_3233 = vector.broadcast %broadcast_in_dim3A_3232 : i32 to vector<16xi32>
      %broadcast_in_dim3A_3234 = arith.constant 5 : i32
      %broadcast_in_dim3A_3235 = vector.broadcast %broadcast_in_dim3A_3234 : i32 to vector<16xi32>
      %gather3A_3236 = tpu.vector_load_idx %arg6[%broadcast_in_dim3A_3233, %add3A_49, %broadcast_in_dim3A_3235, %add3A_67] : memref<4x4x8x128xi32, #tpu.memory_space<vmem>>[vector<16xi32>, vector<16xi32>, vector<16xi32>, vector<16xi32>], vector<16xi32>,
      %gather3A_3237 = tpu.vector_load_idx %arg5[%gather3A_3236] : memref<64xf32, #tpu.memory_space<vmem>>[vector<16xi32>], vector<16xf32>,
      %broadcast_in_dim3A_3238 = arith.constant 0 : i32
      %broadcast_in_dim3A_3239 = vector.broadcast %broadcast_in_dim3A_3238 : i32 to vector<16xi32>
      %broadcast_in_dim3A_3240 = arith.constant 6 : i32
      %broadcast_in_dim3A_3241 = vector.broadcast %broadcast_in_dim3A_3240 : i32 to vector<16xi32>
      %gather3A_3242 = tpu.vector_load_idx %arg6[%broadcast_in_dim3A_3239, %add3A_49, %broadcast_in_dim3A_3241, %add3A_67] : memref<4x4x8x128xi32, #tpu.memory_space<vmem>>[vector<16xi32>, vector<16xi32>, vector<16xi32>, vector<16xi32>], vector<16xi32>,
      %gather3A_3243 = tpu.vector_load_idx %arg5[%gather3A_3242] : memref<64xf32, #tpu.memory_space<vmem>>[vector<16xi32>], vector<16xf32>,
      %broadcast_in_dim3A_3244 = arith.constant 0 : i32
      %broadcast_in_dim3A_3245 = vector.broadcast %broadcast_in_dim3A_3244 : i32 to vector<16xi32>
      %broadcast_in_dim3A_3246 = arith.constant 7 : i32
      %broadcast_in_dim3A_3247 = vector.broadcast %broadcast_in_dim3A_3246 : i32 to vector<16xi32>
      %gather3A_3248 = tpu.vector_load_idx %arg6[%broadcast_in_dim3A_3245, %add3A_49, %broadcast_in_dim3A_3247, %add3A_67] : memref<4x4x8x128xi32, #tpu.memory_space<vmem>>[vector<16xi32>, vector<16xi32>, vector<16xi32>, vector<16xi32>], vector<16xi32>,
      %gather3A_3249 = tpu.vector_load_idx %arg5[%gather3A_3248] : memref<64xf32, #tpu.memory_space<vmem>>[vector<16xi32>], vector<16xf32>,
      %mul3A_3250 = arith.constant 2 : i32
      %mul3A_3251 = arith.muli %scan3A_27, %mul3A_3250 : i32
      %add3A_3252 = arith.constant 1 : i32
      %add3A_3253 = arith.addi %mul3A_3251, %add3A_3252 : i32
      %broadcast_in_dim3A_3254 = arith.constant 0 : i32
      %broadcast_in_dim3A_3255 = vector.broadcast %broadcast_in_dim3A_3254 : i32 to vector<16xi32>
      %jit3A_3256 = arith.constant 8 : i32
      %div3A_3257 = arith.divsi %add3A_3253, %jit3A_3256 : i32
      %sign3A_3258 = arith.constant 0 : i32
      %sign3A_3259 = arith.cmpi sgt, %add3A_3253, %sign3A_3258 : i32
      %sign3A_3260 = arith.extui %sign3A_3259 : i1 to i32
      %sign3A_3261 = arith.constant 0 : i32
      %sign3A_3262 = arith.cmpi slt, %add3A_3253, %sign3A_3261 : i32
      %sign3A_3263 = arith.extui %sign3A_3262 : i1 to i32
      %sign3A_3264 = arith.subi %sign3A_3260, %sign3A_3263 : i32
      %sign3A_3265 = arith.constant 0 : i32
      %sign3A_3266 = arith.cmpi sgt, %jit3A_3256, %sign3A_3265 : i32
      %sign3A_3267 = arith.extui %sign3A_3266 : i1 to i32
      %sign3A_3268 = arith.constant 0 : i32
      %sign3A_3269 = arith.cmpi slt, %jit3A_3256, %sign3A_3268 : i32
      %sign3A_3270 = arith.extui %sign3A_3269 : i1 to i32
      %sign3A_3271 = arith.subi %sign3A_3267, %sign3A_3270 : i32
      %ne3A_3272 = arith.cmpi ne, %sign3A_3264, %sign3A_3271 : i32
      %rem3A_3273 = arith.remsi %add3A_3253, %jit3A_3256 : i32
      %ne3A_3274 = arith.constant 0 : i32
      %ne3A_3275 = arith.cmpi ne, %rem3A_3273, %ne3A_3274 : i32
      %and3A_3276 = arith.andi %ne3A_3272, %ne3A_3275 : i1
      %sub3A_3277 = arith.constant 1 : i32
      %sub3A_3278 = arith.subi %div3A_3257, %sub3A_3277 : i32
      %select_n3A_3279 = arith.select %and3A_3276, %sub3A_3278, %div3A_3257 : i32
      %add3A_3280 = vector.broadcast %select_n3A_3279 : i32 to vector<16xi32>
      %add3A_3281 = arith.addi %broadcast_in_dim3A_3255, %add3A_3280 : vector<16xi32>
      %jit3A_3282 = arith.constant 8 : i32
      %eq3A_3283 = arith.constant 0 : i32
      %eq3A_3284 = arith.cmpi eq, %jit3A_3282, %eq3A_3283 : i32
      %jit3A_3285 = arith.constant 1 : i32
      %select_n3A_3286 = arith.select %eq3A_3284, %jit3A_3285, %jit3A_3282 : i32
      %rem3A_3287 = arith.remsi %add3A_3253, %select_n3A_3286 : i32
      %ne3A_3288 = arith.constant 0 : i32
      %ne3A_3289 = arith.cmpi ne, %rem3A_3287, %ne3A_3288 : i32
      %lt3A_3290 = arith.constant 0 : i32
      %lt3A_3291 = arith.cmpi slt, %rem3A_3287, %lt3A_3290 : i32
      %lt3A_3292 = arith.constant 0 : i32
      %lt3A_3293 = arith.cmpi slt, %select_n3A_3286, %lt3A_3292 : i32
      %ne3A_3294 = arith.xori %lt3A_3291, %lt3A_3293 : i1
      %and3A_3295 = arith.andi %ne3A_3294, %ne3A_3289 : i1
      %add3A_3296 = arith.addi %rem3A_3287, %select_n3A_3286 : i32
      %select_n3A_3297 = arith.select %and3A_3295, %add3A_3296, %rem3A_3287 : i32
      %mul3A_3298 = arith.constant 16 : i32
      %mul3A_3299 = arith.muli %select_n3A_3297, %mul3A_3298 : i32
      %add3A_3300 = vector.broadcast %mul3A_3299 : i32 to vector<16xi32>
      %add3A_3301 = arith.addi %iota3A, %add3A_3300 : vector<16xi32>
      %jit3A_3302 = arith.constant 8 : i32
      %div3A_3303 = arith.divsi %add3A_3253, %jit3A_3302 : i32
      %sign3A_3304 = arith.constant 0 : i32
      %sign3A_3305 = arith.cmpi sgt, %add3A_3253, %sign3A_3304 : i32
      %sign3A_3306 = arith.extui %sign3A_3305 : i1 to i32
      %sign3A_3307 = arith.constant 0 : i32
      %sign3A_3308 = arith.cmpi slt, %add3A_3253, %sign3A_3307 : i32
      %sign3A_3309 = arith.extui %sign3A_3308 : i1 to i32
      %sign3A_3310 = arith.subi %sign3A_3306, %sign3A_3309 : i32
      %sign3A_3311 = arith.constant 0 : i32
      %sign3A_3312 = arith.cmpi sgt, %jit3A_3302, %sign3A_3311 : i32
      %sign3A_3313 = arith.extui %sign3A_3312 : i1 to i32
      %sign3A_3314 = arith.constant 0 : i32
      %sign3A_3315 = arith.cmpi slt, %jit3A_3302, %sign3A_3314 : i32
      %sign3A_3316 = arith.extui %sign3A_3315 : i1 to i32
      %sign3A_3317 = arith.subi %sign3A_3313, %sign3A_3316 : i32
      %ne3A_3318 = arith.cmpi ne, %sign3A_3310, %sign3A_3317 : i32
      %rem3A_3319 = arith.remsi %add3A_3253, %jit3A_3302 : i32
      %ne3A_3320 = arith.constant 0 : i32
      %ne3A_3321 = arith.cmpi ne, %rem3A_3319, %ne3A_3320 : i32
      %and3A_3322 = arith.andi %ne3A_3318, %ne3A_3321 : i1
      %sub3A_3323 = arith.constant 1 : i32
      %sub3A_3324 = arith.subi %div3A_3303, %sub3A_3323 : i32
      %select_n3A_3325 = arith.select %and3A_3322, %sub3A_3324, %div3A_3303 : i32
      %jit3A_3326 = arith.constant 8 : i32
      %eq3A_3327 = arith.constant 0 : i32
      %eq3A_3328 = arith.cmpi eq, %jit3A_3326, %eq3A_3327 : i32
      %jit3A_3329 = arith.constant 1 : i32
      %select_n3A_3330 = arith.select %eq3A_3328, %jit3A_3329, %jit3A_3326 : i32
      %rem3A_3331 = arith.remsi %add3A_3253, %select_n3A_3330 : i32
      %ne3A_3332 = arith.constant 0 : i32
      %ne3A_3333 = arith.cmpi ne, %rem3A_3331, %ne3A_3332 : i32
      %lt3A_3334 = arith.constant 0 : i32
      %lt3A_3335 = arith.cmpi slt, %rem3A_3331, %lt3A_3334 : i32
      %lt3A_3336 = arith.constant 0 : i32
      %lt3A_3337 = arith.cmpi slt, %select_n3A_3330, %lt3A_3336 : i32
      %ne3A_3338 = arith.xori %lt3A_3335, %lt3A_3337 : i1
      %and3A_3339 = arith.andi %ne3A_3338, %ne3A_3333 : i1
      %add3A_3340 = arith.addi %rem3A_3331, %select_n3A_3330 : i32
      %select_n3A_3341 = arith.select %and3A_3339, %add3A_3340, %rem3A_3331 : i32
      %mul3A_3342 = arith.constant 16 : i32
      %mul3A_3343 = arith.muli %select_n3A_3341, %mul3A_3342 : i32
      %swap3A_3344 = arith.constant 0 : i32
      %swap3A_3345 = arith.constant 0 : i32
      %swap3A_3346 = arith.index_cast %swap3A_3344 : i32 to index
      %swap3A_3347 = arith.index_cast %select_n3A_3325 : i32 to index
      %swap3A_3348 = arith.index_cast %swap3A_3345 : i32 to index
      %swap3A_3349 = arith.index_cast %mul3A_3343 : i32 to index
      %swap3A_3350 = tpu.vector_load %arg7[%swap3A_3346, %swap3A_3347, %swap3A_3348, %swap3A_3349] {strides = array<i32>} : memref<8x4x8x128xf32, #tpu.memory_space<vmem>>, vector<16xf32>,
      tpu.vector_store %arg7[%swap3A_3346, %swap3A_3347, %swap3A_3348, %swap3A_3349], %broadcast_in_dim3A_17 {strides = array<i32>} : memref<8x4x8x128xf32, #tpu.memory_space<vmem>>, vector<16xf32>,
      %jit3A_3351 = arith.constant 8 : i32
      %div3A_3352 = arith.divsi %add3A_3253, %jit3A_3351 : i32
      %sign3A_3353 = arith.constant 0 : i32
      %sign3A_3354 = arith.cmpi sgt, %add3A_3253, %sign3A_3353 : i32
      %sign3A_3355 = arith.extui %sign3A_3354 : i1 to i32
      %sign3A_3356 = arith.constant 0 : i32
      %sign3A_3357 = arith.cmpi slt, %add3A_3253, %sign3A_3356 : i32
      %sign3A_3358 = arith.extui %sign3A_3357 : i1 to i32
      %sign3A_3359 = arith.subi %sign3A_3355, %sign3A_3358 : i32
      %sign3A_3360 = arith.constant 0 : i32
      %sign3A_3361 = arith.cmpi sgt, %jit3A_3351, %sign3A_3360 : i32
      %sign3A_3362 = arith.extui %sign3A_3361 : i1 to i32
      %sign3A_3363 = arith.constant 0 : i32
      %sign3A_3364 = arith.cmpi slt, %jit3A_3351, %sign3A_3363 : i32
      %sign3A_3365 = arith.extui %sign3A_3364 : i1 to i32
      %sign3A_3366 = arith.subi %sign3A_3362, %sign3A_3365 : i32
      %ne3A_3367 = arith.cmpi ne, %sign3A_3359, %sign3A_3366 : i32
      %rem3A_3368 = arith.remsi %add3A_3253, %jit3A_3351 : i32
      %ne3A_3369 = arith.constant 0 : i32
      %ne3A_3370 = arith.cmpi ne, %rem3A_3368, %ne3A_3369 : i32
      %and3A_3371 = arith.andi %ne3A_3367, %ne3A_3370 : i1
      %sub3A_3372 = arith.constant 1 : i32
      %sub3A_3373 = arith.subi %div3A_3352, %sub3A_3372 : i32
      %select_n3A_3374 = arith.select %and3A_3371, %sub3A_3373, %div3A_3352 : i32
      %jit3A_3375 = arith.constant 8 : i32
      %eq3A_3376 = arith.constant 0 : i32
      %eq3A_3377 = arith.cmpi eq, %jit3A_3375, %eq3A_3376 : i32
      %jit3A_3378 = arith.constant 1 : i32
      %select_n3A_3379 = arith.select %eq3A_3377, %jit3A_3378, %jit3A_3375 : i32
      %rem3A_3380 = arith.remsi %add3A_3253, %select_n3A_3379 : i32
      %ne3A_3381 = arith.constant 0 : i32
      %ne3A_3382 = arith.cmpi ne, %rem3A_3380, %ne3A_3381 : i32
      %lt3A_3383 = arith.constant 0 : i32
      %lt3A_3384 = arith.cmpi slt, %rem3A_3380, %lt3A_3383 : i32
      %lt3A_3385 = arith.constant 0 : i32
      %lt3A_3386 = arith.cmpi slt, %select_n3A_3379, %lt3A_3385 : i32
      %ne3A_3387 = arith.xori %lt3A_3384, %lt3A_3386 : i1
      %and3A_3388 = arith.andi %ne3A_3387, %ne3A_3382 : i1
      %add3A_3389 = arith.addi %rem3A_3380, %select_n3A_3379 : i32
      %select_n3A_3390 = arith.select %and3A_3388, %add3A_3389, %rem3A_3380 : i32
      %mul3A_3391 = arith.constant 16 : i32
      %mul3A_3392 = arith.muli %select_n3A_3390, %mul3A_3391 : i32
      %swap3A_3393 = arith.constant 0 : i32
      %swap3A_3394 = arith.constant 1 : i32
      %swap3A_3395 = arith.index_cast %swap3A_3393 : i32 to index
      %swap3A_3396 = arith.index_cast %select_n3A_3374 : i32 to index
      %swap3A_3397 = arith.index_cast %swap3A_3394 : i32 to index
      %swap3A_3398 = arith.index_cast %mul3A_3392 : i32 to index
      %swap3A_3399 = tpu.vector_load %arg7[%swap3A_3395, %swap3A_3396, %swap3A_3397, %swap3A_3398] {strides = array<i32>} : memref<8x4x8x128xf32, #tpu.memory_space<vmem>>, vector<16xf32>,
      tpu.vector_store %arg7[%swap3A_3395, %swap3A_3396, %swap3A_3397, %swap3A_3398], %broadcast_in_dim3A_17 {strides = array<i32>} : memref<8x4x8x128xf32, #tpu.memory_space<vmem>>, vector<16xf32>,
      %jit3A_3400 = arith.constant 8 : i32
      %div3A_3401 = arith.divsi %add3A_3253, %jit3A_3400 : i32
      %sign3A_3402 = arith.constant 0 : i32
      %sign3A_3403 = arith.cmpi sgt, %add3A_3253, %sign3A_3402 : i32
      %sign3A_3404 = arith.extui %sign3A_3403 : i1 to i32
      %sign3A_3405 = arith.constant 0 : i32
      %sign3A_3406 = arith.cmpi slt, %add3A_3253, %sign3A_3405 : i32
      %sign3A_3407 = arith.extui %sign3A_3406 : i1 to i32
      %sign3A_3408 = arith.subi %sign3A_3404, %sign3A_3407 : i32
      %sign3A_3409 = arith.constant 0 : i32
      %sign3A_3410 = arith.cmpi sgt, %jit3A_3400, %sign3A_3409 : i32
      %sign3A_3411 = arith.extui %sign3A_3410 : i1 to i32
      %sign3A_3412 = arith.constant 0 : i32
      %sign3A_3413 = arith.cmpi slt, %jit3A_3400, %sign3A_3412 : i32
      %sign3A_3414 = arith.extui %sign3A_3413 : i1 to i32
      %sign3A_3415 = arith.subi %sign3A_3411, %sign3A_3414 : i32
      %ne3A_3416 = arith.cmpi ne, %sign3A_3408, %sign3A_3415 : i32
      %rem3A_3417 = arith.remsi %add3A_3253, %jit3A_3400 : i32
      %ne3A_3418 = arith.constant 0 : i32
      %ne3A_3419 = arith.cmpi ne, %rem3A_3417, %ne3A_3418 : i32
      %and3A_3420 = arith.andi %ne3A_3416, %ne3A_3419 : i1
      %sub3A_3421 = arith.constant 1 : i32
      %sub3A_3422 = arith.subi %div3A_3401, %sub3A_3421 : i32
      %select_n3A_3423 = arith.select %and3A_3420, %sub3A_3422, %div3A_3401 : i32
      %jit3A_3424 = arith.constant 8 : i32
      %eq3A_3425 = arith.constant 0 : i32
      %eq3A_3426 = arith.cmpi eq, %jit3A_3424, %eq3A_3425 : i32
      %jit3A_3427 = arith.constant 1 : i32
      %select_n3A_3428 = arith.select %eq3A_3426, %jit3A_3427, %jit3A_3424 : i32
      %rem3A_3429 = arith.remsi %add3A_3253, %select_n3A_3428 : i32
      %ne3A_3430 = arith.constant 0 : i32
      %ne3A_3431 = arith.cmpi ne, %rem3A_3429, %ne3A_3430 : i32
      %lt3A_3432 = arith.constant 0 : i32
      %lt3A_3433 = arith.cmpi slt, %rem3A_3429, %lt3A_3432 : i32
      %lt3A_3434 = arith.constant 0 : i32
      %lt3A_3435 = arith.cmpi slt, %select_n3A_3428, %lt3A_3434 : i32
      %ne3A_3436 = arith.xori %lt3A_3433, %lt3A_3435 : i1
      %and3A_3437 = arith.andi %ne3A_3436, %ne3A_3431 : i1
      %add3A_3438 = arith.addi %rem3A_3429, %select_n3A_3428 : i32
      %select_n3A_3439 = arith.select %and3A_3437, %add3A_3438, %rem3A_3429 : i32
      %mul3A_3440 = arith.constant 16 : i32
      %mul3A_3441 = arith.muli %select_n3A_3439, %mul3A_3440 : i32
      %swap3A_3442 = arith.constant 0 : i32
      %swap3A_3443 = arith.constant 2 : i32
      %swap3A_3444 = arith.index_cast %swap3A_3442 : i32 to index
      %swap3A_3445 = arith.index_cast %select_n3A_3423 : i32 to index
      %swap3A_3446 = arith.index_cast %swap3A_3443 : i32 to index
      %swap3A_3447 = arith.index_cast %mul3A_3441 : i32 to index
      %swap3A_3448 = tpu.vector_load %arg7[%swap3A_3444, %swap3A_3445, %swap3A_3446, %swap3A_3447] {strides = array<i32>} : memref<8x4x8x128xf32, #tpu.memory_space<vmem>>, vector<16xf32>,
      tpu.vector_store %arg7[%swap3A_3444, %swap3A_3445, %swap3A_3446, %swap3A_3447], %broadcast_in_dim3A_17 {strides = array<i32>} : memref<8x4x8x128xf32, #tpu.memory_space<vmem>>, vector<16xf32>,
      %jit3A_3449 = arith.constant 8 : i32
      %div3A_3450 = arith.divsi %add3A_3253, %jit3A_3449 : i32
      %sign3A_3451 = arith.constant 0 : i32
      %sign3A_3452 = arith.cmpi sgt, %add3A_3253, %sign3A_3451 : i32
      %sign3A_3453 = arith.extui %sign3A_3452 : i1 to i32
      %sign3A_3454 = arith.constant 0 : i32
      %sign3A_3455 = arith.cmpi slt, %add3A_3253, %sign3A_3454 : i32
      %sign3A_3456 = arith.extui %sign3A_3455 : i1 to i32
      %sign3A_3457 = arith.subi %sign3A_3453, %sign3A_3456 : i32
      %sign3A_3458 = arith.constant 0 : i32
      %sign3A_3459 = arith.cmpi sgt, %jit3A_3449, %sign3A_3458 : i32
      %sign3A_3460 = arith.extui %sign3A_3459 : i1 to i32
      %sign3A_3461 = arith.constant 0 : i32
      %sign3A_3462 = arith.cmpi slt, %jit3A_3449, %sign3A_3461 : i32
      %sign3A_3463 = arith.extui %sign3A_3462 : i1 to i32
      %sign3A_3464 = arith.subi %sign3A_3460, %sign3A_3463 : i32
      %ne3A_3465 = arith.cmpi ne, %sign3A_3457, %sign3A_3464 : i32
      %rem3A_3466 = arith.remsi %add3A_3253, %jit3A_3449 : i32
      %ne3A_3467 = arith.constant 0 : i32
      %ne3A_3468 = arith.cmpi ne, %rem3A_3466, %ne3A_3467 : i32
      %and3A_3469 = arith.andi %ne3A_3465, %ne3A_3468 : i1
      %sub3A_3470 = arith.constant 1 : i32
      %sub3A_3471 = arith.subi %div3A_3450, %sub3A_3470 : i32
      %select_n3A_3472 = arith.select %and3A_3469, %sub3A_3471, %div3A_3450 : i32
      %jit3A_3473 = arith.constant 8 : i32
      %eq3A_3474 = arith.constant 0 : i32
      %eq3A_3475 = arith.cmpi eq, %jit3A_3473, %eq3A_3474 : i32
      %jit3A_3476 = arith.constant 1 : i32
      %select_n3A_3477 = arith.select %eq3A_3475, %jit3A_3476, %jit3A_3473 : i32
      %rem3A_3478 = arith.remsi %add3A_3253, %select_n3A_3477 : i32
      %ne3A_3479 = arith.constant 0 : i32
      %ne3A_3480 = arith.cmpi ne, %rem3A_3478, %ne3A_3479 : i32
      %lt3A_3481 = arith.constant 0 : i32
      %lt3A_3482 = arith.cmpi slt, %rem3A_3478, %lt3A_3481 : i32
      %lt3A_3483 = arith.constant 0 : i32
      %lt3A_3484 = arith.cmpi slt, %select_n3A_3477, %lt3A_3483 : i32
      %ne3A_3485 = arith.xori %lt3A_3482, %lt3A_3484 : i1
      %and3A_3486 = arith.andi %ne3A_3485, %ne3A_3480 : i1
      %add3A_3487 = arith.addi %rem3A_3478, %select_n3A_3477 : i32
      %select_n3A_3488 = arith.select %and3A_3486, %add3A_3487, %rem3A_3478 : i32
      %mul3A_3489 = arith.constant 16 : i32
      %mul3A_3490 = arith.muli %select_n3A_3488, %mul3A_3489 : i32
      %swap3A_3491 = arith.constant 0 : i32
      %swap3A_3492 = arith.constant 3 : i32
      %swap3A_3493 = arith.index_cast %swap3A_3491 : i32 to index
      %swap3A_3494 = arith.index_cast %select_n3A_3472 : i32 to index
      %swap3A_3495 = arith.index_cast %swap3A_3492 : i32 to index
      %swap3A_3496 = arith.index_cast %mul3A_3490 : i32 to index
      %swap3A_3497 = tpu.vector_load %arg7[%swap3A_3493, %swap3A_3494, %swap3A_3495, %swap3A_3496] {strides = array<i32>} : memref<8x4x8x128xf32, #tpu.memory_space<vmem>>, vector<16xf32>,
      tpu.vector_store %arg7[%swap3A_3493, %swap3A_3494, %swap3A_3495, %swap3A_3496], %broadcast_in_dim3A_17 {strides = array<i32>} : memref<8x4x8x128xf32, #tpu.memory_space<vmem>>, vector<16xf32>,
      %jit3A_3498 = arith.constant 8 : i32
      %div3A_3499 = arith.divsi %add3A_3253, %jit3A_3498 : i32
      %sign3A_3500 = arith.constant 0 : i32
      %sign3A_3501 = arith.cmpi sgt, %add3A_3253, %sign3A_3500 : i32
      %sign3A_3502 = arith.extui %sign3A_3501 : i1 to i32
      %sign3A_3503 = arith.constant 0 : i32
      %sign3A_3504 = arith.cmpi slt, %add3A_3253, %sign3A_3503 : i32
      %sign3A_3505 = arith.extui %sign3A_3504 : i1 to i32
      %sign3A_3506 = arith.subi %sign3A_3502, %sign3A_3505 : i32
      %sign3A_3507 = arith.constant 0 : i32
      %sign3A_3508 = arith.cmpi sgt, %jit3A_3498, %sign3A_3507 : i32
      %sign3A_3509 = arith.extui %sign3A_3508 : i1 to i32
      %sign3A_3510 = arith.constant 0 : i32
      %sign3A_3511 = arith.cmpi slt, %jit3A_3498, %sign3A_3510 : i32
      %sign3A_3512 = arith.extui %sign3A_3511 : i1 to i32
      %sign3A_3513 = arith.subi %sign3A_3509, %sign3A_3512 : i32
      %ne3A_3514 = arith.cmpi ne, %sign3A_3506, %sign3A_3513 : i32
      %rem3A_3515 = arith.remsi %add3A_3253, %jit3A_3498 : i32
      %ne3A_3516 = arith.constant 0 : i32
      %ne3A_3517 = arith.cmpi ne, %rem3A_3515, %ne3A_3516 : i32
      %and3A_3518 = arith.andi %ne3A_3514, %ne3A_3517 : i1
      %sub3A_3519 = arith.constant 1 : i32
      %sub3A_3520 = arith.subi %div3A_3499, %sub3A_3519 : i32
      %select_n3A_3521 = arith.select %and3A_3518, %sub3A_3520, %div3A_3499 : i32
      %jit3A_3522 = arith.constant 8 : i32
      %eq3A_3523 = arith.constant 0 : i32
      %eq3A_3524 = arith.cmpi eq, %jit3A_3522, %eq3A_3523 : i32
      %jit3A_3525 = arith.constant 1 : i32
      %select_n3A_3526 = arith.select %eq3A_3524, %jit3A_3525, %jit3A_3522 : i32
      %rem3A_3527 = arith.remsi %add3A_3253, %select_n3A_3526 : i32
      %ne3A_3528 = arith.constant 0 : i32
      %ne3A_3529 = arith.cmpi ne, %rem3A_3527, %ne3A_3528 : i32
      %lt3A_3530 = arith.constant 0 : i32
      %lt3A_3531 = arith.cmpi slt, %rem3A_3527, %lt3A_3530 : i32
      %lt3A_3532 = arith.constant 0 : i32
      %lt3A_3533 = arith.cmpi slt, %select_n3A_3526, %lt3A_3532 : i32
      %ne3A_3534 = arith.xori %lt3A_3531, %lt3A_3533 : i1
      %and3A_3535 = arith.andi %ne3A_3534, %ne3A_3529 : i1
      %add3A_3536 = arith.addi %rem3A_3527, %select_n3A_3526 : i32
      %select_n3A_3537 = arith.select %and3A_3535, %add3A_3536, %rem3A_3527 : i32
      %mul3A_3538 = arith.constant 16 : i32
      %mul3A_3539 = arith.muli %select_n3A_3537, %mul3A_3538 : i32
      %swap3A_3540 = arith.constant 0 : i32
      %swap3A_3541 = arith.constant 4 : i32
      %swap3A_3542 = arith.index_cast %swap3A_3540 : i32 to index
      %swap3A_3543 = arith.index_cast %select_n3A_3521 : i32 to index
      %swap3A_3544 = arith.index_cast %swap3A_3541 : i32 to index
      %swap3A_3545 = arith.index_cast %mul3A_3539 : i32 to index
      %swap3A_3546 = tpu.vector_load %arg7[%swap3A_3542, %swap3A_3543, %swap3A_3544, %swap3A_3545] {strides = array<i32>} : memref<8x4x8x128xf32, #tpu.memory_space<vmem>>, vector<16xf32>,
      tpu.vector_store %arg7[%swap3A_3542, %swap3A_3543, %swap3A_3544, %swap3A_3545], %broadcast_in_dim3A_17 {strides = array<i32>} : memref<8x4x8x128xf32, #tpu.memory_space<vmem>>, vector<16xf32>,
      %jit3A_3547 = arith.constant 8 : i32
      %div3A_3548 = arith.divsi %add3A_3253, %jit3A_3547 : i32
      %sign3A_3549 = arith.constant 0 : i32
      %sign3A_3550 = arith.cmpi sgt, %add3A_3253, %sign3A_3549 : i32
      %sign3A_3551 = arith.extui %sign3A_3550 : i1 to i32
      %sign3A_3552 = arith.constant 0 : i32
      %sign3A_3553 = arith.cmpi slt, %add3A_3253, %sign3A_3552 : i32
      %sign3A_3554 = arith.extui %sign3A_3553 : i1 to i32
      %sign3A_3555 = arith.subi %sign3A_3551, %sign3A_3554 : i32
      %sign3A_3556 = arith.constant 0 : i32
      %sign3A_3557 = arith.cmpi sgt, %jit3A_3547, %sign3A_3556 : i32
      %sign3A_3558 = arith.extui %sign3A_3557 : i1 to i32
      %sign3A_3559 = arith.constant 0 : i32
      %sign3A_3560 = arith.cmpi slt, %jit3A_3547, %sign3A_3559 : i32
      %sign3A_3561 = arith.extui %sign3A_3560 : i1 to i32
      %sign3A_3562 = arith.subi %sign3A_3558, %sign3A_3561 : i32
      %ne3A_3563 = arith.cmpi ne, %sign3A_3555, %sign3A_3562 : i32
      %rem3A_3564 = arith.remsi %add3A_3253, %jit3A_3547 : i32
      %ne3A_3565 = arith.constant 0 : i32
      %ne3A_3566 = arith.cmpi ne, %rem3A_3564, %ne3A_3565 : i32
      %and3A_3567 = arith.andi %ne3A_3563, %ne3A_3566 : i1
      %sub3A_3568 = arith.constant 1 : i32
      %sub3A_3569 = arith.subi %div3A_3548, %sub3A_3568 : i32
      %select_n3A_3570 = arith.select %and3A_3567, %sub3A_3569, %div3A_3548 : i32
      %jit3A_3571 = arith.constant 8 : i32
      %eq3A_3572 = arith.constant 0 : i32
      %eq3A_3573 = arith.cmpi eq, %jit3A_3571, %eq3A_3572 : i32
      %jit3A_3574 = arith.constant 1 : i32
      %select_n3A_3575 = arith.select %eq3A_3573, %jit3A_3574, %jit3A_3571 : i32
      %rem3A_3576 = arith.remsi %add3A_3253, %select_n3A_3575 : i32
      %ne3A_3577 = arith.constant 0 : i32
      %ne3A_3578 = arith.cmpi ne, %rem3A_3576, %ne3A_3577 : i32
      %lt3A_3579 = arith.constant 0 : i32
      %lt3A_3580 = arith.cmpi slt, %rem3A_3576, %lt3A_3579 : i32
      %lt3A_3581 = arith.constant 0 : i32
      %lt3A_3582 = arith.cmpi slt, %select_n3A_3575, %lt3A_3581 : i32
      %ne3A_3583 = arith.xori %lt3A_3580, %lt3A_3582 : i1
      %and3A_3584 = arith.andi %ne3A_3583, %ne3A_3578 : i1
      %add3A_3585 = arith.addi %rem3A_3576, %select_n3A_3575 : i32
      %select_n3A_3586 = arith.select %and3A_3584, %add3A_3585, %rem3A_3576 : i32
      %mul3A_3587 = arith.constant 16 : i32
      %mul3A_3588 = arith.muli %select_n3A_3586, %mul3A_3587 : i32
      %swap3A_3589 = arith.constant 0 : i32
      %swap3A_3590 = arith.constant 5 : i32
      %swap3A_3591 = arith.index_cast %swap3A_3589 : i32 to index
      %swap3A_3592 = arith.index_cast %select_n3A_3570 : i32 to index
      %swap3A_3593 = arith.index_cast %swap3A_3590 : i32 to index
      %swap3A_3594 = arith.index_cast %mul3A_3588 : i32 to index
      %swap3A_3595 = tpu.vector_load %arg7[%swap3A_3591, %swap3A_3592, %swap3A_3593, %swap3A_3594] {strides = array<i32>} : memref<8x4x8x128xf32, #tpu.memory_space<vmem>>, vector<16xf32>,
      tpu.vector_store %arg7[%swap3A_3591, %swap3A_3592, %swap3A_3593, %swap3A_3594], %broadcast_in_dim3A_17 {strides = array<i32>} : memref<8x4x8x128xf32, #tpu.memory_space<vmem>>, vector<16xf32>,
      %jit3A_3596 = arith.constant 8 : i32
      %div3A_3597 = arith.divsi %add3A_3253, %jit3A_3596 : i32
      %sign3A_3598 = arith.constant 0 : i32
      %sign3A_3599 = arith.cmpi sgt, %add3A_3253, %sign3A_3598 : i32
      %sign3A_3600 = arith.extui %sign3A_3599 : i1 to i32
      %sign3A_3601 = arith.constant 0 : i32
      %sign3A_3602 = arith.cmpi slt, %add3A_3253, %sign3A_3601 : i32
      %sign3A_3603 = arith.extui %sign3A_3602 : i1 to i32
      %sign3A_3604 = arith.subi %sign3A_3600, %sign3A_3603 : i32
      %sign3A_3605 = arith.constant 0 : i32
      %sign3A_3606 = arith.cmpi sgt, %jit3A_3596, %sign3A_3605 : i32
      %sign3A_3607 = arith.extui %sign3A_3606 : i1 to i32
      %sign3A_3608 = arith.constant 0 : i32
      %sign3A_3609 = arith.cmpi slt, %jit3A_3596, %sign3A_3608 : i32
      %sign3A_3610 = arith.extui %sign3A_3609 : i1 to i32
      %sign3A_3611 = arith.subi %sign3A_3607, %sign3A_3610 : i32
      %ne3A_3612 = arith.cmpi ne, %sign3A_3604, %sign3A_3611 : i32
      %rem3A_3613 = arith.remsi %add3A_3253, %jit3A_3596 : i32
      %ne3A_3614 = arith.constant 0 : i32
      %ne3A_3615 = arith.cmpi ne, %rem3A_3613, %ne3A_3614 : i32
      %and3A_3616 = arith.andi %ne3A_3612, %ne3A_3615 : i1
      %sub3A_3617 = arith.constant 1 : i32
      %sub3A_3618 = arith.subi %div3A_3597, %sub3A_3617 : i32
      %select_n3A_3619 = arith.select %and3A_3616, %sub3A_3618, %div3A_3597 : i32
      %jit3A_3620 = arith.constant 8 : i32
      %eq3A_3621 = arith.constant 0 : i32
      %eq3A_3622 = arith.cmpi eq, %jit3A_3620, %eq3A_3621 : i32
      %jit3A_3623 = arith.constant 1 : i32
      %select_n3A_3624 = arith.select %eq3A_3622, %jit3A_3623, %jit3A_3620 : i32
      %rem3A_3625 = arith.remsi %add3A_3253, %select_n3A_3624 : i32
      %ne3A_3626 = arith.constant 0 : i32
      %ne3A_3627 = arith.cmpi ne, %rem3A_3625, %ne3A_3626 : i32
      %lt3A_3628 = arith.constant 0 : i32
      %lt3A_3629 = arith.cmpi slt, %rem3A_3625, %lt3A_3628 : i32
      %lt3A_3630 = arith.constant 0 : i32
      %lt3A_3631 = arith.cmpi slt, %select_n3A_3624, %lt3A_3630 : i32
      %ne3A_3632 = arith.xori %lt3A_3629, %lt3A_3631 : i1
      %and3A_3633 = arith.andi %ne3A_3632, %ne3A_3627 : i1
      %add3A_3634 = arith.addi %rem3A_3625, %select_n3A_3624 : i32
      %select_n3A_3635 = arith.select %and3A_3633, %add3A_3634, %rem3A_3625 : i32
      %mul3A_3636 = arith.constant 16 : i32
      %mul3A_3637 = arith.muli %select_n3A_3635, %mul3A_3636 : i32
      %swap3A_3638 = arith.constant 0 : i32
      %swap3A_3639 = arith.constant 6 : i32
      %swap3A_3640 = arith.index_cast %swap3A_3638 : i32 to index
      %swap3A_3641 = arith.index_cast %select_n3A_3619 : i32 to index
      %swap3A_3642 = arith.index_cast %swap3A_3639 : i32 to index
      %swap3A_3643 = arith.index_cast %mul3A_3637 : i32 to index
      %swap3A_3644 = tpu.vector_load %arg7[%swap3A_3640, %swap3A_3641, %swap3A_3642, %swap3A_3643] {strides = array<i32>} : memref<8x4x8x128xf32, #tpu.memory_space<vmem>>, vector<16xf32>,
      tpu.vector_store %arg7[%swap3A_3640, %swap3A_3641, %swap3A_3642, %swap3A_3643], %broadcast_in_dim3A_17 {strides = array<i32>} : memref<8x4x8x128xf32, #tpu.memory_space<vmem>>, vector<16xf32>,
      %jit3A_3645 = arith.constant 8 : i32
      %div3A_3646 = arith.divsi %add3A_3253, %jit3A_3645 : i32
      %sign3A_3647 = arith.constant 0 : i32
      %sign3A_3648 = arith.cmpi sgt, %add3A_3253, %sign3A_3647 : i32
      %sign3A_3649 = arith.extui %sign3A_3648 : i1 to i32
      %sign3A_3650 = arith.constant 0 : i32
      %sign3A_3651 = arith.cmpi slt, %add3A_3253, %sign3A_3650 : i32
      %sign3A_3652 = arith.extui %sign3A_3651 : i1 to i32
      %sign3A_3653 = arith.subi %sign3A_3649, %sign3A_3652 : i32
      %sign3A_3654 = arith.constant 0 : i32
      %sign3A_3655 = arith.cmpi sgt, %jit3A_3645, %sign3A_3654 : i32
      %sign3A_3656 = arith.extui %sign3A_3655 : i1 to i32
      %sign3A_3657 = arith.constant 0 : i32
      %sign3A_3658 = arith.cmpi slt, %jit3A_3645, %sign3A_3657 : i32
      %sign3A_3659 = arith.extui %sign3A_3658 : i1 to i32
      %sign3A_3660 = arith.subi %sign3A_3656, %sign3A_3659 : i32
      %ne3A_3661 = arith.cmpi ne, %sign3A_3653, %sign3A_3660 : i32
      %rem3A_3662 = arith.remsi %add3A_3253, %jit3A_3645 : i32
      %ne3A_3663 = arith.constant 0 : i32
      %ne3A_3664 = arith.cmpi ne, %rem3A_3662, %ne3A_3663 : i32
      %and3A_3665 = arith.andi %ne3A_3661, %ne3A_3664 : i1
      %sub3A_3666 = arith.constant 1 : i32
      %sub3A_3667 = arith.subi %div3A_3646, %sub3A_3666 : i32
      %select_n3A_3668 = arith.select %and3A_3665, %sub3A_3667, %div3A_3646 : i32
      %jit3A_3669 = arith.constant 8 : i32
      %eq3A_3670 = arith.constant 0 : i32
      %eq3A_3671 = arith.cmpi eq, %jit3A_3669, %eq3A_3670 : i32
      %jit3A_3672 = arith.constant 1 : i32
      %select_n3A_3673 = arith.select %eq3A_3671, %jit3A_3672, %jit3A_3669 : i32
      %rem3A_3674 = arith.remsi %add3A_3253, %select_n3A_3673 : i32
      %ne3A_3675 = arith.constant 0 : i32
      %ne3A_3676 = arith.cmpi ne, %rem3A_3674, %ne3A_3675 : i32
      %lt3A_3677 = arith.constant 0 : i32
      %lt3A_3678 = arith.cmpi slt, %rem3A_3674, %lt3A_3677 : i32
      %lt3A_3679 = arith.constant 0 : i32
      %lt3A_3680 = arith.cmpi slt, %select_n3A_3673, %lt3A_3679 : i32
      %ne3A_3681 = arith.xori %lt3A_3678, %lt3A_3680 : i1
      %and3A_3682 = arith.andi %ne3A_3681, %ne3A_3676 : i1
      %add3A_3683 = arith.addi %rem3A_3674, %select_n3A_3673 : i32
      %select_n3A_3684 = arith.select %and3A_3682, %add3A_3683, %rem3A_3674 : i32
      %mul3A_3685 = arith.constant 16 : i32
      %mul3A_3686 = arith.muli %select_n3A_3684, %mul3A_3685 : i32
      %swap3A_3687 = arith.constant 0 : i32
      %swap3A_3688 = arith.constant 7 : i32
      %swap3A_3689 = arith.index_cast %swap3A_3687 : i32 to index
      %swap3A_3690 = arith.index_cast %select_n3A_3668 : i32 to index
      %swap3A_3691 = arith.index_cast %swap3A_3688 : i32 to index
      %swap3A_3692 = arith.index_cast %mul3A_3686 : i32 to index
      %swap3A_3693 = tpu.vector_load %arg7[%swap3A_3689, %swap3A_3690, %swap3A_3691, %swap3A_3692] {strides = array<i32>} : memref<8x4x8x128xf32, #tpu.memory_space<vmem>>, vector<16xf32>,
      tpu.vector_store %arg7[%swap3A_3689, %swap3A_3690, %swap3A_3691, %swap3A_3692], %broadcast_in_dim3A_17 {strides = array<i32>} : memref<8x4x8x128xf32, #tpu.memory_space<vmem>>, vector<16xf32>,
      %jit3A_3694 = arith.constant 8 : i32
      %div3A_3695 = arith.divsi %add3A_3253, %jit3A_3694 : i32
      %sign3A_3696 = arith.constant 0 : i32
      %sign3A_3697 = arith.cmpi sgt, %add3A_3253, %sign3A_3696 : i32
      %sign3A_3698 = arith.extui %sign3A_3697 : i1 to i32
      %sign3A_3699 = arith.constant 0 : i32
      %sign3A_3700 = arith.cmpi slt, %add3A_3253, %sign3A_3699 : i32
      %sign3A_3701 = arith.extui %sign3A_3700 : i1 to i32
      %sign3A_3702 = arith.subi %sign3A_3698, %sign3A_3701 : i32
      %sign3A_3703 = arith.constant 0 : i32
      %sign3A_3704 = arith.cmpi sgt, %jit3A_3694, %sign3A_3703 : i32
      %sign3A_3705 = arith.extui %sign3A_3704 : i1 to i32
      %sign3A_3706 = arith.constant 0 : i32
      %sign3A_3707 = arith.cmpi slt, %jit3A_3694, %sign3A_3706 : i32
      %sign3A_3708 = arith.extui %sign3A_3707 : i1 to i32
      %sign3A_3709 = arith.subi %sign3A_3705, %sign3A_3708 : i32
      %ne3A_3710 = arith.cmpi ne, %sign3A_3702, %sign3A_3709 : i32
      %rem3A_3711 = arith.remsi %add3A_3253, %jit3A_3694 : i32
      %ne3A_3712 = arith.constant 0 : i32
      %ne3A_3713 = arith.cmpi ne, %rem3A_3711, %ne3A_3712 : i32
      %and3A_3714 = arith.andi %ne3A_3710, %ne3A_3713 : i1
      %sub3A_3715 = arith.constant 1 : i32
      %sub3A_3716 = arith.subi %div3A_3695, %sub3A_3715 : i32
      %select_n3A_3717 = arith.select %and3A_3714, %sub3A_3716, %div3A_3695 : i32
      %jit3A_3718 = arith.constant 8 : i32
      %eq3A_3719 = arith.constant 0 : i32
      %eq3A_3720 = arith.cmpi eq, %jit3A_3718, %eq3A_3719 : i32
      %jit3A_3721 = arith.constant 1 : i32
      %select_n3A_3722 = arith.select %eq3A_3720, %jit3A_3721, %jit3A_3718 : i32
      %rem3A_3723 = arith.remsi %add3A_3253, %select_n3A_3722 : i32
      %ne3A_3724 = arith.constant 0 : i32
      %ne3A_3725 = arith.cmpi ne, %rem3A_3723, %ne3A_3724 : i32
      %lt3A_3726 = arith.constant 0 : i32
      %lt3A_3727 = arith.cmpi slt, %rem3A_3723, %lt3A_3726 : i32
      %lt3A_3728 = arith.constant 0 : i32
      %lt3A_3729 = arith.cmpi slt, %select_n3A_3722, %lt3A_3728 : i32
      %ne3A_3730 = arith.xori %lt3A_3727, %lt3A_3729 : i1
      %and3A_3731 = arith.andi %ne3A_3730, %ne3A_3725 : i1
      %add3A_3732 = arith.addi %rem3A_3723, %select_n3A_3722 : i32
      %select_n3A_3733 = arith.select %and3A_3731, %add3A_3732, %rem3A_3723 : i32
      %mul3A_3734 = arith.constant 16 : i32
      %mul3A_3735 = arith.muli %select_n3A_3733, %mul3A_3734 : i32
      %swap3A_3736 = arith.constant 1 : i32
      %swap3A_3737 = arith.constant 0 : i32
      %swap3A_3738 = arith.index_cast %swap3A_3736 : i32 to index
      %swap3A_3739 = arith.index_cast %select_n3A_3717 : i32 to index
      %swap3A_3740 = arith.index_cast %swap3A_3737 : i32 to index
      %swap3A_3741 = arith.index_cast %mul3A_3735 : i32 to index
      %swap3A_3742 = tpu.vector_load %arg7[%swap3A_3738, %swap3A_3739, %swap3A_3740, %swap3A_3741] {strides = array<i32>} : memref<8x4x8x128xf32, #tpu.memory_space<vmem>>, vector<16xf32>,
      tpu.vector_store %arg7[%swap3A_3738, %swap3A_3739, %swap3A_3740, %swap3A_3741], %broadcast_in_dim3A_17 {strides = array<i32>} : memref<8x4x8x128xf32, #tpu.memory_space<vmem>>, vector<16xf32>,
      %jit3A_3743 = arith.constant 8 : i32
      %div3A_3744 = arith.divsi %add3A_3253, %jit3A_3743 : i32
      %sign3A_3745 = arith.constant 0 : i32
      %sign3A_3746 = arith.cmpi sgt, %add3A_3253, %sign3A_3745 : i32
      %sign3A_3747 = arith.extui %sign3A_3746 : i1 to i32
      %sign3A_3748 = arith.constant 0 : i32
      %sign3A_3749 = arith.cmpi slt, %add3A_3253, %sign3A_3748 : i32
      %sign3A_3750 = arith.extui %sign3A_3749 : i1 to i32
      %sign3A_3751 = arith.subi %sign3A_3747, %sign3A_3750 : i32
      %sign3A_3752 = arith.constant 0 : i32
      %sign3A_3753 = arith.cmpi sgt, %jit3A_3743, %sign3A_3752 : i32
      %sign3A_3754 = arith.extui %sign3A_3753 : i1 to i32
      %sign3A_3755 = arith.constant 0 : i32
      %sign3A_3756 = arith.cmpi slt, %jit3A_3743, %sign3A_3755 : i32
      %sign3A_3757 = arith.extui %sign3A_3756 : i1 to i32
      %sign3A_3758 = arith.subi %sign3A_3754, %sign3A_3757 : i32
      %ne3A_3759 = arith.cmpi ne, %sign3A_3751, %sign3A_3758 : i32
      %rem3A_3760 = arith.remsi %add3A_3253, %jit3A_3743 : i32
      %ne3A_3761 = arith.constant 0 : i32
      %ne3A_3762 = arith.cmpi ne, %rem3A_3760, %ne3A_3761 : i32
      %and3A_3763 = arith.andi %ne3A_3759, %ne3A_3762 : i1
      %sub3A_3764 = arith.constant 1 : i32
      %sub3A_3765 = arith.subi %div3A_3744, %sub3A_3764 : i32
      %select_n3A_3766 = arith.select %and3A_3763, %sub3A_3765, %div3A_3744 : i32
      %jit3A_3767 = arith.constant 8 : i32
      %eq3A_3768 = arith.constant 0 : i32
      %eq3A_3769 = arith.cmpi eq, %jit3A_3767, %eq3A_3768 : i32
      %jit3A_3770 = arith.constant 1 : i32
      %select_n3A_3771 = arith.select %eq3A_3769, %jit3A_3770, %jit3A_3767 : i32
      %rem3A_3772 = arith.remsi %add3A_3253, %select_n3A_3771 : i32
      %ne3A_3773 = arith.constant 0 : i32
      %ne3A_3774 = arith.cmpi ne, %rem3A_3772, %ne3A_3773 : i32
      %lt3A_3775 = arith.constant 0 : i32
      %lt3A_3776 = arith.cmpi slt, %rem3A_3772, %lt3A_3775 : i32
      %lt3A_3777 = arith.constant 0 : i32
      %lt3A_3778 = arith.cmpi slt, %select_n3A_3771, %lt3A_3777 : i32
      %ne3A_3779 = arith.xori %lt3A_3776, %lt3A_3778 : i1
      %and3A_3780 = arith.andi %ne3A_3779, %ne3A_3774 : i1
      %add3A_3781 = arith.addi %rem3A_3772, %select_n3A_3771 : i32
      %select_n3A_3782 = arith.select %and3A_3780, %add3A_3781, %rem3A_3772 : i32
      %mul3A_3783 = arith.constant 16 : i32
      %mul3A_3784 = arith.muli %select_n3A_3782, %mul3A_3783 : i32
      %swap3A_3785 = arith.constant 1 : i32
      %swap3A_3786 = arith.constant 1 : i32
      %swap3A_3787 = arith.index_cast %swap3A_3785 : i32 to index
      %swap3A_3788 = arith.index_cast %select_n3A_3766 : i32 to index
      %swap3A_3789 = arith.index_cast %swap3A_3786 : i32 to index
      %swap3A_3790 = arith.index_cast %mul3A_3784 : i32 to index
      %swap3A_3791 = tpu.vector_load %arg7[%swap3A_3787, %swap3A_3788, %swap3A_3789, %swap3A_3790] {strides = array<i32>} : memref<8x4x8x128xf32, #tpu.memory_space<vmem>>, vector<16xf32>,
      tpu.vector_store %arg7[%swap3A_3787, %swap3A_3788, %swap3A_3789, %swap3A_3790], %broadcast_in_dim3A_17 {strides = array<i32>} : memref<8x4x8x128xf32, #tpu.memory_space<vmem>>, vector<16xf32>,
      %jit3A_3792 = arith.constant 8 : i32
      %div3A_3793 = arith.divsi %add3A_3253, %jit3A_3792 : i32
      %sign3A_3794 = arith.constant 0 : i32
      %sign3A_3795 = arith.cmpi sgt, %add3A_3253, %sign3A_3794 : i32
      %sign3A_3796 = arith.extui %sign3A_3795 : i1 to i32
      %sign3A_3797 = arith.constant 0 : i32
      %sign3A_3798 = arith.cmpi slt, %add3A_3253, %sign3A_3797 : i32
      %sign3A_3799 = arith.extui %sign3A_3798 : i1 to i32
      %sign3A_3800 = arith.subi %sign3A_3796, %sign3A_3799 : i32
      %sign3A_3801 = arith.constant 0 : i32
      %sign3A_3802 = arith.cmpi sgt, %jit3A_3792, %sign3A_3801 : i32
      %sign3A_3803 = arith.extui %sign3A_3802 : i1 to i32
      %sign3A_3804 = arith.constant 0 : i32
      %sign3A_3805 = arith.cmpi slt, %jit3A_3792, %sign3A_3804 : i32
      %sign3A_3806 = arith.extui %sign3A_3805 : i1 to i32
      %sign3A_3807 = arith.subi %sign3A_3803, %sign3A_3806 : i32
      %ne3A_3808 = arith.cmpi ne, %sign3A_3800, %sign3A_3807 : i32
      %rem3A_3809 = arith.remsi %add3A_3253, %jit3A_3792 : i32
      %ne3A_3810 = arith.constant 0 : i32
      %ne3A_3811 = arith.cmpi ne, %rem3A_3809, %ne3A_3810 : i32
      %and3A_3812 = arith.andi %ne3A_3808, %ne3A_3811 : i1
      %sub3A_3813 = arith.constant 1 : i32
      %sub3A_3814 = arith.subi %div3A_3793, %sub3A_3813 : i32
      %select_n3A_3815 = arith.select %and3A_3812, %sub3A_3814, %div3A_3793 : i32
      %jit3A_3816 = arith.constant 8 : i32
      %eq3A_3817 = arith.constant 0 : i32
      %eq3A_3818 = arith.cmpi eq, %jit3A_3816, %eq3A_3817 : i32
      %jit3A_3819 = arith.constant 1 : i32
      %select_n3A_3820 = arith.select %eq3A_3818, %jit3A_3819, %jit3A_3816 : i32
      %rem3A_3821 = arith.remsi %add3A_3253, %select_n3A_3820 : i32
      %ne3A_3822 = arith.constant 0 : i32
      %ne3A_3823 = arith.cmpi ne, %rem3A_3821, %ne3A_3822 : i32
      %lt3A_3824 = arith.constant 0 : i32
      %lt3A_3825 = arith.cmpi slt, %rem3A_3821, %lt3A_3824 : i32
      %lt3A_3826 = arith.constant 0 : i32
      %lt3A_3827 = arith.cmpi slt, %select_n3A_3820, %lt3A_3826 : i32
      %ne3A_3828 = arith.xori %lt3A_3825, %lt3A_3827 : i1
      %and3A_3829 = arith.andi %ne3A_3828, %ne3A_3823 : i1
      %add3A_3830 = arith.addi %rem3A_3821, %select_n3A_3820 : i32
      %select_n3A_3831 = arith.select %and3A_3829, %add3A_3830, %rem3A_3821 : i32
      %mul3A_3832 = arith.constant 16 : i32
      %mul3A_3833 = arith.muli %select_n3A_3831, %mul3A_3832 : i32
      %swap3A_3834 = arith.constant 1 : i32
      %swap3A_3835 = arith.constant 2 : i32
      %swap3A_3836 = arith.index_cast %swap3A_3834 : i32 to index
      %swap3A_3837 = arith.index_cast %select_n3A_3815 : i32 to index
      %swap3A_3838 = arith.index_cast %swap3A_3835 : i32 to index
      %swap3A_3839 = arith.index_cast %mul3A_3833 : i32 to index
      %swap3A_3840 = tpu.vector_load %arg7[%swap3A_3836, %swap3A_3837, %swap3A_3838, %swap3A_3839] {strides = array<i32>} : memref<8x4x8x128xf32, #tpu.memory_space<vmem>>, vector<16xf32>,
      tpu.vector_store %arg7[%swap3A_3836, %swap3A_3837, %swap3A_3838, %swap3A_3839], %broadcast_in_dim3A_17 {strides = array<i32>} : memref<8x4x8x128xf32, #tpu.memory_space<vmem>>, vector<16xf32>,
      %jit3A_3841 = arith.constant 8 : i32
      %div3A_3842 = arith.divsi %add3A_3253, %jit3A_3841 : i32
      %sign3A_3843 = arith.constant 0 : i32
      %sign3A_3844 = arith.cmpi sgt, %add3A_3253, %sign3A_3843 : i32
      %sign3A_3845 = arith.extui %sign3A_3844 : i1 to i32
      %sign3A_3846 = arith.constant 0 : i32
      %sign3A_3847 = arith.cmpi slt, %add3A_3253, %sign3A_3846 : i32
      %sign3A_3848 = arith.extui %sign3A_3847 : i1 to i32
      %sign3A_3849 = arith.subi %sign3A_3845, %sign3A_3848 : i32
      %sign3A_3850 = arith.constant 0 : i32
      %sign3A_3851 = arith.cmpi sgt, %jit3A_3841, %sign3A_3850 : i32
      %sign3A_3852 = arith.extui %sign3A_3851 : i1 to i32
      %sign3A_3853 = arith.constant 0 : i32
      %sign3A_3854 = arith.cmpi slt, %jit3A_3841, %sign3A_3853 : i32
      %sign3A_3855 = arith.extui %sign3A_3854 : i1 to i32
      %sign3A_3856 = arith.subi %sign3A_3852, %sign3A_3855 : i32
      %ne3A_3857 = arith.cmpi ne, %sign3A_3849, %sign3A_3856 : i32
      %rem3A_3858 = arith.remsi %add3A_3253, %jit3A_3841 : i32
      %ne3A_3859 = arith.constant 0 : i32
      %ne3A_3860 = arith.cmpi ne, %rem3A_3858, %ne3A_3859 : i32
      %and3A_3861 = arith.andi %ne3A_3857, %ne3A_3860 : i1
      %sub3A_3862 = arith.constant 1 : i32
      %sub3A_3863 = arith.subi %div3A_3842, %sub3A_3862 : i32
      %select_n3A_3864 = arith.select %and3A_3861, %sub3A_3863, %div3A_3842 : i32
      %jit3A_3865 = arith.constant 8 : i32
      %eq3A_3866 = arith.constant 0 : i32
      %eq3A_3867 = arith.cmpi eq, %jit3A_3865, %eq3A_3866 : i32
      %jit3A_3868 = arith.constant 1 : i32
      %select_n3A_3869 = arith.select %eq3A_3867, %jit3A_3868, %jit3A_3865 : i32
      %rem3A_3870 = arith.remsi %add3A_3253, %select_n3A_3869 : i32
      %ne3A_3871 = arith.constant 0 : i32
      %ne3A_3872 = arith.cmpi ne, %rem3A_3870, %ne3A_3871 : i32
      %lt3A_3873 = arith.constant 0 : i32
      %lt3A_3874 = arith.cmpi slt, %rem3A_3870, %lt3A_3873 : i32
      %lt3A_3875 = arith.constant 0 : i32
      %lt3A_3876 = arith.cmpi slt, %select_n3A_3869, %lt3A_3875 : i32
      %ne3A_3877 = arith.xori %lt3A_3874, %lt3A_3876 : i1
      %and3A_3878 = arith.andi %ne3A_3877, %ne3A_3872 : i1
      %add3A_3879 = arith.addi %rem3A_3870, %select_n3A_3869 : i32
      %select_n3A_3880 = arith.select %and3A_3878, %add3A_3879, %rem3A_3870 : i32
      %mul3A_3881 = arith.constant 16 : i32
      %mul3A_3882 = arith.muli %select_n3A_3880, %mul3A_3881 : i32
      %swap3A_3883 = arith.constant 1 : i32
      %swap3A_3884 = arith.constant 3 : i32
      %swap3A_3885 = arith.index_cast %swap3A_3883 : i32 to index
      %swap3A_3886 = arith.index_cast %select_n3A_3864 : i32 to index
      %swap3A_3887 = arith.index_cast %swap3A_3884 : i32 to index
      %swap3A_3888 = arith.index_cast %mul3A_3882 : i32 to index
      %swap3A_3889 = tpu.vector_load %arg7[%swap3A_3885, %swap3A_3886, %swap3A_3887, %swap3A_3888] {strides = array<i32>} : memref<8x4x8x128xf32, #tpu.memory_space<vmem>>, vector<16xf32>,
      tpu.vector_store %arg7[%swap3A_3885, %swap3A_3886, %swap3A_3887, %swap3A_3888], %broadcast_in_dim3A_17 {strides = array<i32>} : memref<8x4x8x128xf32, #tpu.memory_space<vmem>>, vector<16xf32>,
      %jit3A_3890 = arith.constant 8 : i32
      %div3A_3891 = arith.divsi %add3A_3253, %jit3A_3890 : i32
      %sign3A_3892 = arith.constant 0 : i32
      %sign3A_3893 = arith.cmpi sgt, %add3A_3253, %sign3A_3892 : i32
      %sign3A_3894 = arith.extui %sign3A_3893 : i1 to i32
      %sign3A_3895 = arith.constant 0 : i32
      %sign3A_3896 = arith.cmpi slt, %add3A_3253, %sign3A_3895 : i32
      %sign3A_3897 = arith.extui %sign3A_3896 : i1 to i32
      %sign3A_3898 = arith.subi %sign3A_3894, %sign3A_3897 : i32
      %sign3A_3899 = arith.constant 0 : i32
      %sign3A_3900 = arith.cmpi sgt, %jit3A_3890, %sign3A_3899 : i32
      %sign3A_3901 = arith.extui %sign3A_3900 : i1 to i32
      %sign3A_3902 = arith.constant 0 : i32
      %sign3A_3903 = arith.cmpi slt, %jit3A_3890, %sign3A_3902 : i32
      %sign3A_3904 = arith.extui %sign3A_3903 : i1 to i32
      %sign3A_3905 = arith.subi %sign3A_3901, %sign3A_3904 : i32
      %ne3A_3906 = arith.cmpi ne, %sign3A_3898, %sign3A_3905 : i32
      %rem3A_3907 = arith.remsi %add3A_3253, %jit3A_3890 : i32
      %ne3A_3908 = arith.constant 0 : i32
      %ne3A_3909 = arith.cmpi ne, %rem3A_3907, %ne3A_3908 : i32
      %and3A_3910 = arith.andi %ne3A_3906, %ne3A_3909 : i1
      %sub3A_3911 = arith.constant 1 : i32
      %sub3A_3912 = arith.subi %div3A_3891, %sub3A_3911 : i32
      %select_n3A_3913 = arith.select %and3A_3910, %sub3A_3912, %div3A_3891 : i32
      %jit3A_3914 = arith.constant 8 : i32
      %eq3A_3915 = arith.constant 0 : i32
      %eq3A_3916 = arith.cmpi eq, %jit3A_3914, %eq3A_3915 : i32
      %jit3A_3917 = arith.constant 1 : i32
      %select_n3A_3918 = arith.select %eq3A_3916, %jit3A_3917, %jit3A_3914 : i32
      %rem3A_3919 = arith.remsi %add3A_3253, %select_n3A_3918 : i32
      %ne3A_3920 = arith.constant 0 : i32
      %ne3A_3921 = arith.cmpi ne, %rem3A_3919, %ne3A_3920 : i32
      %lt3A_3922 = arith.constant 0 : i32
      %lt3A_3923 = arith.cmpi slt, %rem3A_3919, %lt3A_3922 : i32
      %lt3A_3924 = arith.constant 0 : i32
      %lt3A_3925 = arith.cmpi slt, %select_n3A_3918, %lt3A_3924 : i32
      %ne3A_3926 = arith.xori %lt3A_3923, %lt3A_3925 : i1
      %and3A_3927 = arith.andi %ne3A_3926, %ne3A_3921 : i1
      %add3A_3928 = arith.addi %rem3A_3919, %select_n3A_3918 : i32
      %select_n3A_3929 = arith.select %and3A_3927, %add3A_3928, %rem3A_3919 : i32
      %mul3A_3930 = arith.constant 16 : i32
      %mul3A_3931 = arith.muli %select_n3A_3929, %mul3A_3930 : i32
      %swap3A_3932 = arith.constant 1 : i32
      %swap3A_3933 = arith.constant 4 : i32
      %swap3A_3934 = arith.index_cast %swap3A_3932 : i32 to index
      %swap3A_3935 = arith.index_cast %select_n3A_3913 : i32 to index
      %swap3A_3936 = arith.index_cast %swap3A_3933 : i32 to index
      %swap3A_3937 = arith.index_cast %mul3A_3931 : i32 to index
      %swap3A_3938 = tpu.vector_load %arg7[%swap3A_3934, %swap3A_3935, %swap3A_3936, %swap3A_3937] {strides = array<i32>} : memref<8x4x8x128xf32, #tpu.memory_space<vmem>>, vector<16xf32>,
      tpu.vector_store %arg7[%swap3A_3934, %swap3A_3935, %swap3A_3936, %swap3A_3937], %broadcast_in_dim3A_17 {strides = array<i32>} : memref<8x4x8x128xf32, #tpu.memory_space<vmem>>, vector<16xf32>,
      %jit3A_3939 = arith.constant 8 : i32
      %div3A_3940 = arith.divsi %add3A_3253, %jit3A_3939 : i32
      %sign3A_3941 = arith.constant 0 : i32
      %sign3A_3942 = arith.cmpi sgt, %add3A_3253, %sign3A_3941 : i32
      %sign3A_3943 = arith.extui %sign3A_3942 : i1 to i32
      %sign3A_3944 = arith.constant 0 : i32
      %sign3A_3945 = arith.cmpi slt, %add3A_3253, %sign3A_3944 : i32
      %sign3A_3946 = arith.extui %sign3A_3945 : i1 to i32
      %sign3A_3947 = arith.subi %sign3A_3943, %sign3A_3946 : i32
      %sign3A_3948 = arith.constant 0 : i32
      %sign3A_3949 = arith.cmpi sgt, %jit3A_3939, %sign3A_3948 : i32
      %sign3A_3950 = arith.extui %sign3A_3949 : i1 to i32
      %sign3A_3951 = arith.constant 0 : i32
      %sign3A_3952 = arith.cmpi slt, %jit3A_3939, %sign3A_3951 : i32
      %sign3A_3953 = arith.extui %sign3A_3952 : i1 to i32
      %sign3A_3954 = arith.subi %sign3A_3950, %sign3A_3953 : i32
      %ne3A_3955 = arith.cmpi ne, %sign3A_3947, %sign3A_3954 : i32
      %rem3A_3956 = arith.remsi %add3A_3253, %jit3A_3939 : i32
      %ne3A_3957 = arith.constant 0 : i32
      %ne3A_3958 = arith.cmpi ne, %rem3A_3956, %ne3A_3957 : i32
      %and3A_3959 = arith.andi %ne3A_3955, %ne3A_3958 : i1
      %sub3A_3960 = arith.constant 1 : i32
      %sub3A_3961 = arith.subi %div3A_3940, %sub3A_3960 : i32
      %select_n3A_3962 = arith.select %and3A_3959, %sub3A_3961, %div3A_3940 : i32
      %jit3A_3963 = arith.constant 8 : i32
      %eq3A_3964 = arith.constant 0 : i32
      %eq3A_3965 = arith.cmpi eq, %jit3A_3963, %eq3A_3964 : i32
      %jit3A_3966 = arith.constant 1 : i32
      %select_n3A_3967 = arith.select %eq3A_3965, %jit3A_3966, %jit3A_3963 : i32
      %rem3A_3968 = arith.remsi %add3A_3253, %select_n3A_3967 : i32
      %ne3A_3969 = arith.constant 0 : i32
      %ne3A_3970 = arith.cmpi ne, %rem3A_3968, %ne3A_3969 : i32
      %lt3A_3971 = arith.constant 0 : i32
      %lt3A_3972 = arith.cmpi slt, %rem3A_3968, %lt3A_3971 : i32
      %lt3A_3973 = arith.constant 0 : i32
      %lt3A_3974 = arith.cmpi slt, %select_n3A_3967, %lt3A_3973 : i32
      %ne3A_3975 = arith.xori %lt3A_3972, %lt3A_3974 : i1
      %and3A_3976 = arith.andi %ne3A_3975, %ne3A_3970 : i1
      %add3A_3977 = arith.addi %rem3A_3968, %select_n3A_3967 : i32
      %select_n3A_3978 = arith.select %and3A_3976, %add3A_3977, %rem3A_3968 : i32
      %mul3A_3979 = arith.constant 16 : i32
      %mul3A_3980 = arith.muli %select_n3A_3978, %mul3A_3979 : i32
      %swap3A_3981 = arith.constant 1 : i32
      %swap3A_3982 = arith.constant 5 : i32
      %swap3A_3983 = arith.index_cast %swap3A_3981 : i32 to index
      %swap3A_3984 = arith.index_cast %select_n3A_3962 : i32 to index
      %swap3A_3985 = arith.index_cast %swap3A_3982 : i32 to index
      %swap3A_3986 = arith.index_cast %mul3A_3980 : i32 to index
      %swap3A_3987 = tpu.vector_load %arg7[%swap3A_3983, %swap3A_3984, %swap3A_3985, %swap3A_3986] {strides = array<i32>} : memref<8x4x8x128xf32, #tpu.memory_space<vmem>>, vector<16xf32>,
      tpu.vector_store %arg7[%swap3A_3983, %swap3A_3984, %swap3A_3985, %swap3A_3986], %broadcast_in_dim3A_17 {strides = array<i32>} : memref<8x4x8x128xf32, #tpu.memory_space<vmem>>, vector<16xf32>,
      %jit3A_3988 = arith.constant 8 : i32
      %div3A_3989 = arith.divsi %add3A_3253, %jit3A_3988 : i32
      %sign3A_3990 = arith.constant 0 : i32
      %sign3A_3991 = arith.cmpi sgt, %add3A_3253, %sign3A_3990 : i32
      %sign3A_3992 = arith.extui %sign3A_3991 : i1 to i32
      %sign3A_3993 = arith.constant 0 : i32
      %sign3A_3994 = arith.cmpi slt, %add3A_3253, %sign3A_3993 : i32
      %sign3A_3995 = arith.extui %sign3A_3994 : i1 to i32
      %sign3A_3996 = arith.subi %sign3A_3992, %sign3A_3995 : i32
      %sign3A_3997 = arith.constant 0 : i32
      %sign3A_3998 = arith.cmpi sgt, %jit3A_3988, %sign3A_3997 : i32
      %sign3A_3999 = arith.extui %sign3A_3998 : i1 to i32
      %sign3A_4000 = arith.constant 0 : i32
      %sign3A_4001 = arith.cmpi slt, %jit3A_3988, %sign3A_4000 : i32
      %sign3A_4002 = arith.extui %sign3A_4001 : i1 to i32
      %sign3A_4003 = arith.subi %sign3A_3999, %sign3A_4002 : i32
      %ne3A_4004 = arith.cmpi ne, %sign3A_3996, %sign3A_4003 : i32
      %rem3A_4005 = arith.remsi %add3A_3253, %jit3A_3988 : i32
      %ne3A_4006 = arith.constant 0 : i32
      %ne3A_4007 = arith.cmpi ne, %rem3A_4005, %ne3A_4006 : i32
      %and3A_4008 = arith.andi %ne3A_4004, %ne3A_4007 : i1
      %sub3A_4009 = arith.constant 1 : i32
      %sub3A_4010 = arith.subi %div3A_3989, %sub3A_4009 : i32
      %select_n3A_4011 = arith.select %and3A_4008, %sub3A_4010, %div3A_3989 : i32
      %jit3A_4012 = arith.constant 8 : i32
      %eq3A_4013 = arith.constant 0 : i32
      %eq3A_4014 = arith.cmpi eq, %jit3A_4012, %eq3A_4013 : i32
      %jit3A_4015 = arith.constant 1 : i32
      %select_n3A_4016 = arith.select %eq3A_4014, %jit3A_4015, %jit3A_4012 : i32
      %rem3A_4017 = arith.remsi %add3A_3253, %select_n3A_4016 : i32
      %ne3A_4018 = arith.constant 0 : i32
      %ne3A_4019 = arith.cmpi ne, %rem3A_4017, %ne3A_4018 : i32
      %lt3A_4020 = arith.constant 0 : i32
      %lt3A_4021 = arith.cmpi slt, %rem3A_4017, %lt3A_4020 : i32
      %lt3A_4022 = arith.constant 0 : i32
      %lt3A_4023 = arith.cmpi slt, %select_n3A_4016, %lt3A_4022 : i32
      %ne3A_4024 = arith.xori %lt3A_4021, %lt3A_4023 : i1
      %and3A_4025 = arith.andi %ne3A_4024, %ne3A_4019 : i1
      %add3A_4026 = arith.addi %rem3A_4017, %select_n3A_4016 : i32
      %select_n3A_4027 = arith.select %and3A_4025, %add3A_4026, %rem3A_4017 : i32
      %mul3A_4028 = arith.constant 16 : i32
      %mul3A_4029 = arith.muli %select_n3A_4027, %mul3A_4028 : i32
      %swap3A_4030 = arith.constant 1 : i32
      %swap3A_4031 = arith.constant 6 : i32
      %swap3A_4032 = arith.index_cast %swap3A_4030 : i32 to index
      %swap3A_4033 = arith.index_cast %select_n3A_4011 : i32 to index
      %swap3A_4034 = arith.index_cast %swap3A_4031 : i32 to index
      %swap3A_4035 = arith.index_cast %mul3A_4029 : i32 to index
      %swap3A_4036 = tpu.vector_load %arg7[%swap3A_4032, %swap3A_4033, %swap3A_4034, %swap3A_4035] {strides = array<i32>} : memref<8x4x8x128xf32, #tpu.memory_space<vmem>>, vector<16xf32>,
      tpu.vector_store %arg7[%swap3A_4032, %swap3A_4033, %swap3A_4034, %swap3A_4035], %broadcast_in_dim3A_17 {strides = array<i32>} : memref<8x4x8x128xf32, #tpu.memory_space<vmem>>, vector<16xf32>,
      %jit3A_4037 = arith.constant 8 : i32
      %div3A_4038 = arith.divsi %add3A_3253, %jit3A_4037 : i32
      %sign3A_4039 = arith.constant 0 : i32
      %sign3A_4040 = arith.cmpi sgt, %add3A_3253, %sign3A_4039 : i32
      %sign3A_4041 = arith.extui %sign3A_4040 : i1 to i32
      %sign3A_4042 = arith.constant 0 : i32
      %sign3A_4043 = arith.cmpi slt, %add3A_3253, %sign3A_4042 : i32
      %sign3A_4044 = arith.extui %sign3A_4043 : i1 to i32
      %sign3A_4045 = arith.subi %sign3A_4041, %sign3A_4044 : i32
      %sign3A_4046 = arith.constant 0 : i32
      %sign3A_4047 = arith.cmpi sgt, %jit3A_4037, %sign3A_4046 : i32
      %sign3A_4048 = arith.extui %sign3A_4047 : i1 to i32
      %sign3A_4049 = arith.constant 0 : i32
      %sign3A_4050 = arith.cmpi slt, %jit3A_4037, %sign3A_4049 : i32
      %sign3A_4051 = arith.extui %sign3A_4050 : i1 to i32
      %sign3A_4052 = arith.subi %sign3A_4048, %sign3A_4051 : i32
      %ne3A_4053 = arith.cmpi ne, %sign3A_4045, %sign3A_4052 : i32
      %rem3A_4054 = arith.remsi %add3A_3253, %jit3A_4037 : i32
      %ne3A_4055 = arith.constant 0 : i32
      %ne3A_4056 = arith.cmpi ne, %rem3A_4054, %ne3A_4055 : i32
      %and3A_4057 = arith.andi %ne3A_4053, %ne3A_4056 : i1
      %sub3A_4058 = arith.constant 1 : i32
      %sub3A_4059 = arith.subi %div3A_4038, %sub3A_4058 : i32
      %select_n3A_4060 = arith.select %and3A_4057, %sub3A_4059, %div3A_4038 : i32
      %jit3A_4061 = arith.constant 8 : i32
      %eq3A_4062 = arith.constant 0 : i32
      %eq3A_4063 = arith.cmpi eq, %jit3A_4061, %eq3A_4062 : i32
      %jit3A_4064 = arith.constant 1 : i32
      %select_n3A_4065 = arith.select %eq3A_4063, %jit3A_4064, %jit3A_4061 : i32
      %rem3A_4066 = arith.remsi %add3A_3253, %select_n3A_4065 : i32
      %ne3A_4067 = arith.constant 0 : i32
      %ne3A_4068 = arith.cmpi ne, %rem3A_4066, %ne3A_4067 : i32
      %lt3A_4069 = arith.constant 0 : i32
      %lt3A_4070 = arith.cmpi slt, %rem3A_4066, %lt3A_4069 : i32
      %lt3A_4071 = arith.constant 0 : i32
      %lt3A_4072 = arith.cmpi slt, %select_n3A_4065, %lt3A_4071 : i32
      %ne3A_4073 = arith.xori %lt3A_4070, %lt3A_4072 : i1
      %and3A_4074 = arith.andi %ne3A_4073, %ne3A_4068 : i1
      %add3A_4075 = arith.addi %rem3A_4066, %select_n3A_4065 : i32
      %select_n3A_4076 = arith.select %and3A_4074, %add3A_4075, %rem3A_4066 : i32
      %mul3A_4077 = arith.constant 16 : i32
      %mul3A_4078 = arith.muli %select_n3A_4076, %mul3A_4077 : i32
      %swap3A_4079 = arith.constant 1 : i32
      %swap3A_4080 = arith.constant 7 : i32
      %swap3A_4081 = arith.index_cast %swap3A_4079 : i32 to index
      %swap3A_4082 = arith.index_cast %select_n3A_4060 : i32 to index
      %swap3A_4083 = arith.index_cast %swap3A_4080 : i32 to index
      %swap3A_4084 = arith.index_cast %mul3A_4078 : i32 to index
      %swap3A_4085 = tpu.vector_load %arg7[%swap3A_4081, %swap3A_4082, %swap3A_4083, %swap3A_4084] {strides = array<i32>} : memref<8x4x8x128xf32, #tpu.memory_space<vmem>>, vector<16xf32>,
      tpu.vector_store %arg7[%swap3A_4081, %swap3A_4082, %swap3A_4083, %swap3A_4084], %broadcast_in_dim3A_17 {strides = array<i32>} : memref<8x4x8x128xf32, #tpu.memory_space<vmem>>, vector<16xf32>,
      %jit3A_4086 = arith.constant 8 : i32
      %div3A_4087 = arith.divsi %add3A_3253, %jit3A_4086 : i32
      %sign3A_4088 = arith.constant 0 : i32
      %sign3A_4089 = arith.cmpi sgt, %add3A_3253, %sign3A_4088 : i32
      %sign3A_4090 = arith.extui %sign3A_4089 : i1 to i32
      %sign3A_4091 = arith.constant 0 : i32
      %sign3A_4092 = arith.cmpi slt, %add3A_3253, %sign3A_4091 : i32
      %sign3A_4093 = arith.extui %sign3A_4092 : i1 to i32
      %sign3A_4094 = arith.subi %sign3A_4090, %sign3A_4093 : i32
      %sign3A_4095 = arith.constant 0 : i32
      %sign3A_4096 = arith.cmpi sgt, %jit3A_4086, %sign3A_4095 : i32
      %sign3A_4097 = arith.extui %sign3A_4096 : i1 to i32
      %sign3A_4098 = arith.constant 0 : i32
      %sign3A_4099 = arith.cmpi slt, %jit3A_4086, %sign3A_4098 : i32
      %sign3A_4100 = arith.extui %sign3A_4099 : i1 to i32
      %sign3A_4101 = arith.subi %sign3A_4097, %sign3A_4100 : i32
      %ne3A_4102 = arith.cmpi ne, %sign3A_4094, %sign3A_4101 : i32
      %rem3A_4103 = arith.remsi %add3A_3253, %jit3A_4086 : i32
      %ne3A_4104 = arith.constant 0 : i32
      %ne3A_4105 = arith.cmpi ne, %rem3A_4103, %ne3A_4104 : i32
      %and3A_4106 = arith.andi %ne3A_4102, %ne3A_4105 : i1
      %sub3A_4107 = arith.constant 1 : i32
      %sub3A_4108 = arith.subi %div3A_4087, %sub3A_4107 : i32
      %select_n3A_4109 = arith.select %and3A_4106, %sub3A_4108, %div3A_4087 : i32
      %jit3A_4110 = arith.constant 8 : i32
      %eq3A_4111 = arith.constant 0 : i32
      %eq3A_4112 = arith.cmpi eq, %jit3A_4110, %eq3A_4111 : i32
      %jit3A_4113 = arith.constant 1 : i32
      %select_n3A_4114 = arith.select %eq3A_4112, %jit3A_4113, %jit3A_4110 : i32
      %rem3A_4115 = arith.remsi %add3A_3253, %select_n3A_4114 : i32
      %ne3A_4116 = arith.constant 0 : i32
      %ne3A_4117 = arith.cmpi ne, %rem3A_4115, %ne3A_4116 : i32
      %lt3A_4118 = arith.constant 0 : i32
      %lt3A_4119 = arith.cmpi slt, %rem3A_4115, %lt3A_4118 : i32
      %lt3A_4120 = arith.constant 0 : i32
      %lt3A_4121 = arith.cmpi slt, %select_n3A_4114, %lt3A_4120 : i32
      %ne3A_4122 = arith.xori %lt3A_4119, %lt3A_4121 : i1
      %and3A_4123 = arith.andi %ne3A_4122, %ne3A_4117 : i1
      %add3A_4124 = arith.addi %rem3A_4115, %select_n3A_4114 : i32
      %select_n3A_4125 = arith.select %and3A_4123, %add3A_4124, %rem3A_4115 : i32
      %mul3A_4126 = arith.constant 16 : i32
      %mul3A_4127 = arith.muli %select_n3A_4125, %mul3A_4126 : i32
      %swap3A_4128 = arith.constant 2 : i32
      %swap3A_4129 = arith.constant 0 : i32
      %swap3A_4130 = arith.index_cast %swap3A_4128 : i32 to index
      %swap3A_4131 = arith.index_cast %select_n3A_4109 : i32 to index
      %swap3A_4132 = arith.index_cast %swap3A_4129 : i32 to index
      %swap3A_4133 = arith.index_cast %mul3A_4127 : i32 to index
      %swap3A_4134 = tpu.vector_load %arg7[%swap3A_4130, %swap3A_4131, %swap3A_4132, %swap3A_4133] {strides = array<i32>} : memref<8x4x8x128xf32, #tpu.memory_space<vmem>>, vector<16xf32>,
      tpu.vector_store %arg7[%swap3A_4130, %swap3A_4131, %swap3A_4132, %swap3A_4133], %broadcast_in_dim3A_17 {strides = array<i32>} : memref<8x4x8x128xf32, #tpu.memory_space<vmem>>, vector<16xf32>,
      %jit3A_4135 = arith.constant 8 : i32
      %div3A_4136 = arith.divsi %add3A_3253, %jit3A_4135 : i32
      %sign3A_4137 = arith.constant 0 : i32
      %sign3A_4138 = arith.cmpi sgt, %add3A_3253, %sign3A_4137 : i32
      %sign3A_4139 = arith.extui %sign3A_4138 : i1 to i32
      %sign3A_4140 = arith.constant 0 : i32
      %sign3A_4141 = arith.cmpi slt, %add3A_3253, %sign3A_4140 : i32
      %sign3A_4142 = arith.extui %sign3A_4141 : i1 to i32
      %sign3A_4143 = arith.subi %sign3A_4139, %sign3A_4142 : i32
      %sign3A_4144 = arith.constant 0 : i32
      %sign3A_4145 = arith.cmpi sgt, %jit3A_4135, %sign3A_4144 : i32
      %sign3A_4146 = arith.extui %sign3A_4145 : i1 to i32
      %sign3A_4147 = arith.constant 0 : i32
      %sign3A_4148 = arith.cmpi slt, %jit3A_4135, %sign3A_4147 : i32
      %sign3A_4149 = arith.extui %sign3A_4148 : i1 to i32
      %sign3A_4150 = arith.subi %sign3A_4146, %sign3A_4149 : i32
      %ne3A_4151 = arith.cmpi ne, %sign3A_4143, %sign3A_4150 : i32
      %rem3A_4152 = arith.remsi %add3A_3253, %jit3A_4135 : i32
      %ne3A_4153 = arith.constant 0 : i32
      %ne3A_4154 = arith.cmpi ne, %rem3A_4152, %ne3A_4153 : i32
      %and3A_4155 = arith.andi %ne3A_4151, %ne3A_4154 : i1
      %sub3A_4156 = arith.constant 1 : i32
      %sub3A_4157 = arith.subi %div3A_4136, %sub3A_4156 : i32
      %select_n3A_4158 = arith.select %and3A_4155, %sub3A_4157, %div3A_4136 : i32
      %jit3A_4159 = arith.constant 8 : i32
      %eq3A_4160 = arith.constant 0 : i32
      %eq3A_4161 = arith.cmpi eq, %jit3A_4159, %eq3A_4160 : i32
      %jit3A_4162 = arith.constant 1 : i32
      %select_n3A_4163 = arith.select %eq3A_4161, %jit3A_4162, %jit3A_4159 : i32
      %rem3A_4164 = arith.remsi %add3A_3253, %select_n3A_4163 : i32
      %ne3A_4165 = arith.constant 0 : i32
      %ne3A_4166 = arith.cmpi ne, %rem3A_4164, %ne3A_4165 : i32
      %lt3A_4167 = arith.constant 0 : i32
      %lt3A_4168 = arith.cmpi slt, %rem3A_4164, %lt3A_4167 : i32
      %lt3A_4169 = arith.constant 0 : i32
      %lt3A_4170 = arith.cmpi slt, %select_n3A_4163, %lt3A_4169 : i32
      %ne3A_4171 = arith.xori %lt3A_4168, %lt3A_4170 : i1
      %and3A_4172 = arith.andi %ne3A_4171, %ne3A_4166 : i1
      %add3A_4173 = arith.addi %rem3A_4164, %select_n3A_4163 : i32
      %select_n3A_4174 = arith.select %and3A_4172, %add3A_4173, %rem3A_4164 : i32
      %mul3A_4175 = arith.constant 16 : i32
      %mul3A_4176 = arith.muli %select_n3A_4174, %mul3A_4175 : i32
      %swap3A_4177 = arith.constant 2 : i32
      %swap3A_4178 = arith.constant 1 : i32
      %swap3A_4179 = arith.index_cast %swap3A_4177 : i32 to index
      %swap3A_4180 = arith.index_cast %select_n3A_4158 : i32 to index
      %swap3A_4181 = arith.index_cast %swap3A_4178 : i32 to index
      %swap3A_4182 = arith.index_cast %mul3A_4176 : i32 to index
      %swap3A_4183 = tpu.vector_load %arg7[%swap3A_4179, %swap3A_4180, %swap3A_4181, %swap3A_4182] {strides = array<i32>} : memref<8x4x8x128xf32, #tpu.memory_space<vmem>>, vector<16xf32>,
      tpu.vector_store %arg7[%swap3A_4179, %swap3A_4180, %swap3A_4181, %swap3A_4182], %broadcast_in_dim3A_17 {strides = array<i32>} : memref<8x4x8x128xf32, #tpu.memory_space<vmem>>, vector<16xf32>,
      %jit3A_4184 = arith.constant 8 : i32
      %div3A_4185 = arith.divsi %add3A_3253, %jit3A_4184 : i32
      %sign3A_4186 = arith.constant 0 : i32
      %sign3A_4187 = arith.cmpi sgt, %add3A_3253, %sign3A_4186 : i32
      %sign3A_4188 = arith.extui %sign3A_4187 : i1 to i32
      %sign3A_4189 = arith.constant 0 : i32
      %sign3A_4190 = arith.cmpi slt, %add3A_3253, %sign3A_4189 : i32
      %sign3A_4191 = arith.extui %sign3A_4190 : i1 to i32
      %sign3A_4192 = arith.subi %sign3A_4188, %sign3A_4191 : i32
      %sign3A_4193 = arith.constant 0 : i32
      %sign3A_4194 = arith.cmpi sgt, %jit3A_4184, %sign3A_4193 : i32
      %sign3A_4195 = arith.extui %sign3A_4194 : i1 to i32
      %sign3A_4196 = arith.constant 0 : i32
      %sign3A_4197 = arith.cmpi slt, %jit3A_4184, %sign3A_4196 : i32
      %sign3A_4198 = arith.extui %sign3A_4197 : i1 to i32
      %sign3A_4199 = arith.subi %sign3A_4195, %sign3A_4198 : i32
      %ne3A_4200 = arith.cmpi ne, %sign3A_4192, %sign3A_4199 : i32
      %rem3A_4201 = arith.remsi %add3A_3253, %jit3A_4184 : i32
      %ne3A_4202 = arith.constant 0 : i32
      %ne3A_4203 = arith.cmpi ne, %rem3A_4201, %ne3A_4202 : i32
      %and3A_4204 = arith.andi %ne3A_4200, %ne3A_4203 : i1
      %sub3A_4205 = arith.constant 1 : i32
      %sub3A_4206 = arith.subi %div3A_4185, %sub3A_4205 : i32
      %select_n3A_4207 = arith.select %and3A_4204, %sub3A_4206, %div3A_4185 : i32
      %jit3A_4208 = arith.constant 8 : i32
      %eq3A_4209 = arith.constant 0 : i32
      %eq3A_4210 = arith.cmpi eq, %jit3A_4208, %eq3A_4209 : i32
      %jit3A_4211 = arith.constant 1 : i32
      %select_n3A_4212 = arith.select %eq3A_4210, %jit3A_4211, %jit3A_4208 : i32
      %rem3A_4213 = arith.remsi %add3A_3253, %select_n3A_4212 : i32
      %ne3A_4214 = arith.constant 0 : i32
      %ne3A_4215 = arith.cmpi ne, %rem3A_4213, %ne3A_4214 : i32
      %lt3A_4216 = arith.constant 0 : i32
      %lt3A_4217 = arith.cmpi slt, %rem3A_4213, %lt3A_4216 : i32
      %lt3A_4218 = arith.constant 0 : i32
      %lt3A_4219 = arith.cmpi slt, %select_n3A_4212, %lt3A_4218 : i32
      %ne3A_4220 = arith.xori %lt3A_4217, %lt3A_4219 : i1
      %and3A_4221 = arith.andi %ne3A_4220, %ne3A_4215 : i1
      %add3A_4222 = arith.addi %rem3A_4213, %select_n3A_4212 : i32
      %select_n3A_4223 = arith.select %and3A_4221, %add3A_4222, %rem3A_4213 : i32
      %mul3A_4224 = arith.constant 16 : i32
      %mul3A_4225 = arith.muli %select_n3A_4223, %mul3A_4224 : i32
      %swap3A_4226 = arith.constant 2 : i32
      %swap3A_4227 = arith.constant 2 : i32
      %swap3A_4228 = arith.index_cast %swap3A_4226 : i32 to index
      %swap3A_4229 = arith.index_cast %select_n3A_4207 : i32 to index
      %swap3A_4230 = arith.index_cast %swap3A_4227 : i32 to index
      %swap3A_4231 = arith.index_cast %mul3A_4225 : i32 to index
      %swap3A_4232 = tpu.vector_load %arg7[%swap3A_4228, %swap3A_4229, %swap3A_4230, %swap3A_4231] {strides = array<i32>} : memref<8x4x8x128xf32, #tpu.memory_space<vmem>>, vector<16xf32>,
      tpu.vector_store %arg7[%swap3A_4228, %swap3A_4229, %swap3A_4230, %swap3A_4231], %broadcast_in_dim3A_17 {strides = array<i32>} : memref<8x4x8x128xf32, #tpu.memory_space<vmem>>, vector<16xf32>,
      %jit3A_4233 = arith.constant 8 : i32
      %div3A_4234 = arith.divsi %add3A_3253, %jit3A_4233 : i32
      %sign3A_4235 = arith.constant 0 : i32
      %sign3A_4236 = arith.cmpi sgt, %add3A_3253, %sign3A_4235 : i32
      %sign3A_4237 = arith.extui %sign3A_4236 : i1 to i32
      %sign3A_4238 = arith.constant 0 : i32
      %sign3A_4239 = arith.cmpi slt, %add3A_3253, %sign3A_4238 : i32
      %sign3A_4240 = arith.extui %sign3A_4239 : i1 to i32
      %sign3A_4241 = arith.subi %sign3A_4237, %sign3A_4240 : i32
      %sign3A_4242 = arith.constant 0 : i32
      %sign3A_4243 = arith.cmpi sgt, %jit3A_4233, %sign3A_4242 : i32
      %sign3A_4244 = arith.extui %sign3A_4243 : i1 to i32
      %sign3A_4245 = arith.constant 0 : i32
      %sign3A_4246 = arith.cmpi slt, %jit3A_4233, %sign3A_4245 : i32
      %sign3A_4247 = arith.extui %sign3A_4246 : i1 to i32
      %sign3A_4248 = arith.subi %sign3A_4244, %sign3A_4247 : i32
      %ne3A_4249 = arith.cmpi ne, %sign3A_4241, %sign3A_4248 : i32
      %rem3A_4250 = arith.remsi %add3A_3253, %jit3A_4233 : i32
      %ne3A_4251 = arith.constant 0 : i32
      %ne3A_4252 = arith.cmpi ne, %rem3A_4250, %ne3A_4251 : i32
      %and3A_4253 = arith.andi %ne3A_4249, %ne3A_4252 : i1
      %sub3A_4254 = arith.constant 1 : i32
      %sub3A_4255 = arith.subi %div3A_4234, %sub3A_4254 : i32
      %select_n3A_4256 = arith.select %and3A_4253, %sub3A_4255, %div3A_4234 : i32
      %jit3A_4257 = arith.constant 8 : i32
      %eq3A_4258 = arith.constant 0 : i32
      %eq3A_4259 = arith.cmpi eq, %jit3A_4257, %eq3A_4258 : i32
      %jit3A_4260 = arith.constant 1 : i32
      %select_n3A_4261 = arith.select %eq3A_4259, %jit3A_4260, %jit3A_4257 : i32
      %rem3A_4262 = arith.remsi %add3A_3253, %select_n3A_4261 : i32
      %ne3A_4263 = arith.constant 0 : i32
      %ne3A_4264 = arith.cmpi ne, %rem3A_4262, %ne3A_4263 : i32
      %lt3A_4265 = arith.constant 0 : i32
      %lt3A_4266 = arith.cmpi slt, %rem3A_4262, %lt3A_4265 : i32
      %lt3A_4267 = arith.constant 0 : i32
      %lt3A_4268 = arith.cmpi slt, %select_n3A_4261, %lt3A_4267 : i32
      %ne3A_4269 = arith.xori %lt3A_4266, %lt3A_4268 : i1
      %and3A_4270 = arith.andi %ne3A_4269, %ne3A_4264 : i1
      %add3A_4271 = arith.addi %rem3A_4262, %select_n3A_4261 : i32
      %select_n3A_4272 = arith.select %and3A_4270, %add3A_4271, %rem3A_4262 : i32
      %mul3A_4273 = arith.constant 16 : i32
      %mul3A_4274 = arith.muli %select_n3A_4272, %mul3A_4273 : i32
      %swap3A_4275 = arith.constant 2 : i32
      %swap3A_4276 = arith.constant 3 : i32
      %swap3A_4277 = arith.index_cast %swap3A_4275 : i32 to index
      %swap3A_4278 = arith.index_cast %select_n3A_4256 : i32 to index
      %swap3A_4279 = arith.index_cast %swap3A_4276 : i32 to index
      %swap3A_4280 = arith.index_cast %mul3A_4274 : i32 to index
      %swap3A_4281 = tpu.vector_load %arg7[%swap3A_4277, %swap3A_4278, %swap3A_4279, %swap3A_4280] {strides = array<i32>} : memref<8x4x8x128xf32, #tpu.memory_space<vmem>>, vector<16xf32>,
      tpu.vector_store %arg7[%swap3A_4277, %swap3A_4278, %swap3A_4279, %swap3A_4280], %broadcast_in_dim3A_17 {strides = array<i32>} : memref<8x4x8x128xf32, #tpu.memory_space<vmem>>, vector<16xf32>,
      %jit3A_4282 = arith.constant 8 : i32
      %div3A_4283 = arith.divsi %add3A_3253, %jit3A_4282 : i32
      %sign3A_4284 = arith.constant 0 : i32
      %sign3A_4285 = arith.cmpi sgt, %add3A_3253, %sign3A_4284 : i32
      %sign3A_4286 = arith.extui %sign3A_4285 : i1 to i32
      %sign3A_4287 = arith.constant 0 : i32
      %sign3A_4288 = arith.cmpi slt, %add3A_3253, %sign3A_4287 : i32
      %sign3A_4289 = arith.extui %sign3A_4288 : i1 to i32
      %sign3A_4290 = arith.subi %sign3A_4286, %sign3A_4289 : i32
      %sign3A_4291 = arith.constant 0 : i32
      %sign3A_4292 = arith.cmpi sgt, %jit3A_4282, %sign3A_4291 : i32
      %sign3A_4293 = arith.extui %sign3A_4292 : i1 to i32
      %sign3A_4294 = arith.constant 0 : i32
      %sign3A_4295 = arith.cmpi slt, %jit3A_4282, %sign3A_4294 : i32
      %sign3A_4296 = arith.extui %sign3A_4295 : i1 to i32
      %sign3A_4297 = arith.subi %sign3A_4293, %sign3A_4296 : i32
      %ne3A_4298 = arith.cmpi ne, %sign3A_4290, %sign3A_4297 : i32
      %rem3A_4299 = arith.remsi %add3A_3253, %jit3A_4282 : i32
      %ne3A_4300 = arith.constant 0 : i32
      %ne3A_4301 = arith.cmpi ne, %rem3A_4299, %ne3A_4300 : i32
      %and3A_4302 = arith.andi %ne3A_4298, %ne3A_4301 : i1
      %sub3A_4303 = arith.constant 1 : i32
      %sub3A_4304 = arith.subi %div3A_4283, %sub3A_4303 : i32
      %select_n3A_4305 = arith.select %and3A_4302, %sub3A_4304, %div3A_4283 : i32
      %jit3A_4306 = arith.constant 8 : i32
      %eq3A_4307 = arith.constant 0 : i32
      %eq3A_4308 = arith.cmpi eq, %jit3A_4306, %eq3A_4307 : i32
      %jit3A_4309 = arith.constant 1 : i32
      %select_n3A_4310 = arith.select %eq3A_4308, %jit3A_4309, %jit3A_4306 : i32
      %rem3A_4311 = arith.remsi %add3A_3253, %select_n3A_4310 : i32
      %ne3A_4312 = arith.constant 0 : i32
      %ne3A_4313 = arith.cmpi ne, %rem3A_4311, %ne3A_4312 : i32
      %lt3A_4314 = arith.constant 0 : i32
      %lt3A_4315 = arith.cmpi slt, %rem3A_4311, %lt3A_4314 : i32
      %lt3A_4316 = arith.constant 0 : i32
      %lt3A_4317 = arith.cmpi slt, %select_n3A_4310, %lt3A_4316 : i32
      %ne3A_4318 = arith.xori %lt3A_4315, %lt3A_4317 : i1
      %and3A_4319 = arith.andi %ne3A_4318, %ne3A_4313 : i1
      %add3A_4320 = arith.addi %rem3A_4311, %select_n3A_4310 : i32
      %select_n3A_4321 = arith.select %and3A_4319, %add3A_4320, %rem3A_4311 : i32
      %mul3A_4322 = arith.constant 16 : i32
      %mul3A_4323 = arith.muli %select_n3A_4321, %mul3A_4322 : i32
      %swap3A_4324 = arith.constant 2 : i32
      %swap3A_4325 = arith.constant 4 : i32
      %swap3A_4326 = arith.index_cast %swap3A_4324 : i32 to index
      %swap3A_4327 = arith.index_cast %select_n3A_4305 : i32 to index
      %swap3A_4328 = arith.index_cast %swap3A_4325 : i32 to index
      %swap3A_4329 = arith.index_cast %mul3A_4323 : i32 to index
      %swap3A_4330 = tpu.vector_load %arg7[%swap3A_4326, %swap3A_4327, %swap3A_4328, %swap3A_4329] {strides = array<i32>} : memref<8x4x8x128xf32, #tpu.memory_space<vmem>>, vector<16xf32>,
      tpu.vector_store %arg7[%swap3A_4326, %swap3A_4327, %swap3A_4328, %swap3A_4329], %broadcast_in_dim3A_17 {strides = array<i32>} : memref<8x4x8x128xf32, #tpu.memory_space<vmem>>, vector<16xf32>,
      %jit3A_4331 = arith.constant 8 : i32
      %div3A_4332 = arith.divsi %add3A_3253, %jit3A_4331 : i32
      %sign3A_4333 = arith.constant 0 : i32
      %sign3A_4334 = arith.cmpi sgt, %add3A_3253, %sign3A_4333 : i32
      %sign3A_4335 = arith.extui %sign3A_4334 : i1 to i32
      %sign3A_4336 = arith.constant 0 : i32
      %sign3A_4337 = arith.cmpi slt, %add3A_3253, %sign3A_4336 : i32
      %sign3A_4338 = arith.extui %sign3A_4337 : i1 to i32
      %sign3A_4339 = arith.subi %sign3A_4335, %sign3A_4338 : i32
      %sign3A_4340 = arith.constant 0 : i32
      %sign3A_4341 = arith.cmpi sgt, %jit3A_4331, %sign3A_4340 : i32
      %sign3A_4342 = arith.extui %sign3A_4341 : i1 to i32
      %sign3A_4343 = arith.constant 0 : i32
      %sign3A_4344 = arith.cmpi slt, %jit3A_4331, %sign3A_4343 : i32
      %sign3A_4345 = arith.extui %sign3A_4344 : i1 to i32
      %sign3A_4346 = arith.subi %sign3A_4342, %sign3A_4345 : i32
      %ne3A_4347 = arith.cmpi ne, %sign3A_4339, %sign3A_4346 : i32
      %rem3A_4348 = arith.remsi %add3A_3253, %jit3A_4331 : i32
      %ne3A_4349 = arith.constant 0 : i32
      %ne3A_4350 = arith.cmpi ne, %rem3A_4348, %ne3A_4349 : i32
      %and3A_4351 = arith.andi %ne3A_4347, %ne3A_4350 : i1
      %sub3A_4352 = arith.constant 1 : i32
      %sub3A_4353 = arith.subi %div3A_4332, %sub3A_4352 : i32
      %select_n3A_4354 = arith.select %and3A_4351, %sub3A_4353, %div3A_4332 : i32
      %jit3A_4355 = arith.constant 8 : i32
      %eq3A_4356 = arith.constant 0 : i32
      %eq3A_4357 = arith.cmpi eq, %jit3A_4355, %eq3A_4356 : i32
      %jit3A_4358 = arith.constant 1 : i32
      %select_n3A_4359 = arith.select %eq3A_4357, %jit3A_4358, %jit3A_4355 : i32
      %rem3A_4360 = arith.remsi %add3A_3253, %select_n3A_4359 : i32
      %ne3A_4361 = arith.constant 0 : i32
      %ne3A_4362 = arith.cmpi ne, %rem3A_4360, %ne3A_4361 : i32
      %lt3A_4363 = arith.constant 0 : i32
      %lt3A_4364 = arith.cmpi slt, %rem3A_4360, %lt3A_4363 : i32
      %lt3A_4365 = arith.constant 0 : i32
      %lt3A_4366 = arith.cmpi slt, %select_n3A_4359, %lt3A_4365 : i32
      %ne3A_4367 = arith.xori %lt3A_4364, %lt3A_4366 : i1
      %and3A_4368 = arith.andi %ne3A_4367, %ne3A_4362 : i1
      %add3A_4369 = arith.addi %rem3A_4360, %select_n3A_4359 : i32
      %select_n3A_4370 = arith.select %and3A_4368, %add3A_4369, %rem3A_4360 : i32
      %mul3A_4371 = arith.constant 16 : i32
      %mul3A_4372 = arith.muli %select_n3A_4370, %mul3A_4371 : i32
      %swap3A_4373 = arith.constant 2 : i32
      %swap3A_4374 = arith.constant 5 : i32
      %swap3A_4375 = arith.index_cast %swap3A_4373 : i32 to index
      %swap3A_4376 = arith.index_cast %select_n3A_4354 : i32 to index
      %swap3A_4377 = arith.index_cast %swap3A_4374 : i32 to index
      %swap3A_4378 = arith.index_cast %mul3A_4372 : i32 to index
      %swap3A_4379 = tpu.vector_load %arg7[%swap3A_4375, %swap3A_4376, %swap3A_4377, %swap3A_4378] {strides = array<i32>} : memref<8x4x8x128xf32, #tpu.memory_space<vmem>>, vector<16xf32>,
      tpu.vector_store %arg7[%swap3A_4375, %swap3A_4376, %swap3A_4377, %swap3A_4378], %broadcast_in_dim3A_17 {strides = array<i32>} : memref<8x4x8x128xf32, #tpu.memory_space<vmem>>, vector<16xf32>,
      %jit3A_4380 = arith.constant 8 : i32
      %div3A_4381 = arith.divsi %add3A_3253, %jit3A_4380 : i32
      %sign3A_4382 = arith.constant 0 : i32
      %sign3A_4383 = arith.cmpi sgt, %add3A_3253, %sign3A_4382 : i32
      %sign3A_4384 = arith.extui %sign3A_4383 : i1 to i32
      %sign3A_4385 = arith.constant 0 : i32
      %sign3A_4386 = arith.cmpi slt, %add3A_3253, %sign3A_4385 : i32
      %sign3A_4387 = arith.extui %sign3A_4386 : i1 to i32
      %sign3A_4388 = arith.subi %sign3A_4384, %sign3A_4387 : i32
      %sign3A_4389 = arith.constant 0 : i32
      %sign3A_4390 = arith.cmpi sgt, %jit3A_4380, %sign3A_4389 : i32
      %sign3A_4391 = arith.extui %sign3A_4390 : i1 to i32
      %sign3A_4392 = arith.constant 0 : i32
      %sign3A_4393 = arith.cmpi slt, %jit3A_4380, %sign3A_4392 : i32
      %sign3A_4394 = arith.extui %sign3A_4393 : i1 to i32
      %sign3A_4395 = arith.subi %sign3A_4391, %sign3A_4394 : i32
      %ne3A_4396 = arith.cmpi ne, %sign3A_4388, %sign3A_4395 : i32
      %rem3A_4397 = arith.remsi %add3A_3253, %jit3A_4380 : i32
      %ne3A_4398 = arith.constant 0 : i32
      %ne3A_4399 = arith.cmpi ne, %rem3A_4397, %ne3A_4398 : i32
      %and3A_4400 = arith.andi %ne3A_4396, %ne3A_4399 : i1
      %sub3A_4401 = arith.constant 1 : i32
      %sub3A_4402 = arith.subi %div3A_4381, %sub3A_4401 : i32
      %select_n3A_4403 = arith.select %and3A_4400, %sub3A_4402, %div3A_4381 : i32
      %jit3A_4404 = arith.constant 8 : i32
      %eq3A_4405 = arith.constant 0 : i32
      %eq3A_4406 = arith.cmpi eq, %jit3A_4404, %eq3A_4405 : i32
      %jit3A_4407 = arith.constant 1 : i32
      %select_n3A_4408 = arith.select %eq3A_4406, %jit3A_4407, %jit3A_4404 : i32
      %rem3A_4409 = arith.remsi %add3A_3253, %select_n3A_4408 : i32
      %ne3A_4410 = arith.constant 0 : i32
      %ne3A_4411 = arith.cmpi ne, %rem3A_4409, %ne3A_4410 : i32
      %lt3A_4412 = arith.constant 0 : i32
      %lt3A_4413 = arith.cmpi slt, %rem3A_4409, %lt3A_4412 : i32
      %lt3A_4414 = arith.constant 0 : i32
      %lt3A_4415 = arith.cmpi slt, %select_n3A_4408, %lt3A_4414 : i32
      %ne3A_4416 = arith.xori %lt3A_4413, %lt3A_4415 : i1
      %and3A_4417 = arith.andi %ne3A_4416, %ne3A_4411 : i1
      %add3A_4418 = arith.addi %rem3A_4409, %select_n3A_4408 : i32
      %select_n3A_4419 = arith.select %and3A_4417, %add3A_4418, %rem3A_4409 : i32
      %mul3A_4420 = arith.constant 16 : i32
      %mul3A_4421 = arith.muli %select_n3A_4419, %mul3A_4420 : i32
      %swap3A_4422 = arith.constant 2 : i32
      %swap3A_4423 = arith.constant 6 : i32
      %swap3A_4424 = arith.index_cast %swap3A_4422 : i32 to index
      %swap3A_4425 = arith.index_cast %select_n3A_4403 : i32 to index
      %swap3A_4426 = arith.index_cast %swap3A_4423 : i32 to index
      %swap3A_4427 = arith.index_cast %mul3A_4421 : i32 to index
      %swap3A_4428 = tpu.vector_load %arg7[%swap3A_4424, %swap3A_4425, %swap3A_4426, %swap3A_4427] {strides = array<i32>} : memref<8x4x8x128xf32, #tpu.memory_space<vmem>>, vector<16xf32>,
      tpu.vector_store %arg7[%swap3A_4424, %swap3A_4425, %swap3A_4426, %swap3A_4427], %broadcast_in_dim3A_17 {strides = array<i32>} : memref<8x4x8x128xf32, #tpu.memory_space<vmem>>, vector<16xf32>,
      %jit3A_4429 = arith.constant 8 : i32
      %div3A_4430 = arith.divsi %add3A_3253, %jit3A_4429 : i32
      %sign3A_4431 = arith.constant 0 : i32
      %sign3A_4432 = arith.cmpi sgt, %add3A_3253, %sign3A_4431 : i32
      %sign3A_4433 = arith.extui %sign3A_4432 : i1 to i32
      %sign3A_4434 = arith.constant 0 : i32
      %sign3A_4435 = arith.cmpi slt, %add3A_3253, %sign3A_4434 : i32
      %sign3A_4436 = arith.extui %sign3A_4435 : i1 to i32
      %sign3A_4437 = arith.subi %sign3A_4433, %sign3A_4436 : i32
      %sign3A_4438 = arith.constant 0 : i32
      %sign3A_4439 = arith.cmpi sgt, %jit3A_4429, %sign3A_4438 : i32
      %sign3A_4440 = arith.extui %sign3A_4439 : i1 to i32
      %sign3A_4441 = arith.constant 0 : i32
      %sign3A_4442 = arith.cmpi slt, %jit3A_4429, %sign3A_4441 : i32
      %sign3A_4443 = arith.extui %sign3A_4442 : i1 to i32
      %sign3A_4444 = arith.subi %sign3A_4440, %sign3A_4443 : i32
      %ne3A_4445 = arith.cmpi ne, %sign3A_4437, %sign3A_4444 : i32
      %rem3A_4446 = arith.remsi %add3A_3253, %jit3A_4429 : i32
      %ne3A_4447 = arith.constant 0 : i32
      %ne3A_4448 = arith.cmpi ne, %rem3A_4446, %ne3A_4447 : i32
      %and3A_4449 = arith.andi %ne3A_4445, %ne3A_4448 : i1
      %sub3A_4450 = arith.constant 1 : i32
      %sub3A_4451 = arith.subi %div3A_4430, %sub3A_4450 : i32
      %select_n3A_4452 = arith.select %and3A_4449, %sub3A_4451, %div3A_4430 : i32
      %jit3A_4453 = arith.constant 8 : i32
      %eq3A_4454 = arith.constant 0 : i32
      %eq3A_4455 = arith.cmpi eq, %jit3A_4453, %eq3A_4454 : i32
      %jit3A_4456 = arith.constant 1 : i32
      %select_n3A_4457 = arith.select %eq3A_4455, %jit3A_4456, %jit3A_4453 : i32
      %rem3A_4458 = arith.remsi %add3A_3253, %select_n3A_4457 : i32
      %ne3A_4459 = arith.constant 0 : i32
      %ne3A_4460 = arith.cmpi ne, %rem3A_4458, %ne3A_4459 : i32
      %lt3A_4461 = arith.constant 0 : i32
      %lt3A_4462 = arith.cmpi slt, %rem3A_4458, %lt3A_4461 : i32
      %lt3A_4463 = arith.constant 0 : i32
      %lt3A_4464 = arith.cmpi slt, %select_n3A_4457, %lt3A_4463 : i32
      %ne3A_4465 = arith.xori %lt3A_4462, %lt3A_4464 : i1
      %and3A_4466 = arith.andi %ne3A_4465, %ne3A_4460 : i1
      %add3A_4467 = arith.addi %rem3A_4458, %select_n3A_4457 : i32
      %select_n3A_4468 = arith.select %and3A_4466, %add3A_4467, %rem3A_4458 : i32
      %mul3A_4469 = arith.constant 16 : i32
      %mul3A_4470 = arith.muli %select_n3A_4468, %mul3A_4469 : i32
      %swap3A_4471 = arith.constant 2 : i32
      %swap3A_4472 = arith.constant 7 : i32
      %swap3A_4473 = arith.index_cast %swap3A_4471 : i32 to index
      %swap3A_4474 = arith.index_cast %select_n3A_4452 : i32 to index
      %swap3A_4475 = arith.index_cast %swap3A_4472 : i32 to index
      %swap3A_4476 = arith.index_cast %mul3A_4470 : i32 to index
      %swap3A_4477 = tpu.vector_load %arg7[%swap3A_4473, %swap3A_4474, %swap3A_4475, %swap3A_4476] {strides = array<i32>} : memref<8x4x8x128xf32, #tpu.memory_space<vmem>>, vector<16xf32>,
      tpu.vector_store %arg7[%swap3A_4473, %swap3A_4474, %swap3A_4475, %swap3A_4476], %broadcast_in_dim3A_17 {strides = array<i32>} : memref<8x4x8x128xf32, #tpu.memory_space<vmem>>, vector<16xf32>,
      %jit3A_4478 = arith.constant 8 : i32
      %div3A_4479 = arith.divsi %add3A_3253, %jit3A_4478 : i32
      %sign3A_4480 = arith.constant 0 : i32
      %sign3A_4481 = arith.cmpi sgt, %add3A_3253, %sign3A_4480 : i32
      %sign3A_4482 = arith.extui %sign3A_4481 : i1 to i32
      %sign3A_4483 = arith.constant 0 : i32
      %sign3A_4484 = arith.cmpi slt, %add3A_3253, %sign3A_4483 : i32
      %sign3A_4485 = arith.extui %sign3A_4484 : i1 to i32
      %sign3A_4486 = arith.subi %sign3A_4482, %sign3A_4485 : i32
      %sign3A_4487 = arith.constant 0 : i32
      %sign3A_4488 = arith.cmpi sgt, %jit3A_4478, %sign3A_4487 : i32
      %sign3A_4489 = arith.extui %sign3A_4488 : i1 to i32
      %sign3A_4490 = arith.constant 0 : i32
      %sign3A_4491 = arith.cmpi slt, %jit3A_4478, %sign3A_4490 : i32
      %sign3A_4492 = arith.extui %sign3A_4491 : i1 to i32
      %sign3A_4493 = arith.subi %sign3A_4489, %sign3A_4492 : i32
      %ne3A_4494 = arith.cmpi ne, %sign3A_4486, %sign3A_4493 : i32
      %rem3A_4495 = arith.remsi %add3A_3253, %jit3A_4478 : i32
      %ne3A_4496 = arith.constant 0 : i32
      %ne3A_4497 = arith.cmpi ne, %rem3A_4495, %ne3A_4496 : i32
      %and3A_4498 = arith.andi %ne3A_4494, %ne3A_4497 : i1
      %sub3A_4499 = arith.constant 1 : i32
      %sub3A_4500 = arith.subi %div3A_4479, %sub3A_4499 : i32
      %select_n3A_4501 = arith.select %and3A_4498, %sub3A_4500, %div3A_4479 : i32
      %jit3A_4502 = arith.constant 8 : i32
      %eq3A_4503 = arith.constant 0 : i32
      %eq3A_4504 = arith.cmpi eq, %jit3A_4502, %eq3A_4503 : i32
      %jit3A_4505 = arith.constant 1 : i32
      %select_n3A_4506 = arith.select %eq3A_4504, %jit3A_4505, %jit3A_4502 : i32
      %rem3A_4507 = arith.remsi %add3A_3253, %select_n3A_4506 : i32
      %ne3A_4508 = arith.constant 0 : i32
      %ne3A_4509 = arith.cmpi ne, %rem3A_4507, %ne3A_4508 : i32
      %lt3A_4510 = arith.constant 0 : i32
      %lt3A_4511 = arith.cmpi slt, %rem3A_4507, %lt3A_4510 : i32
      %lt3A_4512 = arith.constant 0 : i32
      %lt3A_4513 = arith.cmpi slt, %select_n3A_4506, %lt3A_4512 : i32
      %ne3A_4514 = arith.xori %lt3A_4511, %lt3A_4513 : i1
      %and3A_4515 = arith.andi %ne3A_4514, %ne3A_4509 : i1
      %add3A_4516 = arith.addi %rem3A_4507, %select_n3A_4506 : i32
      %select_n3A_4517 = arith.select %and3A_4515, %add3A_4516, %rem3A_4507 : i32
      %mul3A_4518 = arith.constant 16 : i32
      %mul3A_4519 = arith.muli %select_n3A_4517, %mul3A_4518 : i32
      %swap3A_4520 = arith.constant 3 : i32
      %swap3A_4521 = arith.constant 0 : i32
      %swap3A_4522 = arith.index_cast %swap3A_4520 : i32 to index
      %swap3A_4523 = arith.index_cast %select_n3A_4501 : i32 to index
      %swap3A_4524 = arith.index_cast %swap3A_4521 : i32 to index
      %swap3A_4525 = arith.index_cast %mul3A_4519 : i32 to index
      %swap3A_4526 = tpu.vector_load %arg7[%swap3A_4522, %swap3A_4523, %swap3A_4524, %swap3A_4525] {strides = array<i32>} : memref<8x4x8x128xf32, #tpu.memory_space<vmem>>, vector<16xf32>,
      tpu.vector_store %arg7[%swap3A_4522, %swap3A_4523, %swap3A_4524, %swap3A_4525], %broadcast_in_dim3A_17 {strides = array<i32>} : memref<8x4x8x128xf32, #tpu.memory_space<vmem>>, vector<16xf32>,
      %jit3A_4527 = arith.constant 8 : i32
      %div3A_4528 = arith.divsi %add3A_3253, %jit3A_4527 : i32
      %sign3A_4529 = arith.constant 0 : i32
      %sign3A_4530 = arith.cmpi sgt, %add3A_3253, %sign3A_4529 : i32
      %sign3A_4531 = arith.extui %sign3A_4530 : i1 to i32
      %sign3A_4532 = arith.constant 0 : i32
      %sign3A_4533 = arith.cmpi slt, %add3A_3253, %sign3A_4532 : i32
      %sign3A_4534 = arith.extui %sign3A_4533 : i1 to i32
      %sign3A_4535 = arith.subi %sign3A_4531, %sign3A_4534 : i32
      %sign3A_4536 = arith.constant 0 : i32
      %sign3A_4537 = arith.cmpi sgt, %jit3A_4527, %sign3A_4536 : i32
      %sign3A_4538 = arith.extui %sign3A_4537 : i1 to i32
      %sign3A_4539 = arith.constant 0 : i32
      %sign3A_4540 = arith.cmpi slt, %jit3A_4527, %sign3A_4539 : i32
      %sign3A_4541 = arith.extui %sign3A_4540 : i1 to i32
      %sign3A_4542 = arith.subi %sign3A_4538, %sign3A_4541 : i32
      %ne3A_4543 = arith.cmpi ne, %sign3A_4535, %sign3A_4542 : i32
      %rem3A_4544 = arith.remsi %add3A_3253, %jit3A_4527 : i32
      %ne3A_4545 = arith.constant 0 : i32
      %ne3A_4546 = arith.cmpi ne, %rem3A_4544, %ne3A_4545 : i32
      %and3A_4547 = arith.andi %ne3A_4543, %ne3A_4546 : i1
      %sub3A_4548 = arith.constant 1 : i32
      %sub3A_4549 = arith.subi %div3A_4528, %sub3A_4548 : i32
      %select_n3A_4550 = arith.select %and3A_4547, %sub3A_4549, %div3A_4528 : i32
      %jit3A_4551 = arith.constant 8 : i32
      %eq3A_4552 = arith.constant 0 : i32
      %eq3A_4553 = arith.cmpi eq, %jit3A_4551, %eq3A_4552 : i32
      %jit3A_4554 = arith.constant 1 : i32
      %select_n3A_4555 = arith.select %eq3A_4553, %jit3A_4554, %jit3A_4551 : i32
      %rem3A_4556 = arith.remsi %add3A_3253, %select_n3A_4555 : i32
      %ne3A_4557 = arith.constant 0 : i32
      %ne3A_4558 = arith.cmpi ne, %rem3A_4556, %ne3A_4557 : i32
      %lt3A_4559 = arith.constant 0 : i32
      %lt3A_4560 = arith.cmpi slt, %rem3A_4556, %lt3A_4559 : i32
      %lt3A_4561 = arith.constant 0 : i32
      %lt3A_4562 = arith.cmpi slt, %select_n3A_4555, %lt3A_4561 : i32
      %ne3A_4563 = arith.xori %lt3A_4560, %lt3A_4562 : i1
      %and3A_4564 = arith.andi %ne3A_4563, %ne3A_4558 : i1
      %add3A_4565 = arith.addi %rem3A_4556, %select_n3A_4555 : i32
      %select_n3A_4566 = arith.select %and3A_4564, %add3A_4565, %rem3A_4556 : i32
      %mul3A_4567 = arith.constant 16 : i32
      %mul3A_4568 = arith.muli %select_n3A_4566, %mul3A_4567 : i32
      %swap3A_4569 = arith.constant 3 : i32
      %swap3A_4570 = arith.constant 1 : i32
      %swap3A_4571 = arith.index_cast %swap3A_4569 : i32 to index
      %swap3A_4572 = arith.index_cast %select_n3A_4550 : i32 to index
      %swap3A_4573 = arith.index_cast %swap3A_4570 : i32 to index
      %swap3A_4574 = arith.index_cast %mul3A_4568 : i32 to index
      %swap3A_4575 = tpu.vector_load %arg7[%swap3A_4571, %swap3A_4572, %swap3A_4573, %swap3A_4574] {strides = array<i32>} : memref<8x4x8x128xf32, #tpu.memory_space<vmem>>, vector<16xf32>,
      tpu.vector_store %arg7[%swap3A_4571, %swap3A_4572, %swap3A_4573, %swap3A_4574], %broadcast_in_dim3A_17 {strides = array<i32>} : memref<8x4x8x128xf32, #tpu.memory_space<vmem>>, vector<16xf32>,
      %jit3A_4576 = arith.constant 8 : i32
      %div3A_4577 = arith.divsi %add3A_3253, %jit3A_4576 : i32
      %sign3A_4578 = arith.constant 0 : i32
      %sign3A_4579 = arith.cmpi sgt, %add3A_3253, %sign3A_4578 : i32
      %sign3A_4580 = arith.extui %sign3A_4579 : i1 to i32
      %sign3A_4581 = arith.constant 0 : i32
      %sign3A_4582 = arith.cmpi slt, %add3A_3253, %sign3A_4581 : i32
      %sign3A_4583 = arith.extui %sign3A_4582 : i1 to i32
      %sign3A_4584 = arith.subi %sign3A_4580, %sign3A_4583 : i32
      %sign3A_4585 = arith.constant 0 : i32
      %sign3A_4586 = arith.cmpi sgt, %jit3A_4576, %sign3A_4585 : i32
      %sign3A_4587 = arith.extui %sign3A_4586 : i1 to i32
      %sign3A_4588 = arith.constant 0 : i32
      %sign3A_4589 = arith.cmpi slt, %jit3A_4576, %sign3A_4588 : i32
      %sign3A_4590 = arith.extui %sign3A_4589 : i1 to i32
      %sign3A_4591 = arith.subi %sign3A_4587, %sign3A_4590 : i32
      %ne3A_4592 = arith.cmpi ne, %sign3A_4584, %sign3A_4591 : i32
      %rem3A_4593 = arith.remsi %add3A_3253, %jit3A_4576 : i32
      %ne3A_4594 = arith.constant 0 : i32
      %ne3A_4595 = arith.cmpi ne, %rem3A_4593, %ne3A_4594 : i32
      %and3A_4596 = arith.andi %ne3A_4592, %ne3A_4595 : i1
      %sub3A_4597 = arith.constant 1 : i32
      %sub3A_4598 = arith.subi %div3A_4577, %sub3A_4597 : i32
      %select_n3A_4599 = arith.select %and3A_4596, %sub3A_4598, %div3A_4577 : i32
      %jit3A_4600 = arith.constant 8 : i32
      %eq3A_4601 = arith.constant 0 : i32
      %eq3A_4602 = arith.cmpi eq, %jit3A_4600, %eq3A_4601 : i32
      %jit3A_4603 = arith.constant 1 : i32
      %select_n3A_4604 = arith.select %eq3A_4602, %jit3A_4603, %jit3A_4600 : i32
      %rem3A_4605 = arith.remsi %add3A_3253, %select_n3A_4604 : i32
      %ne3A_4606 = arith.constant 0 : i32
      %ne3A_4607 = arith.cmpi ne, %rem3A_4605, %ne3A_4606 : i32
      %lt3A_4608 = arith.constant 0 : i32
      %lt3A_4609 = arith.cmpi slt, %rem3A_4605, %lt3A_4608 : i32
      %lt3A_4610 = arith.constant 0 : i32
      %lt3A_4611 = arith.cmpi slt, %select_n3A_4604, %lt3A_4610 : i32
      %ne3A_4612 = arith.xori %lt3A_4609, %lt3A_4611 : i1
      %and3A_4613 = arith.andi %ne3A_4612, %ne3A_4607 : i1
      %add3A_4614 = arith.addi %rem3A_4605, %select_n3A_4604 : i32
      %select_n3A_4615 = arith.select %and3A_4613, %add3A_4614, %rem3A_4605 : i32
      %mul3A_4616 = arith.constant 16 : i32
      %mul3A_4617 = arith.muli %select_n3A_4615, %mul3A_4616 : i32
      %swap3A_4618 = arith.constant 3 : i32
      %swap3A_4619 = arith.constant 2 : i32
      %swap3A_4620 = arith.index_cast %swap3A_4618 : i32 to index
      %swap3A_4621 = arith.index_cast %select_n3A_4599 : i32 to index
      %swap3A_4622 = arith.index_cast %swap3A_4619 : i32 to index
      %swap3A_4623 = arith.index_cast %mul3A_4617 : i32 to index
      %swap3A_4624 = tpu.vector_load %arg7[%swap3A_4620, %swap3A_4621, %swap3A_4622, %swap3A_4623] {strides = array<i32>} : memref<8x4x8x128xf32, #tpu.memory_space<vmem>>, vector<16xf32>,
      tpu.vector_store %arg7[%swap3A_4620, %swap3A_4621, %swap3A_4622, %swap3A_4623], %broadcast_in_dim3A_17 {strides = array<i32>} : memref<8x4x8x128xf32, #tpu.memory_space<vmem>>, vector<16xf32>,
      %jit3A_4625 = arith.constant 8 : i32
      %div3A_4626 = arith.divsi %add3A_3253, %jit3A_4625 : i32
      %sign3A_4627 = arith.constant 0 : i32
      %sign3A_4628 = arith.cmpi sgt, %add3A_3253, %sign3A_4627 : i32
      %sign3A_4629 = arith.extui %sign3A_4628 : i1 to i32
      %sign3A_4630 = arith.constant 0 : i32
      %sign3A_4631 = arith.cmpi slt, %add3A_3253, %sign3A_4630 : i32
      %sign3A_4632 = arith.extui %sign3A_4631 : i1 to i32
      %sign3A_4633 = arith.subi %sign3A_4629, %sign3A_4632 : i32
      %sign3A_4634 = arith.constant 0 : i32
      %sign3A_4635 = arith.cmpi sgt, %jit3A_4625, %sign3A_4634 : i32
      %sign3A_4636 = arith.extui %sign3A_4635 : i1 to i32
      %sign3A_4637 = arith.constant 0 : i32
      %sign3A_4638 = arith.cmpi slt, %jit3A_4625, %sign3A_4637 : i32
      %sign3A_4639 = arith.extui %sign3A_4638 : i1 to i32
      %sign3A_4640 = arith.subi %sign3A_4636, %sign3A_4639 : i32
      %ne3A_4641 = arith.cmpi ne, %sign3A_4633, %sign3A_4640 : i32
      %rem3A_4642 = arith.remsi %add3A_3253, %jit3A_4625 : i32
      %ne3A_4643 = arith.constant 0 : i32
      %ne3A_4644 = arith.cmpi ne, %rem3A_4642, %ne3A_4643 : i32
      %and3A_4645 = arith.andi %ne3A_4641, %ne3A_4644 : i1
      %sub3A_4646 = arith.constant 1 : i32
      %sub3A_4647 = arith.subi %div3A_4626, %sub3A_4646 : i32
      %select_n3A_4648 = arith.select %and3A_4645, %sub3A_4647, %div3A_4626 : i32
      %jit3A_4649 = arith.constant 8 : i32
      %eq3A_4650 = arith.constant 0 : i32
      %eq3A_4651 = arith.cmpi eq, %jit3A_4649, %eq3A_4650 : i32
      %jit3A_4652 = arith.constant 1 : i32
      %select_n3A_4653 = arith.select %eq3A_4651, %jit3A_4652, %jit3A_4649 : i32
      %rem3A_4654 = arith.remsi %add3A_3253, %select_n3A_4653 : i32
      %ne3A_4655 = arith.constant 0 : i32
      %ne3A_4656 = arith.cmpi ne, %rem3A_4654, %ne3A_4655 : i32
      %lt3A_4657 = arith.constant 0 : i32
      %lt3A_4658 = arith.cmpi slt, %rem3A_4654, %lt3A_4657 : i32
      %lt3A_4659 = arith.constant 0 : i32
      %lt3A_4660 = arith.cmpi slt, %select_n3A_4653, %lt3A_4659 : i32
      %ne3A_4661 = arith.xori %lt3A_4658, %lt3A_4660 : i1
      %and3A_4662 = arith.andi %ne3A_4661, %ne3A_4656 : i1
      %add3A_4663 = arith.addi %rem3A_4654, %select_n3A_4653 : i32
      %select_n3A_4664 = arith.select %and3A_4662, %add3A_4663, %rem3A_4654 : i32
      %mul3A_4665 = arith.constant 16 : i32
      %mul3A_4666 = arith.muli %select_n3A_4664, %mul3A_4665 : i32
      %swap3A_4667 = arith.constant 3 : i32
      %swap3A_4668 = arith.constant 3 : i32
      %swap3A_4669 = arith.index_cast %swap3A_4667 : i32 to index
      %swap3A_4670 = arith.index_cast %select_n3A_4648 : i32 to index
      %swap3A_4671 = arith.index_cast %swap3A_4668 : i32 to index
      %swap3A_4672 = arith.index_cast %mul3A_4666 : i32 to index
      %swap3A_4673 = tpu.vector_load %arg7[%swap3A_4669, %swap3A_4670, %swap3A_4671, %swap3A_4672] {strides = array<i32>} : memref<8x4x8x128xf32, #tpu.memory_space<vmem>>, vector<16xf32>,
      tpu.vector_store %arg7[%swap3A_4669, %swap3A_4670, %swap3A_4671, %swap3A_4672], %broadcast_in_dim3A_17 {strides = array<i32>} : memref<8x4x8x128xf32, #tpu.memory_space<vmem>>, vector<16xf32>,
      %jit3A_4674 = arith.constant 8 : i32
      %div3A_4675 = arith.divsi %add3A_3253, %jit3A_4674 : i32
      %sign3A_4676 = arith.constant 0 : i32
      %sign3A_4677 = arith.cmpi sgt, %add3A_3253, %sign3A_4676 : i32
      %sign3A_4678 = arith.extui %sign3A_4677 : i1 to i32
      %sign3A_4679 = arith.constant 0 : i32
      %sign3A_4680 = arith.cmpi slt, %add3A_3253, %sign3A_4679 : i32
      %sign3A_4681 = arith.extui %sign3A_4680 : i1 to i32
      %sign3A_4682 = arith.subi %sign3A_4678, %sign3A_4681 : i32
      %sign3A_4683 = arith.constant 0 : i32
      %sign3A_4684 = arith.cmpi sgt, %jit3A_4674, %sign3A_4683 : i32
      %sign3A_4685 = arith.extui %sign3A_4684 : i1 to i32
      %sign3A_4686 = arith.constant 0 : i32
      %sign3A_4687 = arith.cmpi slt, %jit3A_4674, %sign3A_4686 : i32
      %sign3A_4688 = arith.extui %sign3A_4687 : i1 to i32
      %sign3A_4689 = arith.subi %sign3A_4685, %sign3A_4688 : i32
      %ne3A_4690 = arith.cmpi ne, %sign3A_4682, %sign3A_4689 : i32
      %rem3A_4691 = arith.remsi %add3A_3253, %jit3A_4674 : i32
      %ne3A_4692 = arith.constant 0 : i32
      %ne3A_4693 = arith.cmpi ne, %rem3A_4691, %ne3A_4692 : i32
      %and3A_4694 = arith.andi %ne3A_4690, %ne3A_4693 : i1
      %sub3A_4695 = arith.constant 1 : i32
      %sub3A_4696 = arith.subi %div3A_4675, %sub3A_4695 : i32
      %select_n3A_4697 = arith.select %and3A_4694, %sub3A_4696, %div3A_4675 : i32
      %jit3A_4698 = arith.constant 8 : i32
      %eq3A_4699 = arith.constant 0 : i32
      %eq3A_4700 = arith.cmpi eq, %jit3A_4698, %eq3A_4699 : i32
      %jit3A_4701 = arith.constant 1 : i32
      %select_n3A_4702 = arith.select %eq3A_4700, %jit3A_4701, %jit3A_4698 : i32
      %rem3A_4703 = arith.remsi %add3A_3253, %select_n3A_4702 : i32
      %ne3A_4704 = arith.constant 0 : i32
      %ne3A_4705 = arith.cmpi ne, %rem3A_4703, %ne3A_4704 : i32
      %lt3A_4706 = arith.constant 0 : i32
      %lt3A_4707 = arith.cmpi slt, %rem3A_4703, %lt3A_4706 : i32
      %lt3A_4708 = arith.constant 0 : i32
      %lt3A_4709 = arith.cmpi slt, %select_n3A_4702, %lt3A_4708 : i32
      %ne3A_4710 = arith.xori %lt3A_4707, %lt3A_4709 : i1
      %and3A_4711 = arith.andi %ne3A_4710, %ne3A_4705 : i1
      %add3A_4712 = arith.addi %rem3A_4703, %select_n3A_4702 : i32
      %select_n3A_4713 = arith.select %and3A_4711, %add3A_4712, %rem3A_4703 : i32
      %mul3A_4714 = arith.constant 16 : i32
      %mul3A_4715 = arith.muli %select_n3A_4713, %mul3A_4714 : i32
      %swap3A_4716 = arith.constant 3 : i32
      %swap3A_4717 = arith.constant 4 : i32
      %swap3A_4718 = arith.index_cast %swap3A_4716 : i32 to index
      %swap3A_4719 = arith.index_cast %select_n3A_4697 : i32 to index
      %swap3A_4720 = arith.index_cast %swap3A_4717 : i32 to index
      %swap3A_4721 = arith.index_cast %mul3A_4715 : i32 to index
      %swap3A_4722 = tpu.vector_load %arg7[%swap3A_4718, %swap3A_4719, %swap3A_4720, %swap3A_4721] {strides = array<i32>} : memref<8x4x8x128xf32, #tpu.memory_space<vmem>>, vector<16xf32>,
      tpu.vector_store %arg7[%swap3A_4718, %swap3A_4719, %swap3A_4720, %swap3A_4721], %broadcast_in_dim3A_17 {strides = array<i32>} : memref<8x4x8x128xf32, #tpu.memory_space<vmem>>, vector<16xf32>,
      %jit3A_4723 = arith.constant 8 : i32
      %div3A_4724 = arith.divsi %add3A_3253, %jit3A_4723 : i32
      %sign3A_4725 = arith.constant 0 : i32
      %sign3A_4726 = arith.cmpi sgt, %add3A_3253, %sign3A_4725 : i32
      %sign3A_4727 = arith.extui %sign3A_4726 : i1 to i32
      %sign3A_4728 = arith.constant 0 : i32
      %sign3A_4729 = arith.cmpi slt, %add3A_3253, %sign3A_4728 : i32
      %sign3A_4730 = arith.extui %sign3A_4729 : i1 to i32
      %sign3A_4731 = arith.subi %sign3A_4727, %sign3A_4730 : i32
      %sign3A_4732 = arith.constant 0 : i32
      %sign3A_4733 = arith.cmpi sgt, %jit3A_4723, %sign3A_4732 : i32
      %sign3A_4734 = arith.extui %sign3A_4733 : i1 to i32
      %sign3A_4735 = arith.constant 0 : i32
      %sign3A_4736 = arith.cmpi slt, %jit3A_4723, %sign3A_4735 : i32
      %sign3A_4737 = arith.extui %sign3A_4736 : i1 to i32
      %sign3A_4738 = arith.subi %sign3A_4734, %sign3A_4737 : i32
      %ne3A_4739 = arith.cmpi ne, %sign3A_4731, %sign3A_4738 : i32
      %rem3A_4740 = arith.remsi %add3A_3253, %jit3A_4723 : i32
      %ne3A_4741 = arith.constant 0 : i32
      %ne3A_4742 = arith.cmpi ne, %rem3A_4740, %ne3A_4741 : i32
      %and3A_4743 = arith.andi %ne3A_4739, %ne3A_4742 : i1
      %sub3A_4744 = arith.constant 1 : i32
      %sub3A_4745 = arith.subi %div3A_4724, %sub3A_4744 : i32
      %select_n3A_4746 = arith.select %and3A_4743, %sub3A_4745, %div3A_4724 : i32
      %jit3A_4747 = arith.constant 8 : i32
      %eq3A_4748 = arith.constant 0 : i32
      %eq3A_4749 = arith.cmpi eq, %jit3A_4747, %eq3A_4748 : i32
      %jit3A_4750 = arith.constant 1 : i32
      %select_n3A_4751 = arith.select %eq3A_4749, %jit3A_4750, %jit3A_4747 : i32
      %rem3A_4752 = arith.remsi %add3A_3253, %select_n3A_4751 : i32
      %ne3A_4753 = arith.constant 0 : i32
      %ne3A_4754 = arith.cmpi ne, %rem3A_4752, %ne3A_4753 : i32
      %lt3A_4755 = arith.constant 0 : i32
      %lt3A_4756 = arith.cmpi slt, %rem3A_4752, %lt3A_4755 : i32
      %lt3A_4757 = arith.constant 0 : i32
      %lt3A_4758 = arith.cmpi slt, %select_n3A_4751, %lt3A_4757 : i32
      %ne3A_4759 = arith.xori %lt3A_4756, %lt3A_4758 : i1
      %and3A_4760 = arith.andi %ne3A_4759, %ne3A_4754 : i1
      %add3A_4761 = arith.addi %rem3A_4752, %select_n3A_4751 : i32
      %select_n3A_4762 = arith.select %and3A_4760, %add3A_4761, %rem3A_4752 : i32
      %mul3A_4763 = arith.constant 16 : i32
      %mul3A_4764 = arith.muli %select_n3A_4762, %mul3A_4763 : i32
      %swap3A_4765 = arith.constant 3 : i32
      %swap3A_4766 = arith.constant 5 : i32
      %swap3A_4767 = arith.index_cast %swap3A_4765 : i32 to index
      %swap3A_4768 = arith.index_cast %select_n3A_4746 : i32 to index
      %swap3A_4769 = arith.index_cast %swap3A_4766 : i32 to index
      %swap3A_4770 = arith.index_cast %mul3A_4764 : i32 to index
      %swap3A_4771 = tpu.vector_load %arg7[%swap3A_4767, %swap3A_4768, %swap3A_4769, %swap3A_4770] {strides = array<i32>} : memref<8x4x8x128xf32, #tpu.memory_space<vmem>>, vector<16xf32>,
      tpu.vector_store %arg7[%swap3A_4767, %swap3A_4768, %swap3A_4769, %swap3A_4770], %broadcast_in_dim3A_17 {strides = array<i32>} : memref<8x4x8x128xf32, #tpu.memory_space<vmem>>, vector<16xf32>,
      %jit3A_4772 = arith.constant 8 : i32
      %div3A_4773 = arith.divsi %add3A_3253, %jit3A_4772 : i32
      %sign3A_4774 = arith.constant 0 : i32
      %sign3A_4775 = arith.cmpi sgt, %add3A_3253, %sign3A_4774 : i32
      %sign3A_4776 = arith.extui %sign3A_4775 : i1 to i32
      %sign3A_4777 = arith.constant 0 : i32
      %sign3A_4778 = arith.cmpi slt, %add3A_3253, %sign3A_4777 : i32
      %sign3A_4779 = arith.extui %sign3A_4778 : i1 to i32
      %sign3A_4780 = arith.subi %sign3A_4776, %sign3A_4779 : i32
      %sign3A_4781 = arith.constant 0 : i32
      %sign3A_4782 = arith.cmpi sgt, %jit3A_4772, %sign3A_4781 : i32
      %sign3A_4783 = arith.extui %sign3A_4782 : i1 to i32
      %sign3A_4784 = arith.constant 0 : i32
      %sign3A_4785 = arith.cmpi slt, %jit3A_4772, %sign3A_4784 : i32
      %sign3A_4786 = arith.extui %sign3A_4785 : i1 to i32
      %sign3A_4787 = arith.subi %sign3A_4783, %sign3A_4786 : i32
      %ne3A_4788 = arith.cmpi ne, %sign3A_4780, %sign3A_4787 : i32
      %rem3A_4789 = arith.remsi %add3A_3253, %jit3A_4772 : i32
      %ne3A_4790 = arith.constant 0 : i32
      %ne3A_4791 = arith.cmpi ne, %rem3A_4789, %ne3A_4790 : i32
      %and3A_4792 = arith.andi %ne3A_4788, %ne3A_4791 : i1
      %sub3A_4793 = arith.constant 1 : i32
      %sub3A_4794 = arith.subi %div3A_4773, %sub3A_4793 : i32
      %select_n3A_4795 = arith.select %and3A_4792, %sub3A_4794, %div3A_4773 : i32
      %jit3A_4796 = arith.constant 8 : i32
      %eq3A_4797 = arith.constant 0 : i32
      %eq3A_4798 = arith.cmpi eq, %jit3A_4796, %eq3A_4797 : i32
      %jit3A_4799 = arith.constant 1 : i32
      %select_n3A_4800 = arith.select %eq3A_4798, %jit3A_4799, %jit3A_4796 : i32
      %rem3A_4801 = arith.remsi %add3A_3253, %select_n3A_4800 : i32
      %ne3A_4802 = arith.constant 0 : i32
      %ne3A_4803 = arith.cmpi ne, %rem3A_4801, %ne3A_4802 : i32
      %lt3A_4804 = arith.constant 0 : i32
      %lt3A_4805 = arith.cmpi slt, %rem3A_4801, %lt3A_4804 : i32
      %lt3A_4806 = arith.constant 0 : i32
      %lt3A_4807 = arith.cmpi slt, %select_n3A_4800, %lt3A_4806 : i32
      %ne3A_4808 = arith.xori %lt3A_4805, %lt3A_4807 : i1
      %and3A_4809 = arith.andi %ne3A_4808, %ne3A_4803 : i1
      %add3A_4810 = arith.addi %rem3A_4801, %select_n3A_4800 : i32
      %select_n3A_4811 = arith.select %and3A_4809, %add3A_4810, %rem3A_4801 : i32
      %mul3A_4812 = arith.constant 16 : i32
      %mul3A_4813 = arith.muli %select_n3A_4811, %mul3A_4812 : i32
      %swap3A_4814 = arith.constant 3 : i32
      %swap3A_4815 = arith.constant 6 : i32
      %swap3A_4816 = arith.index_cast %swap3A_4814 : i32 to index
      %swap3A_4817 = arith.index_cast %select_n3A_4795 : i32 to index
      %swap3A_4818 = arith.index_cast %swap3A_4815 : i32 to index
      %swap3A_4819 = arith.index_cast %mul3A_4813 : i32 to index
      %swap3A_4820 = tpu.vector_load %arg7[%swap3A_4816, %swap3A_4817, %swap3A_4818, %swap3A_4819] {strides = array<i32>} : memref<8x4x8x128xf32, #tpu.memory_space<vmem>>, vector<16xf32>,
      tpu.vector_store %arg7[%swap3A_4816, %swap3A_4817, %swap3A_4818, %swap3A_4819], %broadcast_in_dim3A_17 {strides = array<i32>} : memref<8x4x8x128xf32, #tpu.memory_space<vmem>>, vector<16xf32>,
      %jit3A_4821 = arith.constant 8 : i32
      %div3A_4822 = arith.divsi %add3A_3253, %jit3A_4821 : i32
      %sign3A_4823 = arith.constant 0 : i32
      %sign3A_4824 = arith.cmpi sgt, %add3A_3253, %sign3A_4823 : i32
      %sign3A_4825 = arith.extui %sign3A_4824 : i1 to i32
      %sign3A_4826 = arith.constant 0 : i32
      %sign3A_4827 = arith.cmpi slt, %add3A_3253, %sign3A_4826 : i32
      %sign3A_4828 = arith.extui %sign3A_4827 : i1 to i32
      %sign3A_4829 = arith.subi %sign3A_4825, %sign3A_4828 : i32
      %sign3A_4830 = arith.constant 0 : i32
      %sign3A_4831 = arith.cmpi sgt, %jit3A_4821, %sign3A_4830 : i32
      %sign3A_4832 = arith.extui %sign3A_4831 : i1 to i32
      %sign3A_4833 = arith.constant 0 : i32
      %sign3A_4834 = arith.cmpi slt, %jit3A_4821, %sign3A_4833 : i32
      %sign3A_4835 = arith.extui %sign3A_4834 : i1 to i32
      %sign3A_4836 = arith.subi %sign3A_4832, %sign3A_4835 : i32
      %ne3A_4837 = arith.cmpi ne, %sign3A_4829, %sign3A_4836 : i32
      %rem3A_4838 = arith.remsi %add3A_3253, %jit3A_4821 : i32
      %ne3A_4839 = arith.constant 0 : i32
      %ne3A_4840 = arith.cmpi ne, %rem3A_4838, %ne3A_4839 : i32
      %and3A_4841 = arith.andi %ne3A_4837, %ne3A_4840 : i1
      %sub3A_4842 = arith.constant 1 : i32
      %sub3A_4843 = arith.subi %div3A_4822, %sub3A_4842 : i32
      %select_n3A_4844 = arith.select %and3A_4841, %sub3A_4843, %div3A_4822 : i32
      %jit3A_4845 = arith.constant 8 : i32
      %eq3A_4846 = arith.constant 0 : i32
      %eq3A_4847 = arith.cmpi eq, %jit3A_4845, %eq3A_4846 : i32
      %jit3A_4848 = arith.constant 1 : i32
      %select_n3A_4849 = arith.select %eq3A_4847, %jit3A_4848, %jit3A_4845 : i32
      %rem3A_4850 = arith.remsi %add3A_3253, %select_n3A_4849 : i32
      %ne3A_4851 = arith.constant 0 : i32
      %ne3A_4852 = arith.cmpi ne, %rem3A_4850, %ne3A_4851 : i32
      %lt3A_4853 = arith.constant 0 : i32
      %lt3A_4854 = arith.cmpi slt, %rem3A_4850, %lt3A_4853 : i32
      %lt3A_4855 = arith.constant 0 : i32
      %lt3A_4856 = arith.cmpi slt, %select_n3A_4849, %lt3A_4855 : i32
      %ne3A_4857 = arith.xori %lt3A_4854, %lt3A_4856 : i1
      %and3A_4858 = arith.andi %ne3A_4857, %ne3A_4852 : i1
      %add3A_4859 = arith.addi %rem3A_4850, %select_n3A_4849 : i32
      %select_n3A_4860 = arith.select %and3A_4858, %add3A_4859, %rem3A_4850 : i32
      %mul3A_4861 = arith.constant 16 : i32
      %mul3A_4862 = arith.muli %select_n3A_4860, %mul3A_4861 : i32
      %swap3A_4863 = arith.constant 3 : i32
      %swap3A_4864 = arith.constant 7 : i32
      %swap3A_4865 = arith.index_cast %swap3A_4863 : i32 to index
      %swap3A_4866 = arith.index_cast %select_n3A_4844 : i32 to index
      %swap3A_4867 = arith.index_cast %swap3A_4864 : i32 to index
      %swap3A_4868 = arith.index_cast %mul3A_4862 : i32 to index
      %swap3A_4869 = tpu.vector_load %arg7[%swap3A_4865, %swap3A_4866, %swap3A_4867, %swap3A_4868] {strides = array<i32>} : memref<8x4x8x128xf32, #tpu.memory_space<vmem>>, vector<16xf32>,
      tpu.vector_store %arg7[%swap3A_4865, %swap3A_4866, %swap3A_4867, %swap3A_4868], %broadcast_in_dim3A_17 {strides = array<i32>} : memref<8x4x8x128xf32, #tpu.memory_space<vmem>>, vector<16xf32>,
      %jit3A_4870 = arith.constant 8 : i32
      %div3A_4871 = arith.divsi %add3A_3253, %jit3A_4870 : i32
      %sign3A_4872 = arith.constant 0 : i32
      %sign3A_4873 = arith.cmpi sgt, %add3A_3253, %sign3A_4872 : i32
      %sign3A_4874 = arith.extui %sign3A_4873 : i1 to i32
      %sign3A_4875 = arith.constant 0 : i32
      %sign3A_4876 = arith.cmpi slt, %add3A_3253, %sign3A_4875 : i32
      %sign3A_4877 = arith.extui %sign3A_4876 : i1 to i32
      %sign3A_4878 = arith.subi %sign3A_4874, %sign3A_4877 : i32
      %sign3A_4879 = arith.constant 0 : i32
      %sign3A_4880 = arith.cmpi sgt, %jit3A_4870, %sign3A_4879 : i32
      %sign3A_4881 = arith.extui %sign3A_4880 : i1 to i32
      %sign3A_4882 = arith.constant 0 : i32
      %sign3A_4883 = arith.cmpi slt, %jit3A_4870, %sign3A_4882 : i32
      %sign3A_4884 = arith.extui %sign3A_4883 : i1 to i32
      %sign3A_4885 = arith.subi %sign3A_4881, %sign3A_4884 : i32
      %ne3A_4886 = arith.cmpi ne, %sign3A_4878, %sign3A_4885 : i32
      %rem3A_4887 = arith.remsi %add3A_3253, %jit3A_4870 : i32
      %ne3A_4888 = arith.constant 0 : i32
      %ne3A_4889 = arith.cmpi ne, %rem3A_4887, %ne3A_4888 : i32
      %and3A_4890 = arith.andi %ne3A_4886, %ne3A_4889 : i1
      %sub3A_4891 = arith.constant 1 : i32
      %sub3A_4892 = arith.subi %div3A_4871, %sub3A_4891 : i32
      %select_n3A_4893 = arith.select %and3A_4890, %sub3A_4892, %div3A_4871 : i32
      %jit3A_4894 = arith.constant 8 : i32
      %eq3A_4895 = arith.constant 0 : i32
      %eq3A_4896 = arith.cmpi eq, %jit3A_4894, %eq3A_4895 : i32
      %jit3A_4897 = arith.constant 1 : i32
      %select_n3A_4898 = arith.select %eq3A_4896, %jit3A_4897, %jit3A_4894 : i32
      %rem3A_4899 = arith.remsi %add3A_3253, %select_n3A_4898 : i32
      %ne3A_4900 = arith.constant 0 : i32
      %ne3A_4901 = arith.cmpi ne, %rem3A_4899, %ne3A_4900 : i32
      %lt3A_4902 = arith.constant 0 : i32
      %lt3A_4903 = arith.cmpi slt, %rem3A_4899, %lt3A_4902 : i32
      %lt3A_4904 = arith.constant 0 : i32
      %lt3A_4905 = arith.cmpi slt, %select_n3A_4898, %lt3A_4904 : i32
      %ne3A_4906 = arith.xori %lt3A_4903, %lt3A_4905 : i1
      %and3A_4907 = arith.andi %ne3A_4906, %ne3A_4901 : i1
      %add3A_4908 = arith.addi %rem3A_4899, %select_n3A_4898 : i32
      %select_n3A_4909 = arith.select %and3A_4907, %add3A_4908, %rem3A_4899 : i32
      %mul3A_4910 = arith.constant 16 : i32
      %mul3A_4911 = arith.muli %select_n3A_4909, %mul3A_4910 : i32
      %swap3A_4912 = arith.constant 4 : i32
      %swap3A_4913 = arith.constant 0 : i32
      %swap3A_4914 = arith.index_cast %swap3A_4912 : i32 to index
      %swap3A_4915 = arith.index_cast %select_n3A_4893 : i32 to index
      %swap3A_4916 = arith.index_cast %swap3A_4913 : i32 to index
      %swap3A_4917 = arith.index_cast %mul3A_4911 : i32 to index
      %swap3A_4918 = tpu.vector_load %arg7[%swap3A_4914, %swap3A_4915, %swap3A_4916, %swap3A_4917] {strides = array<i32>} : memref<8x4x8x128xf32, #tpu.memory_space<vmem>>, vector<16xf32>,
      tpu.vector_store %arg7[%swap3A_4914, %swap3A_4915, %swap3A_4916, %swap3A_4917], %broadcast_in_dim3A_17 {strides = array<i32>} : memref<8x4x8x128xf32, #tpu.memory_space<vmem>>, vector<16xf32>,
      %jit3A_4919 = arith.constant 8 : i32
      %div3A_4920 = arith.divsi %add3A_3253, %jit3A_4919 : i32
      %sign3A_4921 = arith.constant 0 : i32
      %sign3A_4922 = arith.cmpi sgt, %add3A_3253, %sign3A_4921 : i32
      %sign3A_4923 = arith.extui %sign3A_4922 : i1 to i32
      %sign3A_4924 = arith.constant 0 : i32
      %sign3A_4925 = arith.cmpi slt, %add3A_3253, %sign3A_4924 : i32
      %sign3A_4926 = arith.extui %sign3A_4925 : i1 to i32
      %sign3A_4927 = arith.subi %sign3A_4923, %sign3A_4926 : i32
      %sign3A_4928 = arith.constant 0 : i32
      %sign3A_4929 = arith.cmpi sgt, %jit3A_4919, %sign3A_4928 : i32
      %sign3A_4930 = arith.extui %sign3A_4929 : i1 to i32
      %sign3A_4931 = arith.constant 0 : i32
      %sign3A_4932 = arith.cmpi slt, %jit3A_4919, %sign3A_4931 : i32
      %sign3A_4933 = arith.extui %sign3A_4932 : i1 to i32
      %sign3A_4934 = arith.subi %sign3A_4930, %sign3A_4933 : i32
      %ne3A_4935 = arith.cmpi ne, %sign3A_4927, %sign3A_4934 : i32
      %rem3A_4936 = arith.remsi %add3A_3253, %jit3A_4919 : i32
      %ne3A_4937 = arith.constant 0 : i32
      %ne3A_4938 = arith.cmpi ne, %rem3A_4936, %ne3A_4937 : i32
      %and3A_4939 = arith.andi %ne3A_4935, %ne3A_4938 : i1
      %sub3A_4940 = arith.constant 1 : i32
      %sub3A_4941 = arith.subi %div3A_4920, %sub3A_4940 : i32
      %select_n3A_4942 = arith.select %and3A_4939, %sub3A_4941, %div3A_4920 : i32
      %jit3A_4943 = arith.constant 8 : i32
      %eq3A_4944 = arith.constant 0 : i32
      %eq3A_4945 = arith.cmpi eq, %jit3A_4943, %eq3A_4944 : i32
      %jit3A_4946 = arith.constant 1 : i32
      %select_n3A_4947 = arith.select %eq3A_4945, %jit3A_4946, %jit3A_4943 : i32
      %rem3A_4948 = arith.remsi %add3A_3253, %select_n3A_4947 : i32
      %ne3A_4949 = arith.constant 0 : i32
      %ne3A_4950 = arith.cmpi ne, %rem3A_4948, %ne3A_4949 : i32
      %lt3A_4951 = arith.constant 0 : i32
      %lt3A_4952 = arith.cmpi slt, %rem3A_4948, %lt3A_4951 : i32
      %lt3A_4953 = arith.constant 0 : i32
      %lt3A_4954 = arith.cmpi slt, %select_n3A_4947, %lt3A_4953 : i32
      %ne3A_4955 = arith.xori %lt3A_4952, %lt3A_4954 : i1
      %and3A_4956 = arith.andi %ne3A_4955, %ne3A_4950 : i1
      %add3A_4957 = arith.addi %rem3A_4948, %select_n3A_4947 : i32
      %select_n3A_4958 = arith.select %and3A_4956, %add3A_4957, %rem3A_4948 : i32
      %mul3A_4959 = arith.constant 16 : i32
      %mul3A_4960 = arith.muli %select_n3A_4958, %mul3A_4959 : i32
      %swap3A_4961 = arith.constant 4 : i32
      %swap3A_4962 = arith.constant 1 : i32
      %swap3A_4963 = arith.index_cast %swap3A_4961 : i32 to index
      %swap3A_4964 = arith.index_cast %select_n3A_4942 : i32 to index
      %swap3A_4965 = arith.index_cast %swap3A_4962 : i32 to index
      %swap3A_4966 = arith.index_cast %mul3A_4960 : i32 to index
      %swap3A_4967 = tpu.vector_load %arg7[%swap3A_4963, %swap3A_4964, %swap3A_4965, %swap3A_4966] {strides = array<i32>} : memref<8x4x8x128xf32, #tpu.memory_space<vmem>>, vector<16xf32>,
      tpu.vector_store %arg7[%swap3A_4963, %swap3A_4964, %swap3A_4965, %swap3A_4966], %broadcast_in_dim3A_17 {strides = array<i32>} : memref<8x4x8x128xf32, #tpu.memory_space<vmem>>, vector<16xf32>,
      %jit3A_4968 = arith.constant 8 : i32
      %div3A_4969 = arith.divsi %add3A_3253, %jit3A_4968 : i32
      %sign3A_4970 = arith.constant 0 : i32
      %sign3A_4971 = arith.cmpi sgt, %add3A_3253, %sign3A_4970 : i32
      %sign3A_4972 = arith.extui %sign3A_4971 : i1 to i32
      %sign3A_4973 = arith.constant 0 : i32
      %sign3A_4974 = arith.cmpi slt, %add3A_3253, %sign3A_4973 : i32
      %sign3A_4975 = arith.extui %sign3A_4974 : i1 to i32
      %sign3A_4976 = arith.subi %sign3A_4972, %sign3A_4975 : i32
      %sign3A_4977 = arith.constant 0 : i32
      %sign3A_4978 = arith.cmpi sgt, %jit3A_4968, %sign3A_4977 : i32
      %sign3A_4979 = arith.extui %sign3A_4978 : i1 to i32
      %sign3A_4980 = arith.constant 0 : i32
      %sign3A_4981 = arith.cmpi slt, %jit3A_4968, %sign3A_4980 : i32
      %sign3A_4982 = arith.extui %sign3A_4981 : i1 to i32
      %sign3A_4983 = arith.subi %sign3A_4979, %sign3A_4982 : i32
      %ne3A_4984 = arith.cmpi ne, %sign3A_4976, %sign3A_4983 : i32
      %rem3A_4985 = arith.remsi %add3A_3253, %jit3A_4968 : i32
      %ne3A_4986 = arith.constant 0 : i32
      %ne3A_4987 = arith.cmpi ne, %rem3A_4985, %ne3A_4986 : i32
      %and3A_4988 = arith.andi %ne3A_4984, %ne3A_4987 : i1
      %sub3A_4989 = arith.constant 1 : i32
      %sub3A_4990 = arith.subi %div3A_4969, %sub3A_4989 : i32
      %select_n3A_4991 = arith.select %and3A_4988, %sub3A_4990, %div3A_4969 : i32
      %jit3A_4992 = arith.constant 8 : i32
      %eq3A_4993 = arith.constant 0 : i32
      %eq3A_4994 = arith.cmpi eq, %jit3A_4992, %eq3A_4993 : i32
      %jit3A_4995 = arith.constant 1 : i32
      %select_n3A_4996 = arith.select %eq3A_4994, %jit3A_4995, %jit3A_4992 : i32
      %rem3A_4997 = arith.remsi %add3A_3253, %select_n3A_4996 : i32
      %ne3A_4998 = arith.constant 0 : i32
      %ne3A_4999 = arith.cmpi ne, %rem3A_4997, %ne3A_4998 : i32
      %lt3A_5000 = arith.constant 0 : i32
      %lt3A_5001 = arith.cmpi slt, %rem3A_4997, %lt3A_5000 : i32
      %lt3A_5002 = arith.constant 0 : i32
      %lt3A_5003 = arith.cmpi slt, %select_n3A_4996, %lt3A_5002 : i32
      %ne3A_5004 = arith.xori %lt3A_5001, %lt3A_5003 : i1
      %and3A_5005 = arith.andi %ne3A_5004, %ne3A_4999 : i1
      %add3A_5006 = arith.addi %rem3A_4997, %select_n3A_4996 : i32
      %select_n3A_5007 = arith.select %and3A_5005, %add3A_5006, %rem3A_4997 : i32
      %mul3A_5008 = arith.constant 16 : i32
      %mul3A_5009 = arith.muli %select_n3A_5007, %mul3A_5008 : i32
      %swap3A_5010 = arith.constant 4 : i32
      %swap3A_5011 = arith.constant 2 : i32
      %swap3A_5012 = arith.index_cast %swap3A_5010 : i32 to index
      %swap3A_5013 = arith.index_cast %select_n3A_4991 : i32 to index
      %swap3A_5014 = arith.index_cast %swap3A_5011 : i32 to index
      %swap3A_5015 = arith.index_cast %mul3A_5009 : i32 to index
      %swap3A_5016 = tpu.vector_load %arg7[%swap3A_5012, %swap3A_5013, %swap3A_5014, %swap3A_5015] {strides = array<i32>} : memref<8x4x8x128xf32, #tpu.memory_space<vmem>>, vector<16xf32>,
      tpu.vector_store %arg7[%swap3A_5012, %swap3A_5013, %swap3A_5014, %swap3A_5015], %broadcast_in_dim3A_17 {strides = array<i32>} : memref<8x4x8x128xf32, #tpu.memory_space<vmem>>, vector<16xf32>,
      %jit3A_5017 = arith.constant 8 : i32
      %div3A_5018 = arith.divsi %add3A_3253, %jit3A_5017 : i32
      %sign3A_5019 = arith.constant 0 : i32
      %sign3A_5020 = arith.cmpi sgt, %add3A_3253, %sign3A_5019 : i32
      %sign3A_5021 = arith.extui %sign3A_5020 : i1 to i32
      %sign3A_5022 = arith.constant 0 : i32
      %sign3A_5023 = arith.cmpi slt, %add3A_3253, %sign3A_5022 : i32
      %sign3A_5024 = arith.extui %sign3A_5023 : i1 to i32
      %sign3A_5025 = arith.subi %sign3A_5021, %sign3A_5024 : i32
      %sign3A_5026 = arith.constant 0 : i32
      %sign3A_5027 = arith.cmpi sgt, %jit3A_5017, %sign3A_5026 : i32
      %sign3A_5028 = arith.extui %sign3A_5027 : i1 to i32
      %sign3A_5029 = arith.constant 0 : i32
      %sign3A_5030 = arith.cmpi slt, %jit3A_5017, %sign3A_5029 : i32
      %sign3A_5031 = arith.extui %sign3A_5030 : i1 to i32
      %sign3A_5032 = arith.subi %sign3A_5028, %sign3A_5031 : i32
      %ne3A_5033 = arith.cmpi ne, %sign3A_5025, %sign3A_5032 : i32
      %rem3A_5034 = arith.remsi %add3A_3253, %jit3A_5017 : i32
      %ne3A_5035 = arith.constant 0 : i32
      %ne3A_5036 = arith.cmpi ne, %rem3A_5034, %ne3A_5035 : i32
      %and3A_5037 = arith.andi %ne3A_5033, %ne3A_5036 : i1
      %sub3A_5038 = arith.constant 1 : i32
      %sub3A_5039 = arith.subi %div3A_5018, %sub3A_5038 : i32
      %select_n3A_5040 = arith.select %and3A_5037, %sub3A_5039, %div3A_5018 : i32
      %jit3A_5041 = arith.constant 8 : i32
      %eq3A_5042 = arith.constant 0 : i32
      %eq3A_5043 = arith.cmpi eq, %jit3A_5041, %eq3A_5042 : i32
      %jit3A_5044 = arith.constant 1 : i32
      %select_n3A_5045 = arith.select %eq3A_5043, %jit3A_5044, %jit3A_5041 : i32
      %rem3A_5046 = arith.remsi %add3A_3253, %select_n3A_5045 : i32
      %ne3A_5047 = arith.constant 0 : i32
      %ne3A_5048 = arith.cmpi ne, %rem3A_5046, %ne3A_5047 : i32
      %lt3A_5049 = arith.constant 0 : i32
      %lt3A_5050 = arith.cmpi slt, %rem3A_5046, %lt3A_5049 : i32
      %lt3A_5051 = arith.constant 0 : i32
      %lt3A_5052 = arith.cmpi slt, %select_n3A_5045, %lt3A_5051 : i32
      %ne3A_5053 = arith.xori %lt3A_5050, %lt3A_5052 : i1
      %and3A_5054 = arith.andi %ne3A_5053, %ne3A_5048 : i1
      %add3A_5055 = arith.addi %rem3A_5046, %select_n3A_5045 : i32
      %select_n3A_5056 = arith.select %and3A_5054, %add3A_5055, %rem3A_5046 : i32
      %mul3A_5057 = arith.constant 16 : i32
      %mul3A_5058 = arith.muli %select_n3A_5056, %mul3A_5057 : i32
      %swap3A_5059 = arith.constant 4 : i32
      %swap3A_5060 = arith.constant 3 : i32
      %swap3A_5061 = arith.index_cast %swap3A_5059 : i32 to index
      %swap3A_5062 = arith.index_cast %select_n3A_5040 : i32 to index
      %swap3A_5063 = arith.index_cast %swap3A_5060 : i32 to index
      %swap3A_5064 = arith.index_cast %mul3A_5058 : i32 to index
      %swap3A_5065 = tpu.vector_load %arg7[%swap3A_5061, %swap3A_5062, %swap3A_5063, %swap3A_5064] {strides = array<i32>} : memref<8x4x8x128xf32, #tpu.memory_space<vmem>>, vector<16xf32>,
      tpu.vector_store %arg7[%swap3A_5061, %swap3A_5062, %swap3A_5063, %swap3A_5064], %broadcast_in_dim3A_17 {strides = array<i32>} : memref<8x4x8x128xf32, #tpu.memory_space<vmem>>, vector<16xf32>,
      %jit3A_5066 = arith.constant 8 : i32
      %div3A_5067 = arith.divsi %add3A_3253, %jit3A_5066 : i32
      %sign3A_5068 = arith.constant 0 : i32
      %sign3A_5069 = arith.cmpi sgt, %add3A_3253, %sign3A_5068 : i32
      %sign3A_5070 = arith.extui %sign3A_5069 : i1 to i32
      %sign3A_5071 = arith.constant 0 : i32
      %sign3A_5072 = arith.cmpi slt, %add3A_3253, %sign3A_5071 : i32
      %sign3A_5073 = arith.extui %sign3A_5072 : i1 to i32
      %sign3A_5074 = arith.subi %sign3A_5070, %sign3A_5073 : i32
      %sign3A_5075 = arith.constant 0 : i32
      %sign3A_5076 = arith.cmpi sgt, %jit3A_5066, %sign3A_5075 : i32
      %sign3A_5077 = arith.extui %sign3A_5076 : i1 to i32
      %sign3A_5078 = arith.constant 0 : i32
      %sign3A_5079 = arith.cmpi slt, %jit3A_5066, %sign3A_5078 : i32
      %sign3A_5080 = arith.extui %sign3A_5079 : i1 to i32
      %sign3A_5081 = arith.subi %sign3A_5077, %sign3A_5080 : i32
      %ne3A_5082 = arith.cmpi ne, %sign3A_5074, %sign3A_5081 : i32
      %rem3A_5083 = arith.remsi %add3A_3253, %jit3A_5066 : i32
      %ne3A_5084 = arith.constant 0 : i32
      %ne3A_5085 = arith.cmpi ne, %rem3A_5083, %ne3A_5084 : i32
      %and3A_5086 = arith.andi %ne3A_5082, %ne3A_5085 : i1
      %sub3A_5087 = arith.constant 1 : i32
      %sub3A_5088 = arith.subi %div3A_5067, %sub3A_5087 : i32
      %select_n3A_5089 = arith.select %and3A_5086, %sub3A_5088, %div3A_5067 : i32
      %jit3A_5090 = arith.constant 8 : i32
      %eq3A_5091 = arith.constant 0 : i32
      %eq3A_5092 = arith.cmpi eq, %jit3A_5090, %eq3A_5091 : i32
      %jit3A_5093 = arith.constant 1 : i32
      %select_n3A_5094 = arith.select %eq3A_5092, %jit3A_5093, %jit3A_5090 : i32
      %rem3A_5095 = arith.remsi %add3A_3253, %select_n3A_5094 : i32
      %ne3A_5096 = arith.constant 0 : i32
      %ne3A_5097 = arith.cmpi ne, %rem3A_5095, %ne3A_5096 : i32
      %lt3A_5098 = arith.constant 0 : i32
      %lt3A_5099 = arith.cmpi slt, %rem3A_5095, %lt3A_5098 : i32
      %lt3A_5100 = arith.constant 0 : i32
      %lt3A_5101 = arith.cmpi slt, %select_n3A_5094, %lt3A_5100 : i32
      %ne3A_5102 = arith.xori %lt3A_5099, %lt3A_5101 : i1
      %and3A_5103 = arith.andi %ne3A_5102, %ne3A_5097 : i1
      %add3A_5104 = arith.addi %rem3A_5095, %select_n3A_5094 : i32
      %select_n3A_5105 = arith.select %and3A_5103, %add3A_5104, %rem3A_5095 : i32
      %mul3A_5106 = arith.constant 16 : i32
      %mul3A_5107 = arith.muli %select_n3A_5105, %mul3A_5106 : i32
      %swap3A_5108 = arith.constant 4 : i32
      %swap3A_5109 = arith.constant 4 : i32
      %swap3A_5110 = arith.index_cast %swap3A_5108 : i32 to index
      %swap3A_5111 = arith.index_cast %select_n3A_5089 : i32 to index
      %swap3A_5112 = arith.index_cast %swap3A_5109 : i32 to index
      %swap3A_5113 = arith.index_cast %mul3A_5107 : i32 to index
      %swap3A_5114 = tpu.vector_load %arg7[%swap3A_5110, %swap3A_5111, %swap3A_5112, %swap3A_5113] {strides = array<i32>} : memref<8x4x8x128xf32, #tpu.memory_space<vmem>>, vector<16xf32>,
      tpu.vector_store %arg7[%swap3A_5110, %swap3A_5111, %swap3A_5112, %swap3A_5113], %broadcast_in_dim3A_17 {strides = array<i32>} : memref<8x4x8x128xf32, #tpu.memory_space<vmem>>, vector<16xf32>,
      %jit3A_5115 = arith.constant 8 : i32
      %div3A_5116 = arith.divsi %add3A_3253, %jit3A_5115 : i32
      %sign3A_5117 = arith.constant 0 : i32
      %sign3A_5118 = arith.cmpi sgt, %add3A_3253, %sign3A_5117 : i32
      %sign3A_5119 = arith.extui %sign3A_5118 : i1 to i32
      %sign3A_5120 = arith.constant 0 : i32
      %sign3A_5121 = arith.cmpi slt, %add3A_3253, %sign3A_5120 : i32
      %sign3A_5122 = arith.extui %sign3A_5121 : i1 to i32
      %sign3A_5123 = arith.subi %sign3A_5119, %sign3A_5122 : i32
      %sign3A_5124 = arith.constant 0 : i32
      %sign3A_5125 = arith.cmpi sgt, %jit3A_5115, %sign3A_5124 : i32
      %sign3A_5126 = arith.extui %sign3A_5125 : i1 to i32
      %sign3A_5127 = arith.constant 0 : i32
      %sign3A_5128 = arith.cmpi slt, %jit3A_5115, %sign3A_5127 : i32
      %sign3A_5129 = arith.extui %sign3A_5128 : i1 to i32
      %sign3A_5130 = arith.subi %sign3A_5126, %sign3A_5129 : i32
      %ne3A_5131 = arith.cmpi ne, %sign3A_5123, %sign3A_5130 : i32
      %rem3A_5132 = arith.remsi %add3A_3253, %jit3A_5115 : i32
      %ne3A_5133 = arith.constant 0 : i32
      %ne3A_5134 = arith.cmpi ne, %rem3A_5132, %ne3A_5133 : i32
      %and3A_5135 = arith.andi %ne3A_5131, %ne3A_5134 : i1
      %sub3A_5136 = arith.constant 1 : i32
      %sub3A_5137 = arith.subi %div3A_5116, %sub3A_5136 : i32
      %select_n3A_5138 = arith.select %and3A_5135, %sub3A_5137, %div3A_5116 : i32
      %jit3A_5139 = arith.constant 8 : i32
      %eq3A_5140 = arith.constant 0 : i32
      %eq3A_5141 = arith.cmpi eq, %jit3A_5139, %eq3A_5140 : i32
      %jit3A_5142 = arith.constant 1 : i32
      %select_n3A_5143 = arith.select %eq3A_5141, %jit3A_5142, %jit3A_5139 : i32
      %rem3A_5144 = arith.remsi %add3A_3253, %select_n3A_5143 : i32
      %ne3A_5145 = arith.constant 0 : i32
      %ne3A_5146 = arith.cmpi ne, %rem3A_5144, %ne3A_5145 : i32
      %lt3A_5147 = arith.constant 0 : i32
      %lt3A_5148 = arith.cmpi slt, %rem3A_5144, %lt3A_5147 : i32
      %lt3A_5149 = arith.constant 0 : i32
      %lt3A_5150 = arith.cmpi slt, %select_n3A_5143, %lt3A_5149 : i32
      %ne3A_5151 = arith.xori %lt3A_5148, %lt3A_5150 : i1
      %and3A_5152 = arith.andi %ne3A_5151, %ne3A_5146 : i1
      %add3A_5153 = arith.addi %rem3A_5144, %select_n3A_5143 : i32
      %select_n3A_5154 = arith.select %and3A_5152, %add3A_5153, %rem3A_5144 : i32
      %mul3A_5155 = arith.constant 16 : i32
      %mul3A_5156 = arith.muli %select_n3A_5154, %mul3A_5155 : i32
      %swap3A_5157 = arith.constant 4 : i32
      %swap3A_5158 = arith.constant 5 : i32
      %swap3A_5159 = arith.index_cast %swap3A_5157 : i32 to index
      %swap3A_5160 = arith.index_cast %select_n3A_5138 : i32 to index
      %swap3A_5161 = arith.index_cast %swap3A_5158 : i32 to index
      %swap3A_5162 = arith.index_cast %mul3A_5156 : i32 to index
      %swap3A_5163 = tpu.vector_load %arg7[%swap3A_5159, %swap3A_5160, %swap3A_5161, %swap3A_5162] {strides = array<i32>} : memref<8x4x8x128xf32, #tpu.memory_space<vmem>>, vector<16xf32>,
      tpu.vector_store %arg7[%swap3A_5159, %swap3A_5160, %swap3A_5161, %swap3A_5162], %broadcast_in_dim3A_17 {strides = array<i32>} : memref<8x4x8x128xf32, #tpu.memory_space<vmem>>, vector<16xf32>,
      %jit3A_5164 = arith.constant 8 : i32
      %div3A_5165 = arith.divsi %add3A_3253, %jit3A_5164 : i32
      %sign3A_5166 = arith.constant 0 : i32
      %sign3A_5167 = arith.cmpi sgt, %add3A_3253, %sign3A_5166 : i32
      %sign3A_5168 = arith.extui %sign3A_5167 : i1 to i32
      %sign3A_5169 = arith.constant 0 : i32
      %sign3A_5170 = arith.cmpi slt, %add3A_3253, %sign3A_5169 : i32
      %sign3A_5171 = arith.extui %sign3A_5170 : i1 to i32
      %sign3A_5172 = arith.subi %sign3A_5168, %sign3A_5171 : i32
      %sign3A_5173 = arith.constant 0 : i32
      %sign3A_5174 = arith.cmpi sgt, %jit3A_5164, %sign3A_5173 : i32
      %sign3A_5175 = arith.extui %sign3A_5174 : i1 to i32
      %sign3A_5176 = arith.constant 0 : i32
      %sign3A_5177 = arith.cmpi slt, %jit3A_5164, %sign3A_5176 : i32
      %sign3A_5178 = arith.extui %sign3A_5177 : i1 to i32
      %sign3A_5179 = arith.subi %sign3A_5175, %sign3A_5178 : i32
      %ne3A_5180 = arith.cmpi ne, %sign3A_5172, %sign3A_5179 : i32
      %rem3A_5181 = arith.remsi %add3A_3253, %jit3A_5164 : i32
      %ne3A_5182 = arith.constant 0 : i32
      %ne3A_5183 = arith.cmpi ne, %rem3A_5181, %ne3A_5182 : i32
      %and3A_5184 = arith.andi %ne3A_5180, %ne3A_5183 : i1
      %sub3A_5185 = arith.constant 1 : i32
      %sub3A_5186 = arith.subi %div3A_5165, %sub3A_5185 : i32
      %select_n3A_5187 = arith.select %and3A_5184, %sub3A_5186, %div3A_5165 : i32
      %jit3A_5188 = arith.constant 8 : i32
      %eq3A_5189 = arith.constant 0 : i32
      %eq3A_5190 = arith.cmpi eq, %jit3A_5188, %eq3A_5189 : i32
      %jit3A_5191 = arith.constant 1 : i32
      %select_n3A_5192 = arith.select %eq3A_5190, %jit3A_5191, %jit3A_5188 : i32
      %rem3A_5193 = arith.remsi %add3A_3253, %select_n3A_5192 : i32
      %ne3A_5194 = arith.constant 0 : i32
      %ne3A_5195 = arith.cmpi ne, %rem3A_5193, %ne3A_5194 : i32
      %lt3A_5196 = arith.constant 0 : i32
      %lt3A_5197 = arith.cmpi slt, %rem3A_5193, %lt3A_5196 : i32
      %lt3A_5198 = arith.constant 0 : i32
      %lt3A_5199 = arith.cmpi slt, %select_n3A_5192, %lt3A_5198 : i32
      %ne3A_5200 = arith.xori %lt3A_5197, %lt3A_5199 : i1
      %and3A_5201 = arith.andi %ne3A_5200, %ne3A_5195 : i1
      %add3A_5202 = arith.addi %rem3A_5193, %select_n3A_5192 : i32
      %select_n3A_5203 = arith.select %and3A_5201, %add3A_5202, %rem3A_5193 : i32
      %mul3A_5204 = arith.constant 16 : i32
      %mul3A_5205 = arith.muli %select_n3A_5203, %mul3A_5204 : i32
      %swap3A_5206 = arith.constant 4 : i32
      %swap3A_5207 = arith.constant 6 : i32
      %swap3A_5208 = arith.index_cast %swap3A_5206 : i32 to index
      %swap3A_5209 = arith.index_cast %select_n3A_5187 : i32 to index
      %swap3A_5210 = arith.index_cast %swap3A_5207 : i32 to index
      %swap3A_5211 = arith.index_cast %mul3A_5205 : i32 to index
      %swap3A_5212 = tpu.vector_load %arg7[%swap3A_5208, %swap3A_5209, %swap3A_5210, %swap3A_5211] {strides = array<i32>} : memref<8x4x8x128xf32, #tpu.memory_space<vmem>>, vector<16xf32>,
      tpu.vector_store %arg7[%swap3A_5208, %swap3A_5209, %swap3A_5210, %swap3A_5211], %broadcast_in_dim3A_17 {strides = array<i32>} : memref<8x4x8x128xf32, #tpu.memory_space<vmem>>, vector<16xf32>,
      %jit3A_5213 = arith.constant 8 : i32
      %div3A_5214 = arith.divsi %add3A_3253, %jit3A_5213 : i32
      %sign3A_5215 = arith.constant 0 : i32
      %sign3A_5216 = arith.cmpi sgt, %add3A_3253, %sign3A_5215 : i32
      %sign3A_5217 = arith.extui %sign3A_5216 : i1 to i32
      %sign3A_5218 = arith.constant 0 : i32
      %sign3A_5219 = arith.cmpi slt, %add3A_3253, %sign3A_5218 : i32
      %sign3A_5220 = arith.extui %sign3A_5219 : i1 to i32
      %sign3A_5221 = arith.subi %sign3A_5217, %sign3A_5220 : i32
      %sign3A_5222 = arith.constant 0 : i32
      %sign3A_5223 = arith.cmpi sgt, %jit3A_5213, %sign3A_5222 : i32
      %sign3A_5224 = arith.extui %sign3A_5223 : i1 to i32
      %sign3A_5225 = arith.constant 0 : i32
      %sign3A_5226 = arith.cmpi slt, %jit3A_5213, %sign3A_5225 : i32
      %sign3A_5227 = arith.extui %sign3A_5226 : i1 to i32
      %sign3A_5228 = arith.subi %sign3A_5224, %sign3A_5227 : i32
      %ne3A_5229 = arith.cmpi ne, %sign3A_5221, %sign3A_5228 : i32
      %rem3A_5230 = arith.remsi %add3A_3253, %jit3A_5213 : i32
      %ne3A_5231 = arith.constant 0 : i32
      %ne3A_5232 = arith.cmpi ne, %rem3A_5230, %ne3A_5231 : i32
      %and3A_5233 = arith.andi %ne3A_5229, %ne3A_5232 : i1
      %sub3A_5234 = arith.constant 1 : i32
      %sub3A_5235 = arith.subi %div3A_5214, %sub3A_5234 : i32
      %select_n3A_5236 = arith.select %and3A_5233, %sub3A_5235, %div3A_5214 : i32
      %jit3A_5237 = arith.constant 8 : i32
      %eq3A_5238 = arith.constant 0 : i32
      %eq3A_5239 = arith.cmpi eq, %jit3A_5237, %eq3A_5238 : i32
      %jit3A_5240 = arith.constant 1 : i32
      %select_n3A_5241 = arith.select %eq3A_5239, %jit3A_5240, %jit3A_5237 : i32
      %rem3A_5242 = arith.remsi %add3A_3253, %select_n3A_5241 : i32
      %ne3A_5243 = arith.constant 0 : i32
      %ne3A_5244 = arith.cmpi ne, %rem3A_5242, %ne3A_5243 : i32
      %lt3A_5245 = arith.constant 0 : i32
      %lt3A_5246 = arith.cmpi slt, %rem3A_5242, %lt3A_5245 : i32
      %lt3A_5247 = arith.constant 0 : i32
      %lt3A_5248 = arith.cmpi slt, %select_n3A_5241, %lt3A_5247 : i32
      %ne3A_5249 = arith.xori %lt3A_5246, %lt3A_5248 : i1
      %and3A_5250 = arith.andi %ne3A_5249, %ne3A_5244 : i1
      %add3A_5251 = arith.addi %rem3A_5242, %select_n3A_5241 : i32
      %select_n3A_5252 = arith.select %and3A_5250, %add3A_5251, %rem3A_5242 : i32
      %mul3A_5253 = arith.constant 16 : i32
      %mul3A_5254 = arith.muli %select_n3A_5252, %mul3A_5253 : i32
      %swap3A_5255 = arith.constant 4 : i32
      %swap3A_5256 = arith.constant 7 : i32
      %swap3A_5257 = arith.index_cast %swap3A_5255 : i32 to index
      %swap3A_5258 = arith.index_cast %select_n3A_5236 : i32 to index
      %swap3A_5259 = arith.index_cast %swap3A_5256 : i32 to index
      %swap3A_5260 = arith.index_cast %mul3A_5254 : i32 to index
      %swap3A_5261 = tpu.vector_load %arg7[%swap3A_5257, %swap3A_5258, %swap3A_5259, %swap3A_5260] {strides = array<i32>} : memref<8x4x8x128xf32, #tpu.memory_space<vmem>>, vector<16xf32>,
      tpu.vector_store %arg7[%swap3A_5257, %swap3A_5258, %swap3A_5259, %swap3A_5260], %broadcast_in_dim3A_17 {strides = array<i32>} : memref<8x4x8x128xf32, #tpu.memory_space<vmem>>, vector<16xf32>,
      %jit3A_5262 = arith.constant 8 : i32
      %div3A_5263 = arith.divsi %add3A_3253, %jit3A_5262 : i32
      %sign3A_5264 = arith.constant 0 : i32
      %sign3A_5265 = arith.cmpi sgt, %add3A_3253, %sign3A_5264 : i32
      %sign3A_5266 = arith.extui %sign3A_5265 : i1 to i32
      %sign3A_5267 = arith.constant 0 : i32
      %sign3A_5268 = arith.cmpi slt, %add3A_3253, %sign3A_5267 : i32
      %sign3A_5269 = arith.extui %sign3A_5268 : i1 to i32
      %sign3A_5270 = arith.subi %sign3A_5266, %sign3A_5269 : i32
      %sign3A_5271 = arith.constant 0 : i32
      %sign3A_5272 = arith.cmpi sgt, %jit3A_5262, %sign3A_5271 : i32
      %sign3A_5273 = arith.extui %sign3A_5272 : i1 to i32
      %sign3A_5274 = arith.constant 0 : i32
      %sign3A_5275 = arith.cmpi slt, %jit3A_5262, %sign3A_5274 : i32
      %sign3A_5276 = arith.extui %sign3A_5275 : i1 to i32
      %sign3A_5277 = arith.subi %sign3A_5273, %sign3A_5276 : i32
      %ne3A_5278 = arith.cmpi ne, %sign3A_5270, %sign3A_5277 : i32
      %rem3A_5279 = arith.remsi %add3A_3253, %jit3A_5262 : i32
      %ne3A_5280 = arith.constant 0 : i32
      %ne3A_5281 = arith.cmpi ne, %rem3A_5279, %ne3A_5280 : i32
      %and3A_5282 = arith.andi %ne3A_5278, %ne3A_5281 : i1
      %sub3A_5283 = arith.constant 1 : i32
      %sub3A_5284 = arith.subi %div3A_5263, %sub3A_5283 : i32
      %select_n3A_5285 = arith.select %and3A_5282, %sub3A_5284, %div3A_5263 : i32
      %jit3A_5286 = arith.constant 8 : i32
      %eq3A_5287 = arith.constant 0 : i32
      %eq3A_5288 = arith.cmpi eq, %jit3A_5286, %eq3A_5287 : i32
      %jit3A_5289 = arith.constant 1 : i32
      %select_n3A_5290 = arith.select %eq3A_5288, %jit3A_5289, %jit3A_5286 : i32
      %rem3A_5291 = arith.remsi %add3A_3253, %select_n3A_5290 : i32
      %ne3A_5292 = arith.constant 0 : i32
      %ne3A_5293 = arith.cmpi ne, %rem3A_5291, %ne3A_5292 : i32
      %lt3A_5294 = arith.constant 0 : i32
      %lt3A_5295 = arith.cmpi slt, %rem3A_5291, %lt3A_5294 : i32
      %lt3A_5296 = arith.constant 0 : i32
      %lt3A_5297 = arith.cmpi slt, %select_n3A_5290, %lt3A_5296 : i32
      %ne3A_5298 = arith.xori %lt3A_5295, %lt3A_5297 : i1
      %and3A_5299 = arith.andi %ne3A_5298, %ne3A_5293 : i1
      %add3A_5300 = arith.addi %rem3A_5291, %select_n3A_5290 : i32
      %select_n3A_5301 = arith.select %and3A_5299, %add3A_5300, %rem3A_5291 : i32
      %mul3A_5302 = arith.constant 16 : i32
      %mul3A_5303 = arith.muli %select_n3A_5301, %mul3A_5302 : i32
      %swap3A_5304 = arith.constant 5 : i32
      %swap3A_5305 = arith.constant 0 : i32
      %swap3A_5306 = arith.index_cast %swap3A_5304 : i32 to index
      %swap3A_5307 = arith.index_cast %select_n3A_5285 : i32 to index
      %swap3A_5308 = arith.index_cast %swap3A_5305 : i32 to index
      %swap3A_5309 = arith.index_cast %mul3A_5303 : i32 to index
      %swap3A_5310 = tpu.vector_load %arg7[%swap3A_5306, %swap3A_5307, %swap3A_5308, %swap3A_5309] {strides = array<i32>} : memref<8x4x8x128xf32, #tpu.memory_space<vmem>>, vector<16xf32>,
      tpu.vector_store %arg7[%swap3A_5306, %swap3A_5307, %swap3A_5308, %swap3A_5309], %broadcast_in_dim3A_17 {strides = array<i32>} : memref<8x4x8x128xf32, #tpu.memory_space<vmem>>, vector<16xf32>,
      %jit3A_5311 = arith.constant 8 : i32
      %div3A_5312 = arith.divsi %add3A_3253, %jit3A_5311 : i32
      %sign3A_5313 = arith.constant 0 : i32
      %sign3A_5314 = arith.cmpi sgt, %add3A_3253, %sign3A_5313 : i32
      %sign3A_5315 = arith.extui %sign3A_5314 : i1 to i32
      %sign3A_5316 = arith.constant 0 : i32
      %sign3A_5317 = arith.cmpi slt, %add3A_3253, %sign3A_5316 : i32
      %sign3A_5318 = arith.extui %sign3A_5317 : i1 to i32
      %sign3A_5319 = arith.subi %sign3A_5315, %sign3A_5318 : i32
      %sign3A_5320 = arith.constant 0 : i32
      %sign3A_5321 = arith.cmpi sgt, %jit3A_5311, %sign3A_5320 : i32
      %sign3A_5322 = arith.extui %sign3A_5321 : i1 to i32
      %sign3A_5323 = arith.constant 0 : i32
      %sign3A_5324 = arith.cmpi slt, %jit3A_5311, %sign3A_5323 : i32
      %sign3A_5325 = arith.extui %sign3A_5324 : i1 to i32
      %sign3A_5326 = arith.subi %sign3A_5322, %sign3A_5325 : i32
      %ne3A_5327 = arith.cmpi ne, %sign3A_5319, %sign3A_5326 : i32
      %rem3A_5328 = arith.remsi %add3A_3253, %jit3A_5311 : i32
      %ne3A_5329 = arith.constant 0 : i32
      %ne3A_5330 = arith.cmpi ne, %rem3A_5328, %ne3A_5329 : i32
      %and3A_5331 = arith.andi %ne3A_5327, %ne3A_5330 : i1
      %sub3A_5332 = arith.constant 1 : i32
      %sub3A_5333 = arith.subi %div3A_5312, %sub3A_5332 : i32
      %select_n3A_5334 = arith.select %and3A_5331, %sub3A_5333, %div3A_5312 : i32
      %jit3A_5335 = arith.constant 8 : i32
      %eq3A_5336 = arith.constant 0 : i32
      %eq3A_5337 = arith.cmpi eq, %jit3A_5335, %eq3A_5336 : i32
      %jit3A_5338 = arith.constant 1 : i32
      %select_n3A_5339 = arith.select %eq3A_5337, %jit3A_5338, %jit3A_5335 : i32
      %rem3A_5340 = arith.remsi %add3A_3253, %select_n3A_5339 : i32
      %ne3A_5341 = arith.constant 0 : i32
      %ne3A_5342 = arith.cmpi ne, %rem3A_5340, %ne3A_5341 : i32
      %lt3A_5343 = arith.constant 0 : i32
      %lt3A_5344 = arith.cmpi slt, %rem3A_5340, %lt3A_5343 : i32
      %lt3A_5345 = arith.constant 0 : i32
      %lt3A_5346 = arith.cmpi slt, %select_n3A_5339, %lt3A_5345 : i32
      %ne3A_5347 = arith.xori %lt3A_5344, %lt3A_5346 : i1
      %and3A_5348 = arith.andi %ne3A_5347, %ne3A_5342 : i1
      %add3A_5349 = arith.addi %rem3A_5340, %select_n3A_5339 : i32
      %select_n3A_5350 = arith.select %and3A_5348, %add3A_5349, %rem3A_5340 : i32
      %mul3A_5351 = arith.constant 16 : i32
      %mul3A_5352 = arith.muli %select_n3A_5350, %mul3A_5351 : i32
      %swap3A_5353 = arith.constant 5 : i32
      %swap3A_5354 = arith.constant 1 : i32
      %swap3A_5355 = arith.index_cast %swap3A_5353 : i32 to index
      %swap3A_5356 = arith.index_cast %select_n3A_5334 : i32 to index
      %swap3A_5357 = arith.index_cast %swap3A_5354 : i32 to index
      %swap3A_5358 = arith.index_cast %mul3A_5352 : i32 to index
      %swap3A_5359 = tpu.vector_load %arg7[%swap3A_5355, %swap3A_5356, %swap3A_5357, %swap3A_5358] {strides = array<i32>} : memref<8x4x8x128xf32, #tpu.memory_space<vmem>>, vector<16xf32>,
      tpu.vector_store %arg7[%swap3A_5355, %swap3A_5356, %swap3A_5357, %swap3A_5358], %broadcast_in_dim3A_17 {strides = array<i32>} : memref<8x4x8x128xf32, #tpu.memory_space<vmem>>, vector<16xf32>,
      %jit3A_5360 = arith.constant 8 : i32
      %div3A_5361 = arith.divsi %add3A_3253, %jit3A_5360 : i32
      %sign3A_5362 = arith.constant 0 : i32
      %sign3A_5363 = arith.cmpi sgt, %add3A_3253, %sign3A_5362 : i32
      %sign3A_5364 = arith.extui %sign3A_5363 : i1 to i32
      %sign3A_5365 = arith.constant 0 : i32
      %sign3A_5366 = arith.cmpi slt, %add3A_3253, %sign3A_5365 : i32
      %sign3A_5367 = arith.extui %sign3A_5366 : i1 to i32
      %sign3A_5368 = arith.subi %sign3A_5364, %sign3A_5367 : i32
      %sign3A_5369 = arith.constant 0 : i32
      %sign3A_5370 = arith.cmpi sgt, %jit3A_5360, %sign3A_5369 : i32
      %sign3A_5371 = arith.extui %sign3A_5370 : i1 to i32
      %sign3A_5372 = arith.constant 0 : i32
      %sign3A_5373 = arith.cmpi slt, %jit3A_5360, %sign3A_5372 : i32
      %sign3A_5374 = arith.extui %sign3A_5373 : i1 to i32
      %sign3A_5375 = arith.subi %sign3A_5371, %sign3A_5374 : i32
      %ne3A_5376 = arith.cmpi ne, %sign3A_5368, %sign3A_5375 : i32
      %rem3A_5377 = arith.remsi %add3A_3253, %jit3A_5360 : i32
      %ne3A_5378 = arith.constant 0 : i32
      %ne3A_5379 = arith.cmpi ne, %rem3A_5377, %ne3A_5378 : i32
      %and3A_5380 = arith.andi %ne3A_5376, %ne3A_5379 : i1
      %sub3A_5381 = arith.constant 1 : i32
      %sub3A_5382 = arith.subi %div3A_5361, %sub3A_5381 : i32
      %select_n3A_5383 = arith.select %and3A_5380, %sub3A_5382, %div3A_5361 : i32
      %jit3A_5384 = arith.constant 8 : i32
      %eq3A_5385 = arith.constant 0 : i32
      %eq3A_5386 = arith.cmpi eq, %jit3A_5384, %eq3A_5385 : i32
      %jit3A_5387 = arith.constant 1 : i32
      %select_n3A_5388 = arith.select %eq3A_5386, %jit3A_5387, %jit3A_5384 : i32
      %rem3A_5389 = arith.remsi %add3A_3253, %select_n3A_5388 : i32
      %ne3A_5390 = arith.constant 0 : i32
      %ne3A_5391 = arith.cmpi ne, %rem3A_5389, %ne3A_5390 : i32
      %lt3A_5392 = arith.constant 0 : i32
      %lt3A_5393 = arith.cmpi slt, %rem3A_5389, %lt3A_5392 : i32
      %lt3A_5394 = arith.constant 0 : i32
      %lt3A_5395 = arith.cmpi slt, %select_n3A_5388, %lt3A_5394 : i32
      %ne3A_5396 = arith.xori %lt3A_5393, %lt3A_5395 : i1
      %and3A_5397 = arith.andi %ne3A_5396, %ne3A_5391 : i1
      %add3A_5398 = arith.addi %rem3A_5389, %select_n3A_5388 : i32
      %select_n3A_5399 = arith.select %and3A_5397, %add3A_5398, %rem3A_5389 : i32
      %mul3A_5400 = arith.constant 16 : i32
      %mul3A_5401 = arith.muli %select_n3A_5399, %mul3A_5400 : i32
      %swap3A_5402 = arith.constant 5 : i32
      %swap3A_5403 = arith.constant 2 : i32
      %swap3A_5404 = arith.index_cast %swap3A_5402 : i32 to index
      %swap3A_5405 = arith.index_cast %select_n3A_5383 : i32 to index
      %swap3A_5406 = arith.index_cast %swap3A_5403 : i32 to index
      %swap3A_5407 = arith.index_cast %mul3A_5401 : i32 to index
      %swap3A_5408 = tpu.vector_load %arg7[%swap3A_5404, %swap3A_5405, %swap3A_5406, %swap3A_5407] {strides = array<i32>} : memref<8x4x8x128xf32, #tpu.memory_space<vmem>>, vector<16xf32>,
      tpu.vector_store %arg7[%swap3A_5404, %swap3A_5405, %swap3A_5406, %swap3A_5407], %broadcast_in_dim3A_17 {strides = array<i32>} : memref<8x4x8x128xf32, #tpu.memory_space<vmem>>, vector<16xf32>,
      %jit3A_5409 = arith.constant 8 : i32
      %div3A_5410 = arith.divsi %add3A_3253, %jit3A_5409 : i32
      %sign3A_5411 = arith.constant 0 : i32
      %sign3A_5412 = arith.cmpi sgt, %add3A_3253, %sign3A_5411 : i32
      %sign3A_5413 = arith.extui %sign3A_5412 : i1 to i32
      %sign3A_5414 = arith.constant 0 : i32
      %sign3A_5415 = arith.cmpi slt, %add3A_3253, %sign3A_5414 : i32
      %sign3A_5416 = arith.extui %sign3A_5415 : i1 to i32
      %sign3A_5417 = arith.subi %sign3A_5413, %sign3A_5416 : i32
      %sign3A_5418 = arith.constant 0 : i32
      %sign3A_5419 = arith.cmpi sgt, %jit3A_5409, %sign3A_5418 : i32
      %sign3A_5420 = arith.extui %sign3A_5419 : i1 to i32
      %sign3A_5421 = arith.constant 0 : i32
      %sign3A_5422 = arith.cmpi slt, %jit3A_5409, %sign3A_5421 : i32
      %sign3A_5423 = arith.extui %sign3A_5422 : i1 to i32
      %sign3A_5424 = arith.subi %sign3A_5420, %sign3A_5423 : i32
      %ne3A_5425 = arith.cmpi ne, %sign3A_5417, %sign3A_5424 : i32
      %rem3A_5426 = arith.remsi %add3A_3253, %jit3A_5409 : i32
      %ne3A_5427 = arith.constant 0 : i32
      %ne3A_5428 = arith.cmpi ne, %rem3A_5426, %ne3A_5427 : i32
      %and3A_5429 = arith.andi %ne3A_5425, %ne3A_5428 : i1
      %sub3A_5430 = arith.constant 1 : i32
      %sub3A_5431 = arith.subi %div3A_5410, %sub3A_5430 : i32
      %select_n3A_5432 = arith.select %and3A_5429, %sub3A_5431, %div3A_5410 : i32
      %jit3A_5433 = arith.constant 8 : i32
      %eq3A_5434 = arith.constant 0 : i32
      %eq3A_5435 = arith.cmpi eq, %jit3A_5433, %eq3A_5434 : i32
      %jit3A_5436 = arith.constant 1 : i32
      %select_n3A_5437 = arith.select %eq3A_5435, %jit3A_5436, %jit3A_5433 : i32
      %rem3A_5438 = arith.remsi %add3A_3253, %select_n3A_5437 : i32
      %ne3A_5439 = arith.constant 0 : i32
      %ne3A_5440 = arith.cmpi ne, %rem3A_5438, %ne3A_5439 : i32
      %lt3A_5441 = arith.constant 0 : i32
      %lt3A_5442 = arith.cmpi slt, %rem3A_5438, %lt3A_5441 : i32
      %lt3A_5443 = arith.constant 0 : i32
      %lt3A_5444 = arith.cmpi slt, %select_n3A_5437, %lt3A_5443 : i32
      %ne3A_5445 = arith.xori %lt3A_5442, %lt3A_5444 : i1
      %and3A_5446 = arith.andi %ne3A_5445, %ne3A_5440 : i1
      %add3A_5447 = arith.addi %rem3A_5438, %select_n3A_5437 : i32
      %select_n3A_5448 = arith.select %and3A_5446, %add3A_5447, %rem3A_5438 : i32
      %mul3A_5449 = arith.constant 16 : i32
      %mul3A_5450 = arith.muli %select_n3A_5448, %mul3A_5449 : i32
      %swap3A_5451 = arith.constant 5 : i32
      %swap3A_5452 = arith.constant 3 : i32
      %swap3A_5453 = arith.index_cast %swap3A_5451 : i32 to index
      %swap3A_5454 = arith.index_cast %select_n3A_5432 : i32 to index
      %swap3A_5455 = arith.index_cast %swap3A_5452 : i32 to index
      %swap3A_5456 = arith.index_cast %mul3A_5450 : i32 to index
      %swap3A_5457 = tpu.vector_load %arg7[%swap3A_5453, %swap3A_5454, %swap3A_5455, %swap3A_5456] {strides = array<i32>} : memref<8x4x8x128xf32, #tpu.memory_space<vmem>>, vector<16xf32>,
      tpu.vector_store %arg7[%swap3A_5453, %swap3A_5454, %swap3A_5455, %swap3A_5456], %broadcast_in_dim3A_17 {strides = array<i32>} : memref<8x4x8x128xf32, #tpu.memory_space<vmem>>, vector<16xf32>,
      %jit3A_5458 = arith.constant 8 : i32
      %div3A_5459 = arith.divsi %add3A_3253, %jit3A_5458 : i32
      %sign3A_5460 = arith.constant 0 : i32
      %sign3A_5461 = arith.cmpi sgt, %add3A_3253, %sign3A_5460 : i32
      %sign3A_5462 = arith.extui %sign3A_5461 : i1 to i32
      %sign3A_5463 = arith.constant 0 : i32
      %sign3A_5464 = arith.cmpi slt, %add3A_3253, %sign3A_5463 : i32
      %sign3A_5465 = arith.extui %sign3A_5464 : i1 to i32
      %sign3A_5466 = arith.subi %sign3A_5462, %sign3A_5465 : i32
      %sign3A_5467 = arith.constant 0 : i32
      %sign3A_5468 = arith.cmpi sgt, %jit3A_5458, %sign3A_5467 : i32
      %sign3A_5469 = arith.extui %sign3A_5468 : i1 to i32
      %sign3A_5470 = arith.constant 0 : i32
      %sign3A_5471 = arith.cmpi slt, %jit3A_5458, %sign3A_5470 : i32
      %sign3A_5472 = arith.extui %sign3A_5471 : i1 to i32
      %sign3A_5473 = arith.subi %sign3A_5469, %sign3A_5472 : i32
      %ne3A_5474 = arith.cmpi ne, %sign3A_5466, %sign3A_5473 : i32
      %rem3A_5475 = arith.remsi %add3A_3253, %jit3A_5458 : i32
      %ne3A_5476 = arith.constant 0 : i32
      %ne3A_5477 = arith.cmpi ne, %rem3A_5475, %ne3A_5476 : i32
      %and3A_5478 = arith.andi %ne3A_5474, %ne3A_5477 : i1
      %sub3A_5479 = arith.constant 1 : i32
      %sub3A_5480 = arith.subi %div3A_5459, %sub3A_5479 : i32
      %select_n3A_5481 = arith.select %and3A_5478, %sub3A_5480, %div3A_5459 : i32
      %jit3A_5482 = arith.constant 8 : i32
      %eq3A_5483 = arith.constant 0 : i32
      %eq3A_5484 = arith.cmpi eq, %jit3A_5482, %eq3A_5483 : i32
      %jit3A_5485 = arith.constant 1 : i32
      %select_n3A_5486 = arith.select %eq3A_5484, %jit3A_5485, %jit3A_5482 : i32
      %rem3A_5487 = arith.remsi %add3A_3253, %select_n3A_5486 : i32
      %ne3A_5488 = arith.constant 0 : i32
      %ne3A_5489 = arith.cmpi ne, %rem3A_5487, %ne3A_5488 : i32
      %lt3A_5490 = arith.constant 0 : i32
      %lt3A_5491 = arith.cmpi slt, %rem3A_5487, %lt3A_5490 : i32
      %lt3A_5492 = arith.constant 0 : i32
      %lt3A_5493 = arith.cmpi slt, %select_n3A_5486, %lt3A_5492 : i32
      %ne3A_5494 = arith.xori %lt3A_5491, %lt3A_5493 : i1
      %and3A_5495 = arith.andi %ne3A_5494, %ne3A_5489 : i1
      %add3A_5496 = arith.addi %rem3A_5487, %select_n3A_5486 : i32
      %select_n3A_5497 = arith.select %and3A_5495, %add3A_5496, %rem3A_5487 : i32
      %mul3A_5498 = arith.constant 16 : i32
      %mul3A_5499 = arith.muli %select_n3A_5497, %mul3A_5498 : i32
      %swap3A_5500 = arith.constant 5 : i32
      %swap3A_5501 = arith.constant 4 : i32
      %swap3A_5502 = arith.index_cast %swap3A_5500 : i32 to index
      %swap3A_5503 = arith.index_cast %select_n3A_5481 : i32 to index
      %swap3A_5504 = arith.index_cast %swap3A_5501 : i32 to index
      %swap3A_5505 = arith.index_cast %mul3A_5499 : i32 to index
      %swap3A_5506 = tpu.vector_load %arg7[%swap3A_5502, %swap3A_5503, %swap3A_5504, %swap3A_5505] {strides = array<i32>} : memref<8x4x8x128xf32, #tpu.memory_space<vmem>>, vector<16xf32>,
      tpu.vector_store %arg7[%swap3A_5502, %swap3A_5503, %swap3A_5504, %swap3A_5505], %broadcast_in_dim3A_17 {strides = array<i32>} : memref<8x4x8x128xf32, #tpu.memory_space<vmem>>, vector<16xf32>,
      %jit3A_5507 = arith.constant 8 : i32
      %div3A_5508 = arith.divsi %add3A_3253, %jit3A_5507 : i32
      %sign3A_5509 = arith.constant 0 : i32
      %sign3A_5510 = arith.cmpi sgt, %add3A_3253, %sign3A_5509 : i32
      %sign3A_5511 = arith.extui %sign3A_5510 : i1 to i32
      %sign3A_5512 = arith.constant 0 : i32
      %sign3A_5513 = arith.cmpi slt, %add3A_3253, %sign3A_5512 : i32
      %sign3A_5514 = arith.extui %sign3A_5513 : i1 to i32
      %sign3A_5515 = arith.subi %sign3A_5511, %sign3A_5514 : i32
      %sign3A_5516 = arith.constant 0 : i32
      %sign3A_5517 = arith.cmpi sgt, %jit3A_5507, %sign3A_5516 : i32
      %sign3A_5518 = arith.extui %sign3A_5517 : i1 to i32
      %sign3A_5519 = arith.constant 0 : i32
      %sign3A_5520 = arith.cmpi slt, %jit3A_5507, %sign3A_5519 : i32
      %sign3A_5521 = arith.extui %sign3A_5520 : i1 to i32
      %sign3A_5522 = arith.subi %sign3A_5518, %sign3A_5521 : i32
      %ne3A_5523 = arith.cmpi ne, %sign3A_5515, %sign3A_5522 : i32
      %rem3A_5524 = arith.remsi %add3A_3253, %jit3A_5507 : i32
      %ne3A_5525 = arith.constant 0 : i32
      %ne3A_5526 = arith.cmpi ne, %rem3A_5524, %ne3A_5525 : i32
      %and3A_5527 = arith.andi %ne3A_5523, %ne3A_5526 : i1
      %sub3A_5528 = arith.constant 1 : i32
      %sub3A_5529 = arith.subi %div3A_5508, %sub3A_5528 : i32
      %select_n3A_5530 = arith.select %and3A_5527, %sub3A_5529, %div3A_5508 : i32
      %jit3A_5531 = arith.constant 8 : i32
      %eq3A_5532 = arith.constant 0 : i32
      %eq3A_5533 = arith.cmpi eq, %jit3A_5531, %eq3A_5532 : i32
      %jit3A_5534 = arith.constant 1 : i32
      %select_n3A_5535 = arith.select %eq3A_5533, %jit3A_5534, %jit3A_5531 : i32
      %rem3A_5536 = arith.remsi %add3A_3253, %select_n3A_5535 : i32
      %ne3A_5537 = arith.constant 0 : i32
      %ne3A_5538 = arith.cmpi ne, %rem3A_5536, %ne3A_5537 : i32
      %lt3A_5539 = arith.constant 0 : i32
      %lt3A_5540 = arith.cmpi slt, %rem3A_5536, %lt3A_5539 : i32
      %lt3A_5541 = arith.constant 0 : i32
      %lt3A_5542 = arith.cmpi slt, %select_n3A_5535, %lt3A_5541 : i32
      %ne3A_5543 = arith.xori %lt3A_5540, %lt3A_5542 : i1
      %and3A_5544 = arith.andi %ne3A_5543, %ne3A_5538 : i1
      %add3A_5545 = arith.addi %rem3A_5536, %select_n3A_5535 : i32
      %select_n3A_5546 = arith.select %and3A_5544, %add3A_5545, %rem3A_5536 : i32
      %mul3A_5547 = arith.constant 16 : i32
      %mul3A_5548 = arith.muli %select_n3A_5546, %mul3A_5547 : i32
      %swap3A_5549 = arith.constant 5 : i32
      %swap3A_5550 = arith.constant 5 : i32
      %swap3A_5551 = arith.index_cast %swap3A_5549 : i32 to index
      %swap3A_5552 = arith.index_cast %select_n3A_5530 : i32 to index
      %swap3A_5553 = arith.index_cast %swap3A_5550 : i32 to index
      %swap3A_5554 = arith.index_cast %mul3A_5548 : i32 to index
      %swap3A_5555 = tpu.vector_load %arg7[%swap3A_5551, %swap3A_5552, %swap3A_5553, %swap3A_5554] {strides = array<i32>} : memref<8x4x8x128xf32, #tpu.memory_space<vmem>>, vector<16xf32>,
      tpu.vector_store %arg7[%swap3A_5551, %swap3A_5552, %swap3A_5553, %swap3A_5554], %broadcast_in_dim3A_17 {strides = array<i32>} : memref<8x4x8x128xf32, #tpu.memory_space<vmem>>, vector<16xf32>,
      %jit3A_5556 = arith.constant 8 : i32
      %div3A_5557 = arith.divsi %add3A_3253, %jit3A_5556 : i32
      %sign3A_5558 = arith.constant 0 : i32
      %sign3A_5559 = arith.cmpi sgt, %add3A_3253, %sign3A_5558 : i32
      %sign3A_5560 = arith.extui %sign3A_5559 : i1 to i32
      %sign3A_5561 = arith.constant 0 : i32
      %sign3A_5562 = arith.cmpi slt, %add3A_3253, %sign3A_5561 : i32
      %sign3A_5563 = arith.extui %sign3A_5562 : i1 to i32
      %sign3A_5564 = arith.subi %sign3A_5560, %sign3A_5563 : i32
      %sign3A_5565 = arith.constant 0 : i32
      %sign3A_5566 = arith.cmpi sgt, %jit3A_5556, %sign3A_5565 : i32
      %sign3A_5567 = arith.extui %sign3A_5566 : i1 to i32
      %sign3A_5568 = arith.constant 0 : i32
      %sign3A_5569 = arith.cmpi slt, %jit3A_5556, %sign3A_5568 : i32
      %sign3A_5570 = arith.extui %sign3A_5569 : i1 to i32
      %sign3A_5571 = arith.subi %sign3A_5567, %sign3A_5570 : i32
      %ne3A_5572 = arith.cmpi ne, %sign3A_5564, %sign3A_5571 : i32
      %rem3A_5573 = arith.remsi %add3A_3253, %jit3A_5556 : i32
      %ne3A_5574 = arith.constant 0 : i32
      %ne3A_5575 = arith.cmpi ne, %rem3A_5573, %ne3A_5574 : i32
      %and3A_5576 = arith.andi %ne3A_5572, %ne3A_5575 : i1
      %sub3A_5577 = arith.constant 1 : i32
      %sub3A_5578 = arith.subi %div3A_5557, %sub3A_5577 : i32
      %select_n3A_5579 = arith.select %and3A_5576, %sub3A_5578, %div3A_5557 : i32
      %jit3A_5580 = arith.constant 8 : i32
      %eq3A_5581 = arith.constant 0 : i32
      %eq3A_5582 = arith.cmpi eq, %jit3A_5580, %eq3A_5581 : i32
      %jit3A_5583 = arith.constant 1 : i32
      %select_n3A_5584 = arith.select %eq3A_5582, %jit3A_5583, %jit3A_5580 : i32
      %rem3A_5585 = arith.remsi %add3A_3253, %select_n3A_5584 : i32
      %ne3A_5586 = arith.constant 0 : i32
      %ne3A_5587 = arith.cmpi ne, %rem3A_5585, %ne3A_5586 : i32
      %lt3A_5588 = arith.constant 0 : i32
      %lt3A_5589 = arith.cmpi slt, %rem3A_5585, %lt3A_5588 : i32
      %lt3A_5590 = arith.constant 0 : i32
      %lt3A_5591 = arith.cmpi slt, %select_n3A_5584, %lt3A_5590 : i32
      %ne3A_5592 = arith.xori %lt3A_5589, %lt3A_5591 : i1
      %and3A_5593 = arith.andi %ne3A_5592, %ne3A_5587 : i1
      %add3A_5594 = arith.addi %rem3A_5585, %select_n3A_5584 : i32
      %select_n3A_5595 = arith.select %and3A_5593, %add3A_5594, %rem3A_5585 : i32
      %mul3A_5596 = arith.constant 16 : i32
      %mul3A_5597 = arith.muli %select_n3A_5595, %mul3A_5596 : i32
      %swap3A_5598 = arith.constant 5 : i32
      %swap3A_5599 = arith.constant 6 : i32
      %swap3A_5600 = arith.index_cast %swap3A_5598 : i32 to index
      %swap3A_5601 = arith.index_cast %select_n3A_5579 : i32 to index
      %swap3A_5602 = arith.index_cast %swap3A_5599 : i32 to index
      %swap3A_5603 = arith.index_cast %mul3A_5597 : i32 to index
      %swap3A_5604 = tpu.vector_load %arg7[%swap3A_5600, %swap3A_5601, %swap3A_5602, %swap3A_5603] {strides = array<i32>} : memref<8x4x8x128xf32, #tpu.memory_space<vmem>>, vector<16xf32>,
      tpu.vector_store %arg7[%swap3A_5600, %swap3A_5601, %swap3A_5602, %swap3A_5603], %broadcast_in_dim3A_17 {strides = array<i32>} : memref<8x4x8x128xf32, #tpu.memory_space<vmem>>, vector<16xf32>,
      %jit3A_5605 = arith.constant 8 : i32
      %div3A_5606 = arith.divsi %add3A_3253, %jit3A_5605 : i32
      %sign3A_5607 = arith.constant 0 : i32
      %sign3A_5608 = arith.cmpi sgt, %add3A_3253, %sign3A_5607 : i32
      %sign3A_5609 = arith.extui %sign3A_5608 : i1 to i32
      %sign3A_5610 = arith.constant 0 : i32
      %sign3A_5611 = arith.cmpi slt, %add3A_3253, %sign3A_5610 : i32
      %sign3A_5612 = arith.extui %sign3A_5611 : i1 to i32
      %sign3A_5613 = arith.subi %sign3A_5609, %sign3A_5612 : i32
      %sign3A_5614 = arith.constant 0 : i32
      %sign3A_5615 = arith.cmpi sgt, %jit3A_5605, %sign3A_5614 : i32
      %sign3A_5616 = arith.extui %sign3A_5615 : i1 to i32
      %sign3A_5617 = arith.constant 0 : i32
      %sign3A_5618 = arith.cmpi slt, %jit3A_5605, %sign3A_5617 : i32
      %sign3A_5619 = arith.extui %sign3A_5618 : i1 to i32
      %sign3A_5620 = arith.subi %sign3A_5616, %sign3A_5619 : i32
      %ne3A_5621 = arith.cmpi ne, %sign3A_5613, %sign3A_5620 : i32
      %rem3A_5622 = arith.remsi %add3A_3253, %jit3A_5605 : i32
      %ne3A_5623 = arith.constant 0 : i32
      %ne3A_5624 = arith.cmpi ne, %rem3A_5622, %ne3A_5623 : i32
      %and3A_5625 = arith.andi %ne3A_5621, %ne3A_5624 : i1
      %sub3A_5626 = arith.constant 1 : i32
      %sub3A_5627 = arith.subi %div3A_5606, %sub3A_5626 : i32
      %select_n3A_5628 = arith.select %and3A_5625, %sub3A_5627, %div3A_5606 : i32
      %jit3A_5629 = arith.constant 8 : i32
      %eq3A_5630 = arith.constant 0 : i32
      %eq3A_5631 = arith.cmpi eq, %jit3A_5629, %eq3A_5630 : i32
      %jit3A_5632 = arith.constant 1 : i32
      %select_n3A_5633 = arith.select %eq3A_5631, %jit3A_5632, %jit3A_5629 : i32
      %rem3A_5634 = arith.remsi %add3A_3253, %select_n3A_5633 : i32
      %ne3A_5635 = arith.constant 0 : i32
      %ne3A_5636 = arith.cmpi ne, %rem3A_5634, %ne3A_5635 : i32
      %lt3A_5637 = arith.constant 0 : i32
      %lt3A_5638 = arith.cmpi slt, %rem3A_5634, %lt3A_5637 : i32
      %lt3A_5639 = arith.constant 0 : i32
      %lt3A_5640 = arith.cmpi slt, %select_n3A_5633, %lt3A_5639 : i32
      %ne3A_5641 = arith.xori %lt3A_5638, %lt3A_5640 : i1
      %and3A_5642 = arith.andi %ne3A_5641, %ne3A_5636 : i1
      %add3A_5643 = arith.addi %rem3A_5634, %select_n3A_5633 : i32
      %select_n3A_5644 = arith.select %and3A_5642, %add3A_5643, %rem3A_5634 : i32
      %mul3A_5645 = arith.constant 16 : i32
      %mul3A_5646 = arith.muli %select_n3A_5644, %mul3A_5645 : i32
      %swap3A_5647 = arith.constant 5 : i32
      %swap3A_5648 = arith.constant 7 : i32
      %swap3A_5649 = arith.index_cast %swap3A_5647 : i32 to index
      %swap3A_5650 = arith.index_cast %select_n3A_5628 : i32 to index
      %swap3A_5651 = arith.index_cast %swap3A_5648 : i32 to index
      %swap3A_5652 = arith.index_cast %mul3A_5646 : i32 to index
      %swap3A_5653 = tpu.vector_load %arg7[%swap3A_5649, %swap3A_5650, %swap3A_5651, %swap3A_5652] {strides = array<i32>} : memref<8x4x8x128xf32, #tpu.memory_space<vmem>>, vector<16xf32>,
      tpu.vector_store %arg7[%swap3A_5649, %swap3A_5650, %swap3A_5651, %swap3A_5652], %broadcast_in_dim3A_17 {strides = array<i32>} : memref<8x4x8x128xf32, #tpu.memory_space<vmem>>, vector<16xf32>,
      %jit3A_5654 = arith.constant 8 : i32
      %div3A_5655 = arith.divsi %add3A_3253, %jit3A_5654 : i32
      %sign3A_5656 = arith.constant 0 : i32
      %sign3A_5657 = arith.cmpi sgt, %add3A_3253, %sign3A_5656 : i32
      %sign3A_5658 = arith.extui %sign3A_5657 : i1 to i32
      %sign3A_5659 = arith.constant 0 : i32
      %sign3A_5660 = arith.cmpi slt, %add3A_3253, %sign3A_5659 : i32
      %sign3A_5661 = arith.extui %sign3A_5660 : i1 to i32
      %sign3A_5662 = arith.subi %sign3A_5658, %sign3A_5661 : i32
      %sign3A_5663 = arith.constant 0 : i32
      %sign3A_5664 = arith.cmpi sgt, %jit3A_5654, %sign3A_5663 : i32
      %sign3A_5665 = arith.extui %sign3A_5664 : i1 to i32
      %sign3A_5666 = arith.constant 0 : i32
      %sign3A_5667 = arith.cmpi slt, %jit3A_5654, %sign3A_5666 : i32
      %sign3A_5668 = arith.extui %sign3A_5667 : i1 to i32
      %sign3A_5669 = arith.subi %sign3A_5665, %sign3A_5668 : i32
      %ne3A_5670 = arith.cmpi ne, %sign3A_5662, %sign3A_5669 : i32
      %rem3A_5671 = arith.remsi %add3A_3253, %jit3A_5654 : i32
      %ne3A_5672 = arith.constant 0 : i32
      %ne3A_5673 = arith.cmpi ne, %rem3A_5671, %ne3A_5672 : i32
      %and3A_5674 = arith.andi %ne3A_5670, %ne3A_5673 : i1
      %sub3A_5675 = arith.constant 1 : i32
      %sub3A_5676 = arith.subi %div3A_5655, %sub3A_5675 : i32
      %select_n3A_5677 = arith.select %and3A_5674, %sub3A_5676, %div3A_5655 : i32
      %jit3A_5678 = arith.constant 8 : i32
      %eq3A_5679 = arith.constant 0 : i32
      %eq3A_5680 = arith.cmpi eq, %jit3A_5678, %eq3A_5679 : i32
      %jit3A_5681 = arith.constant 1 : i32
      %select_n3A_5682 = arith.select %eq3A_5680, %jit3A_5681, %jit3A_5678 : i32
      %rem3A_5683 = arith.remsi %add3A_3253, %select_n3A_5682 : i32
      %ne3A_5684 = arith.constant 0 : i32
      %ne3A_5685 = arith.cmpi ne, %rem3A_5683, %ne3A_5684 : i32
      %lt3A_5686 = arith.constant 0 : i32
      %lt3A_5687 = arith.cmpi slt, %rem3A_5683, %lt3A_5686 : i32
      %lt3A_5688 = arith.constant 0 : i32
      %lt3A_5689 = arith.cmpi slt, %select_n3A_5682, %lt3A_5688 : i32
      %ne3A_5690 = arith.xori %lt3A_5687, %lt3A_5689 : i1
      %and3A_5691 = arith.andi %ne3A_5690, %ne3A_5685 : i1
      %add3A_5692 = arith.addi %rem3A_5683, %select_n3A_5682 : i32
      %select_n3A_5693 = arith.select %and3A_5691, %add3A_5692, %rem3A_5683 : i32
      %mul3A_5694 = arith.constant 16 : i32
      %mul3A_5695 = arith.muli %select_n3A_5693, %mul3A_5694 : i32
      %swap3A_5696 = arith.constant 6 : i32
      %swap3A_5697 = arith.constant 0 : i32
      %swap3A_5698 = arith.index_cast %swap3A_5696 : i32 to index
      %swap3A_5699 = arith.index_cast %select_n3A_5677 : i32 to index
      %swap3A_5700 = arith.index_cast %swap3A_5697 : i32 to index
      %swap3A_5701 = arith.index_cast %mul3A_5695 : i32 to index
      %swap3A_5702 = tpu.vector_load %arg7[%swap3A_5698, %swap3A_5699, %swap3A_5700, %swap3A_5701] {strides = array<i32>} : memref<8x4x8x128xf32, #tpu.memory_space<vmem>>, vector<16xf32>,
      tpu.vector_store %arg7[%swap3A_5698, %swap3A_5699, %swap3A_5700, %swap3A_5701], %broadcast_in_dim3A_17 {strides = array<i32>} : memref<8x4x8x128xf32, #tpu.memory_space<vmem>>, vector<16xf32>,
      %jit3A_5703 = arith.constant 8 : i32
      %div3A_5704 = arith.divsi %add3A_3253, %jit3A_5703 : i32
      %sign3A_5705 = arith.constant 0 : i32
      %sign3A_5706 = arith.cmpi sgt, %add3A_3253, %sign3A_5705 : i32
      %sign3A_5707 = arith.extui %sign3A_5706 : i1 to i32
      %sign3A_5708 = arith.constant 0 : i32
      %sign3A_5709 = arith.cmpi slt, %add3A_3253, %sign3A_5708 : i32
      %sign3A_5710 = arith.extui %sign3A_5709 : i1 to i32
      %sign3A_5711 = arith.subi %sign3A_5707, %sign3A_5710 : i32
      %sign3A_5712 = arith.constant 0 : i32
      %sign3A_5713 = arith.cmpi sgt, %jit3A_5703, %sign3A_5712 : i32
      %sign3A_5714 = arith.extui %sign3A_5713 : i1 to i32
      %sign3A_5715 = arith.constant 0 : i32
      %sign3A_5716 = arith.cmpi slt, %jit3A_5703, %sign3A_5715 : i32
      %sign3A_5717 = arith.extui %sign3A_5716 : i1 to i32
      %sign3A_5718 = arith.subi %sign3A_5714, %sign3A_5717 : i32
      %ne3A_5719 = arith.cmpi ne, %sign3A_5711, %sign3A_5718 : i32
      %rem3A_5720 = arith.remsi %add3A_3253, %jit3A_5703 : i32
      %ne3A_5721 = arith.constant 0 : i32
      %ne3A_5722 = arith.cmpi ne, %rem3A_5720, %ne3A_5721 : i32
      %and3A_5723 = arith.andi %ne3A_5719, %ne3A_5722 : i1
      %sub3A_5724 = arith.constant 1 : i32
      %sub3A_5725 = arith.subi %div3A_5704, %sub3A_5724 : i32
      %select_n3A_5726 = arith.select %and3A_5723, %sub3A_5725, %div3A_5704 : i32
      %jit3A_5727 = arith.constant 8 : i32
      %eq3A_5728 = arith.constant 0 : i32
      %eq3A_5729 = arith.cmpi eq, %jit3A_5727, %eq3A_5728 : i32
      %jit3A_5730 = arith.constant 1 : i32
      %select_n3A_5731 = arith.select %eq3A_5729, %jit3A_5730, %jit3A_5727 : i32
      %rem3A_5732 = arith.remsi %add3A_3253, %select_n3A_5731 : i32
      %ne3A_5733 = arith.constant 0 : i32
      %ne3A_5734 = arith.cmpi ne, %rem3A_5732, %ne3A_5733 : i32
      %lt3A_5735 = arith.constant 0 : i32
      %lt3A_5736 = arith.cmpi slt, %rem3A_5732, %lt3A_5735 : i32
      %lt3A_5737 = arith.constant 0 : i32
      %lt3A_5738 = arith.cmpi slt, %select_n3A_5731, %lt3A_5737 : i32
      %ne3A_5739 = arith.xori %lt3A_5736, %lt3A_5738 : i1
      %and3A_5740 = arith.andi %ne3A_5739, %ne3A_5734 : i1
      %add3A_5741 = arith.addi %rem3A_5732, %select_n3A_5731 : i32
      %select_n3A_5742 = arith.select %and3A_5740, %add3A_5741, %rem3A_5732 : i32
      %mul3A_5743 = arith.constant 16 : i32
      %mul3A_5744 = arith.muli %select_n3A_5742, %mul3A_5743 : i32
      %swap3A_5745 = arith.constant 6 : i32
      %swap3A_5746 = arith.constant 1 : i32
      %swap3A_5747 = arith.index_cast %swap3A_5745 : i32 to index
      %swap3A_5748 = arith.index_cast %select_n3A_5726 : i32 to index
      %swap3A_5749 = arith.index_cast %swap3A_5746 : i32 to index
      %swap3A_5750 = arith.index_cast %mul3A_5744 : i32 to index
      %swap3A_5751 = tpu.vector_load %arg7[%swap3A_5747, %swap3A_5748, %swap3A_5749, %swap3A_5750] {strides = array<i32>} : memref<8x4x8x128xf32, #tpu.memory_space<vmem>>, vector<16xf32>,
      tpu.vector_store %arg7[%swap3A_5747, %swap3A_5748, %swap3A_5749, %swap3A_5750], %broadcast_in_dim3A_17 {strides = array<i32>} : memref<8x4x8x128xf32, #tpu.memory_space<vmem>>, vector<16xf32>,
      %jit3A_5752 = arith.constant 8 : i32
      %div3A_5753 = arith.divsi %add3A_3253, %jit3A_5752 : i32
      %sign3A_5754 = arith.constant 0 : i32
      %sign3A_5755 = arith.cmpi sgt, %add3A_3253, %sign3A_5754 : i32
      %sign3A_5756 = arith.extui %sign3A_5755 : i1 to i32
      %sign3A_5757 = arith.constant 0 : i32
      %sign3A_5758 = arith.cmpi slt, %add3A_3253, %sign3A_5757 : i32
      %sign3A_5759 = arith.extui %sign3A_5758 : i1 to i32
      %sign3A_5760 = arith.subi %sign3A_5756, %sign3A_5759 : i32
      %sign3A_5761 = arith.constant 0 : i32
      %sign3A_5762 = arith.cmpi sgt, %jit3A_5752, %sign3A_5761 : i32
      %sign3A_5763 = arith.extui %sign3A_5762 : i1 to i32
      %sign3A_5764 = arith.constant 0 : i32
      %sign3A_5765 = arith.cmpi slt, %jit3A_5752, %sign3A_5764 : i32
      %sign3A_5766 = arith.extui %sign3A_5765 : i1 to i32
      %sign3A_5767 = arith.subi %sign3A_5763, %sign3A_5766 : i32
      %ne3A_5768 = arith.cmpi ne, %sign3A_5760, %sign3A_5767 : i32
      %rem3A_5769 = arith.remsi %add3A_3253, %jit3A_5752 : i32
      %ne3A_5770 = arith.constant 0 : i32
      %ne3A_5771 = arith.cmpi ne, %rem3A_5769, %ne3A_5770 : i32
      %and3A_5772 = arith.andi %ne3A_5768, %ne3A_5771 : i1
      %sub3A_5773 = arith.constant 1 : i32
      %sub3A_5774 = arith.subi %div3A_5753, %sub3A_5773 : i32
      %select_n3A_5775 = arith.select %and3A_5772, %sub3A_5774, %div3A_5753 : i32
      %jit3A_5776 = arith.constant 8 : i32
      %eq3A_5777 = arith.constant 0 : i32
      %eq3A_5778 = arith.cmpi eq, %jit3A_5776, %eq3A_5777 : i32
      %jit3A_5779 = arith.constant 1 : i32
      %select_n3A_5780 = arith.select %eq3A_5778, %jit3A_5779, %jit3A_5776 : i32
      %rem3A_5781 = arith.remsi %add3A_3253, %select_n3A_5780 : i32
      %ne3A_5782 = arith.constant 0 : i32
      %ne3A_5783 = arith.cmpi ne, %rem3A_5781, %ne3A_5782 : i32
      %lt3A_5784 = arith.constant 0 : i32
      %lt3A_5785 = arith.cmpi slt, %rem3A_5781, %lt3A_5784 : i32
      %lt3A_5786 = arith.constant 0 : i32
      %lt3A_5787 = arith.cmpi slt, %select_n3A_5780, %lt3A_5786 : i32
      %ne3A_5788 = arith.xori %lt3A_5785, %lt3A_5787 : i1
      %and3A_5789 = arith.andi %ne3A_5788, %ne3A_5783 : i1
      %add3A_5790 = arith.addi %rem3A_5781, %select_n3A_5780 : i32
      %select_n3A_5791 = arith.select %and3A_5789, %add3A_5790, %rem3A_5781 : i32
      %mul3A_5792 = arith.constant 16 : i32
      %mul3A_5793 = arith.muli %select_n3A_5791, %mul3A_5792 : i32
      %swap3A_5794 = arith.constant 6 : i32
      %swap3A_5795 = arith.constant 2 : i32
      %swap3A_5796 = arith.index_cast %swap3A_5794 : i32 to index
      %swap3A_5797 = arith.index_cast %select_n3A_5775 : i32 to index
      %swap3A_5798 = arith.index_cast %swap3A_5795 : i32 to index
      %swap3A_5799 = arith.index_cast %mul3A_5793 : i32 to index
      %swap3A_5800 = tpu.vector_load %arg7[%swap3A_5796, %swap3A_5797, %swap3A_5798, %swap3A_5799] {strides = array<i32>} : memref<8x4x8x128xf32, #tpu.memory_space<vmem>>, vector<16xf32>,
      tpu.vector_store %arg7[%swap3A_5796, %swap3A_5797, %swap3A_5798, %swap3A_5799], %broadcast_in_dim3A_17 {strides = array<i32>} : memref<8x4x8x128xf32, #tpu.memory_space<vmem>>, vector<16xf32>,
      %jit3A_5801 = arith.constant 8 : i32
      %div3A_5802 = arith.divsi %add3A_3253, %jit3A_5801 : i32
      %sign3A_5803 = arith.constant 0 : i32
      %sign3A_5804 = arith.cmpi sgt, %add3A_3253, %sign3A_5803 : i32
      %sign3A_5805 = arith.extui %sign3A_5804 : i1 to i32
      %sign3A_5806 = arith.constant 0 : i32
      %sign3A_5807 = arith.cmpi slt, %add3A_3253, %sign3A_5806 : i32
      %sign3A_5808 = arith.extui %sign3A_5807 : i1 to i32
      %sign3A_5809 = arith.subi %sign3A_5805, %sign3A_5808 : i32
      %sign3A_5810 = arith.constant 0 : i32
      %sign3A_5811 = arith.cmpi sgt, %jit3A_5801, %sign3A_5810 : i32
      %sign3A_5812 = arith.extui %sign3A_5811 : i1 to i32
      %sign3A_5813 = arith.constant 0 : i32
      %sign3A_5814 = arith.cmpi slt, %jit3A_5801, %sign3A_5813 : i32
      %sign3A_5815 = arith.extui %sign3A_5814 : i1 to i32
      %sign3A_5816 = arith.subi %sign3A_5812, %sign3A_5815 : i32
      %ne3A_5817 = arith.cmpi ne, %sign3A_5809, %sign3A_5816 : i32
      %rem3A_5818 = arith.remsi %add3A_3253, %jit3A_5801 : i32
      %ne3A_5819 = arith.constant 0 : i32
      %ne3A_5820 = arith.cmpi ne, %rem3A_5818, %ne3A_5819 : i32
      %and3A_5821 = arith.andi %ne3A_5817, %ne3A_5820 : i1
      %sub3A_5822 = arith.constant 1 : i32
      %sub3A_5823 = arith.subi %div3A_5802, %sub3A_5822 : i32
      %select_n3A_5824 = arith.select %and3A_5821, %sub3A_5823, %div3A_5802 : i32
      %jit3A_5825 = arith.constant 8 : i32
      %eq3A_5826 = arith.constant 0 : i32
      %eq3A_5827 = arith.cmpi eq, %jit3A_5825, %eq3A_5826 : i32
      %jit3A_5828 = arith.constant 1 : i32
      %select_n3A_5829 = arith.select %eq3A_5827, %jit3A_5828, %jit3A_5825 : i32
      %rem3A_5830 = arith.remsi %add3A_3253, %select_n3A_5829 : i32
      %ne3A_5831 = arith.constant 0 : i32
      %ne3A_5832 = arith.cmpi ne, %rem3A_5830, %ne3A_5831 : i32
      %lt3A_5833 = arith.constant 0 : i32
      %lt3A_5834 = arith.cmpi slt, %rem3A_5830, %lt3A_5833 : i32
      %lt3A_5835 = arith.constant 0 : i32
      %lt3A_5836 = arith.cmpi slt, %select_n3A_5829, %lt3A_5835 : i32
      %ne3A_5837 = arith.xori %lt3A_5834, %lt3A_5836 : i1
      %and3A_5838 = arith.andi %ne3A_5837, %ne3A_5832 : i1
      %add3A_5839 = arith.addi %rem3A_5830, %select_n3A_5829 : i32
      %select_n3A_5840 = arith.select %and3A_5838, %add3A_5839, %rem3A_5830 : i32
      %mul3A_5841 = arith.constant 16 : i32
      %mul3A_5842 = arith.muli %select_n3A_5840, %mul3A_5841 : i32
      %swap3A_5843 = arith.constant 6 : i32
      %swap3A_5844 = arith.constant 3 : i32
      %swap3A_5845 = arith.index_cast %swap3A_5843 : i32 to index
      %swap3A_5846 = arith.index_cast %select_n3A_5824 : i32 to index
      %swap3A_5847 = arith.index_cast %swap3A_5844 : i32 to index
      %swap3A_5848 = arith.index_cast %mul3A_5842 : i32 to index
      %swap3A_5849 = tpu.vector_load %arg7[%swap3A_5845, %swap3A_5846, %swap3A_5847, %swap3A_5848] {strides = array<i32>} : memref<8x4x8x128xf32, #tpu.memory_space<vmem>>, vector<16xf32>,
      tpu.vector_store %arg7[%swap3A_5845, %swap3A_5846, %swap3A_5847, %swap3A_5848], %broadcast_in_dim3A_17 {strides = array<i32>} : memref<8x4x8x128xf32, #tpu.memory_space<vmem>>, vector<16xf32>,
      %jit3A_5850 = arith.constant 8 : i32
      %div3A_5851 = arith.divsi %add3A_3253, %jit3A_5850 : i32
      %sign3A_5852 = arith.constant 0 : i32
      %sign3A_5853 = arith.cmpi sgt, %add3A_3253, %sign3A_5852 : i32
      %sign3A_5854 = arith.extui %sign3A_5853 : i1 to i32
      %sign3A_5855 = arith.constant 0 : i32
      %sign3A_5856 = arith.cmpi slt, %add3A_3253, %sign3A_5855 : i32
      %sign3A_5857 = arith.extui %sign3A_5856 : i1 to i32
      %sign3A_5858 = arith.subi %sign3A_5854, %sign3A_5857 : i32
      %sign3A_5859 = arith.constant 0 : i32
      %sign3A_5860 = arith.cmpi sgt, %jit3A_5850, %sign3A_5859 : i32
      %sign3A_5861 = arith.extui %sign3A_5860 : i1 to i32
      %sign3A_5862 = arith.constant 0 : i32
      %sign3A_5863 = arith.cmpi slt, %jit3A_5850, %sign3A_5862 : i32
      %sign3A_5864 = arith.extui %sign3A_5863 : i1 to i32
      %sign3A_5865 = arith.subi %sign3A_5861, %sign3A_5864 : i32
      %ne3A_5866 = arith.cmpi ne, %sign3A_5858, %sign3A_5865 : i32
      %rem3A_5867 = arith.remsi %add3A_3253, %jit3A_5850 : i32
      %ne3A_5868 = arith.constant 0 : i32
      %ne3A_5869 = arith.cmpi ne, %rem3A_5867, %ne3A_5868 : i32
      %and3A_5870 = arith.andi %ne3A_5866, %ne3A_5869 : i1
      %sub3A_5871 = arith.constant 1 : i32
      %sub3A_5872 = arith.subi %div3A_5851, %sub3A_5871 : i32
      %select_n3A_5873 = arith.select %and3A_5870, %sub3A_5872, %div3A_5851 : i32
      %jit3A_5874 = arith.constant 8 : i32
      %eq3A_5875 = arith.constant 0 : i32
      %eq3A_5876 = arith.cmpi eq, %jit3A_5874, %eq3A_5875 : i32
      %jit3A_5877 = arith.constant 1 : i32
      %select_n3A_5878 = arith.select %eq3A_5876, %jit3A_5877, %jit3A_5874 : i32
      %rem3A_5879 = arith.remsi %add3A_3253, %select_n3A_5878 : i32
      %ne3A_5880 = arith.constant 0 : i32
      %ne3A_5881 = arith.cmpi ne, %rem3A_5879, %ne3A_5880 : i32
      %lt3A_5882 = arith.constant 0 : i32
      %lt3A_5883 = arith.cmpi slt, %rem3A_5879, %lt3A_5882 : i32
      %lt3A_5884 = arith.constant 0 : i32
      %lt3A_5885 = arith.cmpi slt, %select_n3A_5878, %lt3A_5884 : i32
      %ne3A_5886 = arith.xori %lt3A_5883, %lt3A_5885 : i1
      %and3A_5887 = arith.andi %ne3A_5886, %ne3A_5881 : i1
      %add3A_5888 = arith.addi %rem3A_5879, %select_n3A_5878 : i32
      %select_n3A_5889 = arith.select %and3A_5887, %add3A_5888, %rem3A_5879 : i32
      %mul3A_5890 = arith.constant 16 : i32
      %mul3A_5891 = arith.muli %select_n3A_5889, %mul3A_5890 : i32
      %swap3A_5892 = arith.constant 6 : i32
      %swap3A_5893 = arith.constant 4 : i32
      %swap3A_5894 = arith.index_cast %swap3A_5892 : i32 to index
      %swap3A_5895 = arith.index_cast %select_n3A_5873 : i32 to index
      %swap3A_5896 = arith.index_cast %swap3A_5893 : i32 to index
      %swap3A_5897 = arith.index_cast %mul3A_5891 : i32 to index
      %swap3A_5898 = tpu.vector_load %arg7[%swap3A_5894, %swap3A_5895, %swap3A_5896, %swap3A_5897] {strides = array<i32>} : memref<8x4x8x128xf32, #tpu.memory_space<vmem>>, vector<16xf32>,
      tpu.vector_store %arg7[%swap3A_5894, %swap3A_5895, %swap3A_5896, %swap3A_5897], %broadcast_in_dim3A_17 {strides = array<i32>} : memref<8x4x8x128xf32, #tpu.memory_space<vmem>>, vector<16xf32>,
      %jit3A_5899 = arith.constant 8 : i32
      %div3A_5900 = arith.divsi %add3A_3253, %jit3A_5899 : i32
      %sign3A_5901 = arith.constant 0 : i32
      %sign3A_5902 = arith.cmpi sgt, %add3A_3253, %sign3A_5901 : i32
      %sign3A_5903 = arith.extui %sign3A_5902 : i1 to i32
      %sign3A_5904 = arith.constant 0 : i32
      %sign3A_5905 = arith.cmpi slt, %add3A_3253, %sign3A_5904 : i32
      %sign3A_5906 = arith.extui %sign3A_5905 : i1 to i32
      %sign3A_5907 = arith.subi %sign3A_5903, %sign3A_5906 : i32
      %sign3A_5908 = arith.constant 0 : i32
      %sign3A_5909 = arith.cmpi sgt, %jit3A_5899, %sign3A_5908 : i32
      %sign3A_5910 = arith.extui %sign3A_5909 : i1 to i32
      %sign3A_5911 = arith.constant 0 : i32
      %sign3A_5912 = arith.cmpi slt, %jit3A_5899, %sign3A_5911 : i32
      %sign3A_5913 = arith.extui %sign3A_5912 : i1 to i32
      %sign3A_5914 = arith.subi %sign3A_5910, %sign3A_5913 : i32
      %ne3A_5915 = arith.cmpi ne, %sign3A_5907, %sign3A_5914 : i32
      %rem3A_5916 = arith.remsi %add3A_3253, %jit3A_5899 : i32
      %ne3A_5917 = arith.constant 0 : i32
      %ne3A_5918 = arith.cmpi ne, %rem3A_5916, %ne3A_5917 : i32
      %and3A_5919 = arith.andi %ne3A_5915, %ne3A_5918 : i1
      %sub3A_5920 = arith.constant 1 : i32
      %sub3A_5921 = arith.subi %div3A_5900, %sub3A_5920 : i32
      %select_n3A_5922 = arith.select %and3A_5919, %sub3A_5921, %div3A_5900 : i32
      %jit3A_5923 = arith.constant 8 : i32
      %eq3A_5924 = arith.constant 0 : i32
      %eq3A_5925 = arith.cmpi eq, %jit3A_5923, %eq3A_5924 : i32
      %jit3A_5926 = arith.constant 1 : i32
      %select_n3A_5927 = arith.select %eq3A_5925, %jit3A_5926, %jit3A_5923 : i32
      %rem3A_5928 = arith.remsi %add3A_3253, %select_n3A_5927 : i32
      %ne3A_5929 = arith.constant 0 : i32
      %ne3A_5930 = arith.cmpi ne, %rem3A_5928, %ne3A_5929 : i32
      %lt3A_5931 = arith.constant 0 : i32
      %lt3A_5932 = arith.cmpi slt, %rem3A_5928, %lt3A_5931 : i32
      %lt3A_5933 = arith.constant 0 : i32
      %lt3A_5934 = arith.cmpi slt, %select_n3A_5927, %lt3A_5933 : i32
      %ne3A_5935 = arith.xori %lt3A_5932, %lt3A_5934 : i1
      %and3A_5936 = arith.andi %ne3A_5935, %ne3A_5930 : i1
      %add3A_5937 = arith.addi %rem3A_5928, %select_n3A_5927 : i32
      %select_n3A_5938 = arith.select %and3A_5936, %add3A_5937, %rem3A_5928 : i32
      %mul3A_5939 = arith.constant 16 : i32
      %mul3A_5940 = arith.muli %select_n3A_5938, %mul3A_5939 : i32
      %swap3A_5941 = arith.constant 6 : i32
      %swap3A_5942 = arith.constant 5 : i32
      %swap3A_5943 = arith.index_cast %swap3A_5941 : i32 to index
      %swap3A_5944 = arith.index_cast %select_n3A_5922 : i32 to index
      %swap3A_5945 = arith.index_cast %swap3A_5942 : i32 to index
      %swap3A_5946 = arith.index_cast %mul3A_5940 : i32 to index
      %swap3A_5947 = tpu.vector_load %arg7[%swap3A_5943, %swap3A_5944, %swap3A_5945, %swap3A_5946] {strides = array<i32>} : memref<8x4x8x128xf32, #tpu.memory_space<vmem>>, vector<16xf32>,
      tpu.vector_store %arg7[%swap3A_5943, %swap3A_5944, %swap3A_5945, %swap3A_5946], %broadcast_in_dim3A_17 {strides = array<i32>} : memref<8x4x8x128xf32, #tpu.memory_space<vmem>>, vector<16xf32>,
      %jit3A_5948 = arith.constant 8 : i32
      %div3A_5949 = arith.divsi %add3A_3253, %jit3A_5948 : i32
      %sign3A_5950 = arith.constant 0 : i32
      %sign3A_5951 = arith.cmpi sgt, %add3A_3253, %sign3A_5950 : i32
      %sign3A_5952 = arith.extui %sign3A_5951 : i1 to i32
      %sign3A_5953 = arith.constant 0 : i32
      %sign3A_5954 = arith.cmpi slt, %add3A_3253, %sign3A_5953 : i32
      %sign3A_5955 = arith.extui %sign3A_5954 : i1 to i32
      %sign3A_5956 = arith.subi %sign3A_5952, %sign3A_5955 : i32
      %sign3A_5957 = arith.constant 0 : i32
      %sign3A_5958 = arith.cmpi sgt, %jit3A_5948, %sign3A_5957 : i32
      %sign3A_5959 = arith.extui %sign3A_5958 : i1 to i32
      %sign3A_5960 = arith.constant 0 : i32
      %sign3A_5961 = arith.cmpi slt, %jit3A_5948, %sign3A_5960 : i32
      %sign3A_5962 = arith.extui %sign3A_5961 : i1 to i32
      %sign3A_5963 = arith.subi %sign3A_5959, %sign3A_5962 : i32
      %ne3A_5964 = arith.cmpi ne, %sign3A_5956, %sign3A_5963 : i32
      %rem3A_5965 = arith.remsi %add3A_3253, %jit3A_5948 : i32
      %ne3A_5966 = arith.constant 0 : i32
      %ne3A_5967 = arith.cmpi ne, %rem3A_5965, %ne3A_5966 : i32
      %and3A_5968 = arith.andi %ne3A_5964, %ne3A_5967 : i1
      %sub3A_5969 = arith.constant 1 : i32
      %sub3A_5970 = arith.subi %div3A_5949, %sub3A_5969 : i32
      %select_n3A_5971 = arith.select %and3A_5968, %sub3A_5970, %div3A_5949 : i32
      %jit3A_5972 = arith.constant 8 : i32
      %eq3A_5973 = arith.constant 0 : i32
      %eq3A_5974 = arith.cmpi eq, %jit3A_5972, %eq3A_5973 : i32
      %jit3A_5975 = arith.constant 1 : i32
      %select_n3A_5976 = arith.select %eq3A_5974, %jit3A_5975, %jit3A_5972 : i32
      %rem3A_5977 = arith.remsi %add3A_3253, %select_n3A_5976 : i32
      %ne3A_5978 = arith.constant 0 : i32
      %ne3A_5979 = arith.cmpi ne, %rem3A_5977, %ne3A_5978 : i32
      %lt3A_5980 = arith.constant 0 : i32
      %lt3A_5981 = arith.cmpi slt, %rem3A_5977, %lt3A_5980 : i32
      %lt3A_5982 = arith.constant 0 : i32
      %lt3A_5983 = arith.cmpi slt, %select_n3A_5976, %lt3A_5982 : i32
      %ne3A_5984 = arith.xori %lt3A_5981, %lt3A_5983 : i1
      %and3A_5985 = arith.andi %ne3A_5984, %ne3A_5979 : i1
      %add3A_5986 = arith.addi %rem3A_5977, %select_n3A_5976 : i32
      %select_n3A_5987 = arith.select %and3A_5985, %add3A_5986, %rem3A_5977 : i32
      %mul3A_5988 = arith.constant 16 : i32
      %mul3A_5989 = arith.muli %select_n3A_5987, %mul3A_5988 : i32
      %swap3A_5990 = arith.constant 6 : i32
      %swap3A_5991 = arith.constant 6 : i32
      %swap3A_5992 = arith.index_cast %swap3A_5990 : i32 to index
      %swap3A_5993 = arith.index_cast %select_n3A_5971 : i32 to index
      %swap3A_5994 = arith.index_cast %swap3A_5991 : i32 to index
      %swap3A_5995 = arith.index_cast %mul3A_5989 : i32 to index
      %swap3A_5996 = tpu.vector_load %arg7[%swap3A_5992, %swap3A_5993, %swap3A_5994, %swap3A_5995] {strides = array<i32>} : memref<8x4x8x128xf32, #tpu.memory_space<vmem>>, vector<16xf32>,
      tpu.vector_store %arg7[%swap3A_5992, %swap3A_5993, %swap3A_5994, %swap3A_5995], %broadcast_in_dim3A_17 {strides = array<i32>} : memref<8x4x8x128xf32, #tpu.memory_space<vmem>>, vector<16xf32>,
      %jit3A_5997 = arith.constant 8 : i32
      %div3A_5998 = arith.divsi %add3A_3253, %jit3A_5997 : i32
      %sign3A_5999 = arith.constant 0 : i32
      %sign3A_6000 = arith.cmpi sgt, %add3A_3253, %sign3A_5999 : i32
      %sign3A_6001 = arith.extui %sign3A_6000 : i1 to i32
      %sign3A_6002 = arith.constant 0 : i32
      %sign3A_6003 = arith.cmpi slt, %add3A_3253, %sign3A_6002 : i32
      %sign3A_6004 = arith.extui %sign3A_6003 : i1 to i32
      %sign3A_6005 = arith.subi %sign3A_6001, %sign3A_6004 : i32
      %sign3A_6006 = arith.constant 0 : i32
      %sign3A_6007 = arith.cmpi sgt, %jit3A_5997, %sign3A_6006 : i32
      %sign3A_6008 = arith.extui %sign3A_6007 : i1 to i32
      %sign3A_6009 = arith.constant 0 : i32
      %sign3A_6010 = arith.cmpi slt, %jit3A_5997, %sign3A_6009 : i32
      %sign3A_6011 = arith.extui %sign3A_6010 : i1 to i32
      %sign3A_6012 = arith.subi %sign3A_6008, %sign3A_6011 : i32
      %ne3A_6013 = arith.cmpi ne, %sign3A_6005, %sign3A_6012 : i32
      %rem3A_6014 = arith.remsi %add3A_3253, %jit3A_5997 : i32
      %ne3A_6015 = arith.constant 0 : i32
      %ne3A_6016 = arith.cmpi ne, %rem3A_6014, %ne3A_6015 : i32
      %and3A_6017 = arith.andi %ne3A_6013, %ne3A_6016 : i1
      %sub3A_6018 = arith.constant 1 : i32
      %sub3A_6019 = arith.subi %div3A_5998, %sub3A_6018 : i32
      %select_n3A_6020 = arith.select %and3A_6017, %sub3A_6019, %div3A_5998 : i32
      %jit3A_6021 = arith.constant 8 : i32
      %eq3A_6022 = arith.constant 0 : i32
      %eq3A_6023 = arith.cmpi eq, %jit3A_6021, %eq3A_6022 : i32
      %jit3A_6024 = arith.constant 1 : i32
      %select_n3A_6025 = arith.select %eq3A_6023, %jit3A_6024, %jit3A_6021 : i32
      %rem3A_6026 = arith.remsi %add3A_3253, %select_n3A_6025 : i32
      %ne3A_6027 = arith.constant 0 : i32
      %ne3A_6028 = arith.cmpi ne, %rem3A_6026, %ne3A_6027 : i32
      %lt3A_6029 = arith.constant 0 : i32
      %lt3A_6030 = arith.cmpi slt, %rem3A_6026, %lt3A_6029 : i32
      %lt3A_6031 = arith.constant 0 : i32
      %lt3A_6032 = arith.cmpi slt, %select_n3A_6025, %lt3A_6031 : i32
      %ne3A_6033 = arith.xori %lt3A_6030, %lt3A_6032 : i1
      %and3A_6034 = arith.andi %ne3A_6033, %ne3A_6028 : i1
      %add3A_6035 = arith.addi %rem3A_6026, %select_n3A_6025 : i32
      %select_n3A_6036 = arith.select %and3A_6034, %add3A_6035, %rem3A_6026 : i32
      %mul3A_6037 = arith.constant 16 : i32
      %mul3A_6038 = arith.muli %select_n3A_6036, %mul3A_6037 : i32
      %swap3A_6039 = arith.constant 6 : i32
      %swap3A_6040 = arith.constant 7 : i32
      %swap3A_6041 = arith.index_cast %swap3A_6039 : i32 to index
      %swap3A_6042 = arith.index_cast %select_n3A_6020 : i32 to index
      %swap3A_6043 = arith.index_cast %swap3A_6040 : i32 to index
      %swap3A_6044 = arith.index_cast %mul3A_6038 : i32 to index
      %swap3A_6045 = tpu.vector_load %arg7[%swap3A_6041, %swap3A_6042, %swap3A_6043, %swap3A_6044] {strides = array<i32>} : memref<8x4x8x128xf32, #tpu.memory_space<vmem>>, vector<16xf32>,
      tpu.vector_store %arg7[%swap3A_6041, %swap3A_6042, %swap3A_6043, %swap3A_6044], %broadcast_in_dim3A_17 {strides = array<i32>} : memref<8x4x8x128xf32, #tpu.memory_space<vmem>>, vector<16xf32>,
      %jit3A_6046 = arith.constant 8 : i32
      %div3A_6047 = arith.divsi %add3A_3253, %jit3A_6046 : i32
      %sign3A_6048 = arith.constant 0 : i32
      %sign3A_6049 = arith.cmpi sgt, %add3A_3253, %sign3A_6048 : i32
      %sign3A_6050 = arith.extui %sign3A_6049 : i1 to i32
      %sign3A_6051 = arith.constant 0 : i32
      %sign3A_6052 = arith.cmpi slt, %add3A_3253, %sign3A_6051 : i32
      %sign3A_6053 = arith.extui %sign3A_6052 : i1 to i32
      %sign3A_6054 = arith.subi %sign3A_6050, %sign3A_6053 : i32
      %sign3A_6055 = arith.constant 0 : i32
      %sign3A_6056 = arith.cmpi sgt, %jit3A_6046, %sign3A_6055 : i32
      %sign3A_6057 = arith.extui %sign3A_6056 : i1 to i32
      %sign3A_6058 = arith.constant 0 : i32
      %sign3A_6059 = arith.cmpi slt, %jit3A_6046, %sign3A_6058 : i32
      %sign3A_6060 = arith.extui %sign3A_6059 : i1 to i32
      %sign3A_6061 = arith.subi %sign3A_6057, %sign3A_6060 : i32
      %ne3A_6062 = arith.cmpi ne, %sign3A_6054, %sign3A_6061 : i32
      %rem3A_6063 = arith.remsi %add3A_3253, %jit3A_6046 : i32
      %ne3A_6064 = arith.constant 0 : i32
      %ne3A_6065 = arith.cmpi ne, %rem3A_6063, %ne3A_6064 : i32
      %and3A_6066 = arith.andi %ne3A_6062, %ne3A_6065 : i1
      %sub3A_6067 = arith.constant 1 : i32
      %sub3A_6068 = arith.subi %div3A_6047, %sub3A_6067 : i32
      %select_n3A_6069 = arith.select %and3A_6066, %sub3A_6068, %div3A_6047 : i32
      %jit3A_6070 = arith.constant 8 : i32
      %eq3A_6071 = arith.constant 0 : i32
      %eq3A_6072 = arith.cmpi eq, %jit3A_6070, %eq3A_6071 : i32
      %jit3A_6073 = arith.constant 1 : i32
      %select_n3A_6074 = arith.select %eq3A_6072, %jit3A_6073, %jit3A_6070 : i32
      %rem3A_6075 = arith.remsi %add3A_3253, %select_n3A_6074 : i32
      %ne3A_6076 = arith.constant 0 : i32
      %ne3A_6077 = arith.cmpi ne, %rem3A_6075, %ne3A_6076 : i32
      %lt3A_6078 = arith.constant 0 : i32
      %lt3A_6079 = arith.cmpi slt, %rem3A_6075, %lt3A_6078 : i32
      %lt3A_6080 = arith.constant 0 : i32
      %lt3A_6081 = arith.cmpi slt, %select_n3A_6074, %lt3A_6080 : i32
      %ne3A_6082 = arith.xori %lt3A_6079, %lt3A_6081 : i1
      %and3A_6083 = arith.andi %ne3A_6082, %ne3A_6077 : i1
      %add3A_6084 = arith.addi %rem3A_6075, %select_n3A_6074 : i32
      %select_n3A_6085 = arith.select %and3A_6083, %add3A_6084, %rem3A_6075 : i32
      %mul3A_6086 = arith.constant 16 : i32
      %mul3A_6087 = arith.muli %select_n3A_6085, %mul3A_6086 : i32
      %swap3A_6088 = arith.constant 7 : i32
      %swap3A_6089 = arith.constant 0 : i32
      %swap3A_6090 = arith.index_cast %swap3A_6088 : i32 to index
      %swap3A_6091 = arith.index_cast %select_n3A_6069 : i32 to index
      %swap3A_6092 = arith.index_cast %swap3A_6089 : i32 to index
      %swap3A_6093 = arith.index_cast %mul3A_6087 : i32 to index
      %swap3A_6094 = tpu.vector_load %arg7[%swap3A_6090, %swap3A_6091, %swap3A_6092, %swap3A_6093] {strides = array<i32>} : memref<8x4x8x128xf32, #tpu.memory_space<vmem>>, vector<16xf32>,
      tpu.vector_store %arg7[%swap3A_6090, %swap3A_6091, %swap3A_6092, %swap3A_6093], %broadcast_in_dim3A_17 {strides = array<i32>} : memref<8x4x8x128xf32, #tpu.memory_space<vmem>>, vector<16xf32>,
      %jit3A_6095 = arith.constant 8 : i32
      %div3A_6096 = arith.divsi %add3A_3253, %jit3A_6095 : i32
      %sign3A_6097 = arith.constant 0 : i32
      %sign3A_6098 = arith.cmpi sgt, %add3A_3253, %sign3A_6097 : i32
      %sign3A_6099 = arith.extui %sign3A_6098 : i1 to i32
      %sign3A_6100 = arith.constant 0 : i32
      %sign3A_6101 = arith.cmpi slt, %add3A_3253, %sign3A_6100 : i32
      %sign3A_6102 = arith.extui %sign3A_6101 : i1 to i32
      %sign3A_6103 = arith.subi %sign3A_6099, %sign3A_6102 : i32
      %sign3A_6104 = arith.constant 0 : i32
      %sign3A_6105 = arith.cmpi sgt, %jit3A_6095, %sign3A_6104 : i32
      %sign3A_6106 = arith.extui %sign3A_6105 : i1 to i32
      %sign3A_6107 = arith.constant 0 : i32
      %sign3A_6108 = arith.cmpi slt, %jit3A_6095, %sign3A_6107 : i32
      %sign3A_6109 = arith.extui %sign3A_6108 : i1 to i32
      %sign3A_6110 = arith.subi %sign3A_6106, %sign3A_6109 : i32
      %ne3A_6111 = arith.cmpi ne, %sign3A_6103, %sign3A_6110 : i32
      %rem3A_6112 = arith.remsi %add3A_3253, %jit3A_6095 : i32
      %ne3A_6113 = arith.constant 0 : i32
      %ne3A_6114 = arith.cmpi ne, %rem3A_6112, %ne3A_6113 : i32
      %and3A_6115 = arith.andi %ne3A_6111, %ne3A_6114 : i1
      %sub3A_6116 = arith.constant 1 : i32
      %sub3A_6117 = arith.subi %div3A_6096, %sub3A_6116 : i32
      %select_n3A_6118 = arith.select %and3A_6115, %sub3A_6117, %div3A_6096 : i32
      %jit3A_6119 = arith.constant 8 : i32
      %eq3A_6120 = arith.constant 0 : i32
      %eq3A_6121 = arith.cmpi eq, %jit3A_6119, %eq3A_6120 : i32
      %jit3A_6122 = arith.constant 1 : i32
      %select_n3A_6123 = arith.select %eq3A_6121, %jit3A_6122, %jit3A_6119 : i32
      %rem3A_6124 = arith.remsi %add3A_3253, %select_n3A_6123 : i32
      %ne3A_6125 = arith.constant 0 : i32
      %ne3A_6126 = arith.cmpi ne, %rem3A_6124, %ne3A_6125 : i32
      %lt3A_6127 = arith.constant 0 : i32
      %lt3A_6128 = arith.cmpi slt, %rem3A_6124, %lt3A_6127 : i32
      %lt3A_6129 = arith.constant 0 : i32
      %lt3A_6130 = arith.cmpi slt, %select_n3A_6123, %lt3A_6129 : i32
      %ne3A_6131 = arith.xori %lt3A_6128, %lt3A_6130 : i1
      %and3A_6132 = arith.andi %ne3A_6131, %ne3A_6126 : i1
      %add3A_6133 = arith.addi %rem3A_6124, %select_n3A_6123 : i32
      %select_n3A_6134 = arith.select %and3A_6132, %add3A_6133, %rem3A_6124 : i32
      %mul3A_6135 = arith.constant 16 : i32
      %mul3A_6136 = arith.muli %select_n3A_6134, %mul3A_6135 : i32
      %swap3A_6137 = arith.constant 7 : i32
      %swap3A_6138 = arith.constant 1 : i32
      %swap3A_6139 = arith.index_cast %swap3A_6137 : i32 to index
      %swap3A_6140 = arith.index_cast %select_n3A_6118 : i32 to index
      %swap3A_6141 = arith.index_cast %swap3A_6138 : i32 to index
      %swap3A_6142 = arith.index_cast %mul3A_6136 : i32 to index
      %swap3A_6143 = tpu.vector_load %arg7[%swap3A_6139, %swap3A_6140, %swap3A_6141, %swap3A_6142] {strides = array<i32>} : memref<8x4x8x128xf32, #tpu.memory_space<vmem>>, vector<16xf32>,
      tpu.vector_store %arg7[%swap3A_6139, %swap3A_6140, %swap3A_6141, %swap3A_6142], %broadcast_in_dim3A_17 {strides = array<i32>} : memref<8x4x8x128xf32, #tpu.memory_space<vmem>>, vector<16xf32>,
      %jit3A_6144 = arith.constant 8 : i32
      %div3A_6145 = arith.divsi %add3A_3253, %jit3A_6144 : i32
      %sign3A_6146 = arith.constant 0 : i32
      %sign3A_6147 = arith.cmpi sgt, %add3A_3253, %sign3A_6146 : i32
      %sign3A_6148 = arith.extui %sign3A_6147 : i1 to i32
      %sign3A_6149 = arith.constant 0 : i32
      %sign3A_6150 = arith.cmpi slt, %add3A_3253, %sign3A_6149 : i32
      %sign3A_6151 = arith.extui %sign3A_6150 : i1 to i32
      %sign3A_6152 = arith.subi %sign3A_6148, %sign3A_6151 : i32
      %sign3A_6153 = arith.constant 0 : i32
      %sign3A_6154 = arith.cmpi sgt, %jit3A_6144, %sign3A_6153 : i32
      %sign3A_6155 = arith.extui %sign3A_6154 : i1 to i32
      %sign3A_6156 = arith.constant 0 : i32
      %sign3A_6157 = arith.cmpi slt, %jit3A_6144, %sign3A_6156 : i32
      %sign3A_6158 = arith.extui %sign3A_6157 : i1 to i32
      %sign3A_6159 = arith.subi %sign3A_6155, %sign3A_6158 : i32
      %ne3A_6160 = arith.cmpi ne, %sign3A_6152, %sign3A_6159 : i32
      %rem3A_6161 = arith.remsi %add3A_3253, %jit3A_6144 : i32
      %ne3A_6162 = arith.constant 0 : i32
      %ne3A_6163 = arith.cmpi ne, %rem3A_6161, %ne3A_6162 : i32
      %and3A_6164 = arith.andi %ne3A_6160, %ne3A_6163 : i1
      %sub3A_6165 = arith.constant 1 : i32
      %sub3A_6166 = arith.subi %div3A_6145, %sub3A_6165 : i32
      %select_n3A_6167 = arith.select %and3A_6164, %sub3A_6166, %div3A_6145 : i32
      %jit3A_6168 = arith.constant 8 : i32
      %eq3A_6169 = arith.constant 0 : i32
      %eq3A_6170 = arith.cmpi eq, %jit3A_6168, %eq3A_6169 : i32
      %jit3A_6171 = arith.constant 1 : i32
      %select_n3A_6172 = arith.select %eq3A_6170, %jit3A_6171, %jit3A_6168 : i32
      %rem3A_6173 = arith.remsi %add3A_3253, %select_n3A_6172 : i32
      %ne3A_6174 = arith.constant 0 : i32
      %ne3A_6175 = arith.cmpi ne, %rem3A_6173, %ne3A_6174 : i32
      %lt3A_6176 = arith.constant 0 : i32
      %lt3A_6177 = arith.cmpi slt, %rem3A_6173, %lt3A_6176 : i32
      %lt3A_6178 = arith.constant 0 : i32
      %lt3A_6179 = arith.cmpi slt, %select_n3A_6172, %lt3A_6178 : i32
      %ne3A_6180 = arith.xori %lt3A_6177, %lt3A_6179 : i1
      %and3A_6181 = arith.andi %ne3A_6180, %ne3A_6175 : i1
      %add3A_6182 = arith.addi %rem3A_6173, %select_n3A_6172 : i32
      %select_n3A_6183 = arith.select %and3A_6181, %add3A_6182, %rem3A_6173 : i32
      %mul3A_6184 = arith.constant 16 : i32
      %mul3A_6185 = arith.muli %select_n3A_6183, %mul3A_6184 : i32
      %swap3A_6186 = arith.constant 7 : i32
      %swap3A_6187 = arith.constant 2 : i32
      %swap3A_6188 = arith.index_cast %swap3A_6186 : i32 to index
      %swap3A_6189 = arith.index_cast %select_n3A_6167 : i32 to index
      %swap3A_6190 = arith.index_cast %swap3A_6187 : i32 to index
      %swap3A_6191 = arith.index_cast %mul3A_6185 : i32 to index
      %swap3A_6192 = tpu.vector_load %arg7[%swap3A_6188, %swap3A_6189, %swap3A_6190, %swap3A_6191] {strides = array<i32>} : memref<8x4x8x128xf32, #tpu.memory_space<vmem>>, vector<16xf32>,
      tpu.vector_store %arg7[%swap3A_6188, %swap3A_6189, %swap3A_6190, %swap3A_6191], %broadcast_in_dim3A_17 {strides = array<i32>} : memref<8x4x8x128xf32, #tpu.memory_space<vmem>>, vector<16xf32>,
      %jit3A_6193 = arith.constant 8 : i32
      %div3A_6194 = arith.divsi %add3A_3253, %jit3A_6193 : i32
      %sign3A_6195 = arith.constant 0 : i32
      %sign3A_6196 = arith.cmpi sgt, %add3A_3253, %sign3A_6195 : i32
      %sign3A_6197 = arith.extui %sign3A_6196 : i1 to i32
      %sign3A_6198 = arith.constant 0 : i32
      %sign3A_6199 = arith.cmpi slt, %add3A_3253, %sign3A_6198 : i32
      %sign3A_6200 = arith.extui %sign3A_6199 : i1 to i32
      %sign3A_6201 = arith.subi %sign3A_6197, %sign3A_6200 : i32
      %sign3A_6202 = arith.constant 0 : i32
      %sign3A_6203 = arith.cmpi sgt, %jit3A_6193, %sign3A_6202 : i32
      %sign3A_6204 = arith.extui %sign3A_6203 : i1 to i32
      %sign3A_6205 = arith.constant 0 : i32
      %sign3A_6206 = arith.cmpi slt, %jit3A_6193, %sign3A_6205 : i32
      %sign3A_6207 = arith.extui %sign3A_6206 : i1 to i32
      %sign3A_6208 = arith.subi %sign3A_6204, %sign3A_6207 : i32
      %ne3A_6209 = arith.cmpi ne, %sign3A_6201, %sign3A_6208 : i32
      %rem3A_6210 = arith.remsi %add3A_3253, %jit3A_6193 : i32
      %ne3A_6211 = arith.constant 0 : i32
      %ne3A_6212 = arith.cmpi ne, %rem3A_6210, %ne3A_6211 : i32
      %and3A_6213 = arith.andi %ne3A_6209, %ne3A_6212 : i1
      %sub3A_6214 = arith.constant 1 : i32
      %sub3A_6215 = arith.subi %div3A_6194, %sub3A_6214 : i32
      %select_n3A_6216 = arith.select %and3A_6213, %sub3A_6215, %div3A_6194 : i32
      %jit3A_6217 = arith.constant 8 : i32
      %eq3A_6218 = arith.constant 0 : i32
      %eq3A_6219 = arith.cmpi eq, %jit3A_6217, %eq3A_6218 : i32
      %jit3A_6220 = arith.constant 1 : i32
      %select_n3A_6221 = arith.select %eq3A_6219, %jit3A_6220, %jit3A_6217 : i32
      %rem3A_6222 = arith.remsi %add3A_3253, %select_n3A_6221 : i32
      %ne3A_6223 = arith.constant 0 : i32
      %ne3A_6224 = arith.cmpi ne, %rem3A_6222, %ne3A_6223 : i32
      %lt3A_6225 = arith.constant 0 : i32
      %lt3A_6226 = arith.cmpi slt, %rem3A_6222, %lt3A_6225 : i32
      %lt3A_6227 = arith.constant 0 : i32
      %lt3A_6228 = arith.cmpi slt, %select_n3A_6221, %lt3A_6227 : i32
      %ne3A_6229 = arith.xori %lt3A_6226, %lt3A_6228 : i1
      %and3A_6230 = arith.andi %ne3A_6229, %ne3A_6224 : i1
      %add3A_6231 = arith.addi %rem3A_6222, %select_n3A_6221 : i32
      %select_n3A_6232 = arith.select %and3A_6230, %add3A_6231, %rem3A_6222 : i32
      %mul3A_6233 = arith.constant 16 : i32
      %mul3A_6234 = arith.muli %select_n3A_6232, %mul3A_6233 : i32
      %swap3A_6235 = arith.constant 7 : i32
      %swap3A_6236 = arith.constant 3 : i32
      %swap3A_6237 = arith.index_cast %swap3A_6235 : i32 to index
      %swap3A_6238 = arith.index_cast %select_n3A_6216 : i32 to index
      %swap3A_6239 = arith.index_cast %swap3A_6236 : i32 to index
      %swap3A_6240 = arith.index_cast %mul3A_6234 : i32 to index
      %swap3A_6241 = tpu.vector_load %arg7[%swap3A_6237, %swap3A_6238, %swap3A_6239, %swap3A_6240] {strides = array<i32>} : memref<8x4x8x128xf32, #tpu.memory_space<vmem>>, vector<16xf32>,
      tpu.vector_store %arg7[%swap3A_6237, %swap3A_6238, %swap3A_6239, %swap3A_6240], %broadcast_in_dim3A_17 {strides = array<i32>} : memref<8x4x8x128xf32, #tpu.memory_space<vmem>>, vector<16xf32>,
      %jit3A_6242 = arith.constant 8 : i32
      %div3A_6243 = arith.divsi %add3A_3253, %jit3A_6242 : i32
      %sign3A_6244 = arith.constant 0 : i32
      %sign3A_6245 = arith.cmpi sgt, %add3A_3253, %sign3A_6244 : i32
      %sign3A_6246 = arith.extui %sign3A_6245 : i1 to i32
      %sign3A_6247 = arith.constant 0 : i32
      %sign3A_6248 = arith.cmpi slt, %add3A_3253, %sign3A_6247 : i32
      %sign3A_6249 = arith.extui %sign3A_6248 : i1 to i32
      %sign3A_6250 = arith.subi %sign3A_6246, %sign3A_6249 : i32
      %sign3A_6251 = arith.constant 0 : i32
      %sign3A_6252 = arith.cmpi sgt, %jit3A_6242, %sign3A_6251 : i32
      %sign3A_6253 = arith.extui %sign3A_6252 : i1 to i32
      %sign3A_6254 = arith.constant 0 : i32
      %sign3A_6255 = arith.cmpi slt, %jit3A_6242, %sign3A_6254 : i32
      %sign3A_6256 = arith.extui %sign3A_6255 : i1 to i32
      %sign3A_6257 = arith.subi %sign3A_6253, %sign3A_6256 : i32
      %ne3A_6258 = arith.cmpi ne, %sign3A_6250, %sign3A_6257 : i32
      %rem3A_6259 = arith.remsi %add3A_3253, %jit3A_6242 : i32
      %ne3A_6260 = arith.constant 0 : i32
      %ne3A_6261 = arith.cmpi ne, %rem3A_6259, %ne3A_6260 : i32
      %and3A_6262 = arith.andi %ne3A_6258, %ne3A_6261 : i1
      %sub3A_6263 = arith.constant 1 : i32
      %sub3A_6264 = arith.subi %div3A_6243, %sub3A_6263 : i32
      %select_n3A_6265 = arith.select %and3A_6262, %sub3A_6264, %div3A_6243 : i32
      %jit3A_6266 = arith.constant 8 : i32
      %eq3A_6267 = arith.constant 0 : i32
      %eq3A_6268 = arith.cmpi eq, %jit3A_6266, %eq3A_6267 : i32
      %jit3A_6269 = arith.constant 1 : i32
      %select_n3A_6270 = arith.select %eq3A_6268, %jit3A_6269, %jit3A_6266 : i32
      %rem3A_6271 = arith.remsi %add3A_3253, %select_n3A_6270 : i32
      %ne3A_6272 = arith.constant 0 : i32
      %ne3A_6273 = arith.cmpi ne, %rem3A_6271, %ne3A_6272 : i32
      %lt3A_6274 = arith.constant 0 : i32
      %lt3A_6275 = arith.cmpi slt, %rem3A_6271, %lt3A_6274 : i32
      %lt3A_6276 = arith.constant 0 : i32
      %lt3A_6277 = arith.cmpi slt, %select_n3A_6270, %lt3A_6276 : i32
      %ne3A_6278 = arith.xori %lt3A_6275, %lt3A_6277 : i1
      %and3A_6279 = arith.andi %ne3A_6278, %ne3A_6273 : i1
      %add3A_6280 = arith.addi %rem3A_6271, %select_n3A_6270 : i32
      %select_n3A_6281 = arith.select %and3A_6279, %add3A_6280, %rem3A_6271 : i32
      %mul3A_6282 = arith.constant 16 : i32
      %mul3A_6283 = arith.muli %select_n3A_6281, %mul3A_6282 : i32
      %swap3A_6284 = arith.constant 7 : i32
      %swap3A_6285 = arith.constant 4 : i32
      %swap3A_6286 = arith.index_cast %swap3A_6284 : i32 to index
      %swap3A_6287 = arith.index_cast %select_n3A_6265 : i32 to index
      %swap3A_6288 = arith.index_cast %swap3A_6285 : i32 to index
      %swap3A_6289 = arith.index_cast %mul3A_6283 : i32 to index
      %swap3A_6290 = tpu.vector_load %arg7[%swap3A_6286, %swap3A_6287, %swap3A_6288, %swap3A_6289] {strides = array<i32>} : memref<8x4x8x128xf32, #tpu.memory_space<vmem>>, vector<16xf32>,
      tpu.vector_store %arg7[%swap3A_6286, %swap3A_6287, %swap3A_6288, %swap3A_6289], %broadcast_in_dim3A_17 {strides = array<i32>} : memref<8x4x8x128xf32, #tpu.memory_space<vmem>>, vector<16xf32>,
      %jit3A_6291 = arith.constant 8 : i32
      %div3A_6292 = arith.divsi %add3A_3253, %jit3A_6291 : i32
      %sign3A_6293 = arith.constant 0 : i32
      %sign3A_6294 = arith.cmpi sgt, %add3A_3253, %sign3A_6293 : i32
      %sign3A_6295 = arith.extui %sign3A_6294 : i1 to i32
      %sign3A_6296 = arith.constant 0 : i32
      %sign3A_6297 = arith.cmpi slt, %add3A_3253, %sign3A_6296 : i32
      %sign3A_6298 = arith.extui %sign3A_6297 : i1 to i32
      %sign3A_6299 = arith.subi %sign3A_6295, %sign3A_6298 : i32
      %sign3A_6300 = arith.constant 0 : i32
      %sign3A_6301 = arith.cmpi sgt, %jit3A_6291, %sign3A_6300 : i32
      %sign3A_6302 = arith.extui %sign3A_6301 : i1 to i32
      %sign3A_6303 = arith.constant 0 : i32
      %sign3A_6304 = arith.cmpi slt, %jit3A_6291, %sign3A_6303 : i32
      %sign3A_6305 = arith.extui %sign3A_6304 : i1 to i32
      %sign3A_6306 = arith.subi %sign3A_6302, %sign3A_6305 : i32
      %ne3A_6307 = arith.cmpi ne, %sign3A_6299, %sign3A_6306 : i32
      %rem3A_6308 = arith.remsi %add3A_3253, %jit3A_6291 : i32
      %ne3A_6309 = arith.constant 0 : i32
      %ne3A_6310 = arith.cmpi ne, %rem3A_6308, %ne3A_6309 : i32
      %and3A_6311 = arith.andi %ne3A_6307, %ne3A_6310 : i1
      %sub3A_6312 = arith.constant 1 : i32
      %sub3A_6313 = arith.subi %div3A_6292, %sub3A_6312 : i32
      %select_n3A_6314 = arith.select %and3A_6311, %sub3A_6313, %div3A_6292 : i32
      %jit3A_6315 = arith.constant 8 : i32
      %eq3A_6316 = arith.constant 0 : i32
      %eq3A_6317 = arith.cmpi eq, %jit3A_6315, %eq3A_6316 : i32
      %jit3A_6318 = arith.constant 1 : i32
      %select_n3A_6319 = arith.select %eq3A_6317, %jit3A_6318, %jit3A_6315 : i32
      %rem3A_6320 = arith.remsi %add3A_3253, %select_n3A_6319 : i32
      %ne3A_6321 = arith.constant 0 : i32
      %ne3A_6322 = arith.cmpi ne, %rem3A_6320, %ne3A_6321 : i32
      %lt3A_6323 = arith.constant 0 : i32
      %lt3A_6324 = arith.cmpi slt, %rem3A_6320, %lt3A_6323 : i32
      %lt3A_6325 = arith.constant 0 : i32
      %lt3A_6326 = arith.cmpi slt, %select_n3A_6319, %lt3A_6325 : i32
      %ne3A_6327 = arith.xori %lt3A_6324, %lt3A_6326 : i1
      %and3A_6328 = arith.andi %ne3A_6327, %ne3A_6322 : i1
      %add3A_6329 = arith.addi %rem3A_6320, %select_n3A_6319 : i32
      %select_n3A_6330 = arith.select %and3A_6328, %add3A_6329, %rem3A_6320 : i32
      %mul3A_6331 = arith.constant 16 : i32
      %mul3A_6332 = arith.muli %select_n3A_6330, %mul3A_6331 : i32
      %swap3A_6333 = arith.constant 7 : i32
      %swap3A_6334 = arith.constant 5 : i32
      %swap3A_6335 = arith.index_cast %swap3A_6333 : i32 to index
      %swap3A_6336 = arith.index_cast %select_n3A_6314 : i32 to index
      %swap3A_6337 = arith.index_cast %swap3A_6334 : i32 to index
      %swap3A_6338 = arith.index_cast %mul3A_6332 : i32 to index
      %swap3A_6339 = tpu.vector_load %arg7[%swap3A_6335, %swap3A_6336, %swap3A_6337, %swap3A_6338] {strides = array<i32>} : memref<8x4x8x128xf32, #tpu.memory_space<vmem>>, vector<16xf32>,
      tpu.vector_store %arg7[%swap3A_6335, %swap3A_6336, %swap3A_6337, %swap3A_6338], %broadcast_in_dim3A_17 {strides = array<i32>} : memref<8x4x8x128xf32, #tpu.memory_space<vmem>>, vector<16xf32>,
      %jit3A_6340 = arith.constant 8 : i32
      %div3A_6341 = arith.divsi %add3A_3253, %jit3A_6340 : i32
      %sign3A_6342 = arith.constant 0 : i32
      %sign3A_6343 = arith.cmpi sgt, %add3A_3253, %sign3A_6342 : i32
      %sign3A_6344 = arith.extui %sign3A_6343 : i1 to i32
      %sign3A_6345 = arith.constant 0 : i32
      %sign3A_6346 = arith.cmpi slt, %add3A_3253, %sign3A_6345 : i32
      %sign3A_6347 = arith.extui %sign3A_6346 : i1 to i32
      %sign3A_6348 = arith.subi %sign3A_6344, %sign3A_6347 : i32
      %sign3A_6349 = arith.constant 0 : i32
      %sign3A_6350 = arith.cmpi sgt, %jit3A_6340, %sign3A_6349 : i32
      %sign3A_6351 = arith.extui %sign3A_6350 : i1 to i32
      %sign3A_6352 = arith.constant 0 : i32
      %sign3A_6353 = arith.cmpi slt, %jit3A_6340, %sign3A_6352 : i32
      %sign3A_6354 = arith.extui %sign3A_6353 : i1 to i32
      %sign3A_6355 = arith.subi %sign3A_6351, %sign3A_6354 : i32
      %ne3A_6356 = arith.cmpi ne, %sign3A_6348, %sign3A_6355 : i32
      %rem3A_6357 = arith.remsi %add3A_3253, %jit3A_6340 : i32
      %ne3A_6358 = arith.constant 0 : i32
      %ne3A_6359 = arith.cmpi ne, %rem3A_6357, %ne3A_6358 : i32
      %and3A_6360 = arith.andi %ne3A_6356, %ne3A_6359 : i1
      %sub3A_6361 = arith.constant 1 : i32
      %sub3A_6362 = arith.subi %div3A_6341, %sub3A_6361 : i32
      %select_n3A_6363 = arith.select %and3A_6360, %sub3A_6362, %div3A_6341 : i32
      %jit3A_6364 = arith.constant 8 : i32
      %eq3A_6365 = arith.constant 0 : i32
      %eq3A_6366 = arith.cmpi eq, %jit3A_6364, %eq3A_6365 : i32
      %jit3A_6367 = arith.constant 1 : i32
      %select_n3A_6368 = arith.select %eq3A_6366, %jit3A_6367, %jit3A_6364 : i32
      %rem3A_6369 = arith.remsi %add3A_3253, %select_n3A_6368 : i32
      %ne3A_6370 = arith.constant 0 : i32
      %ne3A_6371 = arith.cmpi ne, %rem3A_6369, %ne3A_6370 : i32
      %lt3A_6372 = arith.constant 0 : i32
      %lt3A_6373 = arith.cmpi slt, %rem3A_6369, %lt3A_6372 : i32
      %lt3A_6374 = arith.constant 0 : i32
      %lt3A_6375 = arith.cmpi slt, %select_n3A_6368, %lt3A_6374 : i32
      %ne3A_6376 = arith.xori %lt3A_6373, %lt3A_6375 : i1
      %and3A_6377 = arith.andi %ne3A_6376, %ne3A_6371 : i1
      %add3A_6378 = arith.addi %rem3A_6369, %select_n3A_6368 : i32
      %select_n3A_6379 = arith.select %and3A_6377, %add3A_6378, %rem3A_6369 : i32
      %mul3A_6380 = arith.constant 16 : i32
      %mul3A_6381 = arith.muli %select_n3A_6379, %mul3A_6380 : i32
      %swap3A_6382 = arith.constant 7 : i32
      %swap3A_6383 = arith.constant 6 : i32
      %swap3A_6384 = arith.index_cast %swap3A_6382 : i32 to index
      %swap3A_6385 = arith.index_cast %select_n3A_6363 : i32 to index
      %swap3A_6386 = arith.index_cast %swap3A_6383 : i32 to index
      %swap3A_6387 = arith.index_cast %mul3A_6381 : i32 to index
      %swap3A_6388 = tpu.vector_load %arg7[%swap3A_6384, %swap3A_6385, %swap3A_6386, %swap3A_6387] {strides = array<i32>} : memref<8x4x8x128xf32, #tpu.memory_space<vmem>>, vector<16xf32>,
      tpu.vector_store %arg7[%swap3A_6384, %swap3A_6385, %swap3A_6386, %swap3A_6387], %broadcast_in_dim3A_17 {strides = array<i32>} : memref<8x4x8x128xf32, #tpu.memory_space<vmem>>, vector<16xf32>,
      %jit3A_6389 = arith.constant 8 : i32
      %div3A_6390 = arith.divsi %add3A_3253, %jit3A_6389 : i32
      %sign3A_6391 = arith.constant 0 : i32
      %sign3A_6392 = arith.cmpi sgt, %add3A_3253, %sign3A_6391 : i32
      %sign3A_6393 = arith.extui %sign3A_6392 : i1 to i32
      %sign3A_6394 = arith.constant 0 : i32
      %sign3A_6395 = arith.cmpi slt, %add3A_3253, %sign3A_6394 : i32
      %sign3A_6396 = arith.extui %sign3A_6395 : i1 to i32
      %sign3A_6397 = arith.subi %sign3A_6393, %sign3A_6396 : i32
      %sign3A_6398 = arith.constant 0 : i32
      %sign3A_6399 = arith.cmpi sgt, %jit3A_6389, %sign3A_6398 : i32
      %sign3A_6400 = arith.extui %sign3A_6399 : i1 to i32
      %sign3A_6401 = arith.constant 0 : i32
      %sign3A_6402 = arith.cmpi slt, %jit3A_6389, %sign3A_6401 : i32
      %sign3A_6403 = arith.extui %sign3A_6402 : i1 to i32
      %sign3A_6404 = arith.subi %sign3A_6400, %sign3A_6403 : i32
      %ne3A_6405 = arith.cmpi ne, %sign3A_6397, %sign3A_6404 : i32
      %rem3A_6406 = arith.remsi %add3A_3253, %jit3A_6389 : i32
      %ne3A_6407 = arith.constant 0 : i32
      %ne3A_6408 = arith.cmpi ne, %rem3A_6406, %ne3A_6407 : i32
      %and3A_6409 = arith.andi %ne3A_6405, %ne3A_6408 : i1
      %sub3A_6410 = arith.constant 1 : i32
      %sub3A_6411 = arith.subi %div3A_6390, %sub3A_6410 : i32
      %select_n3A_6412 = arith.select %and3A_6409, %sub3A_6411, %div3A_6390 : i32
      %jit3A_6413 = arith.constant 8 : i32
      %eq3A_6414 = arith.constant 0 : i32
      %eq3A_6415 = arith.cmpi eq, %jit3A_6413, %eq3A_6414 : i32
      %jit3A_6416 = arith.constant 1 : i32
      %select_n3A_6417 = arith.select %eq3A_6415, %jit3A_6416, %jit3A_6413 : i32
      %rem3A_6418 = arith.remsi %add3A_3253, %select_n3A_6417 : i32
      %ne3A_6419 = arith.constant 0 : i32
      %ne3A_6420 = arith.cmpi ne, %rem3A_6418, %ne3A_6419 : i32
      %lt3A_6421 = arith.constant 0 : i32
      %lt3A_6422 = arith.cmpi slt, %rem3A_6418, %lt3A_6421 : i32
      %lt3A_6423 = arith.constant 0 : i32
      %lt3A_6424 = arith.cmpi slt, %select_n3A_6417, %lt3A_6423 : i32
      %ne3A_6425 = arith.xori %lt3A_6422, %lt3A_6424 : i1
      %and3A_6426 = arith.andi %ne3A_6425, %ne3A_6420 : i1
      %add3A_6427 = arith.addi %rem3A_6418, %select_n3A_6417 : i32
      %select_n3A_6428 = arith.select %and3A_6426, %add3A_6427, %rem3A_6418 : i32
      %mul3A_6429 = arith.constant 16 : i32
      %mul3A_6430 = arith.muli %select_n3A_6428, %mul3A_6429 : i32
      %swap3A_6431 = arith.constant 7 : i32
      %swap3A_6432 = arith.constant 7 : i32
      %swap3A_6433 = arith.index_cast %swap3A_6431 : i32 to index
      %swap3A_6434 = arith.index_cast %select_n3A_6412 : i32 to index
      %swap3A_6435 = arith.index_cast %swap3A_6432 : i32 to index
      %swap3A_6436 = arith.index_cast %mul3A_6430 : i32 to index
      %swap3A_6437 = tpu.vector_load %arg7[%swap3A_6433, %swap3A_6434, %swap3A_6435, %swap3A_6436] {strides = array<i32>} : memref<8x4x8x128xf32, #tpu.memory_space<vmem>>, vector<16xf32>,
      tpu.vector_store %arg7[%swap3A_6433, %swap3A_6434, %swap3A_6435, %swap3A_6436], %broadcast_in_dim3A_17 {strides = array<i32>} : memref<8x4x8x128xf32, #tpu.memory_space<vmem>>, vector<16xf32>,
      %broadcast_in_dim3A_6438 = arith.constant 0 : i32
      %broadcast_in_dim3A_6439 = vector.broadcast %broadcast_in_dim3A_6438 : i32 to vector<16xi32>
      %broadcast_in_dim3A_6440 = arith.constant 0 : i32
      %broadcast_in_dim3A_6441 = vector.broadcast %broadcast_in_dim3A_6440 : i32 to vector<16xi32>
      %gather3A_6442 = tpu.vector_load_idx %arg6[%broadcast_in_dim3A_6439, %add3A_3281, %broadcast_in_dim3A_6441, %add3A_3301] : memref<4x4x8x128xi32, #tpu.memory_space<vmem>>[vector<16xi32>, vector<16xi32>, vector<16xi32>, vector<16xi32>], vector<16xi32>,
      %gather3A_6443 = tpu.vector_load_idx %arg5[%gather3A_6442] : memref<64xf32, #tpu.memory_space<vmem>>[vector<16xi32>], vector<16xf32>,
      %broadcast_in_dim3A_6444 = arith.constant 0 : i32
      %broadcast_in_dim3A_6445 = vector.broadcast %broadcast_in_dim3A_6444 : i32 to vector<16xi32>
      %broadcast_in_dim3A_6446 = arith.constant 1 : i32
      %broadcast_in_dim3A_6447 = vector.broadcast %broadcast_in_dim3A_6446 : i32 to vector<16xi32>
      %gather3A_6448 = tpu.vector_load_idx %arg6[%broadcast_in_dim3A_6445, %add3A_3281, %broadcast_in_dim3A_6447, %add3A_3301] : memref<4x4x8x128xi32, #tpu.memory_space<vmem>>[vector<16xi32>, vector<16xi32>, vector<16xi32>, vector<16xi32>], vector<16xi32>,
      %gather3A_6449 = tpu.vector_load_idx %arg5[%gather3A_6448] : memref<64xf32, #tpu.memory_space<vmem>>[vector<16xi32>], vector<16xf32>,
      %broadcast_in_dim3A_6450 = arith.constant 0 : i32
      %broadcast_in_dim3A_6451 = vector.broadcast %broadcast_in_dim3A_6450 : i32 to vector<16xi32>
      %broadcast_in_dim3A_6452 = arith.constant 2 : i32
      %broadcast_in_dim3A_6453 = vector.broadcast %broadcast_in_dim3A_6452 : i32 to vector<16xi32>
      %gather3A_6454 = tpu.vector_load_idx %arg6[%broadcast_in_dim3A_6451, %add3A_3281, %broadcast_in_dim3A_6453, %add3A_3301] : memref<4x4x8x128xi32, #tpu.memory_space<vmem>>[vector<16xi32>, vector<16xi32>, vector<16xi32>, vector<16xi32>], vector<16xi32>,
      %gather3A_6455 = tpu.vector_load_idx %arg5[%gather3A_6454] : memref<64xf32, #tpu.memory_space<vmem>>[vector<16xi32>], vector<16xf32>,
      %broadcast_in_dim3A_6456 = arith.constant 0 : i32
      %broadcast_in_dim3A_6457 = vector.broadcast %broadcast_in_dim3A_6456 : i32 to vector<16xi32>
      %broadcast_in_dim3A_6458 = arith.constant 3 : i32
      %broadcast_in_dim3A_6459 = vector.broadcast %broadcast_in_dim3A_6458 : i32 to vector<16xi32>
      %gather3A_6460 = tpu.vector_load_idx %arg6[%broadcast_in_dim3A_6457, %add3A_3281, %broadcast_in_dim3A_6459, %add3A_3301] : memref<4x4x8x128xi32, #tpu.memory_space<vmem>>[vector<16xi32>, vector<16xi32>, vector<16xi32>, vector<16xi32>], vector<16xi32>,
      %gather3A_6461 = tpu.vector_load_idx %arg5[%gather3A_6460] : memref<64xf32, #tpu.memory_space<vmem>>[vector<16xi32>], vector<16xf32>,
      %broadcast_in_dim3A_6462 = arith.constant 0 : i32
      %broadcast_in_dim3A_6463 = vector.broadcast %broadcast_in_dim3A_6462 : i32 to vector<16xi32>
      %broadcast_in_dim3A_6464 = arith.constant 4 : i32
      %broadcast_in_dim3A_6465 = vector.broadcast %broadcast_in_dim3A_6464 : i32 to vector<16xi32>
      %gather3A_6466 = tpu.vector_load_idx %arg6[%broadcast_in_dim3A_6463, %add3A_3281, %broadcast_in_dim3A_6465, %add3A_3301] : memref<4x4x8x128xi32, #tpu.memory_space<vmem>>[vector<16xi32>, vector<16xi32>, vector<16xi32>, vector<16xi32>], vector<16xi32>,
      %gather3A_6467 = tpu.vector_load_idx %arg5[%gather3A_6466] : memref<64xf32, #tpu.memory_space<vmem>>[vector<16xi32>], vector<16xf32>,
      %broadcast_in_dim3A_6468 = arith.constant 0 : i32
      %broadcast_in_dim3A_6469 = vector.broadcast %broadcast_in_dim3A_6468 : i32 to vector<16xi32>
      %broadcast_in_dim3A_6470 = arith.constant 5 : i32
      %broadcast_in_dim3A_6471 = vector.broadcast %broadcast_in_dim3A_6470 : i32 to vector<16xi32>
      %gather3A_6472 = tpu.vector_load_idx %arg6[%broadcast_in_dim3A_6469, %add3A_3281, %broadcast_in_dim3A_6471, %add3A_3301] : memref<4x4x8x128xi32, #tpu.memory_space<vmem>>[vector<16xi32>, vector<16xi32>, vector<16xi32>, vector<16xi32>], vector<16xi32>,
      %gather3A_6473 = tpu.vector_load_idx %arg5[%gather3A_6472] : memref<64xf32, #tpu.memory_space<vmem>>[vector<16xi32>], vector<16xf32>,
      %broadcast_in_dim3A_6474 = arith.constant 0 : i32
      %broadcast_in_dim3A_6475 = vector.broadcast %broadcast_in_dim3A_6474 : i32 to vector<16xi32>
      %broadcast_in_dim3A_6476 = arith.constant 6 : i32
      %broadcast_in_dim3A_6477 = vector.broadcast %broadcast_in_dim3A_6476 : i32 to vector<16xi32>
      %gather3A_6478 = tpu.vector_load_idx %arg6[%broadcast_in_dim3A_6475, %add3A_3281, %broadcast_in_dim3A_6477, %add3A_3301] : memref<4x4x8x128xi32, #tpu.memory_space<vmem>>[vector<16xi32>, vector<16xi32>, vector<16xi32>, vector<16xi32>], vector<16xi32>,
      %gather3A_6479 = tpu.vector_load_idx %arg5[%gather3A_6478] : memref<64xf32, #tpu.memory_space<vmem>>[vector<16xi32>], vector<16xf32>,
      %broadcast_in_dim3A_6480 = arith.constant 0 : i32
      %broadcast_in_dim3A_6481 = vector.broadcast %broadcast_in_dim3A_6480 : i32 to vector<16xi32>
      %broadcast_in_dim3A_6482 = arith.constant 7 : i32
      %broadcast_in_dim3A_6483 = vector.broadcast %broadcast_in_dim3A_6482 : i32 to vector<16xi32>
      %gather3A_6484 = tpu.vector_load_idx %arg6[%broadcast_in_dim3A_6481, %add3A_3281, %broadcast_in_dim3A_6483, %add3A_3301] : memref<4x4x8x128xi32, #tpu.memory_space<vmem>>[vector<16xi32>, vector<16xi32>, vector<16xi32>, vector<16xi32>], vector<16xi32>,
      %gather3A_6485 = tpu.vector_load_idx %arg5[%gather3A_6484] : memref<64xf32, #tpu.memory_space<vmem>>[vector<16xi32>], vector<16xf32>,
      %scan3A_6486 = arith.constant 8 : i32
      %scan3A_6487 = arith.constant 23 : i32
      %scan3A_6488 = arith.addi %scan3A_6486, %scan3A_6487 : i32
      %scan3A_6489 = arith.constant 1 : i32
      %scan3A_6490:32 = scf.for %scan3A_6587 = %scan3A_6486 to %scan3A_6488 step %scan3A_6489 iter_args(%scan3A_6588 = %gather3A, %scan3A_6589 = %gather3A_3212, %scan3A_6590 = %gather3A_3218, %scan3A_6591 = %gather3A_3224, %scan3A_6592 = %gather3A_3230, %scan3A_6593 = %gather3A_3236, %scan3A_6594 = %gather3A_3242, %scan3A_6595 = %gather3A_3248, %scan3A_6596 = %gather3A_3207, %scan3A_6597 = %gather3A_3213, %scan3A_6598 = %gather3A_3219, %scan3A_6599 = %gather3A_3225, %scan3A_6600 = %gather3A_3231, %scan3A_6601 = %gather3A_3237, %scan3A_6602 = %gather3A_3243, %scan3A_6603 = %gather3A_3249, %scan3A_6604 = %gather3A_6442, %scan3A_6605 = %gather3A_6448, %scan3A_6606 = %gather3A_6454, %scan3A_6607 = %gather3A_6460, %scan3A_6608 = %gather3A_6466, %scan3A_6609 = %gather3A_6472, %scan3A_6610 = %gather3A_6478, %scan3A_6611 = %gather3A_6484, %scan3A_6612 = %gather3A_6443, %scan3A_6613 = %gather3A_6449, %scan3A_6614 = %gather3A_6455, %scan3A_6615 = %gather3A_6461, %scan3A_6616 = %gather3A_6467, %scan3A_6617 = %gather3A_6473, %scan3A_6618 = %gather3A_6479, %scan3A_6619 = %gather3A_6485) -> (vector<16xi32>, vector<16xi32>, vector<16xi32>, vector<16xi32>, vector<16xi32>, vector<16xi32>, vector<16xi32>, vector<16xi32>, vector<16xf32>, vector<16xf32>, vector<16xf32>, vector<16xf32>, vector<16xf32>, vector<16xf32>, vector<16xf32>, vector<16xf32>, vector<16xi32>, vector<16xi32>, vector<16xi32>, vector<16xi32>, vector<16xi32>, vector<16xi32>, vector<16xi32>, vector<16xi32>, vector<16xf32>, vector<16xf32>, vector<16xf32>, vector<16xf32>, vector<16xf32>, vector<16xf32>, vector<16xf32>, vector<16xf32>)  : i32 {
        %broadcast_in_dim3A_6620 = arith.constant 0 : i32
        %broadcast_in_dim3A_6621 = vector.broadcast %broadcast_in_dim3A_6620 : i32 to vector<16xi32>
        %jit3A_6622 = arith.constant 8 : i32
        %div3A_6623 = arith.divsi %scan3A_6587, %jit3A_6622 : i32
        %sign3A_6624 = arith.constant 0 : i32
        %sign3A_6625 = arith.cmpi sgt, %scan3A_6587, %sign3A_6624 : i32
        %sign3A_6626 = arith.extui %sign3A_6625 : i1 to i32
        %sign3A_6627 = arith.constant 0 : i32
        %sign3A_6628 = arith.cmpi slt, %scan3A_6587, %sign3A_6627 : i32
        %sign3A_6629 = arith.extui %sign3A_6628 : i1 to i32
        %sign3A_6630 = arith.subi %sign3A_6626, %sign3A_6629 : i32
        %sign3A_6631 = arith.constant 0 : i32
        %sign3A_6632 = arith.cmpi sgt, %jit3A_6622, %sign3A_6631 : i32
        %sign3A_6633 = arith.extui %sign3A_6632 : i1 to i32
        %sign3A_6634 = arith.constant 0 : i32
        %sign3A_6635 = arith.cmpi slt, %jit3A_6622, %sign3A_6634 : i32
        %sign3A_6636 = arith.extui %sign3A_6635 : i1 to i32
        %sign3A_6637 = arith.subi %sign3A_6633, %sign3A_6636 : i32
        %ne3A_6638 = arith.cmpi ne, %sign3A_6630, %sign3A_6637 : i32
        %rem3A_6639 = arith.remsi %scan3A_6587, %jit3A_6622 : i32
        %ne3A_6640 = arith.constant 0 : i32
        %ne3A_6641 = arith.cmpi ne, %rem3A_6639, %ne3A_6640 : i32
        %and3A_6642 = arith.andi %ne3A_6638, %ne3A_6641 : i1
        %sub3A_6643 = arith.constant 1 : i32
        %sub3A_6644 = arith.subi %div3A_6623, %sub3A_6643 : i32
        %select_n3A_6645 = arith.select %and3A_6642, %sub3A_6644, %div3A_6623 : i32
        %add3A_6646 = vector.broadcast %select_n3A_6645 : i32 to vector<16xi32>
        %add3A_6647 = arith.addi %broadcast_in_dim3A_6621, %add3A_6646 : vector<16xi32>
        %broadcast_in_dim3A_6648 = arith.constant 0 : i32
        %broadcast_in_dim3A_6649 = vector.broadcast %broadcast_in_dim3A_6648 : i32 to vector<16xi32>
        %jit3A_6650 = arith.constant 8 : i32
        %eq3A_6651 = arith.constant 0 : i32
        %eq3A_6652 = arith.cmpi eq, %jit3A_6650, %eq3A_6651 : i32
        %jit3A_6653 = arith.constant 1 : i32
        %select_n3A_6654 = arith.select %eq3A_6652, %jit3A_6653, %jit3A_6650 : i32
        %rem3A_6655 = arith.remsi %scan3A_6587, %select_n3A_6654 : i32
        %ne3A_6656 = arith.constant 0 : i32
        %ne3A_6657 = arith.cmpi ne, %rem3A_6655, %ne3A_6656 : i32
        %lt3A_6658 = arith.constant 0 : i32
        %lt3A_6659 = arith.cmpi slt, %rem3A_6655, %lt3A_6658 : i32
        %lt3A_6660 = arith.constant 0 : i32
        %lt3A_6661 = arith.cmpi slt, %select_n3A_6654, %lt3A_6660 : i32
        %ne3A_6662 = arith.xori %lt3A_6659, %lt3A_6661 : i1
        %and3A_6663 = arith.andi %ne3A_6662, %ne3A_6657 : i1
        %add3A_6664 = arith.addi %rem3A_6655, %select_n3A_6654 : i32
        %select_n3A_6665 = arith.select %and3A_6663, %add3A_6664, %rem3A_6655 : i32
        %add3A_6666 = vector.broadcast %select_n3A_6665 : i32 to vector<16xi32>
        %add3A_6667 = arith.addi %broadcast_in_dim3A_6649, %add3A_6666 : vector<16xi32>
        %gather3A_6668 = tpu.vector_load_idx %arg6[%add3A_6647, %add3A_49, %add3A_6667, %add3A_67] : memref<4x4x8x128xi32, #tpu.memory_space<vmem>>[vector<16xi32>, vector<16xi32>, vector<16xi32>, vector<16xi32>], vector<16xi32>,
        %gather3A_6669 = tpu.vector_load_idx %arg5[%gather3A_6668] : memref<64xf32, #tpu.memory_space<vmem>>[vector<16xi32>], vector<16xf32>,
        %min3A = arith.minimumf %scan3A_6596, %scan3A_6597 : vector<16xf32>
        %min3A_6670 = arith.minimumf %min3A, %scan3A_6598 : vector<16xf32>
        %min3A_6671 = arith.minimumf %min3A_6670, %scan3A_6599 : vector<16xf32>
        %min3A_6672 = arith.minimumf %min3A_6671, %scan3A_6600 : vector<16xf32>
        %min3A_6673 = arith.minimumf %min3A_6672, %scan3A_6601 : vector<16xf32>
        %min3A_6674 = arith.minimumf %min3A_6673, %scan3A_6602 : vector<16xf32>
        %min3A_6675 = arith.minimumf %min3A_6674, %scan3A_6603 : vector<16xf32>
        %gt3A = arith.cmpf ogt, %scan3A_6596, %min3A_6675 : vector<16xf32>
        %select_n3A_6676 = arith.select %gt3A, %scan3A_6588, %scan3A_6589 : vector<16xi1>, vector<16xi32>
        %select_n3A_6677 = arith.select %gt3A, %scan3A_6596, %scan3A_6597 : vector<16xi1>, vector<16xf32>
        %gt3A_6678 = arith.cmpf ogt, %min3A, %min3A_6675 : vector<16xf32>
        %select_n3A_6679 = arith.select %gt3A_6678, %scan3A_6589, %scan3A_6590 : vector<16xi1>, vector<16xi32>
        %select_n3A_6680 = arith.select %gt3A_6678, %scan3A_6597, %scan3A_6598 : vector<16xi1>, vector<16xf32>
        %gt3A_6681 = arith.cmpf ogt, %min3A_6670, %min3A_6675 : vector<16xf32>
        %select_n3A_6682 = arith.select %gt3A_6681, %scan3A_6590, %scan3A_6591 : vector<16xi1>, vector<16xi32>
        %select_n3A_6683 = arith.select %gt3A_6681, %scan3A_6598, %scan3A_6599 : vector<16xi1>, vector<16xf32>
        %gt3A_6684 = arith.cmpf ogt, %min3A_6671, %min3A_6675 : vector<16xf32>
        %select_n3A_6685 = arith.select %gt3A_6684, %scan3A_6591, %scan3A_6592 : vector<16xi1>, vector<16xi32>
        %select_n3A_6686 = arith.select %gt3A_6684, %scan3A_6599, %scan3A_6600 : vector<16xi1>, vector<16xf32>
        %gt3A_6687 = arith.cmpf ogt, %min3A_6672, %min3A_6675 : vector<16xf32>
        %select_n3A_6688 = arith.select %gt3A_6687, %scan3A_6592, %scan3A_6593 : vector<16xi1>, vector<16xi32>
        %select_n3A_6689 = arith.select %gt3A_6687, %scan3A_6600, %scan3A_6601 : vector<16xi1>, vector<16xf32>
        %gt3A_6690 = arith.cmpf ogt, %min3A_6673, %min3A_6675 : vector<16xf32>
        %select_n3A_6691 = arith.select %gt3A_6690, %scan3A_6593, %scan3A_6594 : vector<16xi1>, vector<16xi32>
        %select_n3A_6692 = arith.select %gt3A_6690, %scan3A_6601, %scan3A_6602 : vector<16xi1>, vector<16xf32>
        %gt3A_6693 = arith.cmpf ogt, %min3A_6674, %min3A_6675 : vector<16xf32>
        %select_n3A_6694 = arith.select %gt3A_6693, %scan3A_6594, %scan3A_6595 : vector<16xi1>, vector<16xi32>
        %select_n3A_6695 = arith.select %gt3A_6693, %scan3A_6602, %scan3A_6603 : vector<16xi1>, vector<16xf32>
        %broadcast_in_dim3A_6696 = arith.constant 0 : i32
        %broadcast_in_dim3A_6697 = vector.broadcast %broadcast_in_dim3A_6696 : i32 to vector<16xi32>
        %jit3A_6698 = arith.constant 8 : i32
        %div3A_6699 = arith.divsi %scan3A_6587, %jit3A_6698 : i32
        %sign3A_6700 = arith.constant 0 : i32
        %sign3A_6701 = arith.cmpi sgt, %scan3A_6587, %sign3A_6700 : i32
        %sign3A_6702 = arith.extui %sign3A_6701 : i1 to i32
        %sign3A_6703 = arith.constant 0 : i32
        %sign3A_6704 = arith.cmpi slt, %scan3A_6587, %sign3A_6703 : i32
        %sign3A_6705 = arith.extui %sign3A_6704 : i1 to i32
        %sign3A_6706 = arith.subi %sign3A_6702, %sign3A_6705 : i32
        %sign3A_6707 = arith.constant 0 : i32
        %sign3A_6708 = arith.cmpi sgt, %jit3A_6698, %sign3A_6707 : i32
        %sign3A_6709 = arith.extui %sign3A_6708 : i1 to i32
        %sign3A_6710 = arith.constant 0 : i32
        %sign3A_6711 = arith.cmpi slt, %jit3A_6698, %sign3A_6710 : i32
        %sign3A_6712 = arith.extui %sign3A_6711 : i1 to i32
        %sign3A_6713 = arith.subi %sign3A_6709, %sign3A_6712 : i32
        %ne3A_6714 = arith.cmpi ne, %sign3A_6706, %sign3A_6713 : i32
        %rem3A_6715 = arith.remsi %scan3A_6587, %jit3A_6698 : i32
        %ne3A_6716 = arith.constant 0 : i32
        %ne3A_6717 = arith.cmpi ne, %rem3A_6715, %ne3A_6716 : i32
        %and3A_6718 = arith.andi %ne3A_6714, %ne3A_6717 : i1
        %sub3A_6719 = arith.constant 1 : i32
        %sub3A_6720 = arith.subi %div3A_6699, %sub3A_6719 : i32
        %select_n3A_6721 = arith.select %and3A_6718, %sub3A_6720, %div3A_6699 : i32
        %add3A_6722 = vector.broadcast %select_n3A_6721 : i32 to vector<16xi32>
        %add3A_6723 = arith.addi %broadcast_in_dim3A_6697, %add3A_6722 : vector<16xi32>
        %broadcast_in_dim3A_6724 = arith.constant 0 : i32
        %broadcast_in_dim3A_6725 = vector.broadcast %broadcast_in_dim3A_6724 : i32 to vector<16xi32>
        %jit3A_6726 = arith.constant 8 : i32
        %eq3A_6727 = arith.constant 0 : i32
        %eq3A_6728 = arith.cmpi eq, %jit3A_6726, %eq3A_6727 : i32
        %jit3A_6729 = arith.constant 1 : i32
        %select_n3A_6730 = arith.select %eq3A_6728, %jit3A_6729, %jit3A_6726 : i32
        %rem3A_6731 = arith.remsi %scan3A_6587, %select_n3A_6730 : i32
        %ne3A_6732 = arith.constant 0 : i32
        %ne3A_6733 = arith.cmpi ne, %rem3A_6731, %ne3A_6732 : i32
        %lt3A_6734 = arith.constant 0 : i32
        %lt3A_6735 = arith.cmpi slt, %rem3A_6731, %lt3A_6734 : i32
        %lt3A_6736 = arith.constant 0 : i32
        %lt3A_6737 = arith.cmpi slt, %select_n3A_6730, %lt3A_6736 : i32
        %ne3A_6738 = arith.xori %lt3A_6735, %lt3A_6737 : i1
        %and3A_6739 = arith.andi %ne3A_6738, %ne3A_6733 : i1
        %add3A_6740 = arith.addi %rem3A_6731, %select_n3A_6730 : i32
        %select_n3A_6741 = arith.select %and3A_6739, %add3A_6740, %rem3A_6731 : i32
        %add3A_6742 = vector.broadcast %select_n3A_6741 : i32 to vector<16xi32>
        %add3A_6743 = arith.addi %broadcast_in_dim3A_6725, %add3A_6742 : vector<16xi32>
        %gather3A_6744 = tpu.vector_load_idx %arg6[%add3A_6723, %add3A_3281, %add3A_6743, %add3A_3301] : memref<4x4x8x128xi32, #tpu.memory_space<vmem>>[vector<16xi32>, vector<16xi32>, vector<16xi32>, vector<16xi32>], vector<16xi32>,
        %gather3A_6745 = tpu.vector_load_idx %arg5[%gather3A_6744] : memref<64xf32, #tpu.memory_space<vmem>>[vector<16xi32>], vector<16xf32>,
        %min3A_6746 = arith.minimumf %scan3A_6612, %scan3A_6613 : vector<16xf32>
        %min3A_6747 = arith.minimumf %min3A_6746, %scan3A_6614 : vector<16xf32>
        %min3A_6748 = arith.minimumf %min3A_6747, %scan3A_6615 : vector<16xf32>
        %min3A_6749 = arith.minimumf %min3A_6748, %scan3A_6616 : vector<16xf32>
        %min3A_6750 = arith.minimumf %min3A_6749, %scan3A_6617 : vector<16xf32>
        %min3A_6751 = arith.minimumf %min3A_6750, %scan3A_6618 : vector<16xf32>
        %min3A_6752 = arith.minimumf %min3A_6751, %scan3A_6619 : vector<16xf32>
        %gt3A_6753 = arith.cmpf ogt, %scan3A_6612, %min3A_6752 : vector<16xf32>
        %select_n3A_6754 = arith.select %gt3A_6753, %scan3A_6604, %scan3A_6605 : vector<16xi1>, vector<16xi32>
        %select_n3A_6755 = arith.select %gt3A_6753, %scan3A_6612, %scan3A_6613 : vector<16xi1>, vector<16xf32>
        %gt3A_6756 = arith.cmpf ogt, %min3A_6746, %min3A_6752 : vector<16xf32>
        %select_n3A_6757 = arith.select %gt3A_6756, %scan3A_6605, %scan3A_6606 : vector<16xi1>, vector<16xi32>
        %select_n3A_6758 = arith.select %gt3A_6756, %scan3A_6613, %scan3A_6614 : vector<16xi1>, vector<16xf32>
        %gt3A_6759 = arith.cmpf ogt, %min3A_6747, %min3A_6752 : vector<16xf32>
        %select_n3A_6760 = arith.select %gt3A_6759, %scan3A_6606, %scan3A_6607 : vector<16xi1>, vector<16xi32>
        %select_n3A_6761 = arith.select %gt3A_6759, %scan3A_6614, %scan3A_6615 : vector<16xi1>, vector<16xf32>
        %gt3A_6762 = arith.cmpf ogt, %min3A_6748, %min3A_6752 : vector<16xf32>
        %select_n3A_6763 = arith.select %gt3A_6762, %scan3A_6607, %scan3A_6608 : vector<16xi1>, vector<16xi32>
        %select_n3A_6764 = arith.select %gt3A_6762, %scan3A_6615, %scan3A_6616 : vector<16xi1>, vector<16xf32>
        %gt3A_6765 = arith.cmpf ogt, %min3A_6749, %min3A_6752 : vector<16xf32>
        %select_n3A_6766 = arith.select %gt3A_6765, %scan3A_6608, %scan3A_6609 : vector<16xi1>, vector<16xi32>
        %select_n3A_6767 = arith.select %gt3A_6765, %scan3A_6616, %scan3A_6617 : vector<16xi1>, vector<16xf32>
        %gt3A_6768 = arith.cmpf ogt, %min3A_6750, %min3A_6752 : vector<16xf32>
        %select_n3A_6769 = arith.select %gt3A_6768, %scan3A_6609, %scan3A_6610 : vector<16xi1>, vector<16xi32>
        %select_n3A_6770 = arith.select %gt3A_6768, %scan3A_6617, %scan3A_6618 : vector<16xi1>, vector<16xf32>
        %gt3A_6771 = arith.cmpf ogt, %min3A_6751, %min3A_6752 : vector<16xf32>
        %select_n3A_6772 = arith.select %gt3A_6771, %scan3A_6610, %scan3A_6611 : vector<16xi1>, vector<16xi32>
        %select_n3A_6773 = arith.select %gt3A_6771, %scan3A_6618, %scan3A_6619 : vector<16xi1>, vector<16xf32>
        scf.yield %select_n3A_6676, %select_n3A_6679, %select_n3A_6682, %select_n3A_6685, %select_n3A_6688, %select_n3A_6691, %select_n3A_6694, %gather3A_6668, %select_n3A_6677, %select_n3A_6680, %select_n3A_6683, %select_n3A_6686, %select_n3A_6689, %select_n3A_6692, %select_n3A_6695, %gather3A_6669, %select_n3A_6754, %select_n3A_6757, %select_n3A_6760, %select_n3A_6763, %select_n3A_6766, %select_n3A_6769, %select_n3A_6772, %gather3A_6744, %select_n3A_6755, %select_n3A_6758, %select_n3A_6761, %select_n3A_6764, %select_n3A_6767, %select_n3A_6770, %select_n3A_6773, %gather3A_6745 : vector<16xi32>, vector<16xi32>, vector<16xi32>, vector<16xi32>, vector<16xi32>, vector<16xi32>, vector<16xi32>, vector<16xi32>, vector<16xf32>, vector<16xf32>, vector<16xf32>, vector<16xf32>, vector<16xf32>, vector<16xf32>, vector<16xf32>, vector<16xf32>, vector<16xi32>, vector<16xi32>, vector<16xi32>, vector<16xi32>, vector<16xi32>, vector<16xi32>, vector<16xi32>, vector<16xi32>, vector<16xf32>, vector<16xf32>, vector<16xf32>, vector<16xf32>, vector<16xf32>, vector<16xf32>, vector<16xf32>, vector<16xf32>
      }
      %scan3A_6491 = arith.constant 23 : i32
      %shift_right_arithmetic3A = arith.constant 3 : i32
      %shift_right_arithmetic3A_6492 = vector.broadcast %shift_right_arithmetic3A : i32 to vector<16xi32>
      %shift_right_arithmetic3A_6493 = arith.shrsi %scan3A_6490#0, %shift_right_arithmetic3A_6492 : vector<16xi32>
      %and3A_6494 = arith.constant 7 : i32
      %and3A_6495 = vector.broadcast %and3A_6494 : i32 to vector<16xi32>
      %and3A_6496 = arith.andi %scan3A_6490#0, %and3A_6495 : vector<16xi32>
      tpu.vector_store_idx %arg7[%shift_right_arithmetic3A_6493, %add3A_49, %and3A_6496, %add3A_67], %broadcast_in_dim3A_19 {add = true} : memref<8x4x8x128xf32, #tpu.memory_space<vmem>>[vector<16xi32>, vector<16xi32>, vector<16xi32>, vector<16xi32>], vector<16xf32>,
      %shift_right_arithmetic3A_6497 = arith.constant 3 : i32
      %shift_right_arithmetic3A_6498 = vector.broadcast %shift_right_arithmetic3A_6497 : i32 to vector<16xi32>
      %shift_right_arithmetic3A_6499 = arith.shrsi %scan3A_6490#1, %shift_right_arithmetic3A_6498 : vector<16xi32>
      %and3A_6500 = arith.constant 7 : i32
      %and3A_6501 = vector.broadcast %and3A_6500 : i32 to vector<16xi32>
      %and3A_6502 = arith.andi %scan3A_6490#1, %and3A_6501 : vector<16xi32>
      tpu.vector_store_idx %arg7[%shift_right_arithmetic3A_6499, %add3A_49, %and3A_6502, %add3A_67], %broadcast_in_dim3A_19 {add = true} : memref<8x4x8x128xf32, #tpu.memory_space<vmem>>[vector<16xi32>, vector<16xi32>, vector<16xi32>, vector<16xi32>], vector<16xf32>,
      %shift_right_arithmetic3A_6503 = arith.constant 3 : i32
      %shift_right_arithmetic3A_6504 = vector.broadcast %shift_right_arithmetic3A_6503 : i32 to vector<16xi32>
      %shift_right_arithmetic3A_6505 = arith.shrsi %scan3A_6490#2, %shift_right_arithmetic3A_6504 : vector<16xi32>
      %and3A_6506 = arith.constant 7 : i32
      %and3A_6507 = vector.broadcast %and3A_6506 : i32 to vector<16xi32>
      %and3A_6508 = arith.andi %scan3A_6490#2, %and3A_6507 : vector<16xi32>
      tpu.vector_store_idx %arg7[%shift_right_arithmetic3A_6505, %add3A_49, %and3A_6508, %add3A_67], %broadcast_in_dim3A_19 {add = true} : memref<8x4x8x128xf32, #tpu.memory_space<vmem>>[vector<16xi32>, vector<16xi32>, vector<16xi32>, vector<16xi32>], vector<16xf32>,
      %shift_right_arithmetic3A_6509 = arith.constant 3 : i32
      %shift_right_arithmetic3A_6510 = vector.broadcast %shift_right_arithmetic3A_6509 : i32 to vector<16xi32>
      %shift_right_arithmetic3A_6511 = arith.shrsi %scan3A_6490#3, %shift_right_arithmetic3A_6510 : vector<16xi32>
      %and3A_6512 = arith.constant 7 : i32
      %and3A_6513 = vector.broadcast %and3A_6512 : i32 to vector<16xi32>
      %and3A_6514 = arith.andi %scan3A_6490#3, %and3A_6513 : vector<16xi32>
      tpu.vector_store_idx %arg7[%shift_right_arithmetic3A_6511, %add3A_49, %and3A_6514, %add3A_67], %broadcast_in_dim3A_19 {add = true} : memref<8x4x8x128xf32, #tpu.memory_space<vmem>>[vector<16xi32>, vector<16xi32>, vector<16xi32>, vector<16xi32>], vector<16xf32>,
      %shift_right_arithmetic3A_6515 = arith.constant 3 : i32
      %shift_right_arithmetic3A_6516 = vector.broadcast %shift_right_arithmetic3A_6515 : i32 to vector<16xi32>
      %shift_right_arithmetic3A_6517 = arith.shrsi %scan3A_6490#4, %shift_right_arithmetic3A_6516 : vector<16xi32>
      %and3A_6518 = arith.constant 7 : i32
      %and3A_6519 = vector.broadcast %and3A_6518 : i32 to vector<16xi32>
      %and3A_6520 = arith.andi %scan3A_6490#4, %and3A_6519 : vector<16xi32>
      tpu.vector_store_idx %arg7[%shift_right_arithmetic3A_6517, %add3A_49, %and3A_6520, %add3A_67], %broadcast_in_dim3A_19 {add = true} : memref<8x4x8x128xf32, #tpu.memory_space<vmem>>[vector<16xi32>, vector<16xi32>, vector<16xi32>, vector<16xi32>], vector<16xf32>,
      %shift_right_arithmetic3A_6521 = arith.constant 3 : i32
      %shift_right_arithmetic3A_6522 = vector.broadcast %shift_right_arithmetic3A_6521 : i32 to vector<16xi32>
      %shift_right_arithmetic3A_6523 = arith.shrsi %scan3A_6490#5, %shift_right_arithmetic3A_6522 : vector<16xi32>
      %and3A_6524 = arith.constant 7 : i32
      %and3A_6525 = vector.broadcast %and3A_6524 : i32 to vector<16xi32>
      %and3A_6526 = arith.andi %scan3A_6490#5, %and3A_6525 : vector<16xi32>
      tpu.vector_store_idx %arg7[%shift_right_arithmetic3A_6523, %add3A_49, %and3A_6526, %add3A_67], %broadcast_in_dim3A_19 {add = true} : memref<8x4x8x128xf32, #tpu.memory_space<vmem>>[vector<16xi32>, vector<16xi32>, vector<16xi32>, vector<16xi32>], vector<16xf32>,
      %shift_right_arithmetic3A_6527 = arith.constant 3 : i32
      %shift_right_arithmetic3A_6528 = vector.broadcast %shift_right_arithmetic3A_6527 : i32 to vector<16xi32>
      %shift_right_arithmetic3A_6529 = arith.shrsi %scan3A_6490#6, %shift_right_arithmetic3A_6528 : vector<16xi32>
      %and3A_6530 = arith.constant 7 : i32
      %and3A_6531 = vector.broadcast %and3A_6530 : i32 to vector<16xi32>
      %and3A_6532 = arith.andi %scan3A_6490#6, %and3A_6531 : vector<16xi32>
      tpu.vector_store_idx %arg7[%shift_right_arithmetic3A_6529, %add3A_49, %and3A_6532, %add3A_67], %broadcast_in_dim3A_19 {add = true} : memref<8x4x8x128xf32, #tpu.memory_space<vmem>>[vector<16xi32>, vector<16xi32>, vector<16xi32>, vector<16xi32>], vector<16xf32>,
      %shift_right_arithmetic3A_6533 = arith.constant 3 : i32
      %shift_right_arithmetic3A_6534 = vector.broadcast %shift_right_arithmetic3A_6533 : i32 to vector<16xi32>
      %shift_right_arithmetic3A_6535 = arith.shrsi %scan3A_6490#7, %shift_right_arithmetic3A_6534 : vector<16xi32>
      %and3A_6536 = arith.constant 7 : i32
      %and3A_6537 = vector.broadcast %and3A_6536 : i32 to vector<16xi32>
      %and3A_6538 = arith.andi %scan3A_6490#7, %and3A_6537 : vector<16xi32>
      tpu.vector_store_idx %arg7[%shift_right_arithmetic3A_6535, %add3A_49, %and3A_6538, %add3A_67], %broadcast_in_dim3A_19 {add = true} : memref<8x4x8x128xf32, #tpu.memory_space<vmem>>[vector<16xi32>, vector<16xi32>, vector<16xi32>, vector<16xi32>], vector<16xf32>,
      %shift_right_arithmetic3A_6539 = arith.constant 3 : i32
      %shift_right_arithmetic3A_6540 = vector.broadcast %shift_right_arithmetic3A_6539 : i32 to vector<16xi32>
      %shift_right_arithmetic3A_6541 = arith.shrsi %scan3A_6490#16, %shift_right_arithmetic3A_6540 : vector<16xi32>
      %and3A_6542 = arith.constant 7 : i32
      %and3A_6543 = vector.broadcast %and3A_6542 : i32 to vector<16xi32>
      %and3A_6544 = arith.andi %scan3A_6490#16, %and3A_6543 : vector<16xi32>
      tpu.vector_store_idx %arg7[%shift_right_arithmetic3A_6541, %add3A_3281, %and3A_6544, %add3A_3301], %broadcast_in_dim3A_19 {add = true} : memref<8x4x8x128xf32, #tpu.memory_space<vmem>>[vector<16xi32>, vector<16xi32>, vector<16xi32>, vector<16xi32>], vector<16xf32>,
      %shift_right_arithmetic3A_6545 = arith.constant 3 : i32
      %shift_right_arithmetic3A_6546 = vector.broadcast %shift_right_arithmetic3A_6545 : i32 to vector<16xi32>
      %shift_right_arithmetic3A_6547 = arith.shrsi %scan3A_6490#17, %shift_right_arithmetic3A_6546 : vector<16xi32>
      %and3A_6548 = arith.constant 7 : i32
      %and3A_6549 = vector.broadcast %and3A_6548 : i32 to vector<16xi32>
      %and3A_6550 = arith.andi %scan3A_6490#17, %and3A_6549 : vector<16xi32>
      tpu.vector_store_idx %arg7[%shift_right_arithmetic3A_6547, %add3A_3281, %and3A_6550, %add3A_3301], %broadcast_in_dim3A_19 {add = true} : memref<8x4x8x128xf32, #tpu.memory_space<vmem>>[vector<16xi32>, vector<16xi32>, vector<16xi32>, vector<16xi32>], vector<16xf32>,
      %shift_right_arithmetic3A_6551 = arith.constant 3 : i32
      %shift_right_arithmetic3A_6552 = vector.broadcast %shift_right_arithmetic3A_6551 : i32 to vector<16xi32>
      %shift_right_arithmetic3A_6553 = arith.shrsi %scan3A_6490#18, %shift_right_arithmetic3A_6552 : vector<16xi32>
      %and3A_6554 = arith.constant 7 : i32
      %and3A_6555 = vector.broadcast %and3A_6554 : i32 to vector<16xi32>
      %and3A_6556 = arith.andi %scan3A_6490#18, %and3A_6555 : vector<16xi32>
      tpu.vector_store_idx %arg7[%shift_right_arithmetic3A_6553, %add3A_3281, %and3A_6556, %add3A_3301], %broadcast_in_dim3A_19 {add = true} : memref<8x4x8x128xf32, #tpu.memory_space<vmem>>[vector<16xi32>, vector<16xi32>, vector<16xi32>, vector<16xi32>], vector<16xf32>,
      %shift_right_arithmetic3A_6557 = arith.constant 3 : i32
      %shift_right_arithmetic3A_6558 = vector.broadcast %shift_right_arithmetic3A_6557 : i32 to vector<16xi32>
      %shift_right_arithmetic3A_6559 = arith.shrsi %scan3A_6490#19, %shift_right_arithmetic3A_6558 : vector<16xi32>
      %and3A_6560 = arith.constant 7 : i32
      %and3A_6561 = vector.broadcast %and3A_6560 : i32 to vector<16xi32>
      %and3A_6562 = arith.andi %scan3A_6490#19, %and3A_6561 : vector<16xi32>
      tpu.vector_store_idx %arg7[%shift_right_arithmetic3A_6559, %add3A_3281, %and3A_6562, %add3A_3301], %broadcast_in_dim3A_19 {add = true} : memref<8x4x8x128xf32, #tpu.memory_space<vmem>>[vector<16xi32>, vector<16xi32>, vector<16xi32>, vector<16xi32>], vector<16xf32>,
      %shift_right_arithmetic3A_6563 = arith.constant 3 : i32
      %shift_right_arithmetic3A_6564 = vector.broadcast %shift_right_arithmetic3A_6563 : i32 to vector<16xi32>
      %shift_right_arithmetic3A_6565 = arith.shrsi %scan3A_6490#20, %shift_right_arithmetic3A_6564 : vector<16xi32>
      %and3A_6566 = arith.constant 7 : i32
      %and3A_6567 = vector.broadcast %and3A_6566 : i32 to vector<16xi32>
      %and3A_6568 = arith.andi %scan3A_6490#20, %and3A_6567 : vector<16xi32>
      tpu.vector_store_idx %arg7[%shift_right_arithmetic3A_6565, %add3A_3281, %and3A_6568, %add3A_3301], %broadcast_in_dim3A_19 {add = true} : memref<8x4x8x128xf32, #tpu.memory_space<vmem>>[vector<16xi32>, vector<16xi32>, vector<16xi32>, vector<16xi32>], vector<16xf32>,
      %shift_right_arithmetic3A_6569 = arith.constant 3 : i32
      %shift_right_arithmetic3A_6570 = vector.broadcast %shift_right_arithmetic3A_6569 : i32 to vector<16xi32>
      %shift_right_arithmetic3A_6571 = arith.shrsi %scan3A_6490#21, %shift_right_arithmetic3A_6570 : vector<16xi32>
      %and3A_6572 = arith.constant 7 : i32
      %and3A_6573 = vector.broadcast %and3A_6572 : i32 to vector<16xi32>
      %and3A_6574 = arith.andi %scan3A_6490#21, %and3A_6573 : vector<16xi32>
      tpu.vector_store_idx %arg7[%shift_right_arithmetic3A_6571, %add3A_3281, %and3A_6574, %add3A_3301], %broadcast_in_dim3A_19 {add = true} : memref<8x4x8x128xf32, #tpu.memory_space<vmem>>[vector<16xi32>, vector<16xi32>, vector<16xi32>, vector<16xi32>], vector<16xf32>,
      %shift_right_arithmetic3A_6575 = arith.constant 3 : i32
      %shift_right_arithmetic3A_6576 = vector.broadcast %shift_right_arithmetic3A_6575 : i32 to vector<16xi32>
      %shift_right_arithmetic3A_6577 = arith.shrsi %scan3A_6490#22, %shift_right_arithmetic3A_6576 : vector<16xi32>
      %and3A_6578 = arith.constant 7 : i32
      %and3A_6579 = vector.broadcast %and3A_6578 : i32 to vector<16xi32>
      %and3A_6580 = arith.andi %scan3A_6490#22, %and3A_6579 : vector<16xi32>
      tpu.vector_store_idx %arg7[%shift_right_arithmetic3A_6577, %add3A_3281, %and3A_6580, %add3A_3301], %broadcast_in_dim3A_19 {add = true} : memref<8x4x8x128xf32, #tpu.memory_space<vmem>>[vector<16xi32>, vector<16xi32>, vector<16xi32>, vector<16xi32>], vector<16xf32>,
      %shift_right_arithmetic3A_6581 = arith.constant 3 : i32
      %shift_right_arithmetic3A_6582 = vector.broadcast %shift_right_arithmetic3A_6581 : i32 to vector<16xi32>
      %shift_right_arithmetic3A_6583 = arith.shrsi %scan3A_6490#23, %shift_right_arithmetic3A_6582 : vector<16xi32>
      %and3A_6584 = arith.constant 7 : i32
      %and3A_6585 = vector.broadcast %and3A_6584 : i32 to vector<16xi32>
      %and3A_6586 = arith.andi %scan3A_6490#23, %and3A_6585 : vector<16xi32>
      tpu.vector_store_idx %arg7[%shift_right_arithmetic3A_6583, %add3A_3281, %and3A_6586, %add3A_3301], %broadcast_in_dim3A_19 {add = true} : memref<8x4x8x128xf32, #tpu.memory_space<vmem>>[vector<16xi32>, vector<16xi32>, vector<16xi32>, vector<16xi32>], vector<16xf32>,
    }
    %scan3A_24 = arith.constant 16 : i32
    %mul3A_25 = arith.constant 4 : i32
    %mul3A_26 = arith.muli %add3A, %mul3A_25 : i32
    "tpu.region"() ({
      %run_scoped3A = tpu.sem_alloc : memref<!tpu.dma_semaphore, #tpu.memory_space<semaphore_mem>>
      %dma_start3A_27 = arith.constant 0 : i32
      %dma_start3A_28 = arith.constant 0 : i32
      %dma_start3A_29 = arith.constant 0 : i32
      %dma_start3A_30 = tpu.memref_slice %arg4[%dma_start3A_27, %mul3A_26, %dma_start3A_28, %dma_start3A_29] : memref<8x128x8x128xf32, #tpu.memory_space<hbm>> -> memref<8x4x8x128xf32, #tpu.memory_space<hbm>>
      %dma_start3A_31 = arith.constant 0 : i32
      %dma_start3A_32 = arith.constant 0 : i32
      %dma_start3A_33 = arith.constant 0 : i32
      %dma_start3A_34 = tpu.memref_slice %arg4[%dma_start3A_31, %mul3A_26, %dma_start3A_32, %dma_start3A_33] : memref<8x128x8x128xf32, #tpu.memory_space<hbm>> -> memref<8x4x8x128xf32, #tpu.memory_space<hbm>>
      tpu.enqueue_dma source(%arg7 : memref<8x4x8x128xf32, #tpu.memory_space<vmem>>) target(%dma_start3A_34 : memref<8x4x8x128xf32, #tpu.memory_space<hbm>>) target_semaphore(%run_scoped3A : memref<!tpu.dma_semaphore, #tpu.memory_space<semaphore_mem>>)
      %dma_wait3A_35 = arith.constant 0 : i32
      %dma_wait3A_36 = arith.constant 0 : i32
      %dma_wait3A_37 = arith.constant 0 : i32
      %dma_wait3A_38 = tpu.memref_slice %arg4[%dma_wait3A_35, %mul3A_26, %dma_wait3A_36, %dma_wait3A_37] : memref<8x128x8x128xf32, #tpu.memory_space<hbm>> -> memref<8x4x8x128xf32, #tpu.memory_space<hbm>>
      %dma_wait3A_39 = arith.constant 0 : i32
      %dma_wait3A_40 = arith.constant 0 : i32
      %dma_wait3A_41 = arith.constant 0 : i32
      %dma_wait3A_42 = tpu.memref_slice %arg4[%dma_wait3A_39, %mul3A_26, %dma_wait3A_40, %dma_wait3A_41] : memref<8x128x8x128xf32, #tpu.memory_space<hbm>> -> memref<8x4x8x128xf32, #tpu.memory_space<hbm>>
      tpu.wait_dma2 semaphore(%run_scoped3A : memref<!tpu.dma_semaphore, #tpu.memory_space<semaphore_mem>>) src(%arg7 : memref<8x4x8x128xf32, #tpu.memory_space<vmem>>) dst(%dma_wait3A_42 : memref<8x4x8x128xf32, #tpu.memory_space<hbm>>)
      tpu.yield
    }) : () -> ()
    return
  }
}

module attributes {stable_mosaic.version = 14 : i64} {
  func.func @_prep_body(%arg0: memref<64x66xf32, #tpu.memory_space<vmem>>, %arg1: memref<32x64xf32, #tpu.memory_space<vmem>>, %arg2: memref<32x1xf32, #tpu.memory_space<vmem>>, %arg3: memref<1x32xf32, #tpu.memory_space<vmem>>, %arg4: memref<1x1xf32, #tpu.memory_space<vmem>>, %arg5: memref<64x128xf32, #tpu.memory_space<vmem>>, %arg6: memref<1x64xf32, #tpu.memory_space<vmem>>, %arg7: memref<64x128xf32, #tpu.memory_space<vmem>>) attributes {dimension_semantics = [], scalar_prefetch = 0 : i64, scratch_operands = 0 : i64, tpu.core_type = #tpu.core_type<tc>} {
    %get3A = arith.constant 0 : index
    %get3A_0 = arith.constant 0 : index
    %get3A_1 = vector.load %arg0[%get3A, %get3A_0] : memref<64x66xf32, #tpu.memory_space<vmem>>, vector<64x64xf32>
    %get3A_2 = arith.constant 0 : index
    %get3A_3 = arith.constant 0 : index
    %get3A_4 = vector.load %arg1[%get3A_2, %get3A_3] : memref<32x64xf32, #tpu.memory_space<vmem>>, vector<32x64xf32>
    %dot_general3A = arith.constant dense<0.000000e+00> : vector<32x64xf32>
    %dot_general3A_5 = tpu.matmul %get3A_4, %get3A_1, %dot_general3A {dimension_numbers = #tpu.dot_dimension_numbers<[1], [0], [0], [1], [0, 0, 1, 1], [], []>, transpose_lhs_hint = false} : vector<32x64xf32>, vector<64x64xf32>, vector<32x64xf32> -> vector<32x64xf32>
    %get3A_6 = arith.constant 0 : index
    %get3A_7 = arith.constant 0 : index
    %get3A_8 = vector.load %arg2[%get3A_6, %get3A_7] : memref<32x1xf32, #tpu.memory_space<vmem>>, vector<32x1xf32>
    %add3A = vector.broadcast %get3A_8 : vector<32x1xf32> to vector<32x64xf32>
    %add3A_9 = arith.addf %dot_general3A_5, %add3A : vector<32x64xf32>
    %max3A = arith.constant 0.000000e+00 : f32
    %max3A_10 = vector.broadcast %max3A : f32 to vector<32x64xf32>
    %max3A_11 = arith.maximumf %add3A_9, %max3A_10 : vector<32x64xf32>
    %get3A_12 = arith.constant 0 : index
    %get3A_13 = arith.constant 0 : index
    %get3A_14 = vector.load %arg3[%get3A_12, %get3A_13] : memref<1x32xf32, #tpu.memory_space<vmem>>, vector<1x32xf32>
    %dot_general3A_15 = arith.constant dense<0.000000e+00> : vector<1x64xf32>
    %dot_general3A_16 = tpu.matmul %get3A_14, %max3A_11, %dot_general3A_15 {dimension_numbers = #tpu.dot_dimension_numbers<[1], [0], [0], [1], [0, 0, 1, 1], [], []>, transpose_lhs_hint = false} : vector<1x32xf32>, vector<32x64xf32>, vector<1x64xf32> -> vector<1x64xf32>
    %get3A_17 = arith.constant 0 : index
    %get3A_18 = arith.constant 0 : index
    %get3A_19 = vector.load %arg4[%get3A_17, %get3A_18] : memref<1x1xf32, #tpu.memory_space<vmem>>, vector<1x1xf32>
    %add3A_20 = vector.broadcast %get3A_19 : vector<1x1xf32> to vector<1x64xf32>
    %add3A_21 = arith.addf %dot_general3A_16, %add3A_20 : vector<1x64xf32>
    %swap3A = arith.constant 0 : index
    %swap3A_22 = arith.constant 0 : index
    %swap3A_23 = vector.load %arg6[%swap3A, %swap3A_22] : memref<1x64xf32, #tpu.memory_space<vmem>>, vector<1x64xf32>
    tpu.vector_store %arg6[%swap3A, %swap3A_22], %add3A_21 {strides = array<i32>} : memref<1x64xf32, #tpu.memory_space<vmem>>, vector<1x64xf32>,
    %get3A_24 = arith.constant 0 : index
    %get3A_25 = arith.constant 0 : index
    %get3A_26 = vector.load %arg5[%get3A_24, %get3A_25] : memref<64x128xf32, #tpu.memory_space<vmem>>, vector<64x64xf32>
    %dot_general3A_27 = arith.constant dense<0.000000e+00> : vector<64x64xf32>
    %dot_general3A_28 = tpu.matmul %get3A_26, %get3A_1, %dot_general3A_27 {dimension_numbers = #tpu.dot_dimension_numbers<[1], [0], [0], [1], [0, 0, 1, 1], [], []>, transpose_lhs_hint = false} : vector<64x64xf32>, vector<64x64xf32>, vector<64x64xf32> -> vector<64x64xf32>
    %swap3A_29 = arith.constant 0 : index
    %swap3A_30 = arith.constant 0 : index
    %swap3A_31 = vector.load %arg7[%swap3A_29, %swap3A_30] : memref<64x128xf32, #tpu.memory_space<vmem>>, vector<64x64xf32>
    tpu.vector_store %arg7[%swap3A_29, %swap3A_30], %dot_general3A_28 {strides = array<i32>} : memref<64x128xf32, #tpu.memory_space<vmem>>, vector<64x64xf32>,
    %get3A_32 = arith.constant 0 : index
    %get3A_33 = arith.constant 64 : index
    %get3A_34 = vector.load %arg5[%get3A_32, %get3A_33] : memref<64x128xf32, #tpu.memory_space<vmem>>, vector<64x64xf32>
    %dot_general3A_35 = arith.constant dense<0.000000e+00> : vector<64x64xf32>
    %dot_general3A_36 = tpu.matmul %get3A_34, %get3A_1, %dot_general3A_35 {dimension_numbers = #tpu.dot_dimension_numbers<[1], [0], [0], [1], [0, 0, 1, 1], [], []>, transpose_lhs_hint = false} : vector<64x64xf32>, vector<64x64xf32>, vector<64x64xf32> -> vector<64x64xf32>
    %mul3A = arith.constant 1.250000e-01 : f32
    %mul3A_37 = vector.broadcast %mul3A : f32 to vector<64x64xf32>
    %mul3A_38 = arith.mulf %dot_general3A_36, %mul3A_37 : vector<64x64xf32>
    %swap3A_39 = arith.constant 0 : index
    %swap3A_40 = arith.constant 64 : index
    %swap3A_41 = vector.load %arg7[%swap3A_39, %swap3A_40] : memref<64x128xf32, #tpu.memory_space<vmem>>, vector<64x64xf32>
    tpu.vector_store %arg7[%swap3A_39, %swap3A_40], %mul3A_38 {strides = array<i32>} : memref<64x128xf32, #tpu.memory_space<vmem>>, vector<64x64xf32>,
    return
  }
}

module attributes {stable_mosaic.version = 14 : i64} {
  func.func @_head_body(%arg0: i32, %arg1: memref<64x4096xf32, #tpu.memory_space<vmem>>, %arg2: memref<1x4096xi32, #tpu.memory_space<vmem>>, %arg3: memref<64x128xf32, #tpu.memory_space<vmem>>, %arg4: memref<64x1xf32, #tpu.memory_space<vmem>>, %arg5: memref<64x64xf32, #tpu.memory_space<vmem>>, %arg6: memref<64x1xf32, #tpu.memory_space<vmem>>, %arg7: memref<64x4096xf32, #tpu.memory_space<vmem>>) attributes {dimension_semantics = [#tpu.dimension_semantics<parallel>], iteration_bounds = array<i64: 4>, scalar_prefetch = 0 : i64, scratch_operands = 0 : i64, tpu.core_type = #tpu.core_type<tc>, window_params = [{transform_indices = @transform_0, window_bounds = array<i64: 64, 4096>}, {transform_indices = @transform_1, window_bounds = array<i64: 1, 4096>}, {pipeline_mode = #tpu.pipeline_mode<synchronous>, transform_indices = @transform_2, window_bounds = array<i64: 64, 128>}, {pipeline_mode = #tpu.pipeline_mode<synchronous>, transform_indices = @transform_3, window_bounds = array<i64: 64, 1>}, {pipeline_mode = #tpu.pipeline_mode<synchronous>, transform_indices = @transform_4, window_bounds = array<i64: 64, 64>}, {pipeline_mode = #tpu.pipeline_mode<synchronous>, transform_indices = @transform_5, window_bounds = array<i64: 64, 1>}, {transform_indices = @transform_6, window_bounds = array<i64: 64, 4096>}]} {
    %iota3A = tpu.iota {dimensions = array<i32: 0>} : vector<64x4096xi32>
    %get3A = arith.constant 0 : index
    %get3A_0 = arith.constant 0 : index
    %get3A_1 = vector.load %arg2[%get3A, %get3A_0] : memref<1x4096xi32, #tpu.memory_space<vmem>>, vector<1x4096xi32>
    %eq3A = vector.broadcast %get3A_1 : vector<1x4096xi32> to vector<64x4096xi32>
    %eq3A_2 = arith.cmpi eq, %eq3A, %iota3A : vector<64x4096xi32>
    %convert_element_type3A = arith.extui %eq3A_2 : vector<64x4096xi1> to vector<64x4096xi32>
    %convert_element_type3A_3 = arith.sitofp %convert_element_type3A : vector<64x4096xi32> to vector<64x4096xf32>
    %get3A_4 = arith.constant 0 : index
    %get3A_5 = arith.constant 0 : index
    %get3A_6 = vector.load %arg3[%get3A_4, %get3A_5] : memref<64x128xf32, #tpu.memory_space<vmem>>, vector<64x64xf32>
    %dot_general3A = arith.constant dense<0.000000e+00> : vector<64x4096xf32>
    %dot_general3A_7 = tpu.matmul %get3A_6, %convert_element_type3A_3, %dot_general3A {dimension_numbers = #tpu.dot_dimension_numbers<[1], [0], [0], [1], [0, 0, 1, 1], [], []>, transpose_lhs_hint = false} : vector<64x64xf32>, vector<64x4096xf32>, vector<64x4096xf32> -> vector<64x4096xf32>
    %get3A_8 = arith.constant 0 : index
    %get3A_9 = arith.constant 64 : index
    %get3A_10 = vector.load %arg3[%get3A_8, %get3A_9] : memref<64x128xf32, #tpu.memory_space<vmem>>, vector<64x64xf32>
    %get3A_11 = arith.constant 0 : index
    %get3A_12 = arith.constant 0 : index
    %get3A_13 = vector.load %arg1[%get3A_11, %get3A_12] : memref<64x4096xf32, #tpu.memory_space<vmem>>, vector<64x4096xf32>
    %dot_general3A_14 = arith.constant dense<0.000000e+00> : vector<64x4096xf32>
    %dot_general3A_15 = tpu.matmul %get3A_10, %get3A_13, %dot_general3A_14 {dimension_numbers = #tpu.dot_dimension_numbers<[1], [0], [0], [1], [0, 0, 1, 1], [], []>, transpose_lhs_hint = false} : vector<64x64xf32>, vector<64x4096xf32>, vector<64x4096xf32> -> vector<64x4096xf32>
    %add3A = arith.addf %dot_general3A_7, %dot_general3A_15 : vector<64x4096xf32>
    %get3A_16 = arith.constant 0 : index
    %get3A_17 = arith.constant 0 : index
    %get3A_18 = vector.load %arg4[%get3A_16, %get3A_17] : memref<64x1xf32, #tpu.memory_space<vmem>>, vector<64x1xf32>
    %add3A_19 = vector.broadcast %get3A_18 : vector<64x1xf32> to vector<64x4096xf32>
    %add3A_20 = arith.addf %add3A, %add3A_19 : vector<64x4096xf32>
    %max3A = arith.constant 0.000000e+00 : f32
    %max3A_21 = vector.broadcast %max3A : f32 to vector<64x4096xf32>
    %max3A_22 = arith.maximumf %add3A_20, %max3A_21 : vector<64x4096xf32>
    %get3A_23 = arith.constant 0 : index
    %get3A_24 = arith.constant 0 : index
    %get3A_25 = vector.load %arg5[%get3A_23, %get3A_24] : memref<64x64xf32, #tpu.memory_space<vmem>>, vector<64x64xf32>
    %dot_general3A_26 = arith.constant dense<0.000000e+00> : vector<64x4096xf32>
    %dot_general3A_27 = tpu.matmul %get3A_25, %max3A_22, %dot_general3A_26 {dimension_numbers = #tpu.dot_dimension_numbers<[1], [0], [0], [1], [0, 0, 1, 1], [], []>, transpose_lhs_hint = false} : vector<64x64xf32>, vector<64x4096xf32>, vector<64x4096xf32> -> vector<64x4096xf32>
    %get3A_28 = arith.constant 0 : index
    %get3A_29 = arith.constant 0 : index
    %get3A_30 = vector.load %arg6[%get3A_28, %get3A_29] : memref<64x1xf32, #tpu.memory_space<vmem>>, vector<64x1xf32>
    %add3A_31 = vector.broadcast %get3A_30 : vector<64x1xf32> to vector<64x4096xf32>
    %add3A_32 = arith.addf %dot_general3A_27, %add3A_31 : vector<64x4096xf32>
    %swap3A = arith.constant 0 : index
    %swap3A_33 = arith.constant 0 : index
    %swap3A_34 = vector.load %arg7[%swap3A, %swap3A_33] : memref<64x4096xf32, #tpu.memory_space<vmem>>, vector<64x4096xf32>
    tpu.vector_store %arg7[%swap3A, %swap3A_33], %add3A_32 {strides = array<i32>} : memref<64x4096xf32, #tpu.memory_space<vmem>>, vector<64x4096xf32>,
    return
  }
  func.func @transform_0(%arg0: i32) -> (i32, i32) {
    %c0_i32 = arith.constant 0 : i32
    %c0_i32_0 = arith.constant 0 : i32
    return %c0_i32, %arg0 : i32, i32
  }
  func.func @transform_1(%arg0: i32) -> (i32, i32) {
    %c0_i32 = arith.constant 0 : i32
    %c0_i32_0 = arith.constant 0 : i32
    return %c0_i32, %arg0 : i32, i32
  }
  func.func @transform_2(%arg0: i32) -> (i32, i32) {
    %c0_i32 = arith.constant 0 : i32
    %c0_i32_0 = arith.constant 0 : i32
    %c0_i32_1 = arith.constant 0 : i32
    return %c0_i32, %c0_i32_0 : i32, i32
  }
  func.func @transform_3(%arg0: i32) -> (i32, i32) {
    %c0_i32 = arith.constant 0 : i32
    %c0_i32_0 = arith.constant 0 : i32
    %c0_i32_1 = arith.constant 0 : i32
    return %c0_i32, %c0_i32_0 : i32, i32
  }
  func.func @transform_4(%arg0: i32) -> (i32, i32) {
    %c0_i32 = arith.constant 0 : i32
    %c0_i32_0 = arith.constant 0 : i32
    %c0_i32_1 = arith.constant 0 : i32
    return %c0_i32, %c0_i32_0 : i32, i32
  }
  func.func @transform_5(%arg0: i32) -> (i32, i32) {
    %c0_i32 = arith.constant 0 : i32
    %c0_i32_0 = arith.constant 0 : i32
    %c0_i32_1 = arith.constant 0 : i32
    return %c0_i32, %c0_i32_0 : i32, i32
  }
  func.func @transform_6(%arg0: i32) -> (i32, i32) {
    %c0_i32 = arith.constant 0 : i32
    %c0_i32_0 = arith.constant 0 : i32
    return %c0_i32, %arg0 : i32, i32
  }
}

</mosaic_0001>

<sc_bundles>
// kernel: kernel.5.cloned.1.call-start
scs
__scs_entry_jumppad:
0x0: {  	(pc) =	sbr.rel $0x88, $3  }
0x1: {  	(tag) =	ssettag $0x0;
	lr =	simm.s32 $0x1  }
0x2: {  	[smem:$0x3F96] =	sst lr;
	_ =	strace $0xD0000000  }
0x3: {  	_ = 	snop  }
0x4: {  	_ = 	snop  }
0x5: {  	_ = 	snop  }
0x6: {  	_ = 	snop  }
0x7: {  	_ = 	snop  }
__scs_overlays_trampoline_lowered:
0x8: {  	[smem:$0x3FA5] =	sst s0  }
0x9: {  	[smem:$0x3FA6] =	sst s1  }
0xa: {  	[smem:$0x3FA7] =	sst s2  }
0xb: {  	[smem:$0x3FA8] =	sst s3  }
0xc: {  	[smem:$0x3FA9] =	sst s4  }
0xd: {  	[smem:$0x3FAA] =	sst s5  }
0xe: {  	[smem:$0x3FAB] =	sst s6  }
0xf: {  	[smem:$0x3FAC] =	sst s7  }
0x10: {  	[smem:$0x3FAD] =	sst s8  }
0x11: {  	[smem:$0x3FAE] =	sst s9;
	s0 =	simm.s32 @!p0 $0x0  }
0x12: {  	s1 =	sld [smem:$0x3F94];
	s0 =	simm.s32 @p0 $0x1  }
0x13: {  	[smem:$0x3FAF] =	sst s0;
	s0 =	simm.s32 @!p1 $0x0  }
0x14: {  	s2 =	sld [smem:$0x3F93];
	s0 =	simm.s32 @p1 $0x1  }
0x15: {  	[smem:$0x3FB0] =	sst s0;
	s0 =	simm.s32 @!p2 $0x0  }
0x16: {  	s3 =	sld [smem:$0x3FDB];
	s0 =	simm.s32 @p2 $0x1  }
0x17: {  	s4 =	simm.s32 $0x1BF5;
	[smem:$0x3FB2] =	sst s0  }
0x18: {  	s0 =	sld [smem:$0x3F95];
	_ =	swait.ge [sflag:s4], $0x0  }
0x19: {  	s7 =	sld [smem:$0x3F96]  }
0x1a: {  	s8 =	sadd.s32 $0xFFFFE003, lr  }
0x1b: {  	s9 =	sadd.s32 $0xFFFFFEF7, lr;
	s5 =	simm.s32 $0xFFFFFFFF;
	p2 =	slt.u32 s8, $0xFFFFF086  }
0x1c: {  	p1 =	slt.u32 s9, $0xF7A;
	s5 =	simm.s32 @!p2 $0x0  }
0x1d: {  	s5 =	simm.s32 @p1 $0x1;
	p0 =	seq.s32 s7, s2  }
0x1e: {  	s7 =	smul.u32 @!p0 $0xF7A, s2;
	p2 =	seq.s32 @!p0 s5, $0x0  }
0x1f: {  	s9 =	smul.u32 $0xF7A, s1;
	s8 =	simm.s32 @!p0 $0x1BF5;
	p2 =	por !p2, p0  }
0x20: {  	[sflag:s8] =	ssyncset.s32 @!p0 $0xFFFFF086;
	s6 =	sadd.s32 @!p0 s3, s7;
	s7 =	simm.s32 @!p0 $0x108  }
0x21: {  	s3 =	sadd.s32 s3, s9;
	s6 =	sadd.s32 @!p0 $0x88, s6;
	s7 =	simm.s32 @p2 $0x1082  }
0x22: {  	[simem:s7], [sflag:s8] =	dma.local @!p0 [hbm:s6], $0xF7A  }
0x23: {  	s9 =	sor.u32 $0xD0000000, s2;
	s6 =	simm.s32 $0x108;
	_ =	swait.ge @!p0 [sflag:s8], $0x0  }
0x24: {  	s3 =	sadd.s32 $0x88, s3;
	s6 =	simm.s32 @!p1 $0x1082;
	[sflag:s4] =	ssyncset.s32 $0xFFFFF086  }
0x25: {  	[simem:s6], [sflag:s4] =	dma.local [hbm:s3], $0xF7A  }
0x26: {  	[smem:$0x3F96] =	sst s1;
	(tag) =	ssettag s2;
	_ =	strace s9  }
0x27: {  	s1 =	sld [smem:$0x3FA6]  }
0x28: {  	s2 =	sld [smem:$0x3FA7]  }
0x29: {  	s4 =	sld [smem:$0x3FA9]  }
0x2a: {  	p0 =	seq.s32 s5, $0x0;
	s5 =	sld [smem:$0x3FAA]  }
0x2b: {  	s6 =	sld [smem:$0x3FAB]  }
0x2c: {  	s7 =	sld [smem:$0x3FAC]  }
0x2d: {  	s3 =	simm.s32 $0x108;
	s8 =	sld [smem:$0x3FAD]  }
0x2e: {  	s3 =	simm.s32 @!p0 $0x1082;
	s9 =	sld [smem:$0x3FAE]  }
0x2f: {  	lr =	sadd.s32 s0, s3;
	s0 =	sld [smem:$0x3FA5]  }
0x30: {  	s3 =	sld [smem:$0x3FA8]  }
0x31: {  	[smem:$0x3FB1] =	sst s10  }
0x32: {  	s10 =	sld [smem:$0x3FAF];
	_ =	sdelay $0x3  }
0x33: {  	p0 =	seq.s32 s10, $0x1;
	s10 =	sld [smem:$0x3FB1];
	_ =	sdelay $0x3  }
0x34: {  	[smem:$0x3FB1] =	sst s10  }
0x35: {  	s10 =	sld [smem:$0x3FB0];
	_ =	sdelay $0x3  }
0x36: {  	p1 =	seq.s32 s10, $0x1;
	s10 =	sld [smem:$0x3FB1];
	_ =	sdelay $0x3  }
0x37: {  	[smem:$0x3FB1] =	sst s10  }
0x38: {  	s10 =	sld [smem:$0x3FB2]  }
0x39: {  	_ = 	snop;
	(pc) =	sbr.ind lr, $3  }
0x3a: {  	_ = 	snop  }
0x3b: {  	_ = 	snop  }
0x3c: {  	p2 =	seq.s32 s10, $0x1;
	s10 =	sld [smem:$0x3FB1]  }
0x3d: {  	_ =	shalt  }
0x3e: {  	_ =	shalt  }
0x3f: {  	_ =	shalt  }
0x40: {  	_ =	shalt  }
0x41: {  	_ =	shalt  }
0x42: {  	_ =	shalt  }
0x43: {  	_ =	shalt  }
0x44: {  	_ =	shalt  }
0x45: {  	_ =	shalt  }
0x46: {  	_ =	shalt  }
0x47: {  	_ =	shalt  }
0x48: {  	_ =	shalt  }
0x49: {  	_ =	shalt  }
0x4a: {  	_ =	shalt  }
0x4b: {  	_ =	shalt  }
0x4c: {  	_ =	shalt  }
0x4d: {  	_ =	shalt  }
0x4e: {  	_ =	shalt  }
0x4f: {  	_ =	shalt  }
0x50: {  	_ =	shalt  }
0x51: {  	_ =	shalt  }
0x52: {  	_ =	shalt  }
0x53: {  	_ =	shalt  }
0x54: {  	_ =	shalt  }
0x55: {  	_ =	shalt  }
0x56: {  	_ =	shalt  }
0x57: {  	_ =	shalt  }
0x58: {  	_ =	shalt  }
0x59: {  	_ =	shalt  }
0x5a: {  	_ =	shalt  }
0x5b: {  	_ =	shalt  }
0x5c: {  	_ =	shalt  }
0x5d: {  	_ =	shalt  }
0x5e: {  	_ =	shalt  }
0x5f: {  	_ =	shalt  }
0x60: {  	_ =	shalt  }
0x61: {  	_ =	shalt  }
0x62: {  	_ =	shalt  }
0x63: {  	_ =	shalt  }
0x64: {  	_ =	shalt  }
0x65: {  	_ =	shalt  }
0x66: {  	_ =	shalt  }
0x67: {  	_ =	shalt  }
0x68: {  	_ =	shalt  }
0x69: {  	_ =	shalt  }
0x6a: {  	_ =	shalt  }
0x6b: {  	_ =	shalt  }
0x6c: {  	_ =	shalt  }
0x6d: {  	_ =	shalt  }
0x6e: {  	_ =	shalt  }
0x6f: {  	_ =	shalt  }
0x70: {  	_ =	shalt  }
0x71: {  	_ =	shalt  }
0x72: {  	_ =	shalt  }
0x73: {  	_ =	shalt  }
0x74: {  	_ =	shalt  }
0x75: {  	_ =	shalt  }
0x76: {  	_ =	shalt  }
0x77: {  	_ =	shalt  }
0x78: {  	_ =	shalt  }
0x79: {  	_ =	shalt  }
0x7a: {  	_ =	shalt  }
0x7b: {  	_ =	shalt  }
0x7c: {  	_ =	shalt  }
0x7d: {  	_ =	shalt  }
0x7e: {  	_ =	shalt  }
0x7f: {  	_ =	shalt  }
0x80: {  	_ =	shalt  }
0x81: {  	_ =	shalt  }
0x82: {  	_ =	shalt  }
0x83: {  	_ =	shalt  }
0x84: {  	_ =	shalt  }
0x85: {  	_ =	shalt  }
0x86: {  	_ =	shalt  }
0x87: {  	_ =	shalt  }
.Lfunc_end0:
.L_simem_size_0:
called_computation_lowered:
.L_overlay_start_0:
0x88: {  	s2 =	sld [smem:$0x3FD9]  }
0x89: {  	s3 =	sld [smem:$0x3FFE];
	_ =	sdelay $0x1  }
0x8a: {  	s1 =	srdreg.scid  }
0x8b: {  	s0 =	sand.u32 $0x1, s1  }
0x8c: {  	s17 =	sshll.u32 s0, $0xA;
	s2 =	sadd.s32 s3, s2  }
0x8d: {  	s2 =	sadd.s32 s2, s17  }
0x8e: {  	[smem:$0x3FBD] =	sst s2  }
0x8f: {  	_ = 	snop  }
0x90: {  	s2 =	sld [smem:$0x3FC9]  }
0x91: {  	s18 =	sld [smem:$0x3FD0];
	(tm) =	ssettm $0x1  }
0x92: {  	s4 =	sld [smem:$0x3FFB];
	_ =	sdelay $0x3  }
0x93: {  	_ =	strace s4  }
0x94: {  	s4 =	sld [smem:$0x3FFC];
	_ =	sdelay $0x3  }
0x95: {  	_ =	strace s4  }
0x96: {  	s4 =	sld [smem:$0x3FFD];
	_ =	sdelay $0x3  }
0x97: {  	_ =	strace s4  }
0x98: {  	_ =	strace $0x8FFFFFFF  }
0x99: {  	s19 =	sld [smem:$0x3FDB];
	_ =	sdelay $0x1  }
0x9a: {  	s5 =	simm.s32 $_scs_section_size  }
0x9b: {  	s6 =	simm.s32 $_size__tile_overlayer_lowered;
	s7 =	simm.s32 $_tile_overlayer_lowered  }
0x9c: {  	s22 =	simm.s32 $0x1BFF;
	s21 =	sshll.u32 s7, $0x1;
	s4 =	sadd.s32 s5, s19  }
0x9d: {  	s8 =	simm.s32 $0x0;
	s20 =	sshll.u32 s6, $0x1;
	s6 =	sadd.s32 s21, s4  }
0x9e: {  	[timem:s8], [sflag:s22] =	dma.local [hbm:s6], s20  }
0x9f: {  	_ =	swait.ge [sflag:s22], s20  }
0xa0: {  	s5 =	ssub.s32 $0x0, s20;
	[sflag:s22] =	ssyncset.done $0x0  }
0xa1: {  	[sflag:s22] =	ssyncadd.s32 s5;
	_ =	sdelay $0x1  }
0xa2: {  	s23 =	simm.s32 $0x1B8B  }
0xa3: {  	_ =	swait.ge [sflag:s23], $0x1  }
0xa4: {  	[sflag:s23] =	ssyncset.done $0x0  }
0xa5: {  	s25 =	simm.s32 $0x1B8E;
	s24 =	sld [smem:$0x3FFE];
	[sflag:s23] =	ssyncadd.s32 $0xFFFFFFFF  }
0xa6: {  	s26 =	simm.s32 $execute0_lowered;
	[smem:$0x3FD2] =	sst s25  }
0xa7: {  	s6 =	sshll.u32 s26, $0x1;
	_ =	strace $0x80000046;
	[dreg:$0x1] =	wrdreg $0xFFFFFFFF  }
0xa8: {  	s28 =	simm.s32 $_size_execute0_lowered;
	s4 =	sadd.s32 s4, s6;
	[dreg:$0x0] =	wrdreg $0x0  }
0xa9: {  	s6 =	sshll.u32 s28, $0x1;
	[dreg:$0x2] =	wrdreg s4  }
0xaa: {  	[dreg:$0x3] =	wrdreg s6  }
0xab: {  	[dreg:$0x4] =	wrdreg $0xC0  }
0xac: {  	_ =	task [dreg:s8], $0x5FFFF  }
0xad: {  	[dreg:$0x1] =	wrdreg $0xFFFFFFFF  }
0xae: {  	[dreg:$0x0] =	wrdreg $0x60  }
0xaf: {  	[dreg:$0x2] =	wrdreg s2  }
0xb0: {  	[dreg:$0x3] =	wrdreg s24  }
0xb1: {  	[dreg:$0x4] =	wrdreg s18  }
0xb2: {  	[dreg:$0x5] =	wrdreg $0x9  }
0xb3: {  	_ =	task.clear_ibuf [dreg:s8], $0x6FFFF;
	_ =	strace $0x90000046  }
0xb4: {  	s29 =	simm.s32 $0x9;
	_ =	strace $0x80000048  }
0xb5: {  	_ =	swait.ge [sflag:s29], $0x1  }
0xb6: {  	[sflag:s29] =	ssyncadd.s32 $0xFFFFFFFF  }
0xb7: {  	_ =	strace $0x90000048  }
0xb8: {  	_ =	sfence  }
0xb9: {  	s30 =	sld [smem:$0x0];
	_ =	sdelay $0x2  }
0xba: {  	s31 =	sshll.u32 s1, $0xD;
	s1 =	sshrl.u32 s1, $0x2  }
0xbb: {  	s3 =	sand.u32 $0x4000, s31;
	s1 =	sadd.s32 s1, s30  }
0xbc: {  	s0 =	sor.u32 s3, s0;
	s1 =	sshll.u32 s1, $0x11  }
0xbd: {  	s0 =	sor.u32 s1, s0  }
0xbe: {  	s0 =	sadd.s32 $0x8F2B, s0  }
0xbf: {  	[sflag:s0] =	ssyncadd.remote.s32 $0x1  }
0xc0: {  	_ =	sfence.sel $0xFFFF  }
0xc1: {  	[dreg:$0x0] =	wrdreg $0xFFFFFFFF;
	(pc) =	sbr.abs _section_cstart, $3  }
0xc2: {  	[dreg:$0x1] =	wrdreg $0xFFFFFFFF  }
0xc3: {  	_ =	task.clear_ibuf [dreg:s8], $0x2FFFF;
	_ =	strace $0x9FFFFFFF  }
0xc4: {  	(tm) =	ssettm $0x7FFFFFFF  }
0xc5: {  	_ =	shalt  }
tec
execute0_lowered:
.L_overlay_start_1:
0x0: {  	(tag) =	ssettag $0x1  }
0x1: {  	s0 =	rddreg [dreg:$0x0]  }
0x2: {  	s1 =	rddreg [dreg:$0x1]  }
0x3: {  	s3 =	rddreg [dreg:$0x2]  }
0x4: {  	s2 =	simm.s32 $0x0;
	s4 =	srdreg.scid;
	s6 =	stileid.u32  }
0x5: {  	s9 =	simm.s32 $0x40;
	[smem:$0x7FF] =	sst s2;
	s4 =	sand.u32 $0x1, s4  }
0x6: {  	s6 =	sshll.u32 s6, $0xA;
	s5 =	ssub.s32 $0x2, s4;
	s4 =	sshll.u32 s4, $0x9  }
0x7: {  	v0 =	vlaneseq.u32;
	s1 =	sadd.s32 $0x1A00, s1;
	_ =	strace $0x80000047;
	s4 =	sor.u32 s4, s6  }
0x8: {  	v2 =	vshrl.u32 v0, $0x3;
	[dreg:$0x4] =	wrdreg s1;
	s29 =	sshrl.u32 s5, $0x1;
	s0 =	sadd.s32 s0, s4  }
0x9: {  	v0 =	vand.u32 $0x7, v0;
	v2 =	vmul.u32 $0x8, v2;
	s1 =	ssub.s32 s5, s29;
	s30 =	sadd.s32 s3, s4;
	[dreg:$0x5] =	wrdreg s0  }
0xa: {  	[tilespmem:$0x1FFF0] =	vst v0;
	s3 =	simm.s32 $0x20000;
	[dreg:$0x6] =	wrdreg s30;
	s31 =	smax.u32 s1, $0x1  }
0xb: {  	v1 =	vimm.f32 $0.0e+00;
	v4 =	vimm.f32 $1.000000000e+00;
	[tilespmem:$0x1FFE0] =	vst v2;
	s5 =	simm.s32 $0x0;
	s1 =	simm.s32 $0x1000;
	[dreg:$0x7] =	wrdreg s31  }
.LBB2_1:
0xc: {  	[dreg:$0x8] =	wrdreg s5  }
0xd: {  	s0 =	rddreg [dreg:$0x4]  }
0xe: {  	[tilespmem:s2], [sflag:$0x1] =	stream.linear.gather [hbm4b:s0+s2], $0x40, $0x38;
	[tilespmem:$0xC040] =	vst v63  }
0xf: {  	s29 =	rddreg [dreg:$0x5];
	s30 =	simm.s32 $0x1  }
0x10: {  	[tilespmem:s9], [sflag:$0x2] =	stream.strided.gather [hbm4b:s29+s1], $0x4000, s3, s1, $0x38;
	[tilespmem:$0xC040] =	vst v63  }
0x11: {  	_ =	swait.ge [sflag:s30], $0x40  }
0x12: {  	[sflag:s30] =	ssyncset.done $0x0  }
0x13: {  	s31 =	simm.s32 $0x2;
	[sflag:s30] =	ssyncadd.s32 $0xFFFFFFC0  }
0x14: {  	_ =	swait.ge [sflag:s31], $0x4000  }
0x15: {  	[sflag:s31] =	ssyncset.done $0x0  }
0x16: {  	s1 =	simm.s32 $0x0;
	[sflag:s31] =	ssyncadd.s32 $0xFFFFC000  }
.LBB2_2:
0x17: {  	s16 =	sshll.u32 s1, $0x8  }
0x18: {  	s25 =	sshll.u32 s1, $0x5;
	s0 =	sand.u32 $0x3FFFFC00, s16  }
0x19: {  	s19 =	sand.u32 $0x60, s25;
	s26 =	sadd.s32 $0x4040, s0  }
0x1a: {  	[dreg:$0x9] =	wrdreg s1;
	s1 =	sadd.s32 s19, s26  }
0x1b: {  	[tilespmem:s1+$0x0] =	vst v1  }
0x1c: {  	[tilespmem:s1+$0x80] =	vst v1  }
0x1d: {  	[tilespmem:s1+$0x100] =	vst v1  }
0x1e: {  	[tilespmem:s1+$0x180] =	vst v1  }
0x1f: {  	[tilespmem:s1+$0x200] =	vst v1  }
0x20: {  	[tilespmem:s1+$0x280] =	vst v1  }
0x21: {  	s3 =	sadd.s32 $0x5040, s0;
	[tilespmem:s1+$0x300] =	vst v1  }
0x22: {  	s29 =	sadd.s32 $0x50C0, s0;
	s28 =	sadd.s32 s19, s3;
	[tilespmem:s1+$0x380] =	vst v1  }
0x23: {  	s31 =	sadd.s32 $0x5140, s0;
	s30 =	sadd.s32 s19, s29;
	[tilespmem:s28+$0x0] =	vst v1  }
0x24: {  	s5 =	sadd.s32 $0x51C0, s0;
	s4 =	sadd.s32 s19, s31;
	[tilespmem:s30+$0x0] =	vst v1  }
0x25: {  	s7 =	sadd.s32 $0x5240, s0;
	s6 =	sadd.s32 s19, s5;
	[tilespmem:s4+$0x0] =	vst v1  }
0x26: {  	s10 =	sadd.s32 $0x52C0, s0;
	s8 =	sadd.s32 s19, s7;
	[tilespmem:s6+$0x0] =	vst v1  }
0x27: {  	s12 =	sadd.s32 $0x5340, s0;
	s11 =	sadd.s32 s19, s10;
	[tilespmem:s8+$0x0] =	vst v1  }
0x28: {  	s14 =	sadd.s32 $0x53C0, s0;
	s13 =	sadd.s32 s19, s12;
	[tilespmem:s11+$0x0] =	vst v1  }
0x29: {  	s17 =	sadd.s32 $0x6040, s0;
	s15 =	sadd.s32 s19, s14;
	[tilespmem:s13+$0x0] =	vst v1  }
0x2a: {  	s20 =	sadd.s32 $0x60C0, s0;
	s18 =	sadd.s32 s19, s17;
	[tilespmem:s15+$0x0] =	vst v1  }
0x2b: {  	s22 =	sadd.s32 $0x6140, s0;
	s21 =	sadd.s32 s19, s20;
	[tilespmem:s18+$0x0] =	vst v1  }
0x2c: {  	s24 =	sadd.s32 $0x61C0, s0;
	s23 =	sadd.s32 s19, s22;
	[tilespmem:s21+$0x0] =	vst v1  }
0x2d: {  	[dreg:$0xa] =	wrdreg s26;
	s25 =	sadd.s32 s19, s24;
	s26 =	sadd.s32 $0x6240, s0;
	[tilespmem:s23+$0x0] =	vst v1  }
0x2e: {  	[dreg:$0xc] =	wrdreg s29;
	s29 =	sadd.s32 $0x62C0, s0;
	s28 =	sadd.s32 s19, s26;
	[tilespmem:s25+$0x0] =	vst v1  }
0x2f: {  	[dreg:$0xd] =	wrdreg s31;
	s31 =	sadd.s32 $0x6340, s0;
	s30 =	sadd.s32 s19, s29;
	[tilespmem:s28+$0x0] =	vst v1  }
0x30: {  	[dreg:$0xe] =	wrdreg s5;
	s5 =	sadd.s32 $0x63C0, s0;
	s4 =	sadd.s32 s19, s31;
	[tilespmem:s30+$0x0] =	vst v1  }
0x31: {  	[dreg:$0xf] =	wrdreg s7;
	s7 =	sadd.s32 $0x7040, s0;
	s6 =	sadd.s32 s19, s5;
	[tilespmem:s4+$0x0] =	vst v1  }
0x32: {  	[dreg:$0x10] =	wrdreg s10;
	s10 =	sadd.s32 $0x70C0, s0;
	s8 =	sadd.s32 s19, s7;
	[tilespmem:s6+$0x0] =	vst v1  }
0x33: {  	[dreg:$0x11] =	wrdreg s12;
	s12 =	sadd.s32 $0x7140, s0;
	s11 =	sadd.s32 s19, s10;
	[tilespmem:s8+$0x0] =	vst v1  }
0x34: {  	[dreg:$0x12] =	wrdreg s14;
	s14 =	sadd.s32 $0x71C0, s0;
	s13 =	sadd.s32 s19, s12;
	[tilespmem:s11+$0x0] =	vst v1  }
0x35: {  	[dreg:$0x13] =	wrdreg s17;
	s17 =	sadd.s32 $0x7240, s0;
	s15 =	sadd.s32 s19, s14;
	[tilespmem:s13+$0x0] =	vst v1  }
0x36: {  	[dreg:$0x14] =	wrdreg s20;
	s20 =	sadd.s32 $0x72C0, s0;
	s18 =	sadd.s32 s19, s17;
	[tilespmem:s15+$0x0] =	vst v1  }
0x37: {  	[dreg:$0x15] =	wrdreg s22;
	s22 =	sadd.s32 $0x7340, s0;
	s21 =	sadd.s32 s19, s20;
	[tilespmem:s18+$0x0] =	vst v1  }
0x38: {  	[dreg:$0x16] =	wrdreg s24;
	s24 =	sadd.s32 $0x73C0, s0;
	s23 =	sadd.s32 s19, s22;
	[tilespmem:s21+$0x0] =	vst v1  }
0x39: {  	[dreg:$0x17] =	wrdreg s26;
	s26 =	sadd.s32 $0x8040, s0;
	s25 =	sadd.s32 s19, s24;
	[tilespmem:s23+$0x0] =	vst v1  }
0x3a: {  	[dreg:$0x18] =	wrdreg s29;
	s29 =	sadd.s32 $0x80C0, s0;
	s28 =	sadd.s32 s19, s26;
	[tilespmem:s25+$0x0] =	vst v1  }
0x3b: {  	[dreg:$0x19] =	wrdreg s31;
	s31 =	sadd.s32 $0x8140, s0;
	s30 =	sadd.s32 s19, s29;
	[tilespmem:s28+$0x0] =	vst v1  }
0x3c: {  	[dreg:$0x1a] =	wrdreg s5;
	s5 =	sadd.s32 $0x81C0, s0;
	s4 =	sadd.s32 s19, s31;
	[tilespmem:s30+$0x0] =	vst v1  }
0x3d: {  	[dreg:$0x1b] =	wrdreg s7;
	s7 =	sadd.s32 $0x8240, s0;
	s6 =	sadd.s32 s19, s5;
	[tilespmem:s4+$0x0] =	vst v1  }
0x3e: {  	[dreg:$0x1c] =	wrdreg s10;
	s10 =	sadd.s32 $0x82C0, s0;
	s8 =	sadd.s32 s19, s7;
	[tilespmem:s6+$0x0] =	vst v1  }
0x3f: {  	[smem:$0x7FA] =	sst s31;
	s31 =	sadd.s32 $0x8340, s0;
	s11 =	sadd.s32 s19, s10;
	[tilespmem:s8+$0x0] =	vst v1  }
0x40: {  	[dreg:$0x1d] =	wrdreg s12;
	s12 =	sadd.s32 s19, s31;
	s30 =	sadd.s32 $0x83C0, s0;
	[tilespmem:s11+$0x0] =	vst v1  }
0x41: {  	[smem:$0x7F9] =	sst s29;
	s29 =	sadd.s32 $0x9040, s0;
	s13 =	sadd.s32 s19, s30;
	[tilespmem:s12+$0x0] =	vst v1  }
0x42: {  	[dreg:$0x1e] =	wrdreg s14;
	s14 =	sadd.s32 s19, s29;
	s28 =	sadd.s32 $0x90C0, s0;
	[tilespmem:s13+$0x0] =	vst v1  }
0x43: {  	[smem:$0x7F8] =	sst s26;
	s26 =	sadd.s32 $0x9140, s0;
	s15 =	sadd.s32 s19, s28;
	[tilespmem:s14+$0x0] =	vst v1  }
0x44: {  	[dreg:$0x1f] =	wrdreg s17;
	s17 =	sadd.s32 s19, s26;
	s25 =	sadd.s32 $0x91C0, s0;
	[tilespmem:s15+$0x0] =	vst v1  }
0x45: {  	[smem:$0x7F7] =	sst s24;
	s24 =	sadd.s32 $0x9240, s0;
	s18 =	sadd.s32 s19, s25;
	[tilespmem:s17+$0x0] =	vst v1  }
0x46: {  	[smem:$0x7F5] =	sst s20;
	s20 =	sadd.s32 s19, s24;
	s23 =	sadd.s32 $0x92C0, s0;
	[tilespmem:s18+$0x0] =	vst v1  }
0x47: {  	[smem:$0x7F6] =	sst s22;
	s22 =	sadd.s32 $0x9340, s0;
	s21 =	sadd.s32 s19, s23;
	[tilespmem:s20+$0x0] =	vst v1  }
0x48: {  	[dreg:$0xb] =	wrdreg s3;
	s3 =	sadd.s32 s19, s22;
	[tilespmem:s21+$0x0] =	vst v1;
	s21 =	sadd.s32 $0x93C0, s0  }
0x49: {  	s20 =	sadd.s32 $0xA040, s0;
	[tilespmem:s3+$0x0] =	vst v1;
	s4 =	sadd.s32 s19, s21  }
0x4a: {  	[smem:$0x7FB] =	sst s5;
	s18 =	sadd.s32 $0xA0C0, s0;
	s5 =	sadd.s32 s19, s20;
	[tilespmem:s4+$0x0] =	vst v1  }
0x4b: {  	s17 =	sadd.s32 $0xA140, s0;
	s6 =	sadd.s32 s19, s18;
	[tilespmem:s5+$0x0] =	vst v1  }
0x4c: {  	[smem:$0x7FC] =	sst s7;
	s15 =	sadd.s32 $0xA1C0, s0;
	s7 =	sadd.s32 s19, s17;
	[tilespmem:s6+$0x0] =	vst v1  }
0x4d: {  	s14 =	sadd.s32 $0xA240, s0;
	s8 =	sadd.s32 s19, s15;
	[tilespmem:s7+$0x0] =	vst v1  }
0x4e: {  	[smem:$0x7FD] =	sst s10;
	s13 =	sadd.s32 $0xA2C0, s0;
	s10 =	sadd.s32 s19, s14;
	[tilespmem:s8+$0x0] =	vst v1  }
0x4f: {  	v2 =	vld [tilespmem:$0x1FFE0];
	s12 =	sadd.s32 $0xA340, s0;
	s11 =	sadd.s32 s19, s13;
	[tilespmem:s10+$0x0] =	vst v1  }
0x50: {  	v0 =	vld [tilespmem:$0x1FFF0];
	s3 =	sadd.s32 s19, s12;
	[tilespmem:s11+$0x0] =	vst v1;
	s11 =	sadd.s32 $0xA3C0, s0  }
0x51: {  	s10 =	sadd.s32 $0xB040, s0;
	[tilespmem:s3+$0x0] =	vst v1;
	s4 =	sadd.s32 s19, s11  }
0x52: {  	s8 =	sadd.s32 $0xB0C0, s0;
	s5 =	sadd.s32 s19, s10;
	[tilespmem:s4+$0x0] =	vst v1  }
0x53: {  	s16 =	sand.u32 $0xFFFFFC00, s16;
	s7 =	sadd.s32 $0xB140, s0;
	s6 =	sadd.s32 s19, s8;
	[tilespmem:s5+$0x0] =	vst v1  }
0x54: {  	v7 =	vmov s16;
	s3 =	sadd.s32 s19, s7;
	[tilespmem:s6+$0x0] =	vst v1;
	s6 =	sadd.s32 $0xB1C0, s0  }
0x55: {  	v6 =	vor.u32 s19, v2;
	v5 =	vor.u32 s16, v0;
	v0 =	vlaneseq.u32;
	s5 =	sadd.s32 $0xB240, s0;
	[tilespmem:s3+$0x0] =	vst v1;
	s4 =	sadd.s32 s19, s6  }
0x56: {  	v23 =	vor.u32 $0x80, v7;
	v9 =	vor.u32 v6, v5;
	v8 =	vor.u32 s19, v0;
	s3 =	sadd.s32 s19, s5;
	[tilespmem:s4+$0x0] =	vst v1;
	s4 =	sadd.s32 $0xB2C0, s0  }
0x57: {  	v24 =	vor.u32 $0x100, v7;
	v10 =	vor.u32 v23, v8;
	[tilespmem:s3+$0x0] =	vst v1;
	s1 =	sadd.s32 s19, s4;
	s3 =	sadd.s32 $0xB340, s0  }
0x58: {  	v25 =	vor.u32 $0x180, v7;
	v12 =	vor.u32 v24, v8;
	s0 =	sadd.s32 $0xB3C0, s0;
	[tilespmem:s1+$0x0] =	vst v1;
	s1 =	sadd.s32 s19, s3  }
0x59: {  	v26 =	vor.u32 $0x200, v7;
	v13 =	vor.u32 v25, v8;
	[tilespmem:s1+$0x0] =	vst v1;
	s1 =	sadd.s32 s19, s0  }
0x5a: {  	v27 =	vor.u32 $0x280, v7;
	v14 =	vor.u32 v26, v8;
	[tilespmem:s1+$0x0] =	vst v1  }
0x5b: {  	v31 =	vor.u32 $0x300, v7;
	v15 =	vor.u32 v27, v8;
	v9 =	vld.idx.msk [tilespmem:v9+s9+$0x0], $0xffff  }
0x5c: {  	v32 =	vor.u32 $0x380, v7;
	v16 =	vor.u32 v31, v8;
	v11 =	vld.idx.msk [tilespmem:v10+s9+$0x0], $0xffff  }
0x5d: {  	v7 =	vor.u32 v32, v8;
	v10 =	vld.idx.msk [tilespmem:v12+s9+$0x0], $0xffff  }
0x5e: {  	v12 =	vld.idx.msk [tilespmem:v13+s9+$0x0], $0xffff  }
0x5f: {  	v13 =	vld.idx.msk [tilespmem:v14+s9+$0x0], $0xffff  }
0x60: {  	v15 =	vld.idx.msk [tilespmem:v15+s9+$0x0], $0xffff  }
0x61: {  	v14 =	vld.idx.msk [tilespmem:v16+s9+$0x0], $0xffff  }
0x62: {  	v17 =	vld.idx.msk [tilespmem:v7+s9+$0x0], $0xffff  }
0x63: {  	v28 =	vld.idx.msk [tilespmem:v9+s2+$0x0], $0xffff  }
0x64: {  	v29 =	vld.idx.msk [tilespmem:v11+s2+$0x0], $0xffff  }
0x65: {  	v30 =	vld.idx.msk [tilespmem:v10+s2+$0x0], $0xffff  }
0x66: {  	v20 =	vld.idx.msk [tilespmem:v12+s2+$0x0], $0xffff  }
0x67: {  	v18 =	vld.idx.msk [tilespmem:v13+s2+$0x0], $0xffff  }
0x68: {  	s19 =	sor.u32 $0x10, s19;
	s1 =	rddreg [dreg:$0xa];
	v19 =	vld.idx.msk [tilespmem:v15+s2+$0x0], $0xffff  }
0x69: {  	s1 =	sadd.s32 s19, s1;
	v16 =	vld.idx.msk [tilespmem:v14+s2+$0x0], $0xffff  }
0x6a: {  	v21 =	vld.idx.msk [tilespmem:v17+s2+$0x0], $0xffff;
	[tilespmem:s1+$0x0] =	vst v1  }
0x6b: {  	[tilespmem:s1+$0x80] =	vst v1  }
0x6c: {  	[tilespmem:s1+$0x100] =	vst v1  }
0x6d: {  	[tilespmem:s1+$0x180] =	vst v1  }
0x6e: {  	[tilespmem:s1+$0x200] =	vst v1  }
0x6f: {  	[tilespmem:s1+$0x280] =	vst v1  }
0x70: {  	[tilespmem:s1+$0x300] =	vst v1  }
0x71: {  	[tilespmem:s1+$0x380] =	vst v1;
	s1 =	rddreg [dreg:$0xb]  }
0x72: {  	s1 =	sadd.s32 s19, s1  }
0x73: {  	[tilespmem:s1+$0x0] =	vst v1;
	s1 =	rddreg [dreg:$0xc]  }
0x74: {  	s1 =	sadd.s32 s19, s1  }
0x75: {  	[tilespmem:s1+$0x0] =	vst v1;
	s1 =	rddreg [dreg:$0xd]  }
0x76: {  	s1 =	sadd.s32 s19, s1  }
0x77: {  	[tilespmem:s1+$0x0] =	vst v1;
	s1 =	rddreg [dreg:$0xe]  }
0x78: {  	s1 =	sadd.s32 s19, s1  }
0x79: {  	[tilespmem:s1+$0x0] =	vst v1;
	s1 =	rddreg [dreg:$0xf]  }
0x7a: {  	s1 =	sadd.s32 s19, s1  }
0x7b: {  	[tilespmem:s1+$0x0] =	vst v1;
	s1 =	rddreg [dreg:$0x10]  }
0x7c: {  	s1 =	sadd.s32 s19, s1  }
0x7d: {  	[tilespmem:s1+$0x0] =	vst v1;
	s1 =	rddreg [dreg:$0x11]  }
0x7e: {  	s1 =	sadd.s32 s19, s1  }
0x7f: {  	[tilespmem:s1+$0x0] =	vst v1;
	s1 =	rddreg [dreg:$0x12]  }
0x80: {  	s1 =	sadd.s32 s19, s1  }
0x81: {  	[tilespmem:s1+$0x0] =	vst v1;
	s1 =	rddreg [dreg:$0x13]  }
0x82: {  	s1 =	sadd.s32 s19, s1  }
0x83: {  	[tilespmem:s1+$0x0] =	vst v1;
	s1 =	rddreg [dreg:$0x14]  }
0x84: {  	s1 =	sadd.s32 s19, s1  }
0x85: {  	[tilespmem:s1+$0x0] =	vst v1;
	s1 =	rddreg [dreg:$0x15]  }
0x86: {  	s1 =	sadd.s32 s19, s1  }
0x87: {  	[tilespmem:s1+$0x0] =	vst v1;
	s1 =	rddreg [dreg:$0x16]  }
0x88: {  	s1 =	sadd.s32 s19, s1  }
0x89: {  	[tilespmem:s1+$0x0] =	vst v1;
	s1 =	rddreg [dreg:$0x17]  }
0x8a: {  	s1 =	sadd.s32 s19, s1  }
0x8b: {  	[tilespmem:s1+$0x0] =	vst v1;
	s1 =	rddreg [dreg:$0x18]  }
0x8c: {  	s1 =	sadd.s32 s19, s1  }
0x8d: {  	[tilespmem:s1+$0x0] =	vst v1;
	s1 =	rddreg [dreg:$0x19]  }
0x8e: {  	s1 =	sadd.s32 s19, s1  }
0x8f: {  	[tilespmem:s1+$0x0] =	vst v1;
	s1 =	rddreg [dreg:$0x1a]  }
0x90: {  	s1 =	sadd.s32 s19, s1  }
0x91: {  	[tilespmem:s1+$0x0] =	vst v1;
	s1 =	rddreg [dreg:$0x1b]  }
0x92: {  	s1 =	sadd.s32 s19, s1  }
0x93: {  	[tilespmem:s1+$0x0] =	vst v1;
	s1 =	rddreg [dreg:$0x1c]  }
0x94: {  	s1 =	sadd.s32 s19, s1  }
0x95: {  	[tilespmem:s1+$0x0] =	vst v1;
	s1 =	rddreg [dreg:$0x1d]  }
0x96: {  	s1 =	sadd.s32 s19, s1  }
0x97: {  	[tilespmem:s1+$0x0] =	vst v1;
	s1 =	rddreg [dreg:$0x1e]  }
0x98: {  	s1 =	sadd.s32 s19, s1  }
0x99: {  	[tilespmem:s1+$0x0] =	vst v1;
	s1 =	rddreg [dreg:$0x1f]  }
0x9a: {  	s1 =	sadd.s32 s19, s1  }
0x9b: {  	[tilespmem:s1+$0x0] =	vst v1;
	s1 =	sld [smem:$0x7F5];
	_ =	sdelay $0x2  }
0x9c: {  	s1 =	sadd.s32 s19, s1  }
0x9d: {  	[tilespmem:s1+$0x0] =	vst v1;
	s1 =	sld [smem:$0x7F6];
	_ =	sdelay $0x2  }
0x9e: {  	s1 =	sadd.s32 s19, s1  }
0x9f: {  	[tilespmem:s1+$0x0] =	vst v1;
	s1 =	sld [smem:$0x7F7];
	_ =	sdelay $0x2  }
0xa0: {  	s1 =	sadd.s32 s19, s1  }
0xa1: {  	[tilespmem:s1+$0x0] =	vst v1;
	s1 =	sld [smem:$0x7F8];
	_ =	sdelay $0x2  }
0xa2: {  	s1 =	sadd.s32 s19, s1  }
0xa3: {  	[tilespmem:s1+$0x0] =	vst v1;
	s1 =	sld [smem:$0x7F9];
	_ =	sdelay $0x2  }
0xa4: {  	s1 =	sadd.s32 s19, s1  }
0xa5: {  	[tilespmem:s1+$0x0] =	vst v1;
	s1 =	sld [smem:$0x7FA];
	_ =	sdelay $0x2  }
0xa6: {  	s1 =	sadd.s32 s19, s1  }
0xa7: {  	[tilespmem:s1+$0x0] =	vst v1;
	s1 =	sld [smem:$0x7FB];
	_ =	sdelay $0x2  }
0xa8: {  	s1 =	sadd.s32 s19, s1  }
0xa9: {  	[tilespmem:s1+$0x0] =	vst v1;
	s1 =	sld [smem:$0x7FC];
	_ =	sdelay $0x2  }
0xaa: {  	s1 =	sadd.s32 s19, s1  }
0xab: {  	[tilespmem:s1+$0x0] =	vst v1;
	s1 =	sld [smem:$0x7FD];
	_ =	sdelay $0x2  }
0xac: {  	s1 =	sadd.s32 s19, s1  }
0xad: {  	s31 =	sadd.s32 s19, s31;
	[tilespmem:s1+$0x0] =	vst v1  }
0xae: {  	s30 =	sadd.s32 s19, s30;
	[tilespmem:s31+$0x0] =	vst v1  }
0xaf: {  	s31 =	sadd.s32 s19, s29;
	[tilespmem:s30+$0x0] =	vst v1  }
0xb0: {  	s29 =	sadd.s32 s19, s28;
	[tilespmem:s31+$0x0] =	vst v1  }
0xb1: {  	s30 =	sadd.s32 s19, s26;
	[tilespmem:s29+$0x0] =	vst v1  }
0xb2: {  	s31 =	sadd.s32 s19, s25;
	[tilespmem:s30+$0x0] =	vst v1  }
0xb3: {  	s24 =	sadd.s32 s19, s24;
	[tilespmem:s31+$0x0] =	vst v1  }
0xb4: {  	s25 =	sadd.s32 s19, s23;
	[tilespmem:s24+$0x0] =	vst v1  }
0xb5: {  	s26 =	sadd.s32 s19, s22;
	[tilespmem:s25+$0x0] =	vst v1  }
0xb6: {  	s28 =	sadd.s32 s19, s21;
	[tilespmem:s26+$0x0] =	vst v1  }
0xb7: {  	s29 =	sadd.s32 s19, s20;
	[tilespmem:s28+$0x0] =	vst v1  }
0xb8: {  	s30 =	sadd.s32 s19, s18;
	[tilespmem:s29+$0x0] =	vst v1  }
0xb9: {  	s31 =	sadd.s32 s19, s17;
	[tilespmem:s30+$0x0] =	vst v1  }
0xba: {  	s15 =	sadd.s32 s19, s15;
	[tilespmem:s31+$0x0] =	vst v1  }
0xbb: {  	s17 =	sadd.s32 s19, s14;
	[tilespmem:s15+$0x0] =	vst v1  }
0xbc: {  	s18 =	sadd.s32 s19, s13;
	[tilespmem:s17+$0x0] =	vst v1  }
0xbd: {  	s20 =	sadd.s32 s19, s12;
	[tilespmem:s18+$0x0] =	vst v1  }
0xbe: {  	s21 =	sadd.s32 s19, s11;
	[tilespmem:s20+$0x0] =	vst v1  }
0xbf: {  	s22 =	sadd.s32 s19, s10;
	[tilespmem:s21+$0x0] =	vst v1  }
0xc0: {  	s23 =	sadd.s32 s19, s8;
	[tilespmem:s22+$0x0] =	vst v1  }
0xc1: {  	s24 =	sadd.s32 s19, s7;
	[tilespmem:s23+$0x0] =	vst v1  }
0xc2: {  	v7 =	vor.u32 s19, v2;
	s25 =	sadd.s32 s19, s6;
	[tilespmem:s24+$0x0] =	vst v1  }
0xc3: {  	v22 =	vor.u32 s19, v0;
	v33 =	vor.u32 v7, v5;
	s26 =	sadd.s32 s19, s5;
	[tilespmem:s25+$0x0] =	vst v1  }
0xc4: {  	v34 =	vor.u32 v23, v22;
	s28 =	sadd.s32 s19, s4;
	[tilespmem:s26+$0x0] =	vst v1  }
0xc5: {  	v35 =	vor.u32 v24, v22;
	s29 =	sadd.s32 s19, s3;
	[tilespmem:s28+$0x0] =	vst v1  }
0xc6: {  	s0 =	sadd.s32 s19, s0;
	v36 =	vor.u32 v25, v22;
	[tilespmem:s29+$0x0] =	vst v1  }
0xc7: {  	v37 =	vor.u32 v26, v22;
	[tilespmem:s0+$0x0] =	vst v1  }
0xc8: {  	v60 =	vor.u32 v27, v22;
	v23 =	vld.idx.msk [tilespmem:v33+s9+$0x0], $0xffff  }
0xc9: {  	v61 =	vor.u32 v31, v22;
	v24 =	vld.idx.msk [tilespmem:v34+s9+$0x0], $0xffff  }
0xca: {  	v62 =	vor.u32 v32, v22;
	v25 =	vld.idx.msk [tilespmem:v35+s9+$0x0], $0xffff  }
0xcb: {  	v26 =	vld.idx.msk [tilespmem:v36+s9+$0x0], $0xffff  }
0xcc: {  	v27 =	vld.idx.msk [tilespmem:v37+s9+$0x0], $0xffff  }
0xcd: {  	v31 =	vld.idx.msk [tilespmem:v60+s9+$0x0], $0xffff  }
0xce: {  	v32 =	vld.idx.msk [tilespmem:v61+s9+$0x0], $0xffff  }
0xcf: {  	v34 =	vld.idx.msk [tilespmem:v62+s9+$0x0], $0xffff  }
0xd0: {  	v63 =	vld.idx.msk [tilespmem:v23+s2+$0x0], $0xffff  }
0xd1: {  	v40 =	vld.idx.msk [tilespmem:v24+s2+$0x0], $0xffff  }
0xd2: {  	v39 =	vmin.f32 v28, v29;
	v42 =	vld.idx.msk [tilespmem:v25+s2+$0x0], $0xffff  }
0xd3: {  	v44 =	vmin.f32 v39, v30;
	v37 =	vld.idx.msk [tilespmem:v26+s2+$0x0], $0xffff  }
0xd4: {  	v46 =	vmin.f32 v44, v20;
	v38 =	vld.idx.msk [tilespmem:v27+s2+$0x0], $0xffff  }
0xd5: {  	v51 =	vmin.f32 v46, v18;
	v36 =	vld.idx.msk [tilespmem:v31+s2+$0x0], $0xffff  }
0xd6: {  	v56 =	vmin.f32 v51, v19;
	v35 =	vld.idx.msk [tilespmem:v32+s2+$0x0], $0xffff;
	v43 =	vmin.f32 v63, v40  }
0xd7: {  	v52 =	vmin.f32 v56, v16;
	s30 =	simm.s32 $0x8;
	v41 =	vld.idx.msk [tilespmem:v34+s2+$0x0], $0xffff;
	v45 =	vmin.f32 v43, v42  }
0xd8: {  	v55 =	vmin.f32 v52, v21;
	s31 =	simm.s32 $0x1000;
	s0 =	sand.u32 $0x7, s30;
	v47 =	vmin.f32 v45, v37  }
0xd9: {  	vm3 =	vgt.f32 v39, v55;
	s1 =	sand.u32 $0xFFFFF000, s31;
	s0 =	sshll.u32 s0, $0x7;
	v48 =	vmin.f32 v47, v38  }
0xda: {  	vm1 =	vgt.f32 v28, v55;
	vm5 =	vgt.f32 v44, v55;
	s0 =	sor.u32 s1, s0;
	v54 =	vmin.f32 v48, v36  }
0xdb: {  	vm6 =	vgt.f32 v46, v55;
	v39 =	vsel vm3, v29, v30;
	s0 =	sor.u32 s16, s0;
	v53 =	vmin.f32 v54, v35  }
0xdc: {  	v44 =	vmovc v15;
	v28 =	vsel vm1, v28, v29;
	v59 =	vor.u32 s0, v8;
	v57 =	vmin.f32 v53, v41  }
0xdd: {  	v29 =	vsel vm5, v30, v20;
	v50 =	vmovc v39;
	v58 =	vor.u32 s0, v22;
	v49 =	vmovc v31;
	vm0 =	vgt.f32 v63, v57  }
0xde: {  	v46 =	vmovc v26;
	vm2 =	vgt.f32 v43, v57;
	vm4 =	vgt.f32 v45, v57;
	vm7 =	vgt.f32 v47, v57  }
0xdf: {  	vm8 =	vgt.f32 v48, v57;
	v48 =	vmovc v13;
	v47 =	vmovc v12;
	v45 =	vmov v25;
	v43 =	vmov v11  }
0xe0: {  	s1 =	simm.s32 $0xA;
	s0 =	simm.s32 $0x9;
	v33 =	vsel vm0, v63, v40;
	v40 =	vsel vm2, v40, v42;
	v30 =	vsel vm4, v42, v37;
	v42 =	vmovc v24  }
.LBB2_3:
0xe1: {  	p0 =	sne.s32 s1, $0x1E;
	v59 =	vld.idx.msk [tilespmem:v59+s9+$0x0], $0xffff;
	v20 =	vsel vm6, v20, v18;
	v37 =	vsel vm7, v37, v38;
	v38 =	vsel vm8, v38, v36  }
0xe2: {  	vm9 =	vgt.f32 v51, v55;
	vm10 =	vgt.f32 v56, v55;
	vm11 =	vgt.f32 v54, v57;
	v51 =	vld.idx.msk [tilespmem:v58+s9+$0x0], $0xffff  }
0xe3: {  	v18 =	vsel vm9, v18, v19;
	v19 =	vsel vm10, v19, v16;
	v36 =	vsel vm11, v36, v35  }
0xe4: {  	vm12 =	vgt.f32 v53, v57;
	v15 =	vsel vm10, v15, v14;
	vm10 =	vgt.f32 v52, v55  }
0xe5: {  	v35 =	vsel vm12, v35, v41;
	v14 =	vsel vm10, v14, v17;
	v16 =	vsel vm10, v16, v21  }
0xe6: {  	v13 =	vsel vm9, v13, v44;
	v31 =	vsel vm11, v31, v32;
	v32 =	vsel vm12, v32, v34;
	v17 =	vmovc v59  }
0xe7: {  	v12 =	vsel vm6, v12, v48;
	v26 =	vsel vm7, v26, v27;
	v27 =	vsel vm8, v27, v49;
	v34 =	vmovc v51  }
0xe8: {  	v11 =	vsel vm3, v11, v10;
	v10 =	vsel vm5, v10, v47;
	v25 =	vsel vm4, v25, v46;
	v44 =	vmovc v15  }
0xe9: {  	v60 =	vmin.f32 v28, v39;
	v61 =	vmin.f32 v33, v40;
	v24 =	vsel vm2, v24, v45;
	v21 =	vld.idx.msk [tilespmem:v59+s2+$0x0], $0xffff  }
0xea: {  	s3 =	sand.u32 $0x7, s0;
	s4 =	sshll.u32 s0, $0x9;
	v9 =	vsel vm1, v9, v43;
	s0 =	smov.u32 s1;
	v62 =	vmin.f32 v60, v29;
	v63 =	vmin.f32 v61, v30;
	v41 =	vld.idx.msk [tilespmem:v51+s2+$0x0], $0xffff  }
0xeb: {  	v23 =	vsel vm0, v23, v42;
	s4 =	sand.u32 $0xFFFFF000, s4;
	s3 =	sshll.u32 s3, $0x7;
	v0 =	vmin.f32 v62, v20;
	v3 =	vmin.f32 v63, v37;
	v48 =	vmovc v13  }
0xec: {  	v47 =	vmovc v12;
	v46 =	vmovc v26;
	s3 =	sor.u32 s4, s3;
	v49 =	vmov v31;
	v2 =	vmin.f32 v3, v38;
	v51 =	vmin.f32 v0, v18  }
0xed: {  	v43 =	vmovc v11;
	v45 =	vmovc v25;
	v42 =	vmov v24;
	s3 =	sor.u32 s16, s3;
	v54 =	vmin.f32 v2, v36;
	v56 =	vmin.f32 v51, v19  }
0xee: {  	v53 =	vmin.f32 v54, v35;
	v59 =	vor.u32 s3, v8;
	v52 =	vmin.f32 v56, v16  }
0xef: {  	v58 =	vor.u32 s3, v22;
	v55 =	vmin.f32 v52, v21;
	v57 =	vmin.f32 v53, v41  }
.Ltmp0:
0xf0: {  	vm3 =	vgt.f32 v60, v55;
	vm0 =	vgt.f32 v33, v57;
	vm2 =	vgt.f32 v61, v57;
	(pc) =	sbr.rel @p0 .LBB2_3-.Ltmp0, $4  }
0xf1: {  	v39 =	vsel vm3, v39, v29;
	v33 =	vsel vm0, v33, v40;
	v40 =	vsel vm2, v40, v30  }
0xf2: {  	vm1 =	vgt.f32 v28, v55;
	vm5 =	vgt.f32 v62, v55;
	vm4 =	vgt.f32 v63, v57  }
0xf3: {  	v28 =	vsel vm1, v28, v50;
	v29 =	vsel vm5, v29, v20;
	v30 =	vsel vm4, v30, v37;
	v50 =	vmovc v39  }
0xf4: {  	s1 =	sadd.s32 $0x1, s1;
	vm6 =	vgt.f32 v0, v55;
	vm7 =	vgt.f32 v3, v57;
	vm8 =	vgt.f32 v2, v57  }
0xf5: {  	_ =	sdelay $0x3  }
0xf6: {  	v0 =	vld.idx.msk [tilespmem:v59+s9+$0x0], $0xffff  }
0xf7: {  	v2 =	vsel vm6, v20, v18;
	v3 =	vsel vm7, v37, v38;
	v20 =	vsel vm8, v38, v36;
	v37 =	vld.idx.msk [tilespmem:v58+s9+$0x0], $0xffff  }
0xf8: {  	vm9 =	vgt.f32 v51, v55;
	vm10 =	vgt.f32 v56, v55;
	vm11 =	vgt.f32 v54, v57  }
0xf9: {  	vm12 =	vgt.f32 v53, v57;
	v12 =	vsel vm6, v12, v48;
	v26 =	vsel vm7, v26, v27  }
0xfa: {  	v58 =	vsel vm8, v27, v49;
	v11 =	vsel vm3, v11, v10;
	v59 =	vmin.f32 v28, v39  }
0xfb: {  	v60 =	vmin.f32 v33, v40;
	v62 =	vsel vm5, v10, v47;
	v25 =	vsel vm4, v25, v46;
	s1 =	sand.u32 $0x7, s0;
	s29 =	sshll.u32 s0, $0x9  }
0xfc: {  	v24 =	vsel vm2, v24, v45;
	v9 =	vsel vm1, v9, v43;
	v23 =	vsel vm0, v23, v42;
	s0 =	sand.u32 $0xFFFFF000, s29;
	s1 =	sshll.u32 s1, $0x7  }
0xfd: {  	v18 =	vsel vm9, v18, v19;
	v50 =	vsel vm10, v19, v16;
	v51 =	vsel vm11, v36, v35;
	s0 =	sor.u32 s0, s1  }
0xfe: {  	v15 =	vsel vm10, v15, v14;
	vm10 =	vgt.f32 v52, v55;
	v55 =	vsel vm12, v35, v41;
	s0 =	sor.u32 s16, s0;
	v61 =	vld.idx.msk [tilespmem:v0+s2+$0x0], $0xffff  }
0xff: {  	v29 =	vmin.f32 v59, v29;
	v30 =	vmin.f32 v60, v30;
	v8 =	vor.u32 s0, v8;
	v63 =	vld.idx.msk [tilespmem:v37+s2+$0x0], $0xffff  }
0x100: {  	v2 =	vmin.f32 v29, v2;
	v3 =	vmin.f32 v30, v3;
	v22 =	vor.u32 s0, v22  }
0x101: {  	v13 =	vsel vm9, v13, v44;
	v18 =	vmin.f32 v2, v18;
	v20 =	vmin.f32 v3, v20  }
0x102: {  	v54 =	vsel vm10, v16, v21;
	v19 =	vmin.f32 v18, v50;
	v36 =	vmin.f32 v20, v51  }
0x103: {  	v53 =	vsel vm10, v14, v17;
	v16 =	vmin.f32 v19, v54;
	v17 =	vmin.f32 v36, v55  }
0x104: {  	v56 =	vsel vm11, v31, v32;
	v8 =	vld.idx.msk [tilespmem:v8+s9+$0x0], $0xffff;
	v35 =	vmin.f32 v16, v61;
	v38 =	vmin.f32 v17, v63  }
0x105: {  	v57 =	vsel vm12, v32, v34;
	v48 =	vld.idx.msk [tilespmem:v22+s9+$0x0], $0xffff;
	vm0 =	vgt.f32 v59, v35;
	vm1 =	vgt.f32 v33, v38  }
0x106: {  	vm2 =	vgt.f32 v60, v38;
	vm3 =	vgt.f32 v28, v35;
	vm4 =	vgt.f32 v29, v35  }
0x107: {  	vm5 =	vgt.f32 v30, v38;
	vm6 =	vgt.f32 v2, v35;
	vm7 =	vgt.f32 v3, v38  }
0x108: {  	vm8 =	vgt.f32 v20, v38;
	vm9 =	vgt.f32 v18, v35;
	vm15 =	vgt.f32 v19, v35  }
0x109: {  	vm11 =	vgt.f32 v36, v38;
	vm10 =	vgt.f32 v16, v35;
	vm12 =	vgt.f32 v17, v38  }
0x10a: {  	v43 =	vshll.u32 v8, $0x9;
	v8 =	vshll.u32 v8, $0x7;
	v61 =	vshll.u32 v48, $0x9  }
0x10b: {  	v2 =	vsel vm15, v15, v53;
	v0 =	vsel vm10, v53, v0;
	v3 =	vsel vm9, v13, v15  }
0x10c: {  	v28 =	vsel vm11, v56, v57;
	v29 =	vsel vm12, v57, v37;
	v13 =	vsel vm6, v12, v13  }
0x10d: {  	v30 =	vsel vm7, v26, v58;
	v31 =	vsel vm8, v58, v56;
	v32 =	vsel vm0, v11, v62  }
0x10e: {  	v10 =	vsel vm4, v62, v12;
	v33 =	vsel vm5, v25, v26;
	v9 =	vsel vm3, v9, v11  }
0x10f: {  	v34 =	vsel vm2, v24, v25;
	v36 =	vsel vm1, v23, v24;
	v8 =	vand.u32 $0x380, v8  }
0x110: {  	v62 =	vshll.u32 v48, $0x7;
	v35 =	vshll.u32 v9, $0x9;
	v9 =	vshll.u32 v9, $0x7  }
0x111: {  	v37 =	vshll.u32 v32, $0x9;
	v18 =	vshll.u32 v32, $0x7;
	v38 =	vshll.u32 v10, $0x9  }
0x112: {  	v10 =	vshll.u32 v10, $0x7;
	v39 =	vshll.u32 v13, $0x9;
	v13 =	vshll.u32 v13, $0x7  }
0x113: {  	v40 =	vshll.u32 v3, $0x9;
	v3 =	vshll.u32 v3, $0x7;
	v41 =	vshll.u32 v2, $0x9  }
0x114: {  	v2 =	vshll.u32 v2, $0x7;
	v42 =	vshll.u32 v0, $0x9;
	v0 =	vshll.u32 v0, $0x7  }
0x115: {  	v44 =	vshll.u32 v36, $0x9;
	v20 =	vshll.u32 v36, $0x7;
	v46 =	vshll.u32 v34, $0x9  }
0x116: {  	v11 =	vshll.u32 v34, $0x7;
	v47 =	vshll.u32 v33, $0x9;
	v12 =	vshll.u32 v33, $0x7  }
0x117: {  	v49 =	vshll.u32 v30, $0x9;
	v16 =	vshll.u32 v30, $0x7;
	v52 =	vshll.u32 v31, $0x9  }
0x118: {  	v17 =	vshll.u32 v31, $0x7;
	v56 =	vshll.u32 v28, $0x9;
	v14 =	vshll.u32 v28, $0x7  }
0x119: {  	v59 =	vshll.u32 v29, $0x9;
	v19 =	vand.u32 $0xFFFFF000, v35;
	v9 =	vand.u32 $0x380, v9  }
0x11a: {  	v18 =	vand.u32 $0x380, v18;
	v10 =	vand.u32 $0x380, v10;
	v13 =	vand.u32 $0x380, v13  }
0x11b: {  	v3 =	vand.u32 $0x380, v3;
	v2 =	vand.u32 $0x380, v2;
	v0 =	vand.u32 $0x380, v0  }
0x11c: {  	v20 =	vand.u32 $0x380, v20;
	v11 =	vand.u32 $0x380, v11;
	v12 =	vand.u32 $0x380, v12  }
0x11d: {  	v51 =	vand.u32 $0xFFFFF000, v49;
	v9 =	vor.u32 v19, v9;
	v19 =	vand.u32 $0xFFFFF000, v37  }
0x11e: {  	v16 =	vand.u32 $0x380, v16;
	v9 =	vor.u32 v5, v9;
	v18 =	vor.u32 v19, v18  }
0x11f: {  	v19 =	vand.u32 $0xFFFFF000, v38;
	v18 =	vor.u32 v5, v18;
	v9 =	vor.u32 v6, v9  }
0x120: {  	v10 =	vor.u32 v19, v10;
	v19 =	vand.u32 $0xFFFFF000, v39;
	v18 =	vor.u32 v6, v18  }
0x121: {  	v10 =	vor.u32 v5, v10;
	v13 =	vor.u32 v19, v13;
	v19 =	vand.u32 $0xFFFFF000, v40  }
0x122: {  	v10 =	vor.u32 v6, v10;
	v13 =	vor.u32 v5, v13;
	v3 =	vor.u32 v19, v3  }
0x123: {  	v19 =	vand.u32 $0xFFFFF000, v41;
	v3 =	vor.u32 v5, v3;
	v13 =	vor.u32 v6, v13  }
0x124: {  	v2 =	vor.u32 v19, v2;
	v19 =	vand.u32 $0xFFFFF000, v42;
	v3 =	vor.u32 v6, v3  }
0x125: {  	v2 =	vor.u32 v5, v2;
	v0 =	vor.u32 v19, v0;
	v19 =	vand.u32 $0xFFFFF000, v43  }
0x126: {  	v2 =	vor.u32 v6, v2;
	v0 =	vor.u32 v5, v0;
	v8 =	vor.u32 v19, v8  }
0x127: {  	s30 =	simm.s32 $0x4040;
	v19 =	vand.u32 $0xFFFFF000, v44;
	v8 =	vor.u32 v5, v8;
	v0 =	vor.u32 v6, v0  }
0x128: {  	[tilespmem:v9+s30+$0x0] =	vst.idx.add.f32.msk $0xffff, v4;
	v45 =	vor.u32 v19, v20;
	v19 =	vand.u32 $0xFFFFF000, v46;
	v6 =	vor.u32 v6, v8  }
0x129: {  	[tilespmem:v18+s30+$0x0] =	vst.idx.add.f32.msk $0xffff, v4;
	v8 =	vor.u32 v5, v45;
	v11 =	vor.u32 v19, v11;
	v19 =	vand.u32 $0xFFFFF000, v47  }
0x12a: {  	v54 =	vand.u32 $0xFFFFF000, v52;
	[tilespmem:v10+s30+$0x0] =	vst.idx.add.f32.msk $0xffff, v4;
	v8 =	vor.u32 v7, v8;
	v12 =	vor.u32 v19, v12  }
0x12b: {  	v11 =	vor.u32 v5, v11;
	v50 =	vor.u32 v5, v12;
	v12 =	vor.u32 v51, v16  }
0x12c: {  	v55 =	vand.u32 $0x380, v17;
	[tilespmem:v13+s30+$0x0] =	vst.idx.add.f32.msk $0xffff, v4;
	v11 =	vor.u32 v7, v11;
	v12 =	vor.u32 v5, v12  }
0x12d: {  	v57 =	vand.u32 $0xFFFFF000, v56;
	[tilespmem:v3+s30+$0x0] =	vst.idx.add.f32.msk $0xffff, v4;
	v53 =	vor.u32 v7, v12;
	v12 =	vor.u32 v54, v55  }
0x12e: {  	v58 =	vand.u32 $0x380, v14;
	v9 =	vor.u32 v7, v50;
	[tilespmem:v2+s30+$0x0] =	vst.idx.add.f32.msk $0xffff, v4;
	v3 =	vor.u32 v5, v12  }
0x12f: {  	v60 =	vshll.u32 v29, $0x7;
	[tilespmem:v0+s30+$0x0] =	vst.idx.add.f32.msk $0xffff, v4;
	v2 =	vor.u32 v7, v3;
	v3 =	vor.u32 v57, v58  }
0x130: {  	[tilespmem:v6+s30+$0x0] =	vst.idx.add.f32.msk $0xffff, v4;
	v6 =	vand.u32 $0x380, v60;
	v0 =	vor.u32 v5, v3;
	v3 =	vand.u32 $0xFFFFF000, v59  }
0x131: {  	v63 =	vand.u32 $0x380, v62;
	[tilespmem:v8+s30+$0x0] =	vst.idx.add.f32.msk $0xffff, v4;
	v3 =	vor.u32 v3, v6;
	v6 =	vand.u32 $0xFFFFF000, v61  }
0x132: {  	s31 =	rddreg [dreg:$0x9];
	v0 =	vor.u32 v7, v0;
	v3 =	vor.u32 v5, v3;
	v6 =	vor.u32 v6, v63  }
0x133: {  	s1 =	sadd.s32 $0x1, s31;
	[tilespmem:v11+s30+$0x0] =	vst.idx.add.f32.msk $0xffff, v4;
	v3 =	vor.u32 v7, v3;
	v5 =	vor.u32 v5, v6  }
0x134: {  	p0 =	sne.s32 s1, $0x10;
	[tilespmem:v9+s30+$0x0] =	vst.idx.add.f32.msk $0xffff, v4;
	v5 =	vor.u32 v7, v5  }
.Ltmp1:
0x135: {  	[tilespmem:v53+s30+$0x0] =	vst.idx.add.f32.msk $0xffff, v4;
	(pc) =	sbr.rel @p0 .LBB2_2-.Ltmp1, $4  }
0x136: {  	[tilespmem:v2+s30+$0x0] =	vst.idx.add.f32.msk $0xffff, v4  }
0x137: {  	[tilespmem:v0+s30+$0x0] =	vst.idx.add.f32.msk $0xffff, v4  }
0x138: {  	[tilespmem:v3+s30+$0x0] =	vst.idx.add.f32.msk $0xffff, v4  }
0x139: {  	s4 =	simm.s32 $0x4040;
	[tilespmem:v5+s30+$0x0] =	vst.idx.add.f32.msk $0xffff, v4  }
0x13a: {  	s0 =	rddreg [dreg:$0x6]  }
0x13b: {  	s1 =	simm.s32 $0x1000;
	s3 =	simm.s32 $0x20000;
	s30 =	simm.s32 $0x3  }
0x13c: {  	[hbm4b:s0+s1] =	stream.strided.scatter [tilespmem:s4], [sflag:$0x3], $0x8000, s3, s1, $0x38;
	[tilespmem:$0xC040] =	vst v63  }
0x13d: {  	_ =	swait.ge [sflag:s30], $0x8000  }
0x13e: {  	s5 =	rddreg [dreg:$0x8]  }
0x13f: {  	s31 =	rddreg [dreg:$0x7];
	s5 =	sadd.s32 $0x1, s5  }
0x140: {  	p0 =	sne.s32 s5, s31  }
.Ltmp2:
0x141: {  	_ = 	snop;
	(pc) =	sbr.rel @p0 .LBB2_1-.Ltmp2, $3  }
0x142: {  	_ =	sdelay $0x1  }
0x143: {  	[sflag:s30] =	ssyncset.done $0x0  }
0x144: {  	[sflag:s30] =	ssyncadd.s32 $0xFFFF8000  }
0x145: {  	_ =	sfence.sel $0x180000  }
0x146: {  	[bflag:$0x0] =	sbarrier.arrive $0xFFFF  }
0x147: {  	_ =	strace $0x90000047  }
0x148: {  	s0 =	stileid.u32;
	[bflag:$0x2] =	sbarrier.arrive $0xFFFF  }
0x149: {  	p0 =	sne.s32 s0, $0x0;
	s0 =	rddreg [dreg:$0x3]  }
0x14a: {  	s0 =	sadd.s32 @!p0 $0x100000, s0  }
0x14b: {  	[sflag:s0] =	ssyncadd.tile.s32 @!p0 $0x1;
	_ =	shalt  }
.Lfunc_end2:
_tile_overlayer_lowered:
.L_overlay_start_2:
0x14c: {  	(tag) =	ssettag $0x2  }
0x14d: {  	s0 =	rddreg [dreg:$0x0];
	s2 =	stileid.u32  }
0x14e: {  	s1 =	rddreg [dreg:$0x1];
	p0 =	sne.s32 s2, $0x0  }
0x14f: {  	s3 =	rddreg [dreg:$0x2];
	[bflag:$0x3] =	sbarrier.arrive $0xFFFF;
	s2 =	simm.s32 @!p0 $0x1C03  }
0x150: {  	[timem:s3], [sflag:s2] =	dma.local @!p0 [hbm:s0], s1  }
0x151: {  	s0 =	simm.s32 @!p0 $0x3  }
0x152: {  	_ =	swait.ge @!p0 [sflag:s0], s1  }
0x153: {  	s1 =	ssub.s32 @!p0 $0x0, s1;
	[sflag:s0] =	ssyncset.done @!p0 $0x0  }
0x154: {  	[sflag:s0] =	ssyncadd.s32 @!p0 s1  }
0x155: {  	[bflag:$0x3] =	sbarrier.arrive $0xFFFF  }
0x156: {  	_ =	shalt  }

</sc_bundles>
